<compile_context>
chip_gen: v7x
topology: tpu7x:2x2x1
jax: 0.10.2.dev20260603
libtpu: 0.0.44.dev20260713+nightly
codegen_flags: <defaults>
</compile_context>

<pallas_src>
import functools

import jax
import jax.numpy as jnp
from jax import lax
from jax.experimental import pallas as pl
from jax.experimental.pallas import tpu as pltpu
from jax.experimental.pallas import tpu_sc as plsc

_NT = 2048
_NCH = 131
_ANCHORS = ((0.5, 1.0, 2.0), (2.0, 4.0, 6.0), (6.0, 10.0, 20.0))
_GRIDS = (1024, 512, 256)
_DUR = 60.0


def _dense_body(sm_ref, md_ref, lg_ref, esm_ref, emd_ref, elg_ref, cf_ref):
    a = pl.program_id(0)
    c = pl.program_id(1)

    @pl.when(jnp.logical_and(a == 0, c == 0))
    def _():
        cf_ref[...] = jnp.zeros_like(cf_ref)

    col = lax.broadcasted_iota(jnp.int32, (3, 3), 1)
    refs = ((sm_ref, esm_ref), (md_ref, emd_ref), (lg_ref, elg_ref))
    for x_ref, e_ref in refs:
        @pl.when(c == 1)
        def _(x_ref=x_ref, e_ref=e_ref):
            e_ref[...] = jnp.exp(x_ref[...])

        @pl.when(c > 1)
        def _(x_ref=x_ref, e_ref=e_ref):
            e_ref[...] += jnp.exp(x_ref[...])

    @pl.when(c == 0)
    def _():
        vals = []
        for x_ref, _e in refs:
            x = x_ref[...]
            sp = jnp.maximum(x, 0.0) + jnp.log1p(jnp.exp(-jnp.abs(x)))
            vals.append(jnp.sum(sp, keepdims=True).reshape(1, 1))
        cf_ref[...] += jnp.concatenate(vals, axis=0) * (col == a)


def _dense_pass(p2s):
    grids = _GRIDS
    out_shapes = ([jax.ShapeDtypeStruct((192, g), jnp.float32) for g in grids]
                  + [jax.ShapeDtypeStruct((3, 3), jnp.float32)])
    in_specs = [pl.BlockSpec((64, g), lambda a, c: (a * 131 + c, 0))
                for g in grids]
    out_specs = ([pl.BlockSpec((64, g), lambda a, c: (a, 0)) for g in grids]
                 + [pl.BlockSpec((3, 3), lambda a, c: (0, 0))])
    return pl.pallas_call(
        _dense_body,
        grid=(3, 129),
        in_specs=in_specs,
        out_specs=out_specs,
        out_shape=out_shapes,
    )(*p2s)


def _sc_gather(xs_sm, xs_md, xs_lg, e_sm, e_md, e_lg, b_col, c_col, cls_col):
    info = plsc.get_sparse_core_info()
    nw = info.num_cores * info.num_subcores
    bpw = _NT // nw
    nchunk = bpw // 16
    mesh = plsc.VectorSubcoreMesh(core_axis_name="c", subcore_axis_name="s")

    @functools.partial(
        pl.kernel,
        mesh=mesh,
        out_type=[jax.ShapeDtypeStruct((nw, 768), jnp.float32)
                  for _ in range(3)]
        + [jax.ShapeDtypeStruct((nw, 192), jnp.float32) for _ in range(3)],
        scratch_types=[
            pltpu.VMEM((bpw,), jnp.float32),
            pltpu.VMEM((bpw,), jnp.float32),
            pltpu.VMEM((bpw,), jnp.float32),
            pltpu.VMEM((768,), jnp.int32),
            pltpu.VMEM((192,), jnp.int32),
            pltpu.VMEM((768,), jnp.float32),
            pltpu.VMEM((192,), jnp.float32),
            pltpu.SemaphoreType.DMA,
        ],
    )
    def k(xsm, xmd, xlg, esm, emd, elg, bh, ch, clh,
          gx_sm, gx_md, gx_lg, ge_sm, ge_md, ge_lg,
          b_v, c_v, cl_v, idx_v, eidx_v, dst_v, edst_v, sem):
        wid = lax.axis_index("s") * info.num_cores + lax.axis_index("c")
        base = wid * bpw
        pltpu.sync_copy(bh.at[pl.ds(base, bpw)], b_v)
        pltpu.sync_copy(ch.at[pl.ds(base, bpw)], c_v)
        pltpu.sync_copy(clh.at[pl.ds(base, bpw)], cl_v)
        for xs, es, gx, ge, g in ((xsm, esm, gx_sm, ge_sm, _GRIDS[0]),
                                  (xmd, emd, gx_md, ge_md, _GRIDS[1]),
                                  (xlg, elg, gx_lg, ge_lg, _GRIDS[2])):
            ps = 64 * g
            for c4 in range(nchunk):
                bvec = b_v[pl.ds(c4 * 16, 16)]
                cvec = c_v[pl.ds(c4 * 16, 16)]
                clvec = cl_v[pl.ds(c4 * 16, 16)]
                gi = (cvec / _DUR * g).astype(jnp.int32)
                gi = jnp.minimum(jnp.maximum(gi, 0), g - 1)
                pos = bvec.astype(jnp.int32) * g + gi
                cls_off = clvec.astype(jnp.int32) * ps
                for a in range(3):
                    sl = lambda v: pl.ds((v * 3 + a) * 64 + c4 * 16, 16)
                    idx_v[sl(0)] = pos + (a * 131) * ps
                    idx_v[sl(1)] = pos + (a * 131 + 129) * ps
                    idx_v[sl(2)] = pos + (a * 131 + 130) * ps
                    idx_v[sl(3)] = pos + (a * 131 + 1) * ps + cls_off
                    eidx_v[pl.ds(a * 64 + c4 * 16, 16)] = pos + a * ps
            for kk in range(6):
                pltpu.async_copy(
                    xs.at[idx_v.at[pl.ds(kk * 128, 128)]],
                    dst_v.at[pl.ds(kk * 128, 128)], sem).wait()
            pltpu.async_copy(es.at[eidx_v.at[pl.ds(0, 128)]],
                             edst_v.at[pl.ds(0, 128)], sem).wait()
            pltpu.async_copy(es.at[eidx_v.at[pl.ds(128, 64)]],
                             edst_v.at[pl.ds(128, 64)], sem).wait()
            pltpu.sync_copy(dst_v, gx.at[wid])
            pltpu.sync_copy(edst_v, ge.at[wid])

    return k(xs_sm, xs_md, xs_lg, e_sm, e_md, e_lg, b_col, c_col, cls_col)


_ATAN_C = (9.999999055342e-01, -3.333265778287e-01, 1.998653634321e-01,
           -1.416432519127e-01, 1.050728938609e-01, -7.247887440757e-02,
           3.989881857950e-02, -1.445823919594e-02, 2.468130925107e-03)


def _atan(x):
    s = jnp.abs(x)
    inv = s > 1.0
    z = jnp.where(inv, 1.0 / jnp.maximum(s, 1e-30), s)
    z2 = z * z
    p = jnp.full_like(z, _ATAN_C[-1])
    for c in _ATAN_C[-2::-1]:
        p = p * z2 + c
    p = p * z
    r = jnp.where(inv, jnp.float32(jnp.pi / 2) - p, p)
    return jnp.sign(x) * r


def _sparse_body(tc_ref, tw_ref, gsm_ref, gmd_ref, glg_ref,
                 esm_ref, emd_ref, elg_ref, out_ref):
    c_t = tc_ref[...]
    w_t = tw_ref[...]
    e = 1e-15
    tx1 = c_t - w_t / 2
    tx2 = c_t + w_t / 2
    at_t = _atan(w_t / 10.0)
    rows = []
    for g_ref, e_ref, ancs in ((gsm_ref, esm_ref, _ANCHORS[0]),
                               (gmd_ref, emd_ref, _ANCHORS[1]),
                               (glg_ref, elg_ref, _ANCHORS[2])):
        gx = g_ref[...]
        ge = e_ref[...]
        box_s = corr_s = cls_s = cnt_s = None
        for a, anc in enumerate(ancs):
            xconf = gx[:, (0 * 3 + a) * 64:(0 * 3 + a) * 64 + 64]
            pc = gx[:, (1 * 3 + a) * 64:(1 * 3 + a) * 64 + 64]
            pw = gx[:, (2 * 3 + a) * 64:(2 * 3 + a) * 64 + 64]
            picked = gx[:, (3 * 3 + a) * 64:(3 * 3 + a) * 64 + 64]
            esum = ge[:, a * 64:a * 64 + 64]
            r = w_t / anc
            valid = (jnp.maximum(r, 1.0 / r) < 4.0).astype(jnp.float32)
            px1 = pc - pw / 2
            px2 = pc + pw / 2
            inter = jnp.maximum(
                jnp.minimum(px2, tx2) - jnp.maximum(px1, tx1), 0.0) * 10.0
            union = pw * 10.0 + w_t * 10.0 - inter
            iou = inter / (union + e)
            cw_ = jnp.maximum(px2, tx2) - jnp.minimum(px1, tx1)
            c2 = cw_ * cw_ + (100.0 + e)
            dat = at_t - _atan(pw / 10.0)
            v = (4.0 / (jnp.pi ** 2)) * dat * dat
            a_trm = v / (1.0 + e - iou) + v
            rho2 = (pc - c_t) * (pc - c_t)
            ciou = jnp.maximum(iou - (rho2 / c2 + a_trm * v), 0.0)
            lse = jnp.log(esum)
            box = jnp.sum(valid * (1.0 - ciou), keepdims=True)
            cor = jnp.sum(valid * xconf * ciou, keepdims=True)
            cl = jnp.sum(valid * (lse - picked), keepdims=True)
            cn = jnp.sum(valid, keepdims=True)
            if box_s is None:
                box_s, corr_s, cls_s, cnt_s = box, cor, cl, cn
            else:
                box_s, corr_s, cls_s, cnt_s = (
                    box_s + box, corr_s + cor, cls_s + cl, cnt_s + cn)
        rows.append(jnp.concatenate([box_s, corr_s, cls_s, cnt_s], axis=1))
    out_ref[...] = jnp.concatenate(rows, axis=0)


def _sparse_stats(tc2, tw2, g_sm, g_md, g_lg, e_sm, e_md, e_lg):
    return pl.pallas_call(
        _sparse_body,
        out_shape=jax.ShapeDtypeStruct((3, 4), jnp.float32),
    )(tc2, tw2, g_sm, g_md, g_lg, e_sm, e_md, e_lg)


def kernel(sm_preds, md_preds, lg_preds, targets):
    p2s = [jnp.transpose(p, (2, 3, 0, 1)).reshape(3 * _NCH * 64, p.shape[1])
           for p in (sm_preds, md_preds, lg_preds)]
    e_sm, e_md, e_lg, cf = _dense_pass(p2s)
    xs = [p.reshape(-1) for p in p2s]
    es = [e.reshape(-1) for e in (e_sm, e_md, e_lg)]
    g_sm, g_md, g_lg, ge_sm, ge_md, ge_lg = _sc_gather(
        *xs, *es, targets[:, 0] + 0.0, targets[:, 2] + 0.0,
        targets[:, 1] + 0.0)
    tc2 = targets[:, 2].reshape(32, 64)
    tw2 = targets[:, 3].reshape(32, 64)
    st = _sparse_stats(tc2, tw2, g_sm, g_md, g_lg, ge_sm, ge_md, ge_lg)
    conf_w = jnp.asarray([4.0, 1.0, 0.4], jnp.float32)
    nconf = jnp.asarray([64 * g * 3 for g in _GRIDS], jnp.float32)
    sp = jnp.sum(cf, axis=1)
    cnt = st[:, 3]
    safe = cnt > 0
    lbox = jnp.sum(jnp.where(safe, st[:, 0] / cnt, 0.0))
    lcls = jnp.sum(jnp.where(safe, st[:, 2] / cnt, 0.0))
    lconf = jnp.sum(conf_w * (sp - st[:, 1]) / nconf)
    return (lbox + lconf + lcls) * jnp.float32(sm_preds.shape[0])

# --- scband reference (transcript-rebuilt; emitter-appended) ---
"""Pipeline reference for scband-audio-detection-loss-18021682774644 (READ-ONLY COPY).

The authoritative reference and input builder live on the scoring server;
editing this copy changes nothing except your own understanding.
"""

import jax, jax.numpy as jnp
import numpy as np

ANCHORS = {"sm": [0.5, 1.0, 2.0], "md": [2.0, 4.0, 6.0], "lg": [6.0, 10.0, 20.0]}
NUM_CLASSES = 128
ANCHOR_T = 4.0
SAMPLE_DURATION = 60.0
BOX_W = 1.0
CONF_W = 1.0
CLASS_W = 1.0


def setup_inputs(seed: int = 0):
    key = jax.random.key(seed)
    k1, k2, k3, k4 = jax.random.split(key, 4)
    sm_preds = jax.random.normal(k1, (64, 1024, 3, 1 + NUM_CLASSES + 2), dtype=jnp.float32)
    md_preds = jax.random.normal(k2, (64, 512, 3, 1 + NUM_CLASSES + 2), dtype=jnp.float32)
    lg_preds = jax.random.normal(k3, (64, 256, 3, 1 + NUM_CLASSES + 2), dtype=jnp.float32)
    u = jax.random.uniform(k4, (2048, 4), dtype=jnp.float32)
    targets = jnp.stack([
        jnp.floor(u[:, 0] * 64.0),
        jnp.floor(u[:, 1] * NUM_CLASSES),
        u[:, 2] * SAMPLE_DURATION,
        0.5 + u[:, 3] * 7.5,
    ], axis=-1)
    return {"sm_preds": sm_preds, "md_preds": md_preds, "lg_preds": lg_preds, "targets": targets}


def _build_target_by_scale(targets, num_grids, anchors):
    # YOLO-style anchor matching reimplementation of AudioDataset.build_target_by_scale
    anc = jnp.asarray(anchors, dtype=jnp.float32)
    r = targets[:, 3:4] / anc[None, :]
    mask = jnp.maximum(r, 1.0 / r) < ANCHOR_T
    n_t, n_a = mask.shape
    tgt_idx = jnp.repeat(jnp.arange(n_t, dtype=jnp.int32), n_a)
    anc_idx = jnp.tile(jnp.arange(n_a, dtype=jnp.int32), n_t)
    valid = mask.reshape(-1)
    batch_idx = targets[tgt_idx, 0].astype(jnp.int32)
    t_classes = targets[tgt_idx, 1].astype(jnp.int32)
    center = targets[tgt_idx, 2]
    width = targets[tgt_idx, 3]
    grid_idx = jnp.clip((center / SAMPLE_DURATION * num_grids).astype(jnp.int32), 0, num_grids - 1)
    t_cw = jnp.stack([center, width], axis=-1).astype(jnp.float32)
    return (batch_idx, grid_idx, anc_idx), t_classes, t_cw, valid


def _compute_ciou(preds_cw, targets_cw, e=1e-15, _h=10.0):
    pred_c = preds_cw[..., :1]
    pred_w = preds_cw[..., -1:]
    pred_h = jnp.ones_like(pred_w) * _h
    pred_x1 = pred_c - pred_w / 2
    pred_x2 = pred_c + pred_w / 2
    pred_y1 = jnp.zeros_like(pred_x1)
    pred_y2 = pred_h
    target_c = targets_cw[..., :1]
    target_w = targets_cw[..., -1:]
    target_h = jnp.ones_like(target_w) * _h
    target_x1 = target_c - target_w / 2
    target_x2 = target_c + target_w / 2
    target_y1 = jnp.zeros_like(target_x1)
    target_y2 = target_h
    intersection_w = jnp.maximum(jnp.minimum(pred_x2, target_x2) - jnp.maximum(pred_x1, target_x1), 0.0)
    intersection_h = jnp.maximum(jnp.minimum(pred_y2, target_y2) - jnp.maximum(pred_y1, target_y1), 0.0)
    intersection = intersection_w * intersection_h
    union = pred_w * pred_h + target_w * target_h - intersection
    iou = intersection / (union + e)
    cw = jnp.maximum(pred_x2, target_x2) - jnp.minimum(pred_x1, target_x1)
    ch = jnp.maximum(pred_y2, target_y2) - jnp.minimum(pred_y1, target_y1)
    c2 = cw ** 2 + ch ** 2 + e
    v = 4.0 / jnp.pi ** 2 * (jnp.arctan(target_w / target_h) - jnp.arctan(pred_w / pred_h)) ** 2
    rho2 = (pred_c - target_c) ** 2 + (pred_h / 2 - target_h / 2) ** 2
    a = jax.lax.stop_gradient(v / (1.0 + e - iou) + v)
    ciou = iou - (rho2 / c2 + a * v)
    return jnp.maximum(jnp.squeeze(ciou, -1), 0.0)


def _bce_with_logits_mean(logits, targets):
    return jnp.mean(jnp.maximum(logits, 0.0) - logits * targets + jnp.log1p(jnp.exp(-jnp.abs(logits))))


def _cross_entropy_masked_mean(logits, labels, w, count):
    lse = jax.nn.logsumexp(logits, axis=-1)
    picked = jnp.take_along_axis(logits, labels[:, None].astype(jnp.int32), axis=-1)[:, 0]
    return jnp.sum((lse - picked) * w) / count


def _handle_nan(val):
    return jnp.where(jnp.isnan(val), jnp.zeros_like(val), val)


def _loss_per_scale(preds, indices, t_classes, t_cw, valid):
    batch_idx, grid_idx, anchor_idx = indices
    t_conf = jnp.zeros(preds.shape[:-1], dtype=preds.dtype)
    match_preds = preds[batch_idx, grid_idx, anchor_idx]
    p_cls_proba = match_preds[:, 1:1 + NUM_CLASSES]
    p_cw = match_preds[:, -2:]
    ciou = _compute_ciou(p_cw, t_cw)
    w = valid.astype(preds.dtype)
    count = jnp.sum(w)
    ciou_loss = jnp.sum((1.0 - ciou) * w) / count
    scatter_b = jnp.where(valid, batch_idx, jnp.int32(preds.shape[0]))
    t_conf = t_conf.at[scatter_b, grid_idx, anchor_idx].set(jax.lax.stop_gradient(ciou))
    p_conf = preds[..., 0]
    conf_loss = _bce_with_logits_mean(p_conf, t_conf)
    class_loss = _cross_entropy_masked_mean(p_cls_proba, t_classes, w, count)
    return _handle_nan(ciou_loss), _handle_nan(conf_loss), _handle_nan(class_loss)


def reference(sm_preds, md_preds, lg_preds, targets):
    sm_t = _build_target_by_scale(targets, sm_preds.shape[1], ANCHORS["sm"])
    md_t = _build_target_by_scale(targets, md_preds.shape[1], ANCHORS["md"])
    lg_t = _build_target_by_scale(targets, lg_preds.shape[1], ANCHORS["lg"])
    sm_lbox, sm_lconf, sm_lcls = _loss_per_scale(sm_preds, *sm_t)
    md_lbox, md_lconf, md_lcls = _loss_per_scale(md_preds, *md_t)
    lg_lbox, lg_lconf, lg_lcls = _loss_per_scale(lg_preds, *lg_t)
    lbox = sm_lbox + md_lbox + lg_lbox
    lconf = sm_lconf * 4.0 + md_lconf * 1.0 + lg_lconf * 0.4
    lcls = sm_lcls + md_lcls + lg_lcls
    loss = (BOX_W * lbox + CONF_W * lconf + CLASS_W * lcls) * lg_preds.shape[0]
    return loss

if __name__ == "__main__":
    import jax
    _d = setup_inputs()
    print(jax.jit(kernel)(*tuple(_d.values())))

</pallas_src>

<mosaic_0001>
#map = affine_map<(d0, d1) -> (0)>
#map1 = affine_map<(d0, d1) -> (0, 0)>
module attributes {stable_mosaic.version = 14 : i64} {
  func.func @k(%arg0: i32, %arg1: i32, %arg2: memref<25755648xf32, #tpu.memory_space<hbm>>, %arg3: memref<12877824xf32, #tpu.memory_space<hbm>>, %arg4: memref<6438912xf32, #tpu.memory_space<hbm>>, %arg5: memref<196608xf32, #tpu.memory_space<hbm>>, %arg6: memref<98304xf32, #tpu.memory_space<hbm>>, %arg7: memref<49152xf32, #tpu.memory_space<hbm>>, %arg8: memref<2048xf32, #tpu.memory_space<hbm>>, %arg9: memref<2048xf32, #tpu.memory_space<hbm>>, %arg10: memref<2048xf32, #tpu.memory_space<hbm>>, %arg11: memref<32x768xf32, #tpu.memory_space<hbm>>, %arg12: memref<32x768xf32, #tpu.memory_space<hbm>>, %arg13: memref<32x768xf32, #tpu.memory_space<hbm>>, %arg14: memref<32x192xf32, #tpu.memory_space<hbm>>, %arg15: memref<32x192xf32, #tpu.memory_space<hbm>>, %arg16: memref<32x192xf32, #tpu.memory_space<hbm>>, %arg17: memref<64xf32, #tpu.memory_space<vmem>>, %arg18: memref<64xf32, #tpu.memory_space<vmem>>, %arg19: memref<64xf32, #tpu.memory_space<vmem>>, %arg20: memref<768xi32, #tpu.memory_space<vmem>>, %arg21: memref<192xi32, #tpu.memory_space<vmem>>, %arg22: memref<768xf32, #tpu.memory_space<vmem>>, %arg23: memref<192xf32, #tpu.memory_space<vmem>>, %arg24: memref<!tpu.dma_semaphore, #tpu.memory_space<semaphore_mem>>) attributes {dimension_semantics = [#tpu.dimension_semantics<core_parallel>, #tpu.dimension_semantics<subcore_parallel>], iteration_bounds = array<i64: 2, 16>, scalar_prefetch = 0 : i64, scratch_operands = 8 : i64, tpu.core_type = #tpu.core_type<sc_vector_subcore>, window_params = [{transform_indices = #map}, {transform_indices = #map}, {transform_indices = #map}, {transform_indices = #map}, {transform_indices = #map}, {transform_indices = #map}, {transform_indices = #map}, {transform_indices = #map}, {transform_indices = #map}, {transform_indices = #map1}, {transform_indices = #map1}, {transform_indices = #map1}, {transform_indices = #map1}, {transform_indices = #map1}, {transform_indices = #map1}]} {
    %mul3A = arith.constant 2 : i32
    %mul3A_0 = arith.muli %arg1, %mul3A : i32
    %add3A = arith.addi %mul3A_0, %arg0 : i32
    %mul3A_1 = arith.constant 64 : i32
    %mul3A_2 = arith.muli %add3A, %mul3A_1 : i32
    "tpu.region"() ({
      %run_scoped3A = tpu.sem_alloc : memref<!tpu.dma_semaphore, #tpu.memory_space<semaphore_mem>>
      %dma_start3A_1951 = tpu.memref_slice %arg8[%mul3A_2] : memref<2048xf32, #tpu.memory_space<hbm>> -> memref<64xf32, #tpu.memory_space<hbm>>
      %dma_start3A_1952 = tpu.memref_slice %arg8[%mul3A_2] : memref<2048xf32, #tpu.memory_space<hbm>> -> memref<64xf32, #tpu.memory_space<hbm>>
      tpu.enqueue_dma source(%dma_start3A_1952 : memref<64xf32, #tpu.memory_space<hbm>>) target(%arg17 : memref<64xf32, #tpu.memory_space<vmem>>) target_semaphore(%run_scoped3A : memref<!tpu.dma_semaphore, #tpu.memory_space<semaphore_mem>>)
      %dma_wait3A_1953 = tpu.memref_slice %arg8[%mul3A_2] : memref<2048xf32, #tpu.memory_space<hbm>> -> memref<64xf32, #tpu.memory_space<hbm>>
      %dma_wait3A_1954 = tpu.memref_slice %arg8[%mul3A_2] : memref<2048xf32, #tpu.memory_space<hbm>> -> memref<64xf32, #tpu.memory_space<hbm>>
      tpu.wait_dma2 semaphore(%run_scoped3A : memref<!tpu.dma_semaphore, #tpu.memory_space<semaphore_mem>>) src(%dma_wait3A_1954 : memref<64xf32, #tpu.memory_space<hbm>>) dst(%arg17 : memref<64xf32, #tpu.memory_space<vmem>>)
      tpu.yield
    }) : () -> ()
    "tpu.region"() ({
      %run_scoped3A = tpu.sem_alloc : memref<!tpu.dma_semaphore, #tpu.memory_space<semaphore_mem>>
      %dma_start3A_1951 = tpu.memref_slice %arg9[%mul3A_2] : memref<2048xf32, #tpu.memory_space<hbm>> -> memref<64xf32, #tpu.memory_space<hbm>>
      %dma_start3A_1952 = tpu.memref_slice %arg9[%mul3A_2] : memref<2048xf32, #tpu.memory_space<hbm>> -> memref<64xf32, #tpu.memory_space<hbm>>
      tpu.enqueue_dma source(%dma_start3A_1952 : memref<64xf32, #tpu.memory_space<hbm>>) target(%arg18 : memref<64xf32, #tpu.memory_space<vmem>>) target_semaphore(%run_scoped3A : memref<!tpu.dma_semaphore, #tpu.memory_space<semaphore_mem>>)
      %dma_wait3A_1953 = tpu.memref_slice %arg9[%mul3A_2] : memref<2048xf32, #tpu.memory_space<hbm>> -> memref<64xf32, #tpu.memory_space<hbm>>
      %dma_wait3A_1954 = tpu.memref_slice %arg9[%mul3A_2] : memref<2048xf32, #tpu.memory_space<hbm>> -> memref<64xf32, #tpu.memory_space<hbm>>
      tpu.wait_dma2 semaphore(%run_scoped3A : memref<!tpu.dma_semaphore, #tpu.memory_space<semaphore_mem>>) src(%dma_wait3A_1954 : memref<64xf32, #tpu.memory_space<hbm>>) dst(%arg18 : memref<64xf32, #tpu.memory_space<vmem>>)
      tpu.yield
    }) : () -> ()
    "tpu.region"() ({
      %run_scoped3A = tpu.sem_alloc : memref<!tpu.dma_semaphore, #tpu.memory_space<semaphore_mem>>
      %dma_start3A_1951 = tpu.memref_slice %arg10[%mul3A_2] : memref<2048xf32, #tpu.memory_space<hbm>> -> memref<64xf32, #tpu.memory_space<hbm>>
      %dma_start3A_1952 = tpu.memref_slice %arg10[%mul3A_2] : memref<2048xf32, #tpu.memory_space<hbm>> -> memref<64xf32, #tpu.memory_space<hbm>>
      tpu.enqueue_dma source(%dma_start3A_1952 : memref<64xf32, #tpu.memory_space<hbm>>) target(%arg19 : memref<64xf32, #tpu.memory_space<vmem>>) target_semaphore(%run_scoped3A : memref<!tpu.dma_semaphore, #tpu.memory_space<semaphore_mem>>)
      %dma_wait3A_1953 = tpu.memref_slice %arg10[%mul3A_2] : memref<2048xf32, #tpu.memory_space<hbm>> -> memref<64xf32, #tpu.memory_space<hbm>>
      %dma_wait3A_1954 = tpu.memref_slice %arg10[%mul3A_2] : memref<2048xf32, #tpu.memory_space<hbm>> -> memref<64xf32, #tpu.memory_space<hbm>>
      tpu.wait_dma2 semaphore(%run_scoped3A : memref<!tpu.dma_semaphore, #tpu.memory_space<semaphore_mem>>) src(%dma_wait3A_1954 : memref<64xf32, #tpu.memory_space<hbm>>) dst(%arg19 : memref<64xf32, #tpu.memory_space<vmem>>)
      tpu.yield
    }) : () -> ()
    %get3A = arith.constant 0 : index
    %get3A_3 = tpu.vector_load %arg17[%get3A] {strides = array<i32>} : memref<64xf32, #tpu.memory_space<vmem>>, vector<16xf32>,
    %get3A_4 = vector.shape_cast %get3A_3 : vector<16xf32> to vector<16xf32>
    %get3A_5 = arith.constant 0 : index
    %get3A_6 = tpu.vector_load %arg18[%get3A_5] {strides = array<i32>} : memref<64xf32, #tpu.memory_space<vmem>>, vector<16xf32>,
    %get3A_7 = vector.shape_cast %get3A_6 : vector<16xf32> to vector<16xf32>
    %get3A_8 = arith.constant 0 : index
    %get3A_9 = tpu.vector_load %arg19[%get3A_8] {strides = array<i32>} : memref<64xf32, #tpu.memory_space<vmem>>, vector<16xf32>,
    %get3A_10 = vector.shape_cast %get3A_9 : vector<16xf32> to vector<16xf32>
    %div3A = arith.constant 6.000000e+01 : f32
    %div3A_11 = vector.broadcast %div3A : f32 to vector<16xf32>
    %div3A_12 = arith.divf %get3A_7, %div3A_11 : vector<16xf32>
    %mul3A_13 = arith.constant 1.024000e+03 : f32
    %mul3A_14 = vector.broadcast %mul3A_13 : f32 to vector<16xf32>
    %mul3A_15 = arith.mulf %div3A_12, %mul3A_14 : vector<16xf32>
    %convert_element_type3A = arith.fptosi %mul3A_15 : vector<16xf32> to vector<16xi32>
    %max3A = arith.constant 0 : i32
    %max3A_16 = vector.broadcast %max3A : i32 to vector<16xi32>
    %max3A_17 = arith.maxsi %convert_element_type3A, %max3A_16 : vector<16xi32>
    %min3A = arith.constant 1023 : i32
    %min3A_18 = vector.broadcast %min3A : i32 to vector<16xi32>
    %min3A_19 = arith.minsi %max3A_17, %min3A_18 : vector<16xi32>
    %convert_element_type3A_20 = arith.fptosi %get3A_4 : vector<16xf32> to vector<16xi32>
    %mul3A_21 = arith.constant 1024 : i32
    %mul3A_22 = vector.broadcast %mul3A_21 : i32 to vector<16xi32>
    %mul3A_23 = arith.muli %convert_element_type3A_20, %mul3A_22 : vector<16xi32>
    %add3A_24 = arith.addi %mul3A_23, %min3A_19 : vector<16xi32>
    %convert_element_type3A_25 = arith.fptosi %get3A_10 : vector<16xf32> to vector<16xi32>
    %mul3A_26 = arith.constant 65536 : i32
    %mul3A_27 = vector.broadcast %mul3A_26 : i32 to vector<16xi32>
    %mul3A_28 = arith.muli %convert_element_type3A_25, %mul3A_27 : vector<16xi32>
    %add3A_29 = arith.constant 0 : i32
    %add3A_30 = vector.broadcast %add3A_29 : i32 to vector<16xi32>
    %add3A_31 = arith.addi %add3A_24, %add3A_30 : vector<16xi32>
    %swap3A = arith.constant 0 : index
    %swap3A_32 = tpu.vector_load %arg20[%swap3A] {strides = array<i32>} : memref<768xi32, #tpu.memory_space<vmem>>, vector<16xi32>,
    %swap3A_33 = vector.shape_cast %swap3A_32 : vector<16xi32> to vector<16xi32>
    %swap3A_34 = vector.shape_cast %add3A_31 : vector<16xi32> to vector<16xi32>
    tpu.vector_store %arg20[%swap3A], %swap3A_34 {strides = array<i32>} : memref<768xi32, #tpu.memory_space<vmem>>, vector<16xi32>,
    %add3A_35 = arith.constant 8454144 : i32
    %add3A_36 = vector.broadcast %add3A_35 : i32 to vector<16xi32>
    %add3A_37 = arith.addi %add3A_24, %add3A_36 : vector<16xi32>
    %swap3A_38 = arith.constant 192 : index
    %swap3A_39 = tpu.vector_load %arg20[%swap3A_38] {strides = array<i32>} : memref<768xi32, #tpu.memory_space<vmem>>, vector<16xi32>,
    %swap3A_40 = vector.shape_cast %swap3A_39 : vector<16xi32> to vector<16xi32>
    %swap3A_41 = vector.shape_cast %add3A_37 : vector<16xi32> to vector<16xi32>
    tpu.vector_store %arg20[%swap3A_38], %swap3A_41 {strides = array<i32>} : memref<768xi32, #tpu.memory_space<vmem>>, vector<16xi32>,
    %add3A_42 = arith.constant 8519680 : i32
    %add3A_43 = vector.broadcast %add3A_42 : i32 to vector<16xi32>
    %add3A_44 = arith.addi %add3A_24, %add3A_43 : vector<16xi32>
    %swap3A_45 = arith.constant 384 : index
    %swap3A_46 = tpu.vector_load %arg20[%swap3A_45] {strides = array<i32>} : memref<768xi32, #tpu.memory_space<vmem>>, vector<16xi32>,
    %swap3A_47 = vector.shape_cast %swap3A_46 : vector<16xi32> to vector<16xi32>
    %swap3A_48 = vector.shape_cast %add3A_44 : vector<16xi32> to vector<16xi32>
    tpu.vector_store %arg20[%swap3A_45], %swap3A_48 {strides = array<i32>} : memref<768xi32, #tpu.memory_space<vmem>>, vector<16xi32>,
    %add3A_49 = arith.constant 65536 : i32
    %add3A_50 = vector.broadcast %add3A_49 : i32 to vector<16xi32>
    %add3A_51 = arith.addi %add3A_24, %add3A_50 : vector<16xi32>
    %add3A_52 = arith.addi %add3A_51, %mul3A_28 : vector<16xi32>
    %swap3A_53 = arith.constant 576 : index
    %swap3A_54 = tpu.vector_load %arg20[%swap3A_53] {strides = array<i32>} : memref<768xi32, #tpu.memory_space<vmem>>, vector<16xi32>,
    %swap3A_55 = vector.shape_cast %swap3A_54 : vector<16xi32> to vector<16xi32>
    %swap3A_56 = vector.shape_cast %add3A_52 : vector<16xi32> to vector<16xi32>
    tpu.vector_store %arg20[%swap3A_53], %swap3A_56 {strides = array<i32>} : memref<768xi32, #tpu.memory_space<vmem>>, vector<16xi32>,
    %add3A_57 = arith.constant 0 : i32
    %add3A_58 = vector.broadcast %add3A_57 : i32 to vector<16xi32>
    %add3A_59 = arith.addi %add3A_24, %add3A_58 : vector<16xi32>
    %swap3A_60 = arith.constant 0 : index
    %swap3A_61 = tpu.vector_load %arg21[%swap3A_60] {strides = array<i32>} : memref<192xi32, #tpu.memory_space<vmem>>, vector<16xi32>,
    %swap3A_62 = vector.shape_cast %swap3A_61 : vector<16xi32> to vector<16xi32>
    %swap3A_63 = vector.shape_cast %add3A_59 : vector<16xi32> to vector<16xi32>
    tpu.vector_store %arg21[%swap3A_60], %swap3A_63 {strides = array<i32>} : memref<192xi32, #tpu.memory_space<vmem>>, vector<16xi32>,
    %add3A_64 = arith.constant 8585216 : i32
    %add3A_65 = vector.broadcast %add3A_64 : i32 to vector<16xi32>
    %add3A_66 = arith.addi %add3A_24, %add3A_65 : vector<16xi32>
    %swap3A_67 = arith.constant 64 : index
    %swap3A_68 = tpu.vector_load %arg20[%swap3A_67] {strides = array<i32>} : memref<768xi32, #tpu.memory_space<vmem>>, vector<16xi32>,
    %swap3A_69 = vector.shape_cast %swap3A_68 : vector<16xi32> to vector<16xi32>
    %swap3A_70 = vector.shape_cast %add3A_66 : vector<16xi32> to vector<16xi32>
    tpu.vector_store %arg20[%swap3A_67], %swap3A_70 {strides = array<i32>} : memref<768xi32, #tpu.memory_space<vmem>>, vector<16xi32>,
    %add3A_71 = arith.constant 17039360 : i32
    %add3A_72 = vector.broadcast %add3A_71 : i32 to vector<16xi32>
    %add3A_73 = arith.addi %add3A_24, %add3A_72 : vector<16xi32>
    %swap3A_74 = arith.constant 256 : index
    %swap3A_75 = tpu.vector_load %arg20[%swap3A_74] {strides = array<i32>} : memref<768xi32, #tpu.memory_space<vmem>>, vector<16xi32>,
    %swap3A_76 = vector.shape_cast %swap3A_75 : vector<16xi32> to vector<16xi32>
    %swap3A_77 = vector.shape_cast %add3A_73 : vector<16xi32> to vector<16xi32>
    tpu.vector_store %arg20[%swap3A_74], %swap3A_77 {strides = array<i32>} : memref<768xi32, #tpu.memory_space<vmem>>, vector<16xi32>,
    %add3A_78 = arith.constant 17104896 : i32
    %add3A_79 = vector.broadcast %add3A_78 : i32 to vector<16xi32>
    %add3A_80 = arith.addi %add3A_24, %add3A_79 : vector<16xi32>
    %swap3A_81 = arith.constant 448 : index
    %swap3A_82 = tpu.vector_load %arg20[%swap3A_81] {strides = array<i32>} : memref<768xi32, #tpu.memory_space<vmem>>, vector<16xi32>,
    %swap3A_83 = vector.shape_cast %swap3A_82 : vector<16xi32> to vector<16xi32>
    %swap3A_84 = vector.shape_cast %add3A_80 : vector<16xi32> to vector<16xi32>
    tpu.vector_store %arg20[%swap3A_81], %swap3A_84 {strides = array<i32>} : memref<768xi32, #tpu.memory_space<vmem>>, vector<16xi32>,
    %add3A_85 = arith.constant 8650752 : i32
    %add3A_86 = vector.broadcast %add3A_85 : i32 to vector<16xi32>
    %add3A_87 = arith.addi %add3A_24, %add3A_86 : vector<16xi32>
    %add3A_88 = arith.addi %add3A_87, %mul3A_28 : vector<16xi32>
    %swap3A_89 = arith.constant 640 : index
    %swap3A_90 = tpu.vector_load %arg20[%swap3A_89] {strides = array<i32>} : memref<768xi32, #tpu.memory_space<vmem>>, vector<16xi32>,
    %swap3A_91 = vector.shape_cast %swap3A_90 : vector<16xi32> to vector<16xi32>
    %swap3A_92 = vector.shape_cast %add3A_88 : vector<16xi32> to vector<16xi32>
    tpu.vector_store %arg20[%swap3A_89], %swap3A_92 {strides = array<i32>} : memref<768xi32, #tpu.memory_space<vmem>>, vector<16xi32>,
    %add3A_93 = arith.constant 65536 : i32
    %add3A_94 = vector.broadcast %add3A_93 : i32 to vector<16xi32>
    %add3A_95 = arith.addi %add3A_24, %add3A_94 : vector<16xi32>
    %swap3A_96 = arith.constant 64 : index
    %swap3A_97 = tpu.vector_load %arg21[%swap3A_96] {strides = array<i32>} : memref<192xi32, #tpu.memory_space<vmem>>, vector<16xi32>,
    %swap3A_98 = vector.shape_cast %swap3A_97 : vector<16xi32> to vector<16xi32>
    %swap3A_99 = vector.shape_cast %add3A_95 : vector<16xi32> to vector<16xi32>
    tpu.vector_store %arg21[%swap3A_96], %swap3A_99 {strides = array<i32>} : memref<192xi32, #tpu.memory_space<vmem>>, vector<16xi32>,
    %add3A_100 = arith.constant 17170432 : i32
    %add3A_101 = vector.broadcast %add3A_100 : i32 to vector<16xi32>
    %add3A_102 = arith.addi %add3A_24, %add3A_101 : vector<16xi32>
    %swap3A_103 = arith.constant 128 : index
    %swap3A_104 = tpu.vector_load %arg20[%swap3A_103] {strides = array<i32>} : memref<768xi32, #tpu.memory_space<vmem>>, vector<16xi32>,
    %swap3A_105 = vector.shape_cast %swap3A_104 : vector<16xi32> to vector<16xi32>
    %swap3A_106 = vector.shape_cast %add3A_102 : vector<16xi32> to vector<16xi32>
    tpu.vector_store %arg20[%swap3A_103], %swap3A_106 {strides = array<i32>} : memref<768xi32, #tpu.memory_space<vmem>>, vector<16xi32>,
    %add3A_107 = arith.constant 25624576 : i32
    %add3A_108 = vector.broadcast %add3A_107 : i32 to vector<16xi32>
    %add3A_109 = arith.addi %add3A_24, %add3A_108 : vector<16xi32>
    %swap3A_110 = arith.constant 320 : index
    %swap3A_111 = tpu.vector_load %arg20[%swap3A_110] {strides = array<i32>} : memref<768xi32, #tpu.memory_space<vmem>>, vector<16xi32>,
    %swap3A_112 = vector.shape_cast %swap3A_111 : vector<16xi32> to vector<16xi32>
    %swap3A_113 = vector.shape_cast %add3A_109 : vector<16xi32> to vector<16xi32>
    tpu.vector_store %arg20[%swap3A_110], %swap3A_113 {strides = array<i32>} : memref<768xi32, #tpu.memory_space<vmem>>, vector<16xi32>,
    %add3A_114 = arith.constant 25690112 : i32
    %add3A_115 = vector.broadcast %add3A_114 : i32 to vector<16xi32>
    %add3A_116 = arith.addi %add3A_24, %add3A_115 : vector<16xi32>
    %swap3A_117 = arith.constant 512 : index
    %swap3A_118 = tpu.vector_load %arg20[%swap3A_117] {strides = array<i32>} : memref<768xi32, #tpu.memory_space<vmem>>, vector<16xi32>,
    %swap3A_119 = vector.shape_cast %swap3A_118 : vector<16xi32> to vector<16xi32>
    %swap3A_120 = vector.shape_cast %add3A_116 : vector<16xi32> to vector<16xi32>
    tpu.vector_store %arg20[%swap3A_117], %swap3A_120 {strides = array<i32>} : memref<768xi32, #tpu.memory_space<vmem>>, vector<16xi32>,
    %add3A_121 = arith.constant 17235968 : i32
    %add3A_122 = vector.broadcast %add3A_121 : i32 to vector<16xi32>
    %add3A_123 = arith.addi %add3A_24, %add3A_122 : vector<16xi32>
    %add3A_124 = arith.addi %add3A_123, %mul3A_28 : vector<16xi32>
    %swap3A_125 = arith.constant 704 : index
    %swap3A_126 = tpu.vector_load %arg20[%swap3A_125] {strides = array<i32>} : memref<768xi32, #tpu.memory_space<vmem>>, vector<16xi32>,
    %swap3A_127 = vector.shape_cast %swap3A_126 : vector<16xi32> to vector<16xi32>
    %swap3A_128 = vector.shape_cast %add3A_124 : vector<16xi32> to vector<16xi32>
    tpu.vector_store %arg20[%swap3A_125], %swap3A_128 {strides = array<i32>} : memref<768xi32, #tpu.memory_space<vmem>>, vector<16xi32>,
    %add3A_129 = arith.constant 131072 : i32
    %add3A_130 = vector.broadcast %add3A_129 : i32 to vector<16xi32>
    %add3A_131 = arith.addi %add3A_24, %add3A_130 : vector<16xi32>
    %swap3A_132 = arith.constant 128 : index
    %swap3A_133 = tpu.vector_load %arg21[%swap3A_132] {strides = array<i32>} : memref<192xi32, #tpu.memory_space<vmem>>, vector<16xi32>,
    %swap3A_134 = vector.shape_cast %swap3A_133 : vector<16xi32> to vector<16xi32>
    %swap3A_135 = vector.shape_cast %add3A_131 : vector<16xi32> to vector<16xi32>
    tpu.vector_store %arg21[%swap3A_132], %swap3A_135 {strides = array<i32>} : memref<192xi32, #tpu.memory_space<vmem>>, vector<16xi32>,
    %get3A_136 = arith.constant 16 : index
    %get3A_137 = tpu.vector_load %arg17[%get3A_136] {strides = array<i32>} : memref<64xf32, #tpu.memory_space<vmem>>, vector<16xf32>,
    %get3A_138 = vector.shape_cast %get3A_137 : vector<16xf32> to vector<16xf32>
    %get3A_139 = arith.constant 16 : index
    %get3A_140 = tpu.vector_load %arg18[%get3A_139] {strides = array<i32>} : memref<64xf32, #tpu.memory_space<vmem>>, vector<16xf32>,
    %get3A_141 = vector.shape_cast %get3A_140 : vector<16xf32> to vector<16xf32>
    %get3A_142 = arith.constant 16 : index
    %get3A_143 = tpu.vector_load %arg19[%get3A_142] {strides = array<i32>} : memref<64xf32, #tpu.memory_space<vmem>>, vector<16xf32>,
    %get3A_144 = vector.shape_cast %get3A_143 : vector<16xf32> to vector<16xf32>
    %div3A_145 = arith.constant 6.000000e+01 : f32
    %div3A_146 = vector.broadcast %div3A_145 : f32 to vector<16xf32>
    %div3A_147 = arith.divf %get3A_141, %div3A_146 : vector<16xf32>
    %mul3A_148 = arith.constant 1.024000e+03 : f32
    %mul3A_149 = vector.broadcast %mul3A_148 : f32 to vector<16xf32>
    %mul3A_150 = arith.mulf %div3A_147, %mul3A_149 : vector<16xf32>
    %convert_element_type3A_151 = arith.fptosi %mul3A_150 : vector<16xf32> to vector<16xi32>
    %max3A_152 = arith.constant 0 : i32
    %max3A_153 = vector.broadcast %max3A_152 : i32 to vector<16xi32>
    %max3A_154 = arith.maxsi %convert_element_type3A_151, %max3A_153 : vector<16xi32>
    %min3A_155 = arith.constant 1023 : i32
    %min3A_156 = vector.broadcast %min3A_155 : i32 to vector<16xi32>
    %min3A_157 = arith.minsi %max3A_154, %min3A_156 : vector<16xi32>
    %convert_element_type3A_158 = arith.fptosi %get3A_138 : vector<16xf32> to vector<16xi32>
    %mul3A_159 = arith.constant 1024 : i32
    %mul3A_160 = vector.broadcast %mul3A_159 : i32 to vector<16xi32>
    %mul3A_161 = arith.muli %convert_element_type3A_158, %mul3A_160 : vector<16xi32>
    %add3A_162 = arith.addi %mul3A_161, %min3A_157 : vector<16xi32>
    %convert_element_type3A_163 = arith.fptosi %get3A_144 : vector<16xf32> to vector<16xi32>
    %mul3A_164 = arith.constant 65536 : i32
    %mul3A_165 = vector.broadcast %mul3A_164 : i32 to vector<16xi32>
    %mul3A_166 = arith.muli %convert_element_type3A_163, %mul3A_165 : vector<16xi32>
    %add3A_167 = arith.constant 0 : i32
    %add3A_168 = vector.broadcast %add3A_167 : i32 to vector<16xi32>
    %add3A_169 = arith.addi %add3A_162, %add3A_168 : vector<16xi32>
    %swap3A_170 = arith.constant 16 : index
    %swap3A_171 = tpu.vector_load %arg20[%swap3A_170] {strides = array<i32>} : memref<768xi32, #tpu.memory_space<vmem>>, vector<16xi32>,
    %swap3A_172 = vector.shape_cast %swap3A_171 : vector<16xi32> to vector<16xi32>
    %swap3A_173 = vector.shape_cast %add3A_169 : vector<16xi32> to vector<16xi32>
    tpu.vector_store %arg20[%swap3A_170], %swap3A_173 {strides = array<i32>} : memref<768xi32, #tpu.memory_space<vmem>>, vector<16xi32>,
    %add3A_174 = arith.constant 8454144 : i32
    %add3A_175 = vector.broadcast %add3A_174 : i32 to vector<16xi32>
    %add3A_176 = arith.addi %add3A_162, %add3A_175 : vector<16xi32>
    %swap3A_177 = arith.constant 208 : index
    %swap3A_178 = tpu.vector_load %arg20[%swap3A_177] {strides = array<i32>} : memref<768xi32, #tpu.memory_space<vmem>>, vector<16xi32>,
    %swap3A_179 = vector.shape_cast %swap3A_178 : vector<16xi32> to vector<16xi32>
    %swap3A_180 = vector.shape_cast %add3A_176 : vector<16xi32> to vector<16xi32>
    tpu.vector_store %arg20[%swap3A_177], %swap3A_180 {strides = array<i32>} : memref<768xi32, #tpu.memory_space<vmem>>, vector<16xi32>,
    %add3A_181 = arith.constant 8519680 : i32
    %add3A_182 = vector.broadcast %add3A_181 : i32 to vector<16xi32>
    %add3A_183 = arith.addi %add3A_162, %add3A_182 : vector<16xi32>
    %swap3A_184 = arith.constant 400 : index
    %swap3A_185 = tpu.vector_load %arg20[%swap3A_184] {strides = array<i32>} : memref<768xi32, #tpu.memory_space<vmem>>, vector<16xi32>,
    %swap3A_186 = vector.shape_cast %swap3A_185 : vector<16xi32> to vector<16xi32>
    %swap3A_187 = vector.shape_cast %add3A_183 : vector<16xi32> to vector<16xi32>
    tpu.vector_store %arg20[%swap3A_184], %swap3A_187 {strides = array<i32>} : memref<768xi32, #tpu.memory_space<vmem>>, vector<16xi32>,
    %add3A_188 = arith.constant 65536 : i32
    %add3A_189 = vector.broadcast %add3A_188 : i32 to vector<16xi32>
    %add3A_190 = arith.addi %add3A_162, %add3A_189 : vector<16xi32>
    %add3A_191 = arith.addi %add3A_190, %mul3A_166 : vector<16xi32>
    %swap3A_192 = arith.constant 592 : index
    %swap3A_193 = tpu.vector_load %arg20[%swap3A_192] {strides = array<i32>} : memref<768xi32, #tpu.memory_space<vmem>>, vector<16xi32>,
    %swap3A_194 = vector.shape_cast %swap3A_193 : vector<16xi32> to vector<16xi32>
    %swap3A_195 = vector.shape_cast %add3A_191 : vector<16xi32> to vector<16xi32>
    tpu.vector_store %arg20[%swap3A_192], %swap3A_195 {strides = array<i32>} : memref<768xi32, #tpu.memory_space<vmem>>, vector<16xi32>,
    %add3A_196 = arith.constant 0 : i32
    %add3A_197 = vector.broadcast %add3A_196 : i32 to vector<16xi32>
    %add3A_198 = arith.addi %add3A_162, %add3A_197 : vector<16xi32>
    %swap3A_199 = arith.constant 16 : index
    %swap3A_200 = tpu.vector_load %arg21[%swap3A_199] {strides = array<i32>} : memref<192xi32, #tpu.memory_space<vmem>>, vector<16xi32>,
    %swap3A_201 = vector.shape_cast %swap3A_200 : vector<16xi32> to vector<16xi32>
    %swap3A_202 = vector.shape_cast %add3A_198 : vector<16xi32> to vector<16xi32>
    tpu.vector_store %arg21[%swap3A_199], %swap3A_202 {strides = array<i32>} : memref<192xi32, #tpu.memory_space<vmem>>, vector<16xi32>,
    %add3A_203 = arith.constant 8585216 : i32
    %add3A_204 = vector.broadcast %add3A_203 : i32 to vector<16xi32>
    %add3A_205 = arith.addi %add3A_162, %add3A_204 : vector<16xi32>
    %swap3A_206 = arith.constant 80 : index
    %swap3A_207 = tpu.vector_load %arg20[%swap3A_206] {strides = array<i32>} : memref<768xi32, #tpu.memory_space<vmem>>, vector<16xi32>,
    %swap3A_208 = vector.shape_cast %swap3A_207 : vector<16xi32> to vector<16xi32>
    %swap3A_209 = vector.shape_cast %add3A_205 : vector<16xi32> to vector<16xi32>
    tpu.vector_store %arg20[%swap3A_206], %swap3A_209 {strides = array<i32>} : memref<768xi32, #tpu.memory_space<vmem>>, vector<16xi32>,
    %add3A_210 = arith.constant 17039360 : i32
    %add3A_211 = vector.broadcast %add3A_210 : i32 to vector<16xi32>
    %add3A_212 = arith.addi %add3A_162, %add3A_211 : vector<16xi32>
    %swap3A_213 = arith.constant 272 : index
    %swap3A_214 = tpu.vector_load %arg20[%swap3A_213] {strides = array<i32>} : memref<768xi32, #tpu.memory_space<vmem>>, vector<16xi32>,
    %swap3A_215 = vector.shape_cast %swap3A_214 : vector<16xi32> to vector<16xi32>
    %swap3A_216 = vector.shape_cast %add3A_212 : vector<16xi32> to vector<16xi32>
    tpu.vector_store %arg20[%swap3A_213], %swap3A_216 {strides = array<i32>} : memref<768xi32, #tpu.memory_space<vmem>>, vector<16xi32>,
    %add3A_217 = arith.constant 17104896 : i32
    %add3A_218 = vector.broadcast %add3A_217 : i32 to vector<16xi32>
    %add3A_219 = arith.addi %add3A_162, %add3A_218 : vector<16xi32>
    %swap3A_220 = arith.constant 464 : index
    %swap3A_221 = tpu.vector_load %arg20[%swap3A_220] {strides = array<i32>} : memref<768xi32, #tpu.memory_space<vmem>>, vector<16xi32>,
    %swap3A_222 = vector.shape_cast %swap3A_221 : vector<16xi32> to vector<16xi32>
    %swap3A_223 = vector.shape_cast %add3A_219 : vector<16xi32> to vector<16xi32>
    tpu.vector_store %arg20[%swap3A_220], %swap3A_223 {strides = array<i32>} : memref<768xi32, #tpu.memory_space<vmem>>, vector<16xi32>,
    %add3A_224 = arith.constant 8650752 : i32
    %add3A_225 = vector.broadcast %add3A_224 : i32 to vector<16xi32>
    %add3A_226 = arith.addi %add3A_162, %add3A_225 : vector<16xi32>
    %add3A_227 = arith.addi %add3A_226, %mul3A_166 : vector<16xi32>
    %swap3A_228 = arith.constant 656 : index
    %swap3A_229 = tpu.vector_load %arg20[%swap3A_228] {strides = array<i32>} : memref<768xi32, #tpu.memory_space<vmem>>, vector<16xi32>,
    %swap3A_230 = vector.shape_cast %swap3A_229 : vector<16xi32> to vector<16xi32>
    %swap3A_231 = vector.shape_cast %add3A_227 : vector<16xi32> to vector<16xi32>
    tpu.vector_store %arg20[%swap3A_228], %swap3A_231 {strides = array<i32>} : memref<768xi32, #tpu.memory_space<vmem>>, vector<16xi32>,
    %add3A_232 = arith.constant 65536 : i32
    %add3A_233 = vector.broadcast %add3A_232 : i32 to vector<16xi32>
    %add3A_234 = arith.addi %add3A_162, %add3A_233 : vector<16xi32>
    %swap3A_235 = arith.constant 80 : index
    %swap3A_236 = tpu.vector_load %arg21[%swap3A_235] {strides = array<i32>} : memref<192xi32, #tpu.memory_space<vmem>>, vector<16xi32>,
    %swap3A_237 = vector.shape_cast %swap3A_236 : vector<16xi32> to vector<16xi32>
    %swap3A_238 = vector.shape_cast %add3A_234 : vector<16xi32> to vector<16xi32>
    tpu.vector_store %arg21[%swap3A_235], %swap3A_238 {strides = array<i32>} : memref<192xi32, #tpu.memory_space<vmem>>, vector<16xi32>,
    %add3A_239 = arith.constant 17170432 : i32
    %add3A_240 = vector.broadcast %add3A_239 : i32 to vector<16xi32>
    %add3A_241 = arith.addi %add3A_162, %add3A_240 : vector<16xi32>
    %swap3A_242 = arith.constant 144 : index
    %swap3A_243 = tpu.vector_load %arg20[%swap3A_242] {strides = array<i32>} : memref<768xi32, #tpu.memory_space<vmem>>, vector<16xi32>,
    %swap3A_244 = vector.shape_cast %swap3A_243 : vector<16xi32> to vector<16xi32>
    %swap3A_245 = vector.shape_cast %add3A_241 : vector<16xi32> to vector<16xi32>
    tpu.vector_store %arg20[%swap3A_242], %swap3A_245 {strides = array<i32>} : memref<768xi32, #tpu.memory_space<vmem>>, vector<16xi32>,
    %add3A_246 = arith.constant 25624576 : i32
    %add3A_247 = vector.broadcast %add3A_246 : i32 to vector<16xi32>
    %add3A_248 = arith.addi %add3A_162, %add3A_247 : vector<16xi32>
    %swap3A_249 = arith.constant 336 : index
    %swap3A_250 = tpu.vector_load %arg20[%swap3A_249] {strides = array<i32>} : memref<768xi32, #tpu.memory_space<vmem>>, vector<16xi32>,
    %swap3A_251 = vector.shape_cast %swap3A_250 : vector<16xi32> to vector<16xi32>
    %swap3A_252 = vector.shape_cast %add3A_248 : vector<16xi32> to vector<16xi32>
    tpu.vector_store %arg20[%swap3A_249], %swap3A_252 {strides = array<i32>} : memref<768xi32, #tpu.memory_space<vmem>>, vector<16xi32>,
    %add3A_253 = arith.constant 25690112 : i32
    %add3A_254 = vector.broadcast %add3A_253 : i32 to vector<16xi32>
    %add3A_255 = arith.addi %add3A_162, %add3A_254 : vector<16xi32>
    %swap3A_256 = arith.constant 528 : index
    %swap3A_257 = tpu.vector_load %arg20[%swap3A_256] {strides = array<i32>} : memref<768xi32, #tpu.memory_space<vmem>>, vector<16xi32>,
    %swap3A_258 = vector.shape_cast %swap3A_257 : vector<16xi32> to vector<16xi32>
    %swap3A_259 = vector.shape_cast %add3A_255 : vector<16xi32> to vector<16xi32>
    tpu.vector_store %arg20[%swap3A_256], %swap3A_259 {strides = array<i32>} : memref<768xi32, #tpu.memory_space<vmem>>, vector<16xi32>,
    %add3A_260 = arith.constant 17235968 : i32
    %add3A_261 = vector.broadcast %add3A_260 : i32 to vector<16xi32>
    %add3A_262 = arith.addi %add3A_162, %add3A_261 : vector<16xi32>
    %add3A_263 = arith.addi %add3A_262, %mul3A_166 : vector<16xi32>
    %swap3A_264 = arith.constant 720 : index
    %swap3A_265 = tpu.vector_load %arg20[%swap3A_264] {strides = array<i32>} : memref<768xi32, #tpu.memory_space<vmem>>, vector<16xi32>,
    %swap3A_266 = vector.shape_cast %swap3A_265 : vector<16xi32> to vector<16xi32>
    %swap3A_267 = vector.shape_cast %add3A_263 : vector<16xi32> to vector<16xi32>
    tpu.vector_store %arg20[%swap3A_264], %swap3A_267 {strides = array<i32>} : memref<768xi32, #tpu.memory_space<vmem>>, vector<16xi32>,
    %add3A_268 = arith.constant 131072 : i32
    %add3A_269 = vector.broadcast %add3A_268 : i32 to vector<16xi32>
    %add3A_270 = arith.addi %add3A_162, %add3A_269 : vector<16xi32>
    %swap3A_271 = arith.constant 144 : index
    %swap3A_272 = tpu.vector_load %arg21[%swap3A_271] {strides = array<i32>} : memref<192xi32, #tpu.memory_space<vmem>>, vector<16xi32>,
    %swap3A_273 = vector.shape_cast %swap3A_272 : vector<16xi32> to vector<16xi32>
    %swap3A_274 = vector.shape_cast %add3A_270 : vector<16xi32> to vector<16xi32>
    tpu.vector_store %arg21[%swap3A_271], %swap3A_274 {strides = array<i32>} : memref<192xi32, #tpu.memory_space<vmem>>, vector<16xi32>,
    %get3A_275 = arith.constant 32 : index
    %get3A_276 = tpu.vector_load %arg17[%get3A_275] {strides = array<i32>} : memref<64xf32, #tpu.memory_space<vmem>>, vector<16xf32>,
    %get3A_277 = vector.shape_cast %get3A_276 : vector<16xf32> to vector<16xf32>
    %get3A_278 = arith.constant 32 : index
    %get3A_279 = tpu.vector_load %arg18[%get3A_278] {strides = array<i32>} : memref<64xf32, #tpu.memory_space<vmem>>, vector<16xf32>,
    %get3A_280 = vector.shape_cast %get3A_279 : vector<16xf32> to vector<16xf32>
    %get3A_281 = arith.constant 32 : index
    %get3A_282 = tpu.vector_load %arg19[%get3A_281] {strides = array<i32>} : memref<64xf32, #tpu.memory_space<vmem>>, vector<16xf32>,
    %get3A_283 = vector.shape_cast %get3A_282 : vector<16xf32> to vector<16xf32>
    %div3A_284 = arith.constant 6.000000e+01 : f32
    %div3A_285 = vector.broadcast %div3A_284 : f32 to vector<16xf32>
    %div3A_286 = arith.divf %get3A_280, %div3A_285 : vector<16xf32>
    %mul3A_287 = arith.constant 1.024000e+03 : f32
    %mul3A_288 = vector.broadcast %mul3A_287 : f32 to vector<16xf32>
    %mul3A_289 = arith.mulf %div3A_286, %mul3A_288 : vector<16xf32>
    %convert_element_type3A_290 = arith.fptosi %mul3A_289 : vector<16xf32> to vector<16xi32>
    %max3A_291 = arith.constant 0 : i32
    %max3A_292 = vector.broadcast %max3A_291 : i32 to vector<16xi32>
    %max3A_293 = arith.maxsi %convert_element_type3A_290, %max3A_292 : vector<16xi32>
    %min3A_294 = arith.constant 1023 : i32
    %min3A_295 = vector.broadcast %min3A_294 : i32 to vector<16xi32>
    %min3A_296 = arith.minsi %max3A_293, %min3A_295 : vector<16xi32>
    %convert_element_type3A_297 = arith.fptosi %get3A_277 : vector<16xf32> to vector<16xi32>
    %mul3A_298 = arith.constant 1024 : i32
    %mul3A_299 = vector.broadcast %mul3A_298 : i32 to vector<16xi32>
    %mul3A_300 = arith.muli %convert_element_type3A_297, %mul3A_299 : vector<16xi32>
    %add3A_301 = arith.addi %mul3A_300, %min3A_296 : vector<16xi32>
    %convert_element_type3A_302 = arith.fptosi %get3A_283 : vector<16xf32> to vector<16xi32>
    %mul3A_303 = arith.constant 65536 : i32
    %mul3A_304 = vector.broadcast %mul3A_303 : i32 to vector<16xi32>
    %mul3A_305 = arith.muli %convert_element_type3A_302, %mul3A_304 : vector<16xi32>
    %add3A_306 = arith.constant 0 : i32
    %add3A_307 = vector.broadcast %add3A_306 : i32 to vector<16xi32>
    %add3A_308 = arith.addi %add3A_301, %add3A_307 : vector<16xi32>
    %swap3A_309 = arith.constant 32 : index
    %swap3A_310 = tpu.vector_load %arg20[%swap3A_309] {strides = array<i32>} : memref<768xi32, #tpu.memory_space<vmem>>, vector<16xi32>,
    %swap3A_311 = vector.shape_cast %swap3A_310 : vector<16xi32> to vector<16xi32>
    %swap3A_312 = vector.shape_cast %add3A_308 : vector<16xi32> to vector<16xi32>
    tpu.vector_store %arg20[%swap3A_309], %swap3A_312 {strides = array<i32>} : memref<768xi32, #tpu.memory_space<vmem>>, vector<16xi32>,
    %add3A_313 = arith.constant 8454144 : i32
    %add3A_314 = vector.broadcast %add3A_313 : i32 to vector<16xi32>
    %add3A_315 = arith.addi %add3A_301, %add3A_314 : vector<16xi32>
    %swap3A_316 = arith.constant 224 : index
    %swap3A_317 = tpu.vector_load %arg20[%swap3A_316] {strides = array<i32>} : memref<768xi32, #tpu.memory_space<vmem>>, vector<16xi32>,
    %swap3A_318 = vector.shape_cast %swap3A_317 : vector<16xi32> to vector<16xi32>
    %swap3A_319 = vector.shape_cast %add3A_315 : vector<16xi32> to vector<16xi32>
    tpu.vector_store %arg20[%swap3A_316], %swap3A_319 {strides = array<i32>} : memref<768xi32, #tpu.memory_space<vmem>>, vector<16xi32>,
    %add3A_320 = arith.constant 8519680 : i32
    %add3A_321 = vector.broadcast %add3A_320 : i32 to vector<16xi32>
    %add3A_322 = arith.addi %add3A_301, %add3A_321 : vector<16xi32>
    %swap3A_323 = arith.constant 416 : index
    %swap3A_324 = tpu.vector_load %arg20[%swap3A_323] {strides = array<i32>} : memref<768xi32, #tpu.memory_space<vmem>>, vector<16xi32>,
    %swap3A_325 = vector.shape_cast %swap3A_324 : vector<16xi32> to vector<16xi32>
    %swap3A_326 = vector.shape_cast %add3A_322 : vector<16xi32> to vector<16xi32>
    tpu.vector_store %arg20[%swap3A_323], %swap3A_326 {strides = array<i32>} : memref<768xi32, #tpu.memory_space<vmem>>, vector<16xi32>,
    %add3A_327 = arith.constant 65536 : i32
    %add3A_328 = vector.broadcast %add3A_327 : i32 to vector<16xi32>
    %add3A_329 = arith.addi %add3A_301, %add3A_328 : vector<16xi32>
    %add3A_330 = arith.addi %add3A_329, %mul3A_305 : vector<16xi32>
    %swap3A_331 = arith.constant 608 : index
    %swap3A_332 = tpu.vector_load %arg20[%swap3A_331] {strides = array<i32>} : memref<768xi32, #tpu.memory_space<vmem>>, vector<16xi32>,
    %swap3A_333 = vector.shape_cast %swap3A_332 : vector<16xi32> to vector<16xi32>
    %swap3A_334 = vector.shape_cast %add3A_330 : vector<16xi32> to vector<16xi32>
    tpu.vector_store %arg20[%swap3A_331], %swap3A_334 {strides = array<i32>} : memref<768xi32, #tpu.memory_space<vmem>>, vector<16xi32>,
    %add3A_335 = arith.constant 0 : i32
    %add3A_336 = vector.broadcast %add3A_335 : i32 to vector<16xi32>
    %add3A_337 = arith.addi %add3A_301, %add3A_336 : vector<16xi32>
    %swap3A_338 = arith.constant 32 : index
    %swap3A_339 = tpu.vector_load %arg21[%swap3A_338] {strides = array<i32>} : memref<192xi32, #tpu.memory_space<vmem>>, vector<16xi32>,
    %swap3A_340 = vector.shape_cast %swap3A_339 : vector<16xi32> to vector<16xi32>
    %swap3A_341 = vector.shape_cast %add3A_337 : vector<16xi32> to vector<16xi32>
    tpu.vector_store %arg21[%swap3A_338], %swap3A_341 {strides = array<i32>} : memref<192xi32, #tpu.memory_space<vmem>>, vector<16xi32>,
    %add3A_342 = arith.constant 8585216 : i32
    %add3A_343 = vector.broadcast %add3A_342 : i32 to vector<16xi32>
    %add3A_344 = arith.addi %add3A_301, %add3A_343 : vector<16xi32>
    %swap3A_345 = arith.constant 96 : index
    %swap3A_346 = tpu.vector_load %arg20[%swap3A_345] {strides = array<i32>} : memref<768xi32, #tpu.memory_space<vmem>>, vector<16xi32>,
    %swap3A_347 = vector.shape_cast %swap3A_346 : vector<16xi32> to vector<16xi32>
    %swap3A_348 = vector.shape_cast %add3A_344 : vector<16xi32> to vector<16xi32>
    tpu.vector_store %arg20[%swap3A_345], %swap3A_348 {strides = array<i32>} : memref<768xi32, #tpu.memory_space<vmem>>, vector<16xi32>,
    %add3A_349 = arith.constant 17039360 : i32
    %add3A_350 = vector.broadcast %add3A_349 : i32 to vector<16xi32>
    %add3A_351 = arith.addi %add3A_301, %add3A_350 : vector<16xi32>
    %swap3A_352 = arith.constant 288 : index
    %swap3A_353 = tpu.vector_load %arg20[%swap3A_352] {strides = array<i32>} : memref<768xi32, #tpu.memory_space<vmem>>, vector<16xi32>,
    %swap3A_354 = vector.shape_cast %swap3A_353 : vector<16xi32> to vector<16xi32>
    %swap3A_355 = vector.shape_cast %add3A_351 : vector<16xi32> to vector<16xi32>
    tpu.vector_store %arg20[%swap3A_352], %swap3A_355 {strides = array<i32>} : memref<768xi32, #tpu.memory_space<vmem>>, vector<16xi32>,
    %add3A_356 = arith.constant 17104896 : i32
    %add3A_357 = vector.broadcast %add3A_356 : i32 to vector<16xi32>
    %add3A_358 = arith.addi %add3A_301, %add3A_357 : vector<16xi32>
    %swap3A_359 = arith.constant 480 : index
    %swap3A_360 = tpu.vector_load %arg20[%swap3A_359] {strides = array<i32>} : memref<768xi32, #tpu.memory_space<vmem>>, vector<16xi32>,
    %swap3A_361 = vector.shape_cast %swap3A_360 : vector<16xi32> to vector<16xi32>
    %swap3A_362 = vector.shape_cast %add3A_358 : vector<16xi32> to vector<16xi32>
    tpu.vector_store %arg20[%swap3A_359], %swap3A_362 {strides = array<i32>} : memref<768xi32, #tpu.memory_space<vmem>>, vector<16xi32>,
    %add3A_363 = arith.constant 8650752 : i32
    %add3A_364 = vector.broadcast %add3A_363 : i32 to vector<16xi32>
    %add3A_365 = arith.addi %add3A_301, %add3A_364 : vector<16xi32>
    %add3A_366 = arith.addi %add3A_365, %mul3A_305 : vector<16xi32>
    %swap3A_367 = arith.constant 672 : index
    %swap3A_368 = tpu.vector_load %arg20[%swap3A_367] {strides = array<i32>} : memref<768xi32, #tpu.memory_space<vmem>>, vector<16xi32>,
    %swap3A_369 = vector.shape_cast %swap3A_368 : vector<16xi32> to vector<16xi32>
    %swap3A_370 = vector.shape_cast %add3A_366 : vector<16xi32> to vector<16xi32>
    tpu.vector_store %arg20[%swap3A_367], %swap3A_370 {strides = array<i32>} : memref<768xi32, #tpu.memory_space<vmem>>, vector<16xi32>,
    %add3A_371 = arith.constant 65536 : i32
    %add3A_372 = vector.broadcast %add3A_371 : i32 to vector<16xi32>
    %add3A_373 = arith.addi %add3A_301, %add3A_372 : vector<16xi32>
    %swap3A_374 = arith.constant 96 : index
    %swap3A_375 = tpu.vector_load %arg21[%swap3A_374] {strides = array<i32>} : memref<192xi32, #tpu.memory_space<vmem>>, vector<16xi32>,
    %swap3A_376 = vector.shape_cast %swap3A_375 : vector<16xi32> to vector<16xi32>
    %swap3A_377 = vector.shape_cast %add3A_373 : vector<16xi32> to vector<16xi32>
    tpu.vector_store %arg21[%swap3A_374], %swap3A_377 {strides = array<i32>} : memref<192xi32, #tpu.memory_space<vmem>>, vector<16xi32>,
    %add3A_378 = arith.constant 17170432 : i32
    %add3A_379 = vector.broadcast %add3A_378 : i32 to vector<16xi32>
    %add3A_380 = arith.addi %add3A_301, %add3A_379 : vector<16xi32>
    %swap3A_381 = arith.constant 160 : index
    %swap3A_382 = tpu.vector_load %arg20[%swap3A_381] {strides = array<i32>} : memref<768xi32, #tpu.memory_space<vmem>>, vector<16xi32>,
    %swap3A_383 = vector.shape_cast %swap3A_382 : vector<16xi32> to vector<16xi32>
    %swap3A_384 = vector.shape_cast %add3A_380 : vector<16xi32> to vector<16xi32>
    tpu.vector_store %arg20[%swap3A_381], %swap3A_384 {strides = array<i32>} : memref<768xi32, #tpu.memory_space<vmem>>, vector<16xi32>,
    %add3A_385 = arith.constant 25624576 : i32
    %add3A_386 = vector.broadcast %add3A_385 : i32 to vector<16xi32>
    %add3A_387 = arith.addi %add3A_301, %add3A_386 : vector<16xi32>
    %swap3A_388 = arith.constant 352 : index
    %swap3A_389 = tpu.vector_load %arg20[%swap3A_388] {strides = array<i32>} : memref<768xi32, #tpu.memory_space<vmem>>, vector<16xi32>,
    %swap3A_390 = vector.shape_cast %swap3A_389 : vector<16xi32> to vector<16xi32>
    %swap3A_391 = vector.shape_cast %add3A_387 : vector<16xi32> to vector<16xi32>
    tpu.vector_store %arg20[%swap3A_388], %swap3A_391 {strides = array<i32>} : memref<768xi32, #tpu.memory_space<vmem>>, vector<16xi32>,
    %add3A_392 = arith.constant 25690112 : i32
    %add3A_393 = vector.broadcast %add3A_392 : i32 to vector<16xi32>
    %add3A_394 = arith.addi %add3A_301, %add3A_393 : vector<16xi32>
    %swap3A_395 = arith.constant 544 : index
    %swap3A_396 = tpu.vector_load %arg20[%swap3A_395] {strides = array<i32>} : memref<768xi32, #tpu.memory_space<vmem>>, vector<16xi32>,
    %swap3A_397 = vector.shape_cast %swap3A_396 : vector<16xi32> to vector<16xi32>
    %swap3A_398 = vector.shape_cast %add3A_394 : vector<16xi32> to vector<16xi32>
    tpu.vector_store %arg20[%swap3A_395], %swap3A_398 {strides = array<i32>} : memref<768xi32, #tpu.memory_space<vmem>>, vector<16xi32>,
    %add3A_399 = arith.constant 17235968 : i32
    %add3A_400 = vector.broadcast %add3A_399 : i32 to vector<16xi32>
    %add3A_401 = arith.addi %add3A_301, %add3A_400 : vector<16xi32>
    %add3A_402 = arith.addi %add3A_401, %mul3A_305 : vector<16xi32>
    %swap3A_403 = arith.constant 736 : index
    %swap3A_404 = tpu.vector_load %arg20[%swap3A_403] {strides = array<i32>} : memref<768xi32, #tpu.memory_space<vmem>>, vector<16xi32>,
    %swap3A_405 = vector.shape_cast %swap3A_404 : vector<16xi32> to vector<16xi32>
    %swap3A_406 = vector.shape_cast %add3A_402 : vector<16xi32> to vector<16xi32>
    tpu.vector_store %arg20[%swap3A_403], %swap3A_406 {strides = array<i32>} : memref<768xi32, #tpu.memory_space<vmem>>, vector<16xi32>,
    %add3A_407 = arith.constant 131072 : i32
    %add3A_408 = vector.broadcast %add3A_407 : i32 to vector<16xi32>
    %add3A_409 = arith.addi %add3A_301, %add3A_408 : vector<16xi32>
    %swap3A_410 = arith.constant 160 : index
    %swap3A_411 = tpu.vector_load %arg21[%swap3A_410] {strides = array<i32>} : memref<192xi32, #tpu.memory_space<vmem>>, vector<16xi32>,
    %swap3A_412 = vector.shape_cast %swap3A_411 : vector<16xi32> to vector<16xi32>
    %swap3A_413 = vector.shape_cast %add3A_409 : vector<16xi32> to vector<16xi32>
    tpu.vector_store %arg21[%swap3A_410], %swap3A_413 {strides = array<i32>} : memref<192xi32, #tpu.memory_space<vmem>>, vector<16xi32>,
    %get3A_414 = arith.constant 48 : index
    %get3A_415 = tpu.vector_load %arg17[%get3A_414] {strides = array<i32>} : memref<64xf32, #tpu.memory_space<vmem>>, vector<16xf32>,
    %get3A_416 = vector.shape_cast %get3A_415 : vector<16xf32> to vector<16xf32>
    %get3A_417 = arith.constant 48 : index
    %get3A_418 = tpu.vector_load %arg18[%get3A_417] {strides = array<i32>} : memref<64xf32, #tpu.memory_space<vmem>>, vector<16xf32>,
    %get3A_419 = vector.shape_cast %get3A_418 : vector<16xf32> to vector<16xf32>
    %get3A_420 = arith.constant 48 : index
    %get3A_421 = tpu.vector_load %arg19[%get3A_420] {strides = array<i32>} : memref<64xf32, #tpu.memory_space<vmem>>, vector<16xf32>,
    %get3A_422 = vector.shape_cast %get3A_421 : vector<16xf32> to vector<16xf32>
    %div3A_423 = arith.constant 6.000000e+01 : f32
    %div3A_424 = vector.broadcast %div3A_423 : f32 to vector<16xf32>
    %div3A_425 = arith.divf %get3A_419, %div3A_424 : vector<16xf32>
    %mul3A_426 = arith.constant 1.024000e+03 : f32
    %mul3A_427 = vector.broadcast %mul3A_426 : f32 to vector<16xf32>
    %mul3A_428 = arith.mulf %div3A_425, %mul3A_427 : vector<16xf32>
    %convert_element_type3A_429 = arith.fptosi %mul3A_428 : vector<16xf32> to vector<16xi32>
    %max3A_430 = arith.constant 0 : i32
    %max3A_431 = vector.broadcast %max3A_430 : i32 to vector<16xi32>
    %max3A_432 = arith.maxsi %convert_element_type3A_429, %max3A_431 : vector<16xi32>
    %min3A_433 = arith.constant 1023 : i32
    %min3A_434 = vector.broadcast %min3A_433 : i32 to vector<16xi32>
    %min3A_435 = arith.minsi %max3A_432, %min3A_434 : vector<16xi32>
    %convert_element_type3A_436 = arith.fptosi %get3A_416 : vector<16xf32> to vector<16xi32>
    %mul3A_437 = arith.constant 1024 : i32
    %mul3A_438 = vector.broadcast %mul3A_437 : i32 to vector<16xi32>
    %mul3A_439 = arith.muli %convert_element_type3A_436, %mul3A_438 : vector<16xi32>
    %add3A_440 = arith.addi %mul3A_439, %min3A_435 : vector<16xi32>
    %convert_element_type3A_441 = arith.fptosi %get3A_422 : vector<16xf32> to vector<16xi32>
    %mul3A_442 = arith.constant 65536 : i32
    %mul3A_443 = vector.broadcast %mul3A_442 : i32 to vector<16xi32>
    %mul3A_444 = arith.muli %convert_element_type3A_441, %mul3A_443 : vector<16xi32>
    %add3A_445 = arith.constant 0 : i32
    %add3A_446 = vector.broadcast %add3A_445 : i32 to vector<16xi32>
    %add3A_447 = arith.addi %add3A_440, %add3A_446 : vector<16xi32>
    %swap3A_448 = arith.constant 48 : index
    %swap3A_449 = tpu.vector_load %arg20[%swap3A_448] {strides = array<i32>} : memref<768xi32, #tpu.memory_space<vmem>>, vector<16xi32>,
    %swap3A_450 = vector.shape_cast %swap3A_449 : vector<16xi32> to vector<16xi32>
    %swap3A_451 = vector.shape_cast %add3A_447 : vector<16xi32> to vector<16xi32>
    tpu.vector_store %arg20[%swap3A_448], %swap3A_451 {strides = array<i32>} : memref<768xi32, #tpu.memory_space<vmem>>, vector<16xi32>,
    %add3A_452 = arith.constant 8454144 : i32
    %add3A_453 = vector.broadcast %add3A_452 : i32 to vector<16xi32>
    %add3A_454 = arith.addi %add3A_440, %add3A_453 : vector<16xi32>
    %swap3A_455 = arith.constant 240 : index
    %swap3A_456 = tpu.vector_load %arg20[%swap3A_455] {strides = array<i32>} : memref<768xi32, #tpu.memory_space<vmem>>, vector<16xi32>,
    %swap3A_457 = vector.shape_cast %swap3A_456 : vector<16xi32> to vector<16xi32>
    %swap3A_458 = vector.shape_cast %add3A_454 : vector<16xi32> to vector<16xi32>
    tpu.vector_store %arg20[%swap3A_455], %swap3A_458 {strides = array<i32>} : memref<768xi32, #tpu.memory_space<vmem>>, vector<16xi32>,
    %add3A_459 = arith.constant 8519680 : i32
    %add3A_460 = vector.broadcast %add3A_459 : i32 to vector<16xi32>
    %add3A_461 = arith.addi %add3A_440, %add3A_460 : vector<16xi32>
    %swap3A_462 = arith.constant 432 : index
    %swap3A_463 = tpu.vector_load %arg20[%swap3A_462] {strides = array<i32>} : memref<768xi32, #tpu.memory_space<vmem>>, vector<16xi32>,
    %swap3A_464 = vector.shape_cast %swap3A_463 : vector<16xi32> to vector<16xi32>
    %swap3A_465 = vector.shape_cast %add3A_461 : vector<16xi32> to vector<16xi32>
    tpu.vector_store %arg20[%swap3A_462], %swap3A_465 {strides = array<i32>} : memref<768xi32, #tpu.memory_space<vmem>>, vector<16xi32>,
    %add3A_466 = arith.constant 65536 : i32
    %add3A_467 = vector.broadcast %add3A_466 : i32 to vector<16xi32>
    %add3A_468 = arith.addi %add3A_440, %add3A_467 : vector<16xi32>
    %add3A_469 = arith.addi %add3A_468, %mul3A_444 : vector<16xi32>
    %swap3A_470 = arith.constant 624 : index
    %swap3A_471 = tpu.vector_load %arg20[%swap3A_470] {strides = array<i32>} : memref<768xi32, #tpu.memory_space<vmem>>, vector<16xi32>,
    %swap3A_472 = vector.shape_cast %swap3A_471 : vector<16xi32> to vector<16xi32>
    %swap3A_473 = vector.shape_cast %add3A_469 : vector<16xi32> to vector<16xi32>
    tpu.vector_store %arg20[%swap3A_470], %swap3A_473 {strides = array<i32>} : memref<768xi32, #tpu.memory_space<vmem>>, vector<16xi32>,
    %add3A_474 = arith.constant 0 : i32
    %add3A_475 = vector.broadcast %add3A_474 : i32 to vector<16xi32>
    %add3A_476 = arith.addi %add3A_440, %add3A_475 : vector<16xi32>
    %swap3A_477 = arith.constant 48 : index
    %swap3A_478 = tpu.vector_load %arg21[%swap3A_477] {strides = array<i32>} : memref<192xi32, #tpu.memory_space<vmem>>, vector<16xi32>,
    %swap3A_479 = vector.shape_cast %swap3A_478 : vector<16xi32> to vector<16xi32>
    %swap3A_480 = vector.shape_cast %add3A_476 : vector<16xi32> to vector<16xi32>
    tpu.vector_store %arg21[%swap3A_477], %swap3A_480 {strides = array<i32>} : memref<192xi32, #tpu.memory_space<vmem>>, vector<16xi32>,
    %add3A_481 = arith.constant 8585216 : i32
    %add3A_482 = vector.broadcast %add3A_481 : i32 to vector<16xi32>
    %add3A_483 = arith.addi %add3A_440, %add3A_482 : vector<16xi32>
    %swap3A_484 = arith.constant 112 : index
    %swap3A_485 = tpu.vector_load %arg20[%swap3A_484] {strides = array<i32>} : memref<768xi32, #tpu.memory_space<vmem>>, vector<16xi32>,
    %swap3A_486 = vector.shape_cast %swap3A_485 : vector<16xi32> to vector<16xi32>
    %swap3A_487 = vector.shape_cast %add3A_483 : vector<16xi32> to vector<16xi32>
    tpu.vector_store %arg20[%swap3A_484], %swap3A_487 {strides = array<i32>} : memref<768xi32, #tpu.memory_space<vmem>>, vector<16xi32>,
    %add3A_488 = arith.constant 17039360 : i32
    %add3A_489 = vector.broadcast %add3A_488 : i32 to vector<16xi32>
    %add3A_490 = arith.addi %add3A_440, %add3A_489 : vector<16xi32>
    %swap3A_491 = arith.constant 304 : index
    %swap3A_492 = tpu.vector_load %arg20[%swap3A_491] {strides = array<i32>} : memref<768xi32, #tpu.memory_space<vmem>>, vector<16xi32>,
    %swap3A_493 = vector.shape_cast %swap3A_492 : vector<16xi32> to vector<16xi32>
    %swap3A_494 = vector.shape_cast %add3A_490 : vector<16xi32> to vector<16xi32>
    tpu.vector_store %arg20[%swap3A_491], %swap3A_494 {strides = array<i32>} : memref<768xi32, #tpu.memory_space<vmem>>, vector<16xi32>,
    %add3A_495 = arith.constant 17104896 : i32
    %add3A_496 = vector.broadcast %add3A_495 : i32 to vector<16xi32>
    %add3A_497 = arith.addi %add3A_440, %add3A_496 : vector<16xi32>
    %swap3A_498 = arith.constant 496 : index
    %swap3A_499 = tpu.vector_load %arg20[%swap3A_498] {strides = array<i32>} : memref<768xi32, #tpu.memory_space<vmem>>, vector<16xi32>,
    %swap3A_500 = vector.shape_cast %swap3A_499 : vector<16xi32> to vector<16xi32>
    %swap3A_501 = vector.shape_cast %add3A_497 : vector<16xi32> to vector<16xi32>
    tpu.vector_store %arg20[%swap3A_498], %swap3A_501 {strides = array<i32>} : memref<768xi32, #tpu.memory_space<vmem>>, vector<16xi32>,
    %add3A_502 = arith.constant 8650752 : i32
    %add3A_503 = vector.broadcast %add3A_502 : i32 to vector<16xi32>
    %add3A_504 = arith.addi %add3A_440, %add3A_503 : vector<16xi32>
    %add3A_505 = arith.addi %add3A_504, %mul3A_444 : vector<16xi32>
    %swap3A_506 = arith.constant 688 : index
    %swap3A_507 = tpu.vector_load %arg20[%swap3A_506] {strides = array<i32>} : memref<768xi32, #tpu.memory_space<vmem>>, vector<16xi32>,
    %swap3A_508 = vector.shape_cast %swap3A_507 : vector<16xi32> to vector<16xi32>
    %swap3A_509 = vector.shape_cast %add3A_505 : vector<16xi32> to vector<16xi32>
    tpu.vector_store %arg20[%swap3A_506], %swap3A_509 {strides = array<i32>} : memref<768xi32, #tpu.memory_space<vmem>>, vector<16xi32>,
    %add3A_510 = arith.constant 65536 : i32
    %add3A_511 = vector.broadcast %add3A_510 : i32 to vector<16xi32>
    %add3A_512 = arith.addi %add3A_440, %add3A_511 : vector<16xi32>
    %swap3A_513 = arith.constant 112 : index
    %swap3A_514 = tpu.vector_load %arg21[%swap3A_513] {strides = array<i32>} : memref<192xi32, #tpu.memory_space<vmem>>, vector<16xi32>,
    %swap3A_515 = vector.shape_cast %swap3A_514 : vector<16xi32> to vector<16xi32>
    %swap3A_516 = vector.shape_cast %add3A_512 : vector<16xi32> to vector<16xi32>
    tpu.vector_store %arg21[%swap3A_513], %swap3A_516 {strides = array<i32>} : memref<192xi32, #tpu.memory_space<vmem>>, vector<16xi32>,
    %add3A_517 = arith.constant 17170432 : i32
    %add3A_518 = vector.broadcast %add3A_517 : i32 to vector<16xi32>
    %add3A_519 = arith.addi %add3A_440, %add3A_518 : vector<16xi32>
    %swap3A_520 = arith.constant 176 : index
    %swap3A_521 = tpu.vector_load %arg20[%swap3A_520] {strides = array<i32>} : memref<768xi32, #tpu.memory_space<vmem>>, vector<16xi32>,
    %swap3A_522 = vector.shape_cast %swap3A_521 : vector<16xi32> to vector<16xi32>
    %swap3A_523 = vector.shape_cast %add3A_519 : vector<16xi32> to vector<16xi32>
    tpu.vector_store %arg20[%swap3A_520], %swap3A_523 {strides = array<i32>} : memref<768xi32, #tpu.memory_space<vmem>>, vector<16xi32>,
    %add3A_524 = arith.constant 25624576 : i32
    %add3A_525 = vector.broadcast %add3A_524 : i32 to vector<16xi32>
    %add3A_526 = arith.addi %add3A_440, %add3A_525 : vector<16xi32>
    %swap3A_527 = arith.constant 368 : index
    %swap3A_528 = tpu.vector_load %arg20[%swap3A_527] {strides = array<i32>} : memref<768xi32, #tpu.memory_space<vmem>>, vector<16xi32>,
    %swap3A_529 = vector.shape_cast %swap3A_528 : vector<16xi32> to vector<16xi32>
    %swap3A_530 = vector.shape_cast %add3A_526 : vector<16xi32> to vector<16xi32>
    tpu.vector_store %arg20[%swap3A_527], %swap3A_530 {strides = array<i32>} : memref<768xi32, #tpu.memory_space<vmem>>, vector<16xi32>,
    %add3A_531 = arith.constant 25690112 : i32
    %add3A_532 = vector.broadcast %add3A_531 : i32 to vector<16xi32>
    %add3A_533 = arith.addi %add3A_440, %add3A_532 : vector<16xi32>
    %swap3A_534 = arith.constant 560 : index
    %swap3A_535 = tpu.vector_load %arg20[%swap3A_534] {strides = array<i32>} : memref<768xi32, #tpu.memory_space<vmem>>, vector<16xi32>,
    %swap3A_536 = vector.shape_cast %swap3A_535 : vector<16xi32> to vector<16xi32>
    %swap3A_537 = vector.shape_cast %add3A_533 : vector<16xi32> to vector<16xi32>
    tpu.vector_store %arg20[%swap3A_534], %swap3A_537 {strides = array<i32>} : memref<768xi32, #tpu.memory_space<vmem>>, vector<16xi32>,
    %add3A_538 = arith.constant 17235968 : i32
    %add3A_539 = vector.broadcast %add3A_538 : i32 to vector<16xi32>
    %add3A_540 = arith.addi %add3A_440, %add3A_539 : vector<16xi32>
    %add3A_541 = arith.addi %add3A_540, %mul3A_444 : vector<16xi32>
    %swap3A_542 = arith.constant 752 : index
    %swap3A_543 = tpu.vector_load %arg20[%swap3A_542] {strides = array<i32>} : memref<768xi32, #tpu.memory_space<vmem>>, vector<16xi32>,
    %swap3A_544 = vector.shape_cast %swap3A_543 : vector<16xi32> to vector<16xi32>
    %swap3A_545 = vector.shape_cast %add3A_541 : vector<16xi32> to vector<16xi32>
    tpu.vector_store %arg20[%swap3A_542], %swap3A_545 {strides = array<i32>} : memref<768xi32, #tpu.memory_space<vmem>>, vector<16xi32>,
    %add3A_546 = arith.constant 131072 : i32
    %add3A_547 = vector.broadcast %add3A_546 : i32 to vector<16xi32>
    %add3A_548 = arith.addi %add3A_440, %add3A_547 : vector<16xi32>
    %swap3A_549 = arith.constant 176 : index
    %swap3A_550 = tpu.vector_load %arg21[%swap3A_549] {strides = array<i32>} : memref<192xi32, #tpu.memory_space<vmem>>, vector<16xi32>,
    %swap3A_551 = vector.shape_cast %swap3A_550 : vector<16xi32> to vector<16xi32>
    %swap3A_552 = vector.shape_cast %add3A_548 : vector<16xi32> to vector<16xi32>
    tpu.vector_store %arg21[%swap3A_549], %swap3A_552 {strides = array<i32>} : memref<192xi32, #tpu.memory_space<vmem>>, vector<16xi32>,
    %dma_start3A = arith.constant 0 : i32
    %dma_start3A_553 = tpu.memref_slice %arg22[%dma_start3A] : memref<768xf32, #tpu.memory_space<vmem>> -> memref<128xf32, #tpu.memory_space<vmem>>
    %dma_start3A_554 = arith.constant 0 : i32
    %dma_start3A_555 = tpu.memref_slice %arg20[%dma_start3A_554] : memref<768xi32, #tpu.memory_space<vmem>> -> memref<128xi32, #tpu.memory_space<vmem>>
    %dma_start3A_556 = arith.constant 0 : i32
    %dma_start3A_557 = tpu.memref_slice %arg2[%dma_start3A_556] : memref<25755648xf32, #tpu.memory_space<hbm>> -> memref<25755648xf32, #tpu.memory_space<hbm>>
    tpu.enqueue_indirect_dma source(%dma_start3A_557 : memref<25755648xf32, #tpu.memory_space<hbm>>) target(%dma_start3A_553 : memref<128xf32, #tpu.memory_space<vmem>>) offsets(%dma_start3A_555 : memref<128xi32, #tpu.memory_space<vmem>>) semaphore(%arg24 : memref<!tpu.dma_semaphore, #tpu.memory_space<semaphore_mem>>)
    %dma_wait3A = arith.constant 0 : i32
    %dma_wait3A_558 = tpu.memref_slice %arg22[%dma_wait3A] : memref<768xf32, #tpu.memory_space<vmem>> -> memref<128xf32, #tpu.memory_space<vmem>>
    %dma_wait3A_559 = arith.constant 0 : i32
    %dma_wait3A_560 = tpu.memref_slice %arg20[%dma_wait3A_559] : memref<768xi32, #tpu.memory_space<vmem>> -> memref<128xi32, #tpu.memory_space<vmem>>
    %dma_wait3A_561 = arith.constant 0 : i32
    %dma_wait3A_562 = tpu.memref_slice %arg2[%dma_wait3A_561] : memref<25755648xf32, #tpu.memory_space<hbm>> -> memref<25755648xf32, #tpu.memory_space<hbm>>
    tpu.wait_indirect_dma semaphore(%arg24 : memref<!tpu.dma_semaphore, #tpu.memory_space<semaphore_mem>>) src(%dma_wait3A_562 : memref<25755648xf32, #tpu.memory_space<hbm>>) dst(%dma_wait3A_558 : memref<128xf32, #tpu.memory_space<vmem>>)
    %dma_start3A_563 = arith.constant 128 : i32
    %dma_start3A_564 = tpu.memref_slice %arg22[%dma_start3A_563] : memref<768xf32, #tpu.memory_space<vmem>> -> memref<128xf32, #tpu.memory_space<vmem>>
    %dma_start3A_565 = arith.constant 128 : i32
    %dma_start3A_566 = tpu.memref_slice %arg20[%dma_start3A_565] : memref<768xi32, #tpu.memory_space<vmem>> -> memref<128xi32, #tpu.memory_space<vmem>>
    %dma_start3A_567 = arith.constant 0 : i32
    %dma_start3A_568 = tpu.memref_slice %arg2[%dma_start3A_567] : memref<25755648xf32, #tpu.memory_space<hbm>> -> memref<25755648xf32, #tpu.memory_space<hbm>>
    tpu.enqueue_indirect_dma source(%dma_start3A_568 : memref<25755648xf32, #tpu.memory_space<hbm>>) target(%dma_start3A_564 : memref<128xf32, #tpu.memory_space<vmem>>) offsets(%dma_start3A_566 : memref<128xi32, #tpu.memory_space<vmem>>) semaphore(%arg24 : memref<!tpu.dma_semaphore, #tpu.memory_space<semaphore_mem>>)
    %dma_wait3A_569 = arith.constant 128 : i32
    %dma_wait3A_570 = tpu.memref_slice %arg22[%dma_wait3A_569] : memref<768xf32, #tpu.memory_space<vmem>> -> memref<128xf32, #tpu.memory_space<vmem>>
    %dma_wait3A_571 = arith.constant 128 : i32
    %dma_wait3A_572 = tpu.memref_slice %arg20[%dma_wait3A_571] : memref<768xi32, #tpu.memory_space<vmem>> -> memref<128xi32, #tpu.memory_space<vmem>>
    %dma_wait3A_573 = arith.constant 0 : i32
    %dma_wait3A_574 = tpu.memref_slice %arg2[%dma_wait3A_573] : memref<25755648xf32, #tpu.memory_space<hbm>> -> memref<25755648xf32, #tpu.memory_space<hbm>>
    tpu.wait_indirect_dma semaphore(%arg24 : memref<!tpu.dma_semaphore, #tpu.memory_space<semaphore_mem>>) src(%dma_wait3A_574 : memref<25755648xf32, #tpu.memory_space<hbm>>) dst(%dma_wait3A_570 : memref<128xf32, #tpu.memory_space<vmem>>)
    %dma_start3A_575 = arith.constant 256 : i32
    %dma_start3A_576 = tpu.memref_slice %arg22[%dma_start3A_575] : memref<768xf32, #tpu.memory_space<vmem>> -> memref<128xf32, #tpu.memory_space<vmem>>
    %dma_start3A_577 = arith.constant 256 : i32
    %dma_start3A_578 = tpu.memref_slice %arg20[%dma_start3A_577] : memref<768xi32, #tpu.memory_space<vmem>> -> memref<128xi32, #tpu.memory_space<vmem>>
    %dma_start3A_579 = arith.constant 0 : i32
    %dma_start3A_580 = tpu.memref_slice %arg2[%dma_start3A_579] : memref<25755648xf32, #tpu.memory_space<hbm>> -> memref<25755648xf32, #tpu.memory_space<hbm>>
    tpu.enqueue_indirect_dma source(%dma_start3A_580 : memref<25755648xf32, #tpu.memory_space<hbm>>) target(%dma_start3A_576 : memref<128xf32, #tpu.memory_space<vmem>>) offsets(%dma_start3A_578 : memref<128xi32, #tpu.memory_space<vmem>>) semaphore(%arg24 : memref<!tpu.dma_semaphore, #tpu.memory_space<semaphore_mem>>)
    %dma_wait3A_581 = arith.constant 256 : i32
    %dma_wait3A_582 = tpu.memref_slice %arg22[%dma_wait3A_581] : memref<768xf32, #tpu.memory_space<vmem>> -> memref<128xf32, #tpu.memory_space<vmem>>
    %dma_wait3A_583 = arith.constant 256 : i32
    %dma_wait3A_584 = tpu.memref_slice %arg20[%dma_wait3A_583] : memref<768xi32, #tpu.memory_space<vmem>> -> memref<128xi32, #tpu.memory_space<vmem>>
    %dma_wait3A_585 = arith.constant 0 : i32
    %dma_wait3A_586 = tpu.memref_slice %arg2[%dma_wait3A_585] : memref<25755648xf32, #tpu.memory_space<hbm>> -> memref<25755648xf32, #tpu.memory_space<hbm>>
    tpu.wait_indirect_dma semaphore(%arg24 : memref<!tpu.dma_semaphore, #tpu.memory_space<semaphore_mem>>) src(%dma_wait3A_586 : memref<25755648xf32, #tpu.memory_space<hbm>>) dst(%dma_wait3A_582 : memref<128xf32, #tpu.memory_space<vmem>>)
    %dma_start3A_587 = arith.constant 384 : i32
    %dma_start3A_588 = tpu.memref_slice %arg22[%dma_start3A_587] : memref<768xf32, #tpu.memory_space<vmem>> -> memref<128xf32, #tpu.memory_space<vmem>>
    %dma_start3A_589 = arith.constant 384 : i32
    %dma_start3A_590 = tpu.memref_slice %arg20[%dma_start3A_589] : memref<768xi32, #tpu.memory_space<vmem>> -> memref<128xi32, #tpu.memory_space<vmem>>
    %dma_start3A_591 = arith.constant 0 : i32
    %dma_start3A_592 = tpu.memref_slice %arg2[%dma_start3A_591] : memref<25755648xf32, #tpu.memory_space<hbm>> -> memref<25755648xf32, #tpu.memory_space<hbm>>
    tpu.enqueue_indirect_dma source(%dma_start3A_592 : memref<25755648xf32, #tpu.memory_space<hbm>>) target(%dma_start3A_588 : memref<128xf32, #tpu.memory_space<vmem>>) offsets(%dma_start3A_590 : memref<128xi32, #tpu.memory_space<vmem>>) semaphore(%arg24 : memref<!tpu.dma_semaphore, #tpu.memory_space<semaphore_mem>>)
    %dma_wait3A_593 = arith.constant 384 : i32
    %dma_wait3A_594 = tpu.memref_slice %arg22[%dma_wait3A_593] : memref<768xf32, #tpu.memory_space<vmem>> -> memref<128xf32, #tpu.memory_space<vmem>>
    %dma_wait3A_595 = arith.constant 384 : i32
    %dma_wait3A_596 = tpu.memref_slice %arg20[%dma_wait3A_595] : memref<768xi32, #tpu.memory_space<vmem>> -> memref<128xi32, #tpu.memory_space<vmem>>
    %dma_wait3A_597 = arith.constant 0 : i32
    %dma_wait3A_598 = tpu.memref_slice %arg2[%dma_wait3A_597] : memref<25755648xf32, #tpu.memory_space<hbm>> -> memref<25755648xf32, #tpu.memory_space<hbm>>
    tpu.wait_indirect_dma semaphore(%arg24 : memref<!tpu.dma_semaphore, #tpu.memory_space<semaphore_mem>>) src(%dma_wait3A_598 : memref<25755648xf32, #tpu.memory_space<hbm>>) dst(%dma_wait3A_594 : memref<128xf32, #tpu.memory_space<vmem>>)
    %dma_start3A_599 = arith.constant 512 : i32
    %dma_start3A_600 = tpu.memref_slice %arg22[%dma_start3A_599] : memref<768xf32, #tpu.memory_space<vmem>> -> memref<128xf32, #tpu.memory_space<vmem>>
    %dma_start3A_601 = arith.constant 512 : i32
    %dma_start3A_602 = tpu.memref_slice %arg20[%dma_start3A_601] : memref<768xi32, #tpu.memory_space<vmem>> -> memref<128xi32, #tpu.memory_space<vmem>>
    %dma_start3A_603 = arith.constant 0 : i32
    %dma_start3A_604 = tpu.memref_slice %arg2[%dma_start3A_603] : memref<25755648xf32, #tpu.memory_space<hbm>> -> memref<25755648xf32, #tpu.memory_space<hbm>>
    tpu.enqueue_indirect_dma source(%dma_start3A_604 : memref<25755648xf32, #tpu.memory_space<hbm>>) target(%dma_start3A_600 : memref<128xf32, #tpu.memory_space<vmem>>) offsets(%dma_start3A_602 : memref<128xi32, #tpu.memory_space<vmem>>) semaphore(%arg24 : memref<!tpu.dma_semaphore, #tpu.memory_space<semaphore_mem>>)
    %dma_wait3A_605 = arith.constant 512 : i32
    %dma_wait3A_606 = tpu.memref_slice %arg22[%dma_wait3A_605] : memref<768xf32, #tpu.memory_space<vmem>> -> memref<128xf32, #tpu.memory_space<vmem>>
    %dma_wait3A_607 = arith.constant 512 : i32
    %dma_wait3A_608 = tpu.memref_slice %arg20[%dma_wait3A_607] : memref<768xi32, #tpu.memory_space<vmem>> -> memref<128xi32, #tpu.memory_space<vmem>>
    %dma_wait3A_609 = arith.constant 0 : i32
    %dma_wait3A_610 = tpu.memref_slice %arg2[%dma_wait3A_609] : memref<25755648xf32, #tpu.memory_space<hbm>> -> memref<25755648xf32, #tpu.memory_space<hbm>>
    tpu.wait_indirect_dma semaphore(%arg24 : memref<!tpu.dma_semaphore, #tpu.memory_space<semaphore_mem>>) src(%dma_wait3A_610 : memref<25755648xf32, #tpu.memory_space<hbm>>) dst(%dma_wait3A_606 : memref<128xf32, #tpu.memory_space<vmem>>)
    %dma_start3A_611 = arith.constant 640 : i32
    %dma_start3A_612 = tpu.memref_slice %arg22[%dma_start3A_611] : memref<768xf32, #tpu.memory_space<vmem>> -> memref<128xf32, #tpu.memory_space<vmem>>
    %dma_start3A_613 = arith.constant 640 : i32
    %dma_start3A_614 = tpu.memref_slice %arg20[%dma_start3A_613] : memref<768xi32, #tpu.memory_space<vmem>> -> memref<128xi32, #tpu.memory_space<vmem>>
    %dma_start3A_615 = arith.constant 0 : i32
    %dma_start3A_616 = tpu.memref_slice %arg2[%dma_start3A_615] : memref<25755648xf32, #tpu.memory_space<hbm>> -> memref<25755648xf32, #tpu.memory_space<hbm>>
    tpu.enqueue_indirect_dma source(%dma_start3A_616 : memref<25755648xf32, #tpu.memory_space<hbm>>) target(%dma_start3A_612 : memref<128xf32, #tpu.memory_space<vmem>>) offsets(%dma_start3A_614 : memref<128xi32, #tpu.memory_space<vmem>>) semaphore(%arg24 : memref<!tpu.dma_semaphore, #tpu.memory_space<semaphore_mem>>)
    %dma_wait3A_617 = arith.constant 640 : i32
    %dma_wait3A_618 = tpu.memref_slice %arg22[%dma_wait3A_617] : memref<768xf32, #tpu.memory_space<vmem>> -> memref<128xf32, #tpu.memory_space<vmem>>
    %dma_wait3A_619 = arith.constant 640 : i32
    %dma_wait3A_620 = tpu.memref_slice %arg20[%dma_wait3A_619] : memref<768xi32, #tpu.memory_space<vmem>> -> memref<128xi32, #tpu.memory_space<vmem>>
    %dma_wait3A_621 = arith.constant 0 : i32
    %dma_wait3A_622 = tpu.memref_slice %arg2[%dma_wait3A_621] : memref<25755648xf32, #tpu.memory_space<hbm>> -> memref<25755648xf32, #tpu.memory_space<hbm>>
    tpu.wait_indirect_dma semaphore(%arg24 : memref<!tpu.dma_semaphore, #tpu.memory_space<semaphore_mem>>) src(%dma_wait3A_622 : memref<25755648xf32, #tpu.memory_space<hbm>>) dst(%dma_wait3A_618 : memref<128xf32, #tpu.memory_space<vmem>>)
    %dma_start3A_623 = arith.constant 0 : i32
    %dma_start3A_624 = tpu.memref_slice %arg23[%dma_start3A_623] : memref<192xf32, #tpu.memory_space<vmem>> -> memref<128xf32, #tpu.memory_space<vmem>>
    %dma_start3A_625 = arith.constant 0 : i32
    %dma_start3A_626 = tpu.memref_slice %arg21[%dma_start3A_625] : memref<192xi32, #tpu.memory_space<vmem>> -> memref<128xi32, #tpu.memory_space<vmem>>
    %dma_start3A_627 = arith.constant 0 : i32
    %dma_start3A_628 = tpu.memref_slice %arg5[%dma_start3A_627] : memref<196608xf32, #tpu.memory_space<hbm>> -> memref<196608xf32, #tpu.memory_space<hbm>>
    tpu.enqueue_indirect_dma source(%dma_start3A_628 : memref<196608xf32, #tpu.memory_space<hbm>>) target(%dma_start3A_624 : memref<128xf32, #tpu.memory_space<vmem>>) offsets(%dma_start3A_626 : memref<128xi32, #tpu.memory_space<vmem>>) semaphore(%arg24 : memref<!tpu.dma_semaphore, #tpu.memory_space<semaphore_mem>>)
    %dma_wait3A_629 = arith.constant 0 : i32
    %dma_wait3A_630 = tpu.memref_slice %arg23[%dma_wait3A_629] : memref<192xf32, #tpu.memory_space<vmem>> -> memref<128xf32, #tpu.memory_space<vmem>>
    %dma_wait3A_631 = arith.constant 0 : i32
    %dma_wait3A_632 = tpu.memref_slice %arg21[%dma_wait3A_631] : memref<192xi32, #tpu.memory_space<vmem>> -> memref<128xi32, #tpu.memory_space<vmem>>
    %dma_wait3A_633 = arith.constant 0 : i32
    %dma_wait3A_634 = tpu.memref_slice %arg5[%dma_wait3A_633] : memref<196608xf32, #tpu.memory_space<hbm>> -> memref<196608xf32, #tpu.memory_space<hbm>>
    tpu.wait_indirect_dma semaphore(%arg24 : memref<!tpu.dma_semaphore, #tpu.memory_space<semaphore_mem>>) src(%dma_wait3A_634 : memref<196608xf32, #tpu.memory_space<hbm>>) dst(%dma_wait3A_630 : memref<128xf32, #tpu.memory_space<vmem>>)
    %dma_start3A_635 = arith.constant 128 : i32
    %dma_start3A_636 = tpu.memref_slice %arg23[%dma_start3A_635] : memref<192xf32, #tpu.memory_space<vmem>> -> memref<64xf32, #tpu.memory_space<vmem>>
    %dma_start3A_637 = arith.constant 128 : i32
    %dma_start3A_638 = tpu.memref_slice %arg21[%dma_start3A_637] : memref<192xi32, #tpu.memory_space<vmem>> -> memref<64xi32, #tpu.memory_space<vmem>>
    %dma_start3A_639 = arith.constant 0 : i32
    %dma_start3A_640 = tpu.memref_slice %arg5[%dma_start3A_639] : memref<196608xf32, #tpu.memory_space<hbm>> -> memref<196608xf32, #tpu.memory_space<hbm>>
    tpu.enqueue_indirect_dma source(%dma_start3A_640 : memref<196608xf32, #tpu.memory_space<hbm>>) target(%dma_start3A_636 : memref<64xf32, #tpu.memory_space<vmem>>) offsets(%dma_start3A_638 : memref<64xi32, #tpu.memory_space<vmem>>) semaphore(%arg24 : memref<!tpu.dma_semaphore, #tpu.memory_space<semaphore_mem>>)
    %dma_wait3A_641 = arith.constant 128 : i32
    %dma_wait3A_642 = tpu.memref_slice %arg23[%dma_wait3A_641] : memref<192xf32, #tpu.memory_space<vmem>> -> memref<64xf32, #tpu.memory_space<vmem>>
    %dma_wait3A_643 = arith.constant 128 : i32
    %dma_wait3A_644 = tpu.memref_slice %arg21[%dma_wait3A_643] : memref<192xi32, #tpu.memory_space<vmem>> -> memref<64xi32, #tpu.memory_space<vmem>>
    %dma_wait3A_645 = arith.constant 0 : i32
    %dma_wait3A_646 = tpu.memref_slice %arg5[%dma_wait3A_645] : memref<196608xf32, #tpu.memory_space<hbm>> -> memref<196608xf32, #tpu.memory_space<hbm>>
    tpu.wait_indirect_dma semaphore(%arg24 : memref<!tpu.dma_semaphore, #tpu.memory_space<semaphore_mem>>) src(%dma_wait3A_646 : memref<196608xf32, #tpu.memory_space<hbm>>) dst(%dma_wait3A_642 : memref<64xf32, #tpu.memory_space<vmem>>)
    "tpu.region"() ({
      %run_scoped3A = tpu.sem_alloc : memref<!tpu.dma_semaphore, #tpu.memory_space<semaphore_mem>>
      %dma_start3A_1951 = arith.constant 0 : i32
      %dma_start3A_1952 = tpu.memref_slice %arg11[%add3A, %dma_start3A_1951] : memref<32x768xf32, #tpu.memory_space<hbm>> -> memref<1x768xf32, #tpu.memory_space<hbm>>
      %dma_start3A_1953 = tpu.memref_squeeze %dma_start3A_1952 : memref<1x768xf32, #tpu.memory_space<hbm>> -> memref<768xf32, #tpu.memory_space<hbm>>
      %dma_start3A_1954 = arith.constant 0 : i32
      %dma_start3A_1955 = tpu.memref_slice %arg11[%add3A, %dma_start3A_1954] : memref<32x768xf32, #tpu.memory_space<hbm>> -> memref<1x768xf32, #tpu.memory_space<hbm>>
      %dma_start3A_1956 = tpu.memref_squeeze %dma_start3A_1955 : memref<1x768xf32, #tpu.memory_space<hbm>> -> memref<768xf32, #tpu.memory_space<hbm>>
      tpu.enqueue_dma source(%arg22 : memref<768xf32, #tpu.memory_space<vmem>>) target(%dma_start3A_1956 : memref<768xf32, #tpu.memory_space<hbm>>) target_semaphore(%run_scoped3A : memref<!tpu.dma_semaphore, #tpu.memory_space<semaphore_mem>>)
      %dma_wait3A_1957 = arith.constant 0 : i32
      %dma_wait3A_1958 = tpu.memref_slice %arg11[%add3A, %dma_wait3A_1957] : memref<32x768xf32, #tpu.memory_space<hbm>> -> memref<1x768xf32, #tpu.memory_space<hbm>>
      %dma_wait3A_1959 = tpu.memref_squeeze %dma_wait3A_1958 : memref<1x768xf32, #tpu.memory_space<hbm>> -> memref<768xf32, #tpu.memory_space<hbm>>
      %dma_wait3A_1960 = arith.constant 0 : i32
      %dma_wait3A_1961 = tpu.memref_slice %arg11[%add3A, %dma_wait3A_1960] : memref<32x768xf32, #tpu.memory_space<hbm>> -> memref<1x768xf32, #tpu.memory_space<hbm>>
      %dma_wait3A_1962 = tpu.memref_squeeze %dma_wait3A_1961 : memref<1x768xf32, #tpu.memory_space<hbm>> -> memref<768xf32, #tpu.memory_space<hbm>>
      tpu.wait_dma2 semaphore(%run_scoped3A : memref<!tpu.dma_semaphore, #tpu.memory_space<semaphore_mem>>) src(%arg22 : memref<768xf32, #tpu.memory_space<vmem>>) dst(%dma_wait3A_1962 : memref<768xf32, #tpu.memory_space<hbm>>)
      tpu.yield
    }) : () -> ()
    "tpu.region"() ({
      %run_scoped3A = tpu.sem_alloc : memref<!tpu.dma_semaphore, #tpu.memory_space<semaphore_mem>>
      %dma_start3A_1951 = arith.constant 0 : i32
      %dma_start3A_1952 = tpu.memref_slice %arg14[%add3A, %dma_start3A_1951] : memref<32x192xf32, #tpu.memory_space<hbm>> -> memref<1x192xf32, #tpu.memory_space<hbm>>
      %dma_start3A_1953 = tpu.memref_squeeze %dma_start3A_1952 : memref<1x192xf32, #tpu.memory_space<hbm>> -> memref<192xf32, #tpu.memory_space<hbm>>
      %dma_start3A_1954 = arith.constant 0 : i32
      %dma_start3A_1955 = tpu.memref_slice %arg14[%add3A, %dma_start3A_1954] : memref<32x192xf32, #tpu.memory_space<hbm>> -> memref<1x192xf32, #tpu.memory_space<hbm>>
      %dma_start3A_1956 = tpu.memref_squeeze %dma_start3A_1955 : memref<1x192xf32, #tpu.memory_space<hbm>> -> memref<192xf32, #tpu.memory_space<hbm>>
      tpu.enqueue_dma source(%arg23 : memref<192xf32, #tpu.memory_space<vmem>>) target(%dma_start3A_1956 : memref<192xf32, #tpu.memory_space<hbm>>) target_semaphore(%run_scoped3A : memref<!tpu.dma_semaphore, #tpu.memory_space<semaphore_mem>>)
      %dma_wait3A_1957 = arith.constant 0 : i32
      %dma_wait3A_1958 = tpu.memref_slice %arg14[%add3A, %dma_wait3A_1957] : memref<32x192xf32, #tpu.memory_space<hbm>> -> memref<1x192xf32, #tpu.memory_space<hbm>>
      %dma_wait3A_1959 = tpu.memref_squeeze %dma_wait3A_1958 : memref<1x192xf32, #tpu.memory_space<hbm>> -> memref<192xf32, #tpu.memory_space<hbm>>
      %dma_wait3A_1960 = arith.constant 0 : i32
      %dma_wait3A_1961 = tpu.memref_slice %arg14[%add3A, %dma_wait3A_1960] : memref<32x192xf32, #tpu.memory_space<hbm>> -> memref<1x192xf32, #tpu.memory_space<hbm>>
      %dma_wait3A_1962 = tpu.memref_squeeze %dma_wait3A_1961 : memref<1x192xf32, #tpu.memory_space<hbm>> -> memref<192xf32, #tpu.memory_space<hbm>>
      tpu.wait_dma2 semaphore(%run_scoped3A : memref<!tpu.dma_semaphore, #tpu.memory_space<semaphore_mem>>) src(%arg23 : memref<192xf32, #tpu.memory_space<vmem>>) dst(%dma_wait3A_1962 : memref<192xf32, #tpu.memory_space<hbm>>)
      tpu.yield
    }) : () -> ()
    %get3A_647 = arith.constant 0 : index
    %get3A_648 = tpu.vector_load %arg17[%get3A_647] {strides = array<i32>} : memref<64xf32, #tpu.memory_space<vmem>>, vector<16xf32>,
    %get3A_649 = vector.shape_cast %get3A_648 : vector<16xf32> to vector<16xf32>
    %get3A_650 = arith.constant 0 : index
    %get3A_651 = tpu.vector_load %arg18[%get3A_650] {strides = array<i32>} : memref<64xf32, #tpu.memory_space<vmem>>, vector<16xf32>,
    %get3A_652 = vector.shape_cast %get3A_651 : vector<16xf32> to vector<16xf32>
    %get3A_653 = arith.constant 0 : index
    %get3A_654 = tpu.vector_load %arg19[%get3A_653] {strides = array<i32>} : memref<64xf32, #tpu.memory_space<vmem>>, vector<16xf32>,
    %get3A_655 = vector.shape_cast %get3A_654 : vector<16xf32> to vector<16xf32>
    %div3A_656 = arith.constant 6.000000e+01 : f32
    %div3A_657 = vector.broadcast %div3A_656 : f32 to vector<16xf32>
    %div3A_658 = arith.divf %get3A_652, %div3A_657 : vector<16xf32>
    %mul3A_659 = arith.constant 5.120000e+02 : f32
    %mul3A_660 = vector.broadcast %mul3A_659 : f32 to vector<16xf32>
    %mul3A_661 = arith.mulf %div3A_658, %mul3A_660 : vector<16xf32>
    %convert_element_type3A_662 = arith.fptosi %mul3A_661 : vector<16xf32> to vector<16xi32>
    %max3A_663 = arith.constant 0 : i32
    %max3A_664 = vector.broadcast %max3A_663 : i32 to vector<16xi32>
    %max3A_665 = arith.maxsi %convert_element_type3A_662, %max3A_664 : vector<16xi32>
    %min3A_666 = arith.constant 511 : i32
    %min3A_667 = vector.broadcast %min3A_666 : i32 to vector<16xi32>
    %min3A_668 = arith.minsi %max3A_665, %min3A_667 : vector<16xi32>
    %convert_element_type3A_669 = arith.fptosi %get3A_649 : vector<16xf32> to vector<16xi32>
    %mul3A_670 = arith.constant 512 : i32
    %mul3A_671 = vector.broadcast %mul3A_670 : i32 to vector<16xi32>
    %mul3A_672 = arith.muli %convert_element_type3A_669, %mul3A_671 : vector<16xi32>
    %add3A_673 = arith.addi %mul3A_672, %min3A_668 : vector<16xi32>
    %convert_element_type3A_674 = arith.fptosi %get3A_655 : vector<16xf32> to vector<16xi32>
    %mul3A_675 = arith.constant 32768 : i32
    %mul3A_676 = vector.broadcast %mul3A_675 : i32 to vector<16xi32>
    %mul3A_677 = arith.muli %convert_element_type3A_674, %mul3A_676 : vector<16xi32>
    %add3A_678 = arith.constant 0 : i32
    %add3A_679 = vector.broadcast %add3A_678 : i32 to vector<16xi32>
    %add3A_680 = arith.addi %add3A_673, %add3A_679 : vector<16xi32>
    %swap3A_681 = arith.constant 0 : index
    %swap3A_682 = tpu.vector_load %arg20[%swap3A_681] {strides = array<i32>} : memref<768xi32, #tpu.memory_space<vmem>>, vector<16xi32>,
    %swap3A_683 = vector.shape_cast %swap3A_682 : vector<16xi32> to vector<16xi32>
    %swap3A_684 = vector.shape_cast %add3A_680 : vector<16xi32> to vector<16xi32>
    tpu.vector_store %arg20[%swap3A_681], %swap3A_684 {strides = array<i32>} : memref<768xi32, #tpu.memory_space<vmem>>, vector<16xi32>,
    %add3A_685 = arith.constant 4227072 : i32
    %add3A_686 = vector.broadcast %add3A_685 : i32 to vector<16xi32>
    %add3A_687 = arith.addi %add3A_673, %add3A_686 : vector<16xi32>
    %swap3A_688 = arith.constant 192 : index
    %swap3A_689 = tpu.vector_load %arg20[%swap3A_688] {strides = array<i32>} : memref<768xi32, #tpu.memory_space<vmem>>, vector<16xi32>,
    %swap3A_690 = vector.shape_cast %swap3A_689 : vector<16xi32> to vector<16xi32>
    %swap3A_691 = vector.shape_cast %add3A_687 : vector<16xi32> to vector<16xi32>
    tpu.vector_store %arg20[%swap3A_688], %swap3A_691 {strides = array<i32>} : memref<768xi32, #tpu.memory_space<vmem>>, vector<16xi32>,
    %add3A_692 = arith.constant 4259840 : i32
    %add3A_693 = vector.broadcast %add3A_692 : i32 to vector<16xi32>
    %add3A_694 = arith.addi %add3A_673, %add3A_693 : vector<16xi32>
    %swap3A_695 = arith.constant 384 : index
    %swap3A_696 = tpu.vector_load %arg20[%swap3A_695] {strides = array<i32>} : memref<768xi32, #tpu.memory_space<vmem>>, vector<16xi32>,
    %swap3A_697 = vector.shape_cast %swap3A_696 : vector<16xi32> to vector<16xi32>
    %swap3A_698 = vector.shape_cast %add3A_694 : vector<16xi32> to vector<16xi32>
    tpu.vector_store %arg20[%swap3A_695], %swap3A_698 {strides = array<i32>} : memref<768xi32, #tpu.memory_space<vmem>>, vector<16xi32>,
    %add3A_699 = arith.constant 32768 : i32
    %add3A_700 = vector.broadcast %add3A_699 : i32 to vector<16xi32>
    %add3A_701 = arith.addi %add3A_673, %add3A_700 : vector<16xi32>
    %add3A_702 = arith.addi %add3A_701, %mul3A_677 : vector<16xi32>
    %swap3A_703 = arith.constant 576 : index
    %swap3A_704 = tpu.vector_load %arg20[%swap3A_703] {strides = array<i32>} : memref<768xi32, #tpu.memory_space<vmem>>, vector<16xi32>,
    %swap3A_705 = vector.shape_cast %swap3A_704 : vector<16xi32> to vector<16xi32>
    %swap3A_706 = vector.shape_cast %add3A_702 : vector<16xi32> to vector<16xi32>
    tpu.vector_store %arg20[%swap3A_703], %swap3A_706 {strides = array<i32>} : memref<768xi32, #tpu.memory_space<vmem>>, vector<16xi32>,
    %add3A_707 = arith.constant 0 : i32
    %add3A_708 = vector.broadcast %add3A_707 : i32 to vector<16xi32>
    %add3A_709 = arith.addi %add3A_673, %add3A_708 : vector<16xi32>
    %swap3A_710 = arith.constant 0 : index
    %swap3A_711 = tpu.vector_load %arg21[%swap3A_710] {strides = array<i32>} : memref<192xi32, #tpu.memory_space<vmem>>, vector<16xi32>,
    %swap3A_712 = vector.shape_cast %swap3A_711 : vector<16xi32> to vector<16xi32>
    %swap3A_713 = vector.shape_cast %add3A_709 : vector<16xi32> to vector<16xi32>
    tpu.vector_store %arg21[%swap3A_710], %swap3A_713 {strides = array<i32>} : memref<192xi32, #tpu.memory_space<vmem>>, vector<16xi32>,
    %add3A_714 = arith.constant 4292608 : i32
    %add3A_715 = vector.broadcast %add3A_714 : i32 to vector<16xi32>
    %add3A_716 = arith.addi %add3A_673, %add3A_715 : vector<16xi32>
    %swap3A_717 = arith.constant 64 : index
    %swap3A_718 = tpu.vector_load %arg20[%swap3A_717] {strides = array<i32>} : memref<768xi32, #tpu.memory_space<vmem>>, vector<16xi32>,
    %swap3A_719 = vector.shape_cast %swap3A_718 : vector<16xi32> to vector<16xi32>
    %swap3A_720 = vector.shape_cast %add3A_716 : vector<16xi32> to vector<16xi32>
    tpu.vector_store %arg20[%swap3A_717], %swap3A_720 {strides = array<i32>} : memref<768xi32, #tpu.memory_space<vmem>>, vector<16xi32>,
    %add3A_721 = arith.constant 8519680 : i32
    %add3A_722 = vector.broadcast %add3A_721 : i32 to vector<16xi32>
    %add3A_723 = arith.addi %add3A_673, %add3A_722 : vector<16xi32>
    %swap3A_724 = arith.constant 256 : index
    %swap3A_725 = tpu.vector_load %arg20[%swap3A_724] {strides = array<i32>} : memref<768xi32, #tpu.memory_space<vmem>>, vector<16xi32>,
    %swap3A_726 = vector.shape_cast %swap3A_725 : vector<16xi32> to vector<16xi32>
    %swap3A_727 = vector.shape_cast %add3A_723 : vector<16xi32> to vector<16xi32>
    tpu.vector_store %arg20[%swap3A_724], %swap3A_727 {strides = array<i32>} : memref<768xi32, #tpu.memory_space<vmem>>, vector<16xi32>,
    %add3A_728 = arith.constant 8552448 : i32
    %add3A_729 = vector.broadcast %add3A_728 : i32 to vector<16xi32>
    %add3A_730 = arith.addi %add3A_673, %add3A_729 : vector<16xi32>
    %swap3A_731 = arith.constant 448 : index
    %swap3A_732 = tpu.vector_load %arg20[%swap3A_731] {strides = array<i32>} : memref<768xi32, #tpu.memory_space<vmem>>, vector<16xi32>,
    %swap3A_733 = vector.shape_cast %swap3A_732 : vector<16xi32> to vector<16xi32>
    %swap3A_734 = vector.shape_cast %add3A_730 : vector<16xi32> to vector<16xi32>
    tpu.vector_store %arg20[%swap3A_731], %swap3A_734 {strides = array<i32>} : memref<768xi32, #tpu.memory_space<vmem>>, vector<16xi32>,
    %add3A_735 = arith.constant 4325376 : i32
    %add3A_736 = vector.broadcast %add3A_735 : i32 to vector<16xi32>
    %add3A_737 = arith.addi %add3A_673, %add3A_736 : vector<16xi32>
    %add3A_738 = arith.addi %add3A_737, %mul3A_677 : vector<16xi32>
    %swap3A_739 = arith.constant 640 : index
    %swap3A_740 = tpu.vector_load %arg20[%swap3A_739] {strides = array<i32>} : memref<768xi32, #tpu.memory_space<vmem>>, vector<16xi32>,
    %swap3A_741 = vector.shape_cast %swap3A_740 : vector<16xi32> to vector<16xi32>
    %swap3A_742 = vector.shape_cast %add3A_738 : vector<16xi32> to vector<16xi32>
    tpu.vector_store %arg20[%swap3A_739], %swap3A_742 {strides = array<i32>} : memref<768xi32, #tpu.memory_space<vmem>>, vector<16xi32>,
    %add3A_743 = arith.constant 32768 : i32
    %add3A_744 = vector.broadcast %add3A_743 : i32 to vector<16xi32>
    %add3A_745 = arith.addi %add3A_673, %add3A_744 : vector<16xi32>
    %swap3A_746 = arith.constant 64 : index
    %swap3A_747 = tpu.vector_load %arg21[%swap3A_746] {strides = array<i32>} : memref<192xi32, #tpu.memory_space<vmem>>, vector<16xi32>,
    %swap3A_748 = vector.shape_cast %swap3A_747 : vector<16xi32> to vector<16xi32>
    %swap3A_749 = vector.shape_cast %add3A_745 : vector<16xi32> to vector<16xi32>
    tpu.vector_store %arg21[%swap3A_746], %swap3A_749 {strides = array<i32>} : memref<192xi32, #tpu.memory_space<vmem>>, vector<16xi32>,
    %add3A_750 = arith.constant 8585216 : i32
    %add3A_751 = vector.broadcast %add3A_750 : i32 to vector<16xi32>
    %add3A_752 = arith.addi %add3A_673, %add3A_751 : vector<16xi32>
    %swap3A_753 = arith.constant 128 : index
    %swap3A_754 = tpu.vector_load %arg20[%swap3A_753] {strides = array<i32>} : memref<768xi32, #tpu.memory_space<vmem>>, vector<16xi32>,
    %swap3A_755 = vector.shape_cast %swap3A_754 : vector<16xi32> to vector<16xi32>
    %swap3A_756 = vector.shape_cast %add3A_752 : vector<16xi32> to vector<16xi32>
    tpu.vector_store %arg20[%swap3A_753], %swap3A_756 {strides = array<i32>} : memref<768xi32, #tpu.memory_space<vmem>>, vector<16xi32>,
    %add3A_757 = arith.constant 12812288 : i32
    %add3A_758 = vector.broadcast %add3A_757 : i32 to vector<16xi32>
    %add3A_759 = arith.addi %add3A_673, %add3A_758 : vector<16xi32>
    %swap3A_760 = arith.constant 320 : index
    %swap3A_761 = tpu.vector_load %arg20[%swap3A_760] {strides = array<i32>} : memref<768xi32, #tpu.memory_space<vmem>>, vector<16xi32>,
    %swap3A_762 = vector.shape_cast %swap3A_761 : vector<16xi32> to vector<16xi32>
    %swap3A_763 = vector.shape_cast %add3A_759 : vector<16xi32> to vector<16xi32>
    tpu.vector_store %arg20[%swap3A_760], %swap3A_763 {strides = array<i32>} : memref<768xi32, #tpu.memory_space<vmem>>, vector<16xi32>,
    %add3A_764 = arith.constant 12845056 : i32
    %add3A_765 = vector.broadcast %add3A_764 : i32 to vector<16xi32>
    %add3A_766 = arith.addi %add3A_673, %add3A_765 : vector<16xi32>
    %swap3A_767 = arith.constant 512 : index
    %swap3A_768 = tpu.vector_load %arg20[%swap3A_767] {strides = array<i32>} : memref<768xi32, #tpu.memory_space<vmem>>, vector<16xi32>,
    %swap3A_769 = vector.shape_cast %swap3A_768 : vector<16xi32> to vector<16xi32>
    %swap3A_770 = vector.shape_cast %add3A_766 : vector<16xi32> to vector<16xi32>
    tpu.vector_store %arg20[%swap3A_767], %swap3A_770 {strides = array<i32>} : memref<768xi32, #tpu.memory_space<vmem>>, vector<16xi32>,
    %add3A_771 = arith.constant 8617984 : i32
    %add3A_772 = vector.broadcast %add3A_771 : i32 to vector<16xi32>
    %add3A_773 = arith.addi %add3A_673, %add3A_772 : vector<16xi32>
    %add3A_774 = arith.addi %add3A_773, %mul3A_677 : vector<16xi32>
    %swap3A_775 = arith.constant 704 : index
    %swap3A_776 = tpu.vector_load %arg20[%swap3A_775] {strides = array<i32>} : memref<768xi32, #tpu.memory_space<vmem>>, vector<16xi32>,
    %swap3A_777 = vector.shape_cast %swap3A_776 : vector<16xi32> to vector<16xi32>
    %swap3A_778 = vector.shape_cast %add3A_774 : vector<16xi32> to vector<16xi32>
    tpu.vector_store %arg20[%swap3A_775], %swap3A_778 {strides = array<i32>} : memref<768xi32, #tpu.memory_space<vmem>>, vector<16xi32>,
    %add3A_779 = arith.constant 65536 : i32
    %add3A_780 = vector.broadcast %add3A_779 : i32 to vector<16xi32>
    %add3A_781 = arith.addi %add3A_673, %add3A_780 : vector<16xi32>
    %swap3A_782 = arith.constant 128 : index
    %swap3A_783 = tpu.vector_load %arg21[%swap3A_782] {strides = array<i32>} : memref<192xi32, #tpu.memory_space<vmem>>, vector<16xi32>,
    %swap3A_784 = vector.shape_cast %swap3A_783 : vector<16xi32> to vector<16xi32>
    %swap3A_785 = vector.shape_cast %add3A_781 : vector<16xi32> to vector<16xi32>
    tpu.vector_store %arg21[%swap3A_782], %swap3A_785 {strides = array<i32>} : memref<192xi32, #tpu.memory_space<vmem>>, vector<16xi32>,
    %get3A_786 = arith.constant 16 : index
    %get3A_787 = tpu.vector_load %arg17[%get3A_786] {strides = array<i32>} : memref<64xf32, #tpu.memory_space<vmem>>, vector<16xf32>,
    %get3A_788 = vector.shape_cast %get3A_787 : vector<16xf32> to vector<16xf32>
    %get3A_789 = arith.constant 16 : index
    %get3A_790 = tpu.vector_load %arg18[%get3A_789] {strides = array<i32>} : memref<64xf32, #tpu.memory_space<vmem>>, vector<16xf32>,
    %get3A_791 = vector.shape_cast %get3A_790 : vector<16xf32> to vector<16xf32>
    %get3A_792 = arith.constant 16 : index
    %get3A_793 = tpu.vector_load %arg19[%get3A_792] {strides = array<i32>} : memref<64xf32, #tpu.memory_space<vmem>>, vector<16xf32>,
    %get3A_794 = vector.shape_cast %get3A_793 : vector<16xf32> to vector<16xf32>
    %div3A_795 = arith.constant 6.000000e+01 : f32
    %div3A_796 = vector.broadcast %div3A_795 : f32 to vector<16xf32>
    %div3A_797 = arith.divf %get3A_791, %div3A_796 : vector<16xf32>
    %mul3A_798 = arith.constant 5.120000e+02 : f32
    %mul3A_799 = vector.broadcast %mul3A_798 : f32 to vector<16xf32>
    %mul3A_800 = arith.mulf %div3A_797, %mul3A_799 : vector<16xf32>
    %convert_element_type3A_801 = arith.fptosi %mul3A_800 : vector<16xf32> to vector<16xi32>
    %max3A_802 = arith.constant 0 : i32
    %max3A_803 = vector.broadcast %max3A_802 : i32 to vector<16xi32>
    %max3A_804 = arith.maxsi %convert_element_type3A_801, %max3A_803 : vector<16xi32>
    %min3A_805 = arith.constant 511 : i32
    %min3A_806 = vector.broadcast %min3A_805 : i32 to vector<16xi32>
    %min3A_807 = arith.minsi %max3A_804, %min3A_806 : vector<16xi32>
    %convert_element_type3A_808 = arith.fptosi %get3A_788 : vector<16xf32> to vector<16xi32>
    %mul3A_809 = arith.constant 512 : i32
    %mul3A_810 = vector.broadcast %mul3A_809 : i32 to vector<16xi32>
    %mul3A_811 = arith.muli %convert_element_type3A_808, %mul3A_810 : vector<16xi32>
    %add3A_812 = arith.addi %mul3A_811, %min3A_807 : vector<16xi32>
    %convert_element_type3A_813 = arith.fptosi %get3A_794 : vector<16xf32> to vector<16xi32>
    %mul3A_814 = arith.constant 32768 : i32
    %mul3A_815 = vector.broadcast %mul3A_814 : i32 to vector<16xi32>
    %mul3A_816 = arith.muli %convert_element_type3A_813, %mul3A_815 : vector<16xi32>
    %add3A_817 = arith.constant 0 : i32
    %add3A_818 = vector.broadcast %add3A_817 : i32 to vector<16xi32>
    %add3A_819 = arith.addi %add3A_812, %add3A_818 : vector<16xi32>
    %swap3A_820 = arith.constant 16 : index
    %swap3A_821 = tpu.vector_load %arg20[%swap3A_820] {strides = array<i32>} : memref<768xi32, #tpu.memory_space<vmem>>, vector<16xi32>,
    %swap3A_822 = vector.shape_cast %swap3A_821 : vector<16xi32> to vector<16xi32>
    %swap3A_823 = vector.shape_cast %add3A_819 : vector<16xi32> to vector<16xi32>
    tpu.vector_store %arg20[%swap3A_820], %swap3A_823 {strides = array<i32>} : memref<768xi32, #tpu.memory_space<vmem>>, vector<16xi32>,
    %add3A_824 = arith.constant 4227072 : i32
    %add3A_825 = vector.broadcast %add3A_824 : i32 to vector<16xi32>
    %add3A_826 = arith.addi %add3A_812, %add3A_825 : vector<16xi32>
    %swap3A_827 = arith.constant 208 : index
    %swap3A_828 = tpu.vector_load %arg20[%swap3A_827] {strides = array<i32>} : memref<768xi32, #tpu.memory_space<vmem>>, vector<16xi32>,
    %swap3A_829 = vector.shape_cast %swap3A_828 : vector<16xi32> to vector<16xi32>
    %swap3A_830 = vector.shape_cast %add3A_826 : vector<16xi32> to vector<16xi32>
    tpu.vector_store %arg20[%swap3A_827], %swap3A_830 {strides = array<i32>} : memref<768xi32, #tpu.memory_space<vmem>>, vector<16xi32>,
    %add3A_831 = arith.constant 4259840 : i32
    %add3A_832 = vector.broadcast %add3A_831 : i32 to vector<16xi32>
    %add3A_833 = arith.addi %add3A_812, %add3A_832 : vector<16xi32>
    %swap3A_834 = arith.constant 400 : index
    %swap3A_835 = tpu.vector_load %arg20[%swap3A_834] {strides = array<i32>} : memref<768xi32, #tpu.memory_space<vmem>>, vector<16xi32>,
    %swap3A_836 = vector.shape_cast %swap3A_835 : vector<16xi32> to vector<16xi32>
    %swap3A_837 = vector.shape_cast %add3A_833 : vector<16xi32> to vector<16xi32>
    tpu.vector_store %arg20[%swap3A_834], %swap3A_837 {strides = array<i32>} : memref<768xi32, #tpu.memory_space<vmem>>, vector<16xi32>,
    %add3A_838 = arith.constant 32768 : i32
    %add3A_839 = vector.broadcast %add3A_838 : i32 to vector<16xi32>
    %add3A_840 = arith.addi %add3A_812, %add3A_839 : vector<16xi32>
    %add3A_841 = arith.addi %add3A_840, %mul3A_816 : vector<16xi32>
    %swap3A_842 = arith.constant 592 : index
    %swap3A_843 = tpu.vector_load %arg20[%swap3A_842] {strides = array<i32>} : memref<768xi32, #tpu.memory_space<vmem>>, vector<16xi32>,
    %swap3A_844 = vector.shape_cast %swap3A_843 : vector<16xi32> to vector<16xi32>
    %swap3A_845 = vector.shape_cast %add3A_841 : vector<16xi32> to vector<16xi32>
    tpu.vector_store %arg20[%swap3A_842], %swap3A_845 {strides = array<i32>} : memref<768xi32, #tpu.memory_space<vmem>>, vector<16xi32>,
    %add3A_846 = arith.constant 0 : i32
    %add3A_847 = vector.broadcast %add3A_846 : i32 to vector<16xi32>
    %add3A_848 = arith.addi %add3A_812, %add3A_847 : vector<16xi32>
    %swap3A_849 = arith.constant 16 : index
    %swap3A_850 = tpu.vector_load %arg21[%swap3A_849] {strides = array<i32>} : memref<192xi32, #tpu.memory_space<vmem>>, vector<16xi32>,
    %swap3A_851 = vector.shape_cast %swap3A_850 : vector<16xi32> to vector<16xi32>
    %swap3A_852 = vector.shape_cast %add3A_848 : vector<16xi32> to vector<16xi32>
    tpu.vector_store %arg21[%swap3A_849], %swap3A_852 {strides = array<i32>} : memref<192xi32, #tpu.memory_space<vmem>>, vector<16xi32>,
    %add3A_853 = arith.constant 4292608 : i32
    %add3A_854 = vector.broadcast %add3A_853 : i32 to vector<16xi32>
    %add3A_855 = arith.addi %add3A_812, %add3A_854 : vector<16xi32>
    %swap3A_856 = arith.constant 80 : index
    %swap3A_857 = tpu.vector_load %arg20[%swap3A_856] {strides = array<i32>} : memref<768xi32, #tpu.memory_space<vmem>>, vector<16xi32>,
    %swap3A_858 = vector.shape_cast %swap3A_857 : vector<16xi32> to vector<16xi32>
    %swap3A_859 = vector.shape_cast %add3A_855 : vector<16xi32> to vector<16xi32>
    tpu.vector_store %arg20[%swap3A_856], %swap3A_859 {strides = array<i32>} : memref<768xi32, #tpu.memory_space<vmem>>, vector<16xi32>,
    %add3A_860 = arith.constant 8519680 : i32
    %add3A_861 = vector.broadcast %add3A_860 : i32 to vector<16xi32>
    %add3A_862 = arith.addi %add3A_812, %add3A_861 : vector<16xi32>
    %swap3A_863 = arith.constant 272 : index
    %swap3A_864 = tpu.vector_load %arg20[%swap3A_863] {strides = array<i32>} : memref<768xi32, #tpu.memory_space<vmem>>, vector<16xi32>,
    %swap3A_865 = vector.shape_cast %swap3A_864 : vector<16xi32> to vector<16xi32>
    %swap3A_866 = vector.shape_cast %add3A_862 : vector<16xi32> to vector<16xi32>
    tpu.vector_store %arg20[%swap3A_863], %swap3A_866 {strides = array<i32>} : memref<768xi32, #tpu.memory_space<vmem>>, vector<16xi32>,
    %add3A_867 = arith.constant 8552448 : i32
    %add3A_868 = vector.broadcast %add3A_867 : i32 to vector<16xi32>
    %add3A_869 = arith.addi %add3A_812, %add3A_868 : vector<16xi32>
    %swap3A_870 = arith.constant 464 : index
    %swap3A_871 = tpu.vector_load %arg20[%swap3A_870] {strides = array<i32>} : memref<768xi32, #tpu.memory_space<vmem>>, vector<16xi32>,
    %swap3A_872 = vector.shape_cast %swap3A_871 : vector<16xi32> to vector<16xi32>
    %swap3A_873 = vector.shape_cast %add3A_869 : vector<16xi32> to vector<16xi32>
    tpu.vector_store %arg20[%swap3A_870], %swap3A_873 {strides = array<i32>} : memref<768xi32, #tpu.memory_space<vmem>>, vector<16xi32>,
    %add3A_874 = arith.constant 4325376 : i32
    %add3A_875 = vector.broadcast %add3A_874 : i32 to vector<16xi32>
    %add3A_876 = arith.addi %add3A_812, %add3A_875 : vector<16xi32>
    %add3A_877 = arith.addi %add3A_876, %mul3A_816 : vector<16xi32>
    %swap3A_878 = arith.constant 656 : index
    %swap3A_879 = tpu.vector_load %arg20[%swap3A_878] {strides = array<i32>} : memref<768xi32, #tpu.memory_space<vmem>>, vector<16xi32>,
    %swap3A_880 = vector.shape_cast %swap3A_879 : vector<16xi32> to vector<16xi32>
    %swap3A_881 = vector.shape_cast %add3A_877 : vector<16xi32> to vector<16xi32>
    tpu.vector_store %arg20[%swap3A_878], %swap3A_881 {strides = array<i32>} : memref<768xi32, #tpu.memory_space<vmem>>, vector<16xi32>,
    %add3A_882 = arith.constant 32768 : i32
    %add3A_883 = vector.broadcast %add3A_882 : i32 to vector<16xi32>
    %add3A_884 = arith.addi %add3A_812, %add3A_883 : vector<16xi32>
    %swap3A_885 = arith.constant 80 : index
    %swap3A_886 = tpu.vector_load %arg21[%swap3A_885] {strides = array<i32>} : memref<192xi32, #tpu.memory_space<vmem>>, vector<16xi32>,
    %swap3A_887 = vector.shape_cast %swap3A_886 : vector<16xi32> to vector<16xi32>
    %swap3A_888 = vector.shape_cast %add3A_884 : vector<16xi32> to vector<16xi32>
    tpu.vector_store %arg21[%swap3A_885], %swap3A_888 {strides = array<i32>} : memref<192xi32, #tpu.memory_space<vmem>>, vector<16xi32>,
    %add3A_889 = arith.constant 8585216 : i32
    %add3A_890 = vector.broadcast %add3A_889 : i32 to vector<16xi32>
    %add3A_891 = arith.addi %add3A_812, %add3A_890 : vector<16xi32>
    %swap3A_892 = arith.constant 144 : index
    %swap3A_893 = tpu.vector_load %arg20[%swap3A_892] {strides = array<i32>} : memref<768xi32, #tpu.memory_space<vmem>>, vector<16xi32>,
    %swap3A_894 = vector.shape_cast %swap3A_893 : vector<16xi32> to vector<16xi32>
    %swap3A_895 = vector.shape_cast %add3A_891 : vector<16xi32> to vector<16xi32>
    tpu.vector_store %arg20[%swap3A_892], %swap3A_895 {strides = array<i32>} : memref<768xi32, #tpu.memory_space<vmem>>, vector<16xi32>,
    %add3A_896 = arith.constant 12812288 : i32
    %add3A_897 = vector.broadcast %add3A_896 : i32 to vector<16xi32>
    %add3A_898 = arith.addi %add3A_812, %add3A_897 : vector<16xi32>
    %swap3A_899 = arith.constant 336 : index
    %swap3A_900 = tpu.vector_load %arg20[%swap3A_899] {strides = array<i32>} : memref<768xi32, #tpu.memory_space<vmem>>, vector<16xi32>,
    %swap3A_901 = vector.shape_cast %swap3A_900 : vector<16xi32> to vector<16xi32>
    %swap3A_902 = vector.shape_cast %add3A_898 : vector<16xi32> to vector<16xi32>
    tpu.vector_store %arg20[%swap3A_899], %swap3A_902 {strides = array<i32>} : memref<768xi32, #tpu.memory_space<vmem>>, vector<16xi32>,
    %add3A_903 = arith.constant 12845056 : i32
    %add3A_904 = vector.broadcast %add3A_903 : i32 to vector<16xi32>
    %add3A_905 = arith.addi %add3A_812, %add3A_904 : vector<16xi32>
    %swap3A_906 = arith.constant 528 : index
    %swap3A_907 = tpu.vector_load %arg20[%swap3A_906] {strides = array<i32>} : memref<768xi32, #tpu.memory_space<vmem>>, vector<16xi32>,
    %swap3A_908 = vector.shape_cast %swap3A_907 : vector<16xi32> to vector<16xi32>
    %swap3A_909 = vector.shape_cast %add3A_905 : vector<16xi32> to vector<16xi32>
    tpu.vector_store %arg20[%swap3A_906], %swap3A_909 {strides = array<i32>} : memref<768xi32, #tpu.memory_space<vmem>>, vector<16xi32>,
    %add3A_910 = arith.constant 8617984 : i32
    %add3A_911 = vector.broadcast %add3A_910 : i32 to vector<16xi32>
    %add3A_912 = arith.addi %add3A_812, %add3A_911 : vector<16xi32>
    %add3A_913 = arith.addi %add3A_912, %mul3A_816 : vector<16xi32>
    %swap3A_914 = arith.constant 720 : index
    %swap3A_915 = tpu.vector_load %arg20[%swap3A_914] {strides = array<i32>} : memref<768xi32, #tpu.memory_space<vmem>>, vector<16xi32>,
    %swap3A_916 = vector.shape_cast %swap3A_915 : vector<16xi32> to vector<16xi32>
    %swap3A_917 = vector.shape_cast %add3A_913 : vector<16xi32> to vector<16xi32>
    tpu.vector_store %arg20[%swap3A_914], %swap3A_917 {strides = array<i32>} : memref<768xi32, #tpu.memory_space<vmem>>, vector<16xi32>,
    %add3A_918 = arith.constant 65536 : i32
    %add3A_919 = vector.broadcast %add3A_918 : i32 to vector<16xi32>
    %add3A_920 = arith.addi %add3A_812, %add3A_919 : vector<16xi32>
    %swap3A_921 = arith.constant 144 : index
    %swap3A_922 = tpu.vector_load %arg21[%swap3A_921] {strides = array<i32>} : memref<192xi32, #tpu.memory_space<vmem>>, vector<16xi32>,
    %swap3A_923 = vector.shape_cast %swap3A_922 : vector<16xi32> to vector<16xi32>
    %swap3A_924 = vector.shape_cast %add3A_920 : vector<16xi32> to vector<16xi32>
    tpu.vector_store %arg21[%swap3A_921], %swap3A_924 {strides = array<i32>} : memref<192xi32, #tpu.memory_space<vmem>>, vector<16xi32>,
    %get3A_925 = arith.constant 32 : index
    %get3A_926 = tpu.vector_load %arg17[%get3A_925] {strides = array<i32>} : memref<64xf32, #tpu.memory_space<vmem>>, vector<16xf32>,
    %get3A_927 = vector.shape_cast %get3A_926 : vector<16xf32> to vector<16xf32>
    %get3A_928 = arith.constant 32 : index
    %get3A_929 = tpu.vector_load %arg18[%get3A_928] {strides = array<i32>} : memref<64xf32, #tpu.memory_space<vmem>>, vector<16xf32>,
    %get3A_930 = vector.shape_cast %get3A_929 : vector<16xf32> to vector<16xf32>
    %get3A_931 = arith.constant 32 : index
    %get3A_932 = tpu.vector_load %arg19[%get3A_931] {strides = array<i32>} : memref<64xf32, #tpu.memory_space<vmem>>, vector<16xf32>,
    %get3A_933 = vector.shape_cast %get3A_932 : vector<16xf32> to vector<16xf32>
    %div3A_934 = arith.constant 6.000000e+01 : f32
    %div3A_935 = vector.broadcast %div3A_934 : f32 to vector<16xf32>
    %div3A_936 = arith.divf %get3A_930, %div3A_935 : vector<16xf32>
    %mul3A_937 = arith.constant 5.120000e+02 : f32
    %mul3A_938 = vector.broadcast %mul3A_937 : f32 to vector<16xf32>
    %mul3A_939 = arith.mulf %div3A_936, %mul3A_938 : vector<16xf32>
    %convert_element_type3A_940 = arith.fptosi %mul3A_939 : vector<16xf32> to vector<16xi32>
    %max3A_941 = arith.constant 0 : i32
    %max3A_942 = vector.broadcast %max3A_941 : i32 to vector<16xi32>
    %max3A_943 = arith.maxsi %convert_element_type3A_940, %max3A_942 : vector<16xi32>
    %min3A_944 = arith.constant 511 : i32
    %min3A_945 = vector.broadcast %min3A_944 : i32 to vector<16xi32>
    %min3A_946 = arith.minsi %max3A_943, %min3A_945 : vector<16xi32>
    %convert_element_type3A_947 = arith.fptosi %get3A_927 : vector<16xf32> to vector<16xi32>
    %mul3A_948 = arith.constant 512 : i32
    %mul3A_949 = vector.broadcast %mul3A_948 : i32 to vector<16xi32>
    %mul3A_950 = arith.muli %convert_element_type3A_947, %mul3A_949 : vector<16xi32>
    %add3A_951 = arith.addi %mul3A_950, %min3A_946 : vector<16xi32>
    %convert_element_type3A_952 = arith.fptosi %get3A_933 : vector<16xf32> to vector<16xi32>
    %mul3A_953 = arith.constant 32768 : i32
    %mul3A_954 = vector.broadcast %mul3A_953 : i32 to vector<16xi32>
    %mul3A_955 = arith.muli %convert_element_type3A_952, %mul3A_954 : vector<16xi32>
    %add3A_956 = arith.constant 0 : i32
    %add3A_957 = vector.broadcast %add3A_956 : i32 to vector<16xi32>
    %add3A_958 = arith.addi %add3A_951, %add3A_957 : vector<16xi32>
    %swap3A_959 = arith.constant 32 : index
    %swap3A_960 = tpu.vector_load %arg20[%swap3A_959] {strides = array<i32>} : memref<768xi32, #tpu.memory_space<vmem>>, vector<16xi32>,
    %swap3A_961 = vector.shape_cast %swap3A_960 : vector<16xi32> to vector<16xi32>
    %swap3A_962 = vector.shape_cast %add3A_958 : vector<16xi32> to vector<16xi32>
    tpu.vector_store %arg20[%swap3A_959], %swap3A_962 {strides = array<i32>} : memref<768xi32, #tpu.memory_space<vmem>>, vector<16xi32>,
    %add3A_963 = arith.constant 4227072 : i32
    %add3A_964 = vector.broadcast %add3A_963 : i32 to vector<16xi32>
    %add3A_965 = arith.addi %add3A_951, %add3A_964 : vector<16xi32>
    %swap3A_966 = arith.constant 224 : index
    %swap3A_967 = tpu.vector_load %arg20[%swap3A_966] {strides = array<i32>} : memref<768xi32, #tpu.memory_space<vmem>>, vector<16xi32>,
    %swap3A_968 = vector.shape_cast %swap3A_967 : vector<16xi32> to vector<16xi32>
    %swap3A_969 = vector.shape_cast %add3A_965 : vector<16xi32> to vector<16xi32>
    tpu.vector_store %arg20[%swap3A_966], %swap3A_969 {strides = array<i32>} : memref<768xi32, #tpu.memory_space<vmem>>, vector<16xi32>,
    %add3A_970 = arith.constant 4259840 : i32
    %add3A_971 = vector.broadcast %add3A_970 : i32 to vector<16xi32>
    %add3A_972 = arith.addi %add3A_951, %add3A_971 : vector<16xi32>
    %swap3A_973 = arith.constant 416 : index
    %swap3A_974 = tpu.vector_load %arg20[%swap3A_973] {strides = array<i32>} : memref<768xi32, #tpu.memory_space<vmem>>, vector<16xi32>,
    %swap3A_975 = vector.shape_cast %swap3A_974 : vector<16xi32> to vector<16xi32>
    %swap3A_976 = vector.shape_cast %add3A_972 : vector<16xi32> to vector<16xi32>
    tpu.vector_store %arg20[%swap3A_973], %swap3A_976 {strides = array<i32>} : memref<768xi32, #tpu.memory_space<vmem>>, vector<16xi32>,
    %add3A_977 = arith.constant 32768 : i32
    %add3A_978 = vector.broadcast %add3A_977 : i32 to vector<16xi32>
    %add3A_979 = arith.addi %add3A_951, %add3A_978 : vector<16xi32>
    %add3A_980 = arith.addi %add3A_979, %mul3A_955 : vector<16xi32>
    %swap3A_981 = arith.constant 608 : index
    %swap3A_982 = tpu.vector_load %arg20[%swap3A_981] {strides = array<i32>} : memref<768xi32, #tpu.memory_space<vmem>>, vector<16xi32>,
    %swap3A_983 = vector.shape_cast %swap3A_982 : vector<16xi32> to vector<16xi32>
    %swap3A_984 = vector.shape_cast %add3A_980 : vector<16xi32> to vector<16xi32>
    tpu.vector_store %arg20[%swap3A_981], %swap3A_984 {strides = array<i32>} : memref<768xi32, #tpu.memory_space<vmem>>, vector<16xi32>,
    %add3A_985 = arith.constant 0 : i32
    %add3A_986 = vector.broadcast %add3A_985 : i32 to vector<16xi32>
    %add3A_987 = arith.addi %add3A_951, %add3A_986 : vector<16xi32>
    %swap3A_988 = arith.constant 32 : index
    %swap3A_989 = tpu.vector_load %arg21[%swap3A_988] {strides = array<i32>} : memref<192xi32, #tpu.memory_space<vmem>>, vector<16xi32>,
    %swap3A_990 = vector.shape_cast %swap3A_989 : vector<16xi32> to vector<16xi32>
    %swap3A_991 = vector.shape_cast %add3A_987 : vector<16xi32> to vector<16xi32>
    tpu.vector_store %arg21[%swap3A_988], %swap3A_991 {strides = array<i32>} : memref<192xi32, #tpu.memory_space<vmem>>, vector<16xi32>,
    %add3A_992 = arith.constant 4292608 : i32
    %add3A_993 = vector.broadcast %add3A_992 : i32 to vector<16xi32>
    %add3A_994 = arith.addi %add3A_951, %add3A_993 : vector<16xi32>
    %swap3A_995 = arith.constant 96 : index
    %swap3A_996 = tpu.vector_load %arg20[%swap3A_995] {strides = array<i32>} : memref<768xi32, #tpu.memory_space<vmem>>, vector<16xi32>,
    %swap3A_997 = vector.shape_cast %swap3A_996 : vector<16xi32> to vector<16xi32>
    %swap3A_998 = vector.shape_cast %add3A_994 : vector<16xi32> to vector<16xi32>
    tpu.vector_store %arg20[%swap3A_995], %swap3A_998 {strides = array<i32>} : memref<768xi32, #tpu.memory_space<vmem>>, vector<16xi32>,
    %add3A_999 = arith.constant 8519680 : i32
    %add3A_1000 = vector.broadcast %add3A_999 : i32 to vector<16xi32>
    %add3A_1001 = arith.addi %add3A_951, %add3A_1000 : vector<16xi32>
    %swap3A_1002 = arith.constant 288 : index
    %swap3A_1003 = tpu.vector_load %arg20[%swap3A_1002] {strides = array<i32>} : memref<768xi32, #tpu.memory_space<vmem>>, vector<16xi32>,
    %swap3A_1004 = vector.shape_cast %swap3A_1003 : vector<16xi32> to vector<16xi32>
    %swap3A_1005 = vector.shape_cast %add3A_1001 : vector<16xi32> to vector<16xi32>
    tpu.vector_store %arg20[%swap3A_1002], %swap3A_1005 {strides = array<i32>} : memref<768xi32, #tpu.memory_space<vmem>>, vector<16xi32>,
    %add3A_1006 = arith.constant 8552448 : i32
    %add3A_1007 = vector.broadcast %add3A_1006 : i32 to vector<16xi32>
    %add3A_1008 = arith.addi %add3A_951, %add3A_1007 : vector<16xi32>
    %swap3A_1009 = arith.constant 480 : index
    %swap3A_1010 = tpu.vector_load %arg20[%swap3A_1009] {strides = array<i32>} : memref<768xi32, #tpu.memory_space<vmem>>, vector<16xi32>,
    %swap3A_1011 = vector.shape_cast %swap3A_1010 : vector<16xi32> to vector<16xi32>
    %swap3A_1012 = vector.shape_cast %add3A_1008 : vector<16xi32> to vector<16xi32>
    tpu.vector_store %arg20[%swap3A_1009], %swap3A_1012 {strides = array<i32>} : memref<768xi32, #tpu.memory_space<vmem>>, vector<16xi32>,
    %add3A_1013 = arith.constant 4325376 : i32
    %add3A_1014 = vector.broadcast %add3A_1013 : i32 to vector<16xi32>
    %add3A_1015 = arith.addi %add3A_951, %add3A_1014 : vector<16xi32>
    %add3A_1016 = arith.addi %add3A_1015, %mul3A_955 : vector<16xi32>
    %swap3A_1017 = arith.constant 672 : index
    %swap3A_1018 = tpu.vector_load %arg20[%swap3A_1017] {strides = array<i32>} : memref<768xi32, #tpu.memory_space<vmem>>, vector<16xi32>,
    %swap3A_1019 = vector.shape_cast %swap3A_1018 : vector<16xi32> to vector<16xi32>
    %swap3A_1020 = vector.shape_cast %add3A_1016 : vector<16xi32> to vector<16xi32>
    tpu.vector_store %arg20[%swap3A_1017], %swap3A_1020 {strides = array<i32>} : memref<768xi32, #tpu.memory_space<vmem>>, vector<16xi32>,
    %add3A_1021 = arith.constant 32768 : i32
    %add3A_1022 = vector.broadcast %add3A_1021 : i32 to vector<16xi32>
    %add3A_1023 = arith.addi %add3A_951, %add3A_1022 : vector<16xi32>
    %swap3A_1024 = arith.constant 96 : index
    %swap3A_1025 = tpu.vector_load %arg21[%swap3A_1024] {strides = array<i32>} : memref<192xi32, #tpu.memory_space<vmem>>, vector<16xi32>,
    %swap3A_1026 = vector.shape_cast %swap3A_1025 : vector<16xi32> to vector<16xi32>
    %swap3A_1027 = vector.shape_cast %add3A_1023 : vector<16xi32> to vector<16xi32>
    tpu.vector_store %arg21[%swap3A_1024], %swap3A_1027 {strides = array<i32>} : memref<192xi32, #tpu.memory_space<vmem>>, vector<16xi32>,
    %add3A_1028 = arith.constant 8585216 : i32
    %add3A_1029 = vector.broadcast %add3A_1028 : i32 to vector<16xi32>
    %add3A_1030 = arith.addi %add3A_951, %add3A_1029 : vector<16xi32>
    %swap3A_1031 = arith.constant 160 : index
    %swap3A_1032 = tpu.vector_load %arg20[%swap3A_1031] {strides = array<i32>} : memref<768xi32, #tpu.memory_space<vmem>>, vector<16xi32>,
    %swap3A_1033 = vector.shape_cast %swap3A_1032 : vector<16xi32> to vector<16xi32>
    %swap3A_1034 = vector.shape_cast %add3A_1030 : vector<16xi32> to vector<16xi32>
    tpu.vector_store %arg20[%swap3A_1031], %swap3A_1034 {strides = array<i32>} : memref<768xi32, #tpu.memory_space<vmem>>, vector<16xi32>,
    %add3A_1035 = arith.constant 12812288 : i32
    %add3A_1036 = vector.broadcast %add3A_1035 : i32 to vector<16xi32>
    %add3A_1037 = arith.addi %add3A_951, %add3A_1036 : vector<16xi32>
    %swap3A_1038 = arith.constant 352 : index
    %swap3A_1039 = tpu.vector_load %arg20[%swap3A_1038] {strides = array<i32>} : memref<768xi32, #tpu.memory_space<vmem>>, vector<16xi32>,
    %swap3A_1040 = vector.shape_cast %swap3A_1039 : vector<16xi32> to vector<16xi32>
    %swap3A_1041 = vector.shape_cast %add3A_1037 : vector<16xi32> to vector<16xi32>
    tpu.vector_store %arg20[%swap3A_1038], %swap3A_1041 {strides = array<i32>} : memref<768xi32, #tpu.memory_space<vmem>>, vector<16xi32>,
    %add3A_1042 = arith.constant 12845056 : i32
    %add3A_1043 = vector.broadcast %add3A_1042 : i32 to vector<16xi32>
    %add3A_1044 = arith.addi %add3A_951, %add3A_1043 : vector<16xi32>
    %swap3A_1045 = arith.constant 544 : index
    %swap3A_1046 = tpu.vector_load %arg20[%swap3A_1045] {strides = array<i32>} : memref<768xi32, #tpu.memory_space<vmem>>, vector<16xi32>,
    %swap3A_1047 = vector.shape_cast %swap3A_1046 : vector<16xi32> to vector<16xi32>
    %swap3A_1048 = vector.shape_cast %add3A_1044 : vector<16xi32> to vector<16xi32>
    tpu.vector_store %arg20[%swap3A_1045], %swap3A_1048 {strides = array<i32>} : memref<768xi32, #tpu.memory_space<vmem>>, vector<16xi32>,
    %add3A_1049 = arith.constant 8617984 : i32
    %add3A_1050 = vector.broadcast %add3A_1049 : i32 to vector<16xi32>
    %add3A_1051 = arith.addi %add3A_951, %add3A_1050 : vector<16xi32>
    %add3A_1052 = arith.addi %add3A_1051, %mul3A_955 : vector<16xi32>
    %swap3A_1053 = arith.constant 736 : index
    %swap3A_1054 = tpu.vector_load %arg20[%swap3A_1053] {strides = array<i32>} : memref<768xi32, #tpu.memory_space<vmem>>, vector<16xi32>,
    %swap3A_1055 = vector.shape_cast %swap3A_1054 : vector<16xi32> to vector<16xi32>
    %swap3A_1056 = vector.shape_cast %add3A_1052 : vector<16xi32> to vector<16xi32>
    tpu.vector_store %arg20[%swap3A_1053], %swap3A_1056 {strides = array<i32>} : memref<768xi32, #tpu.memory_space<vmem>>, vector<16xi32>,
    %add3A_1057 = arith.constant 65536 : i32
    %add3A_1058 = vector.broadcast %add3A_1057 : i32 to vector<16xi32>
    %add3A_1059 = arith.addi %add3A_951, %add3A_1058 : vector<16xi32>
    %swap3A_1060 = arith.constant 160 : index
    %swap3A_1061 = tpu.vector_load %arg21[%swap3A_1060] {strides = array<i32>} : memref<192xi32, #tpu.memory_space<vmem>>, vector<16xi32>,
    %swap3A_1062 = vector.shape_cast %swap3A_1061 : vector<16xi32> to vector<16xi32>
    %swap3A_1063 = vector.shape_cast %add3A_1059 : vector<16xi32> to vector<16xi32>
    tpu.vector_store %arg21[%swap3A_1060], %swap3A_1063 {strides = array<i32>} : memref<192xi32, #tpu.memory_space<vmem>>, vector<16xi32>,
    %get3A_1064 = arith.constant 48 : index
    %get3A_1065 = tpu.vector_load %arg17[%get3A_1064] {strides = array<i32>} : memref<64xf32, #tpu.memory_space<vmem>>, vector<16xf32>,
    %get3A_1066 = vector.shape_cast %get3A_1065 : vector<16xf32> to vector<16xf32>
    %get3A_1067 = arith.constant 48 : index
    %get3A_1068 = tpu.vector_load %arg18[%get3A_1067] {strides = array<i32>} : memref<64xf32, #tpu.memory_space<vmem>>, vector<16xf32>,
    %get3A_1069 = vector.shape_cast %get3A_1068 : vector<16xf32> to vector<16xf32>
    %get3A_1070 = arith.constant 48 : index
    %get3A_1071 = tpu.vector_load %arg19[%get3A_1070] {strides = array<i32>} : memref<64xf32, #tpu.memory_space<vmem>>, vector<16xf32>,
    %get3A_1072 = vector.shape_cast %get3A_1071 : vector<16xf32> to vector<16xf32>
    %div3A_1073 = arith.constant 6.000000e+01 : f32
    %div3A_1074 = vector.broadcast %div3A_1073 : f32 to vector<16xf32>
    %div3A_1075 = arith.divf %get3A_1069, %div3A_1074 : vector<16xf32>
    %mul3A_1076 = arith.constant 5.120000e+02 : f32
    %mul3A_1077 = vector.broadcast %mul3A_1076 : f32 to vector<16xf32>
    %mul3A_1078 = arith.mulf %div3A_1075, %mul3A_1077 : vector<16xf32>
    %convert_element_type3A_1079 = arith.fptosi %mul3A_1078 : vector<16xf32> to vector<16xi32>
    %max3A_1080 = arith.constant 0 : i32
    %max3A_1081 = vector.broadcast %max3A_1080 : i32 to vector<16xi32>
    %max3A_1082 = arith.maxsi %convert_element_type3A_1079, %max3A_1081 : vector<16xi32>
    %min3A_1083 = arith.constant 511 : i32
    %min3A_1084 = vector.broadcast %min3A_1083 : i32 to vector<16xi32>
    %min3A_1085 = arith.minsi %max3A_1082, %min3A_1084 : vector<16xi32>
    %convert_element_type3A_1086 = arith.fptosi %get3A_1066 : vector<16xf32> to vector<16xi32>
    %mul3A_1087 = arith.constant 512 : i32
    %mul3A_1088 = vector.broadcast %mul3A_1087 : i32 to vector<16xi32>
    %mul3A_1089 = arith.muli %convert_element_type3A_1086, %mul3A_1088 : vector<16xi32>
    %add3A_1090 = arith.addi %mul3A_1089, %min3A_1085 : vector<16xi32>
    %convert_element_type3A_1091 = arith.fptosi %get3A_1072 : vector<16xf32> to vector<16xi32>
    %mul3A_1092 = arith.constant 32768 : i32
    %mul3A_1093 = vector.broadcast %mul3A_1092 : i32 to vector<16xi32>
    %mul3A_1094 = arith.muli %convert_element_type3A_1091, %mul3A_1093 : vector<16xi32>
    %add3A_1095 = arith.constant 0 : i32
    %add3A_1096 = vector.broadcast %add3A_1095 : i32 to vector<16xi32>
    %add3A_1097 = arith.addi %add3A_1090, %add3A_1096 : vector<16xi32>
    %swap3A_1098 = arith.constant 48 : index
    %swap3A_1099 = tpu.vector_load %arg20[%swap3A_1098] {strides = array<i32>} : memref<768xi32, #tpu.memory_space<vmem>>, vector<16xi32>,
    %swap3A_1100 = vector.shape_cast %swap3A_1099 : vector<16xi32> to vector<16xi32>
    %swap3A_1101 = vector.shape_cast %add3A_1097 : vector<16xi32> to vector<16xi32>
    tpu.vector_store %arg20[%swap3A_1098], %swap3A_1101 {strides = array<i32>} : memref<768xi32, #tpu.memory_space<vmem>>, vector<16xi32>,
    %add3A_1102 = arith.constant 4227072 : i32
    %add3A_1103 = vector.broadcast %add3A_1102 : i32 to vector<16xi32>
    %add3A_1104 = arith.addi %add3A_1090, %add3A_1103 : vector<16xi32>
    %swap3A_1105 = arith.constant 240 : index
    %swap3A_1106 = tpu.vector_load %arg20[%swap3A_1105] {strides = array<i32>} : memref<768xi32, #tpu.memory_space<vmem>>, vector<16xi32>,
    %swap3A_1107 = vector.shape_cast %swap3A_1106 : vector<16xi32> to vector<16xi32>
    %swap3A_1108 = vector.shape_cast %add3A_1104 : vector<16xi32> to vector<16xi32>
    tpu.vector_store %arg20[%swap3A_1105], %swap3A_1108 {strides = array<i32>} : memref<768xi32, #tpu.memory_space<vmem>>, vector<16xi32>,
    %add3A_1109 = arith.constant 4259840 : i32
    %add3A_1110 = vector.broadcast %add3A_1109 : i32 to vector<16xi32>
    %add3A_1111 = arith.addi %add3A_1090, %add3A_1110 : vector<16xi32>
    %swap3A_1112 = arith.constant 432 : index
    %swap3A_1113 = tpu.vector_load %arg20[%swap3A_1112] {strides = array<i32>} : memref<768xi32, #tpu.memory_space<vmem>>, vector<16xi32>,
    %swap3A_1114 = vector.shape_cast %swap3A_1113 : vector<16xi32> to vector<16xi32>
    %swap3A_1115 = vector.shape_cast %add3A_1111 : vector<16xi32> to vector<16xi32>
    tpu.vector_store %arg20[%swap3A_1112], %swap3A_1115 {strides = array<i32>} : memref<768xi32, #tpu.memory_space<vmem>>, vector<16xi32>,
    %add3A_1116 = arith.constant 32768 : i32
    %add3A_1117 = vector.broadcast %add3A_1116 : i32 to vector<16xi32>
    %add3A_1118 = arith.addi %add3A_1090, %add3A_1117 : vector<16xi32>
    %add3A_1119 = arith.addi %add3A_1118, %mul3A_1094 : vector<16xi32>
    %swap3A_1120 = arith.constant 624 : index
    %swap3A_1121 = tpu.vector_load %arg20[%swap3A_1120] {strides = array<i32>} : memref<768xi32, #tpu.memory_space<vmem>>, vector<16xi32>,
    %swap3A_1122 = vector.shape_cast %swap3A_1121 : vector<16xi32> to vector<16xi32>
    %swap3A_1123 = vector.shape_cast %add3A_1119 : vector<16xi32> to vector<16xi32>
    tpu.vector_store %arg20[%swap3A_1120], %swap3A_1123 {strides = array<i32>} : memref<768xi32, #tpu.memory_space<vmem>>, vector<16xi32>,
    %add3A_1124 = arith.constant 0 : i32
    %add3A_1125 = vector.broadcast %add3A_1124 : i32 to vector<16xi32>
    %add3A_1126 = arith.addi %add3A_1090, %add3A_1125 : vector<16xi32>
    %swap3A_1127 = arith.constant 48 : index
    %swap3A_1128 = tpu.vector_load %arg21[%swap3A_1127] {strides = array<i32>} : memref<192xi32, #tpu.memory_space<vmem>>, vector<16xi32>,
    %swap3A_1129 = vector.shape_cast %swap3A_1128 : vector<16xi32> to vector<16xi32>
    %swap3A_1130 = vector.shape_cast %add3A_1126 : vector<16xi32> to vector<16xi32>
    tpu.vector_store %arg21[%swap3A_1127], %swap3A_1130 {strides = array<i32>} : memref<192xi32, #tpu.memory_space<vmem>>, vector<16xi32>,
    %add3A_1131 = arith.constant 4292608 : i32
    %add3A_1132 = vector.broadcast %add3A_1131 : i32 to vector<16xi32>
    %add3A_1133 = arith.addi %add3A_1090, %add3A_1132 : vector<16xi32>
    %swap3A_1134 = arith.constant 112 : index
    %swap3A_1135 = tpu.vector_load %arg20[%swap3A_1134] {strides = array<i32>} : memref<768xi32, #tpu.memory_space<vmem>>, vector<16xi32>,
    %swap3A_1136 = vector.shape_cast %swap3A_1135 : vector<16xi32> to vector<16xi32>
    %swap3A_1137 = vector.shape_cast %add3A_1133 : vector<16xi32> to vector<16xi32>
    tpu.vector_store %arg20[%swap3A_1134], %swap3A_1137 {strides = array<i32>} : memref<768xi32, #tpu.memory_space<vmem>>, vector<16xi32>,
    %add3A_1138 = arith.constant 8519680 : i32
    %add3A_1139 = vector.broadcast %add3A_1138 : i32 to vector<16xi32>
    %add3A_1140 = arith.addi %add3A_1090, %add3A_1139 : vector<16xi32>
    %swap3A_1141 = arith.constant 304 : index
    %swap3A_1142 = tpu.vector_load %arg20[%swap3A_1141] {strides = array<i32>} : memref<768xi32, #tpu.memory_space<vmem>>, vector<16xi32>,
    %swap3A_1143 = vector.shape_cast %swap3A_1142 : vector<16xi32> to vector<16xi32>
    %swap3A_1144 = vector.shape_cast %add3A_1140 : vector<16xi32> to vector<16xi32>
    tpu.vector_store %arg20[%swap3A_1141], %swap3A_1144 {strides = array<i32>} : memref<768xi32, #tpu.memory_space<vmem>>, vector<16xi32>,
    %add3A_1145 = arith.constant 8552448 : i32
    %add3A_1146 = vector.broadcast %add3A_1145 : i32 to vector<16xi32>
    %add3A_1147 = arith.addi %add3A_1090, %add3A_1146 : vector<16xi32>
    %swap3A_1148 = arith.constant 496 : index
    %swap3A_1149 = tpu.vector_load %arg20[%swap3A_1148] {strides = array<i32>} : memref<768xi32, #tpu.memory_space<vmem>>, vector<16xi32>,
    %swap3A_1150 = vector.shape_cast %swap3A_1149 : vector<16xi32> to vector<16xi32>
    %swap3A_1151 = vector.shape_cast %add3A_1147 : vector<16xi32> to vector<16xi32>
    tpu.vector_store %arg20[%swap3A_1148], %swap3A_1151 {strides = array<i32>} : memref<768xi32, #tpu.memory_space<vmem>>, vector<16xi32>,
    %add3A_1152 = arith.constant 4325376 : i32
    %add3A_1153 = vector.broadcast %add3A_1152 : i32 to vector<16xi32>
    %add3A_1154 = arith.addi %add3A_1090, %add3A_1153 : vector<16xi32>
    %add3A_1155 = arith.addi %add3A_1154, %mul3A_1094 : vector<16xi32>
    %swap3A_1156 = arith.constant 688 : index
    %swap3A_1157 = tpu.vector_load %arg20[%swap3A_1156] {strides = array<i32>} : memref<768xi32, #tpu.memory_space<vmem>>, vector<16xi32>,
    %swap3A_1158 = vector.shape_cast %swap3A_1157 : vector<16xi32> to vector<16xi32>
    %swap3A_1159 = vector.shape_cast %add3A_1155 : vector<16xi32> to vector<16xi32>
    tpu.vector_store %arg20[%swap3A_1156], %swap3A_1159 {strides = array<i32>} : memref<768xi32, #tpu.memory_space<vmem>>, vector<16xi32>,
    %add3A_1160 = arith.constant 32768 : i32
    %add3A_1161 = vector.broadcast %add3A_1160 : i32 to vector<16xi32>
    %add3A_1162 = arith.addi %add3A_1090, %add3A_1161 : vector<16xi32>
    %swap3A_1163 = arith.constant 112 : index
    %swap3A_1164 = tpu.vector_load %arg21[%swap3A_1163] {strides = array<i32>} : memref<192xi32, #tpu.memory_space<vmem>>, vector<16xi32>,
    %swap3A_1165 = vector.shape_cast %swap3A_1164 : vector<16xi32> to vector<16xi32>
    %swap3A_1166 = vector.shape_cast %add3A_1162 : vector<16xi32> to vector<16xi32>
    tpu.vector_store %arg21[%swap3A_1163], %swap3A_1166 {strides = array<i32>} : memref<192xi32, #tpu.memory_space<vmem>>, vector<16xi32>,
    %add3A_1167 = arith.constant 8585216 : i32
    %add3A_1168 = vector.broadcast %add3A_1167 : i32 to vector<16xi32>
    %add3A_1169 = arith.addi %add3A_1090, %add3A_1168 : vector<16xi32>
    %swap3A_1170 = arith.constant 176 : index
    %swap3A_1171 = tpu.vector_load %arg20[%swap3A_1170] {strides = array<i32>} : memref<768xi32, #tpu.memory_space<vmem>>, vector<16xi32>,
    %swap3A_1172 = vector.shape_cast %swap3A_1171 : vector<16xi32> to vector<16xi32>
    %swap3A_1173 = vector.shape_cast %add3A_1169 : vector<16xi32> to vector<16xi32>
    tpu.vector_store %arg20[%swap3A_1170], %swap3A_1173 {strides = array<i32>} : memref<768xi32, #tpu.memory_space<vmem>>, vector<16xi32>,
    %add3A_1174 = arith.constant 12812288 : i32
    %add3A_1175 = vector.broadcast %add3A_1174 : i32 to vector<16xi32>
    %add3A_1176 = arith.addi %add3A_1090, %add3A_1175 : vector<16xi32>
    %swap3A_1177 = arith.constant 368 : index
    %swap3A_1178 = tpu.vector_load %arg20[%swap3A_1177] {strides = array<i32>} : memref<768xi32, #tpu.memory_space<vmem>>, vector<16xi32>,
    %swap3A_1179 = vector.shape_cast %swap3A_1178 : vector<16xi32> to vector<16xi32>
    %swap3A_1180 = vector.shape_cast %add3A_1176 : vector<16xi32> to vector<16xi32>
    tpu.vector_store %arg20[%swap3A_1177], %swap3A_1180 {strides = array<i32>} : memref<768xi32, #tpu.memory_space<vmem>>, vector<16xi32>,
    %add3A_1181 = arith.constant 12845056 : i32
    %add3A_1182 = vector.broadcast %add3A_1181 : i32 to vector<16xi32>
    %add3A_1183 = arith.addi %add3A_1090, %add3A_1182 : vector<16xi32>
    %swap3A_1184 = arith.constant 560 : index
    %swap3A_1185 = tpu.vector_load %arg20[%swap3A_1184] {strides = array<i32>} : memref<768xi32, #tpu.memory_space<vmem>>, vector<16xi32>,
    %swap3A_1186 = vector.shape_cast %swap3A_1185 : vector<16xi32> to vector<16xi32>
    %swap3A_1187 = vector.shape_cast %add3A_1183 : vector<16xi32> to vector<16xi32>
    tpu.vector_store %arg20[%swap3A_1184], %swap3A_1187 {strides = array<i32>} : memref<768xi32, #tpu.memory_space<vmem>>, vector<16xi32>,
    %add3A_1188 = arith.constant 8617984 : i32
    %add3A_1189 = vector.broadcast %add3A_1188 : i32 to vector<16xi32>
    %add3A_1190 = arith.addi %add3A_1090, %add3A_1189 : vector<16xi32>
    %add3A_1191 = arith.addi %add3A_1190, %mul3A_1094 : vector<16xi32>
    %swap3A_1192 = arith.constant 752 : index
    %swap3A_1193 = tpu.vector_load %arg20[%swap3A_1192] {strides = array<i32>} : memref<768xi32, #tpu.memory_space<vmem>>, vector<16xi32>,
    %swap3A_1194 = vector.shape_cast %swap3A_1193 : vector<16xi32> to vector<16xi32>
    %swap3A_1195 = vector.shape_cast %add3A_1191 : vector<16xi32> to vector<16xi32>
    tpu.vector_store %arg20[%swap3A_1192], %swap3A_1195 {strides = array<i32>} : memref<768xi32, #tpu.memory_space<vmem>>, vector<16xi32>,
    %add3A_1196 = arith.constant 65536 : i32
    %add3A_1197 = vector.broadcast %add3A_1196 : i32 to vector<16xi32>
    %add3A_1198 = arith.addi %add3A_1090, %add3A_1197 : vector<16xi32>
    %swap3A_1199 = arith.constant 176 : index
    %swap3A_1200 = tpu.vector_load %arg21[%swap3A_1199] {strides = array<i32>} : memref<192xi32, #tpu.memory_space<vmem>>, vector<16xi32>,
    %swap3A_1201 = vector.shape_cast %swap3A_1200 : vector<16xi32> to vector<16xi32>
    %swap3A_1202 = vector.shape_cast %add3A_1198 : vector<16xi32> to vector<16xi32>
    tpu.vector_store %arg21[%swap3A_1199], %swap3A_1202 {strides = array<i32>} : memref<192xi32, #tpu.memory_space<vmem>>, vector<16xi32>,
    %dma_start3A_1203 = arith.constant 0 : i32
    %dma_start3A_1204 = tpu.memref_slice %arg22[%dma_start3A_1203] : memref<768xf32, #tpu.memory_space<vmem>> -> memref<128xf32, #tpu.memory_space<vmem>>
    %dma_start3A_1205 = arith.constant 0 : i32
    %dma_start3A_1206 = tpu.memref_slice %arg20[%dma_start3A_1205] : memref<768xi32, #tpu.memory_space<vmem>> -> memref<128xi32, #tpu.memory_space<vmem>>
    %dma_start3A_1207 = arith.constant 0 : i32
    %dma_start3A_1208 = tpu.memref_slice %arg3[%dma_start3A_1207] : memref<12877824xf32, #tpu.memory_space<hbm>> -> memref<12877824xf32, #tpu.memory_space<hbm>>
    tpu.enqueue_indirect_dma source(%dma_start3A_1208 : memref<12877824xf32, #tpu.memory_space<hbm>>) target(%dma_start3A_1204 : memref<128xf32, #tpu.memory_space<vmem>>) offsets(%dma_start3A_1206 : memref<128xi32, #tpu.memory_space<vmem>>) semaphore(%arg24 : memref<!tpu.dma_semaphore, #tpu.memory_space<semaphore_mem>>)
    %dma_wait3A_1209 = arith.constant 0 : i32
    %dma_wait3A_1210 = tpu.memref_slice %arg22[%dma_wait3A_1209] : memref<768xf32, #tpu.memory_space<vmem>> -> memref<128xf32, #tpu.memory_space<vmem>>
    %dma_wait3A_1211 = arith.constant 0 : i32
    %dma_wait3A_1212 = tpu.memref_slice %arg20[%dma_wait3A_1211] : memref<768xi32, #tpu.memory_space<vmem>> -> memref<128xi32, #tpu.memory_space<vmem>>
    %dma_wait3A_1213 = arith.constant 0 : i32
    %dma_wait3A_1214 = tpu.memref_slice %arg3[%dma_wait3A_1213] : memref<12877824xf32, #tpu.memory_space<hbm>> -> memref<12877824xf32, #tpu.memory_space<hbm>>
    tpu.wait_indirect_dma semaphore(%arg24 : memref<!tpu.dma_semaphore, #tpu.memory_space<semaphore_mem>>) src(%dma_wait3A_1214 : memref<12877824xf32, #tpu.memory_space<hbm>>) dst(%dma_wait3A_1210 : memref<128xf32, #tpu.memory_space<vmem>>)
    %dma_start3A_1215 = arith.constant 128 : i32
    %dma_start3A_1216 = tpu.memref_slice %arg22[%dma_start3A_1215] : memref<768xf32, #tpu.memory_space<vmem>> -> memref<128xf32, #tpu.memory_space<vmem>>
    %dma_start3A_1217 = arith.constant 128 : i32
    %dma_start3A_1218 = tpu.memref_slice %arg20[%dma_start3A_1217] : memref<768xi32, #tpu.memory_space<vmem>> -> memref<128xi32, #tpu.memory_space<vmem>>
    %dma_start3A_1219 = arith.constant 0 : i32
    %dma_start3A_1220 = tpu.memref_slice %arg3[%dma_start3A_1219] : memref<12877824xf32, #tpu.memory_space<hbm>> -> memref<12877824xf32, #tpu.memory_space<hbm>>
    tpu.enqueue_indirect_dma source(%dma_start3A_1220 : memref<12877824xf32, #tpu.memory_space<hbm>>) target(%dma_start3A_1216 : memref<128xf32, #tpu.memory_space<vmem>>) offsets(%dma_start3A_1218 : memref<128xi32, #tpu.memory_space<vmem>>) semaphore(%arg24 : memref<!tpu.dma_semaphore, #tpu.memory_space<semaphore_mem>>)
    %dma_wait3A_1221 = arith.constant 128 : i32
    %dma_wait3A_1222 = tpu.memref_slice %arg22[%dma_wait3A_1221] : memref<768xf32, #tpu.memory_space<vmem>> -> memref<128xf32, #tpu.memory_space<vmem>>
    %dma_wait3A_1223 = arith.constant 128 : i32
    %dma_wait3A_1224 = tpu.memref_slice %arg20[%dma_wait3A_1223] : memref<768xi32, #tpu.memory_space<vmem>> -> memref<128xi32, #tpu.memory_space<vmem>>
    %dma_wait3A_1225 = arith.constant 0 : i32
    %dma_wait3A_1226 = tpu.memref_slice %arg3[%dma_wait3A_1225] : memref<12877824xf32, #tpu.memory_space<hbm>> -> memref<12877824xf32, #tpu.memory_space<hbm>>
    tpu.wait_indirect_dma semaphore(%arg24 : memref<!tpu.dma_semaphore, #tpu.memory_space<semaphore_mem>>) src(%dma_wait3A_1226 : memref<12877824xf32, #tpu.memory_space<hbm>>) dst(%dma_wait3A_1222 : memref<128xf32, #tpu.memory_space<vmem>>)
    %dma_start3A_1227 = arith.constant 256 : i32
    %dma_start3A_1228 = tpu.memref_slice %arg22[%dma_start3A_1227] : memref<768xf32, #tpu.memory_space<vmem>> -> memref<128xf32, #tpu.memory_space<vmem>>
    %dma_start3A_1229 = arith.constant 256 : i32
    %dma_start3A_1230 = tpu.memref_slice %arg20[%dma_start3A_1229] : memref<768xi32, #tpu.memory_space<vmem>> -> memref<128xi32, #tpu.memory_space<vmem>>
    %dma_start3A_1231 = arith.constant 0 : i32
    %dma_start3A_1232 = tpu.memref_slice %arg3[%dma_start3A_1231] : memref<12877824xf32, #tpu.memory_space<hbm>> -> memref<12877824xf32, #tpu.memory_space<hbm>>
    tpu.enqueue_indirect_dma source(%dma_start3A_1232 : memref<12877824xf32, #tpu.memory_space<hbm>>) target(%dma_start3A_1228 : memref<128xf32, #tpu.memory_space<vmem>>) offsets(%dma_start3A_1230 : memref<128xi32, #tpu.memory_space<vmem>>) semaphore(%arg24 : memref<!tpu.dma_semaphore, #tpu.memory_space<semaphore_mem>>)
    %dma_wait3A_1233 = arith.constant 256 : i32
    %dma_wait3A_1234 = tpu.memref_slice %arg22[%dma_wait3A_1233] : memref<768xf32, #tpu.memory_space<vmem>> -> memref<128xf32, #tpu.memory_space<vmem>>
    %dma_wait3A_1235 = arith.constant 256 : i32
    %dma_wait3A_1236 = tpu.memref_slice %arg20[%dma_wait3A_1235] : memref<768xi32, #tpu.memory_space<vmem>> -> memref<128xi32, #tpu.memory_space<vmem>>
    %dma_wait3A_1237 = arith.constant 0 : i32
    %dma_wait3A_1238 = tpu.memref_slice %arg3[%dma_wait3A_1237] : memref<12877824xf32, #tpu.memory_space<hbm>> -> memref<12877824xf32, #tpu.memory_space<hbm>>
    tpu.wait_indirect_dma semaphore(%arg24 : memref<!tpu.dma_semaphore, #tpu.memory_space<semaphore_mem>>) src(%dma_wait3A_1238 : memref<12877824xf32, #tpu.memory_space<hbm>>) dst(%dma_wait3A_1234 : memref<128xf32, #tpu.memory_space<vmem>>)
    %dma_start3A_1239 = arith.constant 384 : i32
    %dma_start3A_1240 = tpu.memref_slice %arg22[%dma_start3A_1239] : memref<768xf32, #tpu.memory_space<vmem>> -> memref<128xf32, #tpu.memory_space<vmem>>
    %dma_start3A_1241 = arith.constant 384 : i32
    %dma_start3A_1242 = tpu.memref_slice %arg20[%dma_start3A_1241] : memref<768xi32, #tpu.memory_space<vmem>> -> memref<128xi32, #tpu.memory_space<vmem>>
    %dma_start3A_1243 = arith.constant 0 : i32
    %dma_start3A_1244 = tpu.memref_slice %arg3[%dma_start3A_1243] : memref<12877824xf32, #tpu.memory_space<hbm>> -> memref<12877824xf32, #tpu.memory_space<hbm>>
    tpu.enqueue_indirect_dma source(%dma_start3A_1244 : memref<12877824xf32, #tpu.memory_space<hbm>>) target(%dma_start3A_1240 : memref<128xf32, #tpu.memory_space<vmem>>) offsets(%dma_start3A_1242 : memref<128xi32, #tpu.memory_space<vmem>>) semaphore(%arg24 : memref<!tpu.dma_semaphore, #tpu.memory_space<semaphore_mem>>)
    %dma_wait3A_1245 = arith.constant 384 : i32
    %dma_wait3A_1246 = tpu.memref_slice %arg22[%dma_wait3A_1245] : memref<768xf32, #tpu.memory_space<vmem>> -> memref<128xf32, #tpu.memory_space<vmem>>
    %dma_wait3A_1247 = arith.constant 384 : i32
    %dma_wait3A_1248 = tpu.memref_slice %arg20[%dma_wait3A_1247] : memref<768xi32, #tpu.memory_space<vmem>> -> memref<128xi32, #tpu.memory_space<vmem>>
    %dma_wait3A_1249 = arith.constant 0 : i32
    %dma_wait3A_1250 = tpu.memref_slice %arg3[%dma_wait3A_1249] : memref<12877824xf32, #tpu.memory_space<hbm>> -> memref<12877824xf32, #tpu.memory_space<hbm>>
    tpu.wait_indirect_dma semaphore(%arg24 : memref<!tpu.dma_semaphore, #tpu.memory_space<semaphore_mem>>) src(%dma_wait3A_1250 : memref<12877824xf32, #tpu.memory_space<hbm>>) dst(%dma_wait3A_1246 : memref<128xf32, #tpu.memory_space<vmem>>)
    %dma_start3A_1251 = arith.constant 512 : i32
    %dma_start3A_1252 = tpu.memref_slice %arg22[%dma_start3A_1251] : memref<768xf32, #tpu.memory_space<vmem>> -> memref<128xf32, #tpu.memory_space<vmem>>
    %dma_start3A_1253 = arith.constant 512 : i32
    %dma_start3A_1254 = tpu.memref_slice %arg20[%dma_start3A_1253] : memref<768xi32, #tpu.memory_space<vmem>> -> memref<128xi32, #tpu.memory_space<vmem>>
    %dma_start3A_1255 = arith.constant 0 : i32
    %dma_start3A_1256 = tpu.memref_slice %arg3[%dma_start3A_1255] : memref<12877824xf32, #tpu.memory_space<hbm>> -> memref<12877824xf32, #tpu.memory_space<hbm>>
    tpu.enqueue_indirect_dma source(%dma_start3A_1256 : memref<12877824xf32, #tpu.memory_space<hbm>>) target(%dma_start3A_1252 : memref<128xf32, #tpu.memory_space<vmem>>) offsets(%dma_start3A_1254 : memref<128xi32, #tpu.memory_space<vmem>>) semaphore(%arg24 : memref<!tpu.dma_semaphore, #tpu.memory_space<semaphore_mem>>)
    %dma_wait3A_1257 = arith.constant 512 : i32
    %dma_wait3A_1258 = tpu.memref_slice %arg22[%dma_wait3A_1257] : memref<768xf32, #tpu.memory_space<vmem>> -> memref<128xf32, #tpu.memory_space<vmem>>
    %dma_wait3A_1259 = arith.constant 512 : i32
    %dma_wait3A_1260 = tpu.memref_slice %arg20[%dma_wait3A_1259] : memref<768xi32, #tpu.memory_space<vmem>> -> memref<128xi32, #tpu.memory_space<vmem>>
    %dma_wait3A_1261 = arith.constant 0 : i32
    %dma_wait3A_1262 = tpu.memref_slice %arg3[%dma_wait3A_1261] : memref<12877824xf32, #tpu.memory_space<hbm>> -> memref<12877824xf32, #tpu.memory_space<hbm>>
    tpu.wait_indirect_dma semaphore(%arg24 : memref<!tpu.dma_semaphore, #tpu.memory_space<semaphore_mem>>) src(%dma_wait3A_1262 : memref<12877824xf32, #tpu.memory_space<hbm>>) dst(%dma_wait3A_1258 : memref<128xf32, #tpu.memory_space<vmem>>)
    %dma_start3A_1263 = arith.constant 640 : i32
    %dma_start3A_1264 = tpu.memref_slice %arg22[%dma_start3A_1263] : memref<768xf32, #tpu.memory_space<vmem>> -> memref<128xf32, #tpu.memory_space<vmem>>
    %dma_start3A_1265 = arith.constant 640 : i32
    %dma_start3A_1266 = tpu.memref_slice %arg20[%dma_start3A_1265] : memref<768xi32, #tpu.memory_space<vmem>> -> memref<128xi32, #tpu.memory_space<vmem>>
    %dma_start3A_1267 = arith.constant 0 : i32
    %dma_start3A_1268 = tpu.memref_slice %arg3[%dma_start3A_1267] : memref<12877824xf32, #tpu.memory_space<hbm>> -> memref<12877824xf32, #tpu.memory_space<hbm>>
    tpu.enqueue_indirect_dma source(%dma_start3A_1268 : memref<12877824xf32, #tpu.memory_space<hbm>>) target(%dma_start3A_1264 : memref<128xf32, #tpu.memory_space<vmem>>) offsets(%dma_start3A_1266 : memref<128xi32, #tpu.memory_space<vmem>>) semaphore(%arg24 : memref<!tpu.dma_semaphore, #tpu.memory_space<semaphore_mem>>)
    %dma_wait3A_1269 = arith.constant 640 : i32
    %dma_wait3A_1270 = tpu.memref_slice %arg22[%dma_wait3A_1269] : memref<768xf32, #tpu.memory_space<vmem>> -> memref<128xf32, #tpu.memory_space<vmem>>
    %dma_wait3A_1271 = arith.constant 640 : i32
    %dma_wait3A_1272 = tpu.memref_slice %arg20[%dma_wait3A_1271] : memref<768xi32, #tpu.memory_space<vmem>> -> memref<128xi32, #tpu.memory_space<vmem>>
    %dma_wait3A_1273 = arith.constant 0 : i32
    %dma_wait3A_1274 = tpu.memref_slice %arg3[%dma_wait3A_1273] : memref<12877824xf32, #tpu.memory_space<hbm>> -> memref<12877824xf32, #tpu.memory_space<hbm>>
    tpu.wait_indirect_dma semaphore(%arg24 : memref<!tpu.dma_semaphore, #tpu.memory_space<semaphore_mem>>) src(%dma_wait3A_1274 : memref<12877824xf32, #tpu.memory_space<hbm>>) dst(%dma_wait3A_1270 : memref<128xf32, #tpu.memory_space<vmem>>)
    %dma_start3A_1275 = arith.constant 0 : i32
    %dma_start3A_1276 = tpu.memref_slice %arg23[%dma_start3A_1275] : memref<192xf32, #tpu.memory_space<vmem>> -> memref<128xf32, #tpu.memory_space<vmem>>
    %dma_start3A_1277 = arith.constant 0 : i32
    %dma_start3A_1278 = tpu.memref_slice %arg21[%dma_start3A_1277] : memref<192xi32, #tpu.memory_space<vmem>> -> memref<128xi32, #tpu.memory_space<vmem>>
    %dma_start3A_1279 = arith.constant 0 : i32
    %dma_start3A_1280 = tpu.memref_slice %arg6[%dma_start3A_1279] : memref<98304xf32, #tpu.memory_space<hbm>> -> memref<98304xf32, #tpu.memory_space<hbm>>
    tpu.enqueue_indirect_dma source(%dma_start3A_1280 : memref<98304xf32, #tpu.memory_space<hbm>>) target(%dma_start3A_1276 : memref<128xf32, #tpu.memory_space<vmem>>) offsets(%dma_start3A_1278 : memref<128xi32, #tpu.memory_space<vmem>>) semaphore(%arg24 : memref<!tpu.dma_semaphore, #tpu.memory_space<semaphore_mem>>)
    %dma_wait3A_1281 = arith.constant 0 : i32
    %dma_wait3A_1282 = tpu.memref_slice %arg23[%dma_wait3A_1281] : memref<192xf32, #tpu.memory_space<vmem>> -> memref<128xf32, #tpu.memory_space<vmem>>
    %dma_wait3A_1283 = arith.constant 0 : i32
    %dma_wait3A_1284 = tpu.memref_slice %arg21[%dma_wait3A_1283] : memref<192xi32, #tpu.memory_space<vmem>> -> memref<128xi32, #tpu.memory_space<vmem>>
    %dma_wait3A_1285 = arith.constant 0 : i32
    %dma_wait3A_1286 = tpu.memref_slice %arg6[%dma_wait3A_1285] : memref<98304xf32, #tpu.memory_space<hbm>> -> memref<98304xf32, #tpu.memory_space<hbm>>
    tpu.wait_indirect_dma semaphore(%arg24 : memref<!tpu.dma_semaphore, #tpu.memory_space<semaphore_mem>>) src(%dma_wait3A_1286 : memref<98304xf32, #tpu.memory_space<hbm>>) dst(%dma_wait3A_1282 : memref<128xf32, #tpu.memory_space<vmem>>)
    %dma_start3A_1287 = arith.constant 128 : i32
    %dma_start3A_1288 = tpu.memref_slice %arg23[%dma_start3A_1287] : memref<192xf32, #tpu.memory_space<vmem>> -> memref<64xf32, #tpu.memory_space<vmem>>
    %dma_start3A_1289 = arith.constant 128 : i32
    %dma_start3A_1290 = tpu.memref_slice %arg21[%dma_start3A_1289] : memref<192xi32, #tpu.memory_space<vmem>> -> memref<64xi32, #tpu.memory_space<vmem>>
    %dma_start3A_1291 = arith.constant 0 : i32
    %dma_start3A_1292 = tpu.memref_slice %arg6[%dma_start3A_1291] : memref<98304xf32, #tpu.memory_space<hbm>> -> memref<98304xf32, #tpu.memory_space<hbm>>
    tpu.enqueue_indirect_dma source(%dma_start3A_1292 : memref<98304xf32, #tpu.memory_space<hbm>>) target(%dma_start3A_1288 : memref<64xf32, #tpu.memory_space<vmem>>) offsets(%dma_start3A_1290 : memref<64xi32, #tpu.memory_space<vmem>>) semaphore(%arg24 : memref<!tpu.dma_semaphore, #tpu.memory_space<semaphore_mem>>)
    %dma_wait3A_1293 = arith.constant 128 : i32
    %dma_wait3A_1294 = tpu.memref_slice %arg23[%dma_wait3A_1293] : memref<192xf32, #tpu.memory_space<vmem>> -> memref<64xf32, #tpu.memory_space<vmem>>
    %dma_wait3A_1295 = arith.constant 128 : i32
    %dma_wait3A_1296 = tpu.memref_slice %arg21[%dma_wait3A_1295] : memref<192xi32, #tpu.memory_space<vmem>> -> memref<64xi32, #tpu.memory_space<vmem>>
    %dma_wait3A_1297 = arith.constant 0 : i32
    %dma_wait3A_1298 = tpu.memref_slice %arg6[%dma_wait3A_1297] : memref<98304xf32, #tpu.memory_space<hbm>> -> memref<98304xf32, #tpu.memory_space<hbm>>
    tpu.wait_indirect_dma semaphore(%arg24 : memref<!tpu.dma_semaphore, #tpu.memory_space<semaphore_mem>>) src(%dma_wait3A_1298 : memref<98304xf32, #tpu.memory_space<hbm>>) dst(%dma_wait3A_1294 : memref<64xf32, #tpu.memory_space<vmem>>)
    "tpu.region"() ({
      %run_scoped3A = tpu.sem_alloc : memref<!tpu.dma_semaphore, #tpu.memory_space<semaphore_mem>>
      %dma_start3A_1951 = arith.constant 0 : i32
      %dma_start3A_1952 = tpu.memref_slice %arg12[%add3A, %dma_start3A_1951] : memref<32x768xf32, #tpu.memory_space<hbm>> -> memref<1x768xf32, #tpu.memory_space<hbm>>
      %dma_start3A_1953 = tpu.memref_squeeze %dma_start3A_1952 : memref<1x768xf32, #tpu.memory_space<hbm>> -> memref<768xf32, #tpu.memory_space<hbm>>
      %dma_start3A_1954 = arith.constant 0 : i32
      %dma_start3A_1955 = tpu.memref_slice %arg12[%add3A, %dma_start3A_1954] : memref<32x768xf32, #tpu.memory_space<hbm>> -> memref<1x768xf32, #tpu.memory_space<hbm>>
      %dma_start3A_1956 = tpu.memref_squeeze %dma_start3A_1955 : memref<1x768xf32, #tpu.memory_space<hbm>> -> memref<768xf32, #tpu.memory_space<hbm>>
      tpu.enqueue_dma source(%arg22 : memref<768xf32, #tpu.memory_space<vmem>>) target(%dma_start3A_1956 : memref<768xf32, #tpu.memory_space<hbm>>) target_semaphore(%run_scoped3A : memref<!tpu.dma_semaphore, #tpu.memory_space<semaphore_mem>>)
      %dma_wait3A_1957 = arith.constant 0 : i32
      %dma_wait3A_1958 = tpu.memref_slice %arg12[%add3A, %dma_wait3A_1957] : memref<32x768xf32, #tpu.memory_space<hbm>> -> memref<1x768xf32, #tpu.memory_space<hbm>>
      %dma_wait3A_1959 = tpu.memref_squeeze %dma_wait3A_1958 : memref<1x768xf32, #tpu.memory_space<hbm>> -> memref<768xf32, #tpu.memory_space<hbm>>
      %dma_wait3A_1960 = arith.constant 0 : i32
      %dma_wait3A_1961 = tpu.memref_slice %arg12[%add3A, %dma_wait3A_1960] : memref<32x768xf32, #tpu.memory_space<hbm>> -> memref<1x768xf32, #tpu.memory_space<hbm>>
      %dma_wait3A_1962 = tpu.memref_squeeze %dma_wait3A_1961 : memref<1x768xf32, #tpu.memory_space<hbm>> -> memref<768xf32, #tpu.memory_space<hbm>>
      tpu.wait_dma2 semaphore(%run_scoped3A : memref<!tpu.dma_semaphore, #tpu.memory_space<semaphore_mem>>) src(%arg22 : memref<768xf32, #tpu.memory_space<vmem>>) dst(%dma_wait3A_1962 : memref<768xf32, #tpu.memory_space<hbm>>)
      tpu.yield
    }) : () -> ()
    "tpu.region"() ({
      %run_scoped3A = tpu.sem_alloc : memref<!tpu.dma_semaphore, #tpu.memory_space<semaphore_mem>>
      %dma_start3A_1951 = arith.constant 0 : i32
      %dma_start3A_1952 = tpu.memref_slice %arg15[%add3A, %dma_start3A_1951] : memref<32x192xf32, #tpu.memory_space<hbm>> -> memref<1x192xf32, #tpu.memory_space<hbm>>
      %dma_start3A_1953 = tpu.memref_squeeze %dma_start3A_1952 : memref<1x192xf32, #tpu.memory_space<hbm>> -> memref<192xf32, #tpu.memory_space<hbm>>
      %dma_start3A_1954 = arith.constant 0 : i32
      %dma_start3A_1955 = tpu.memref_slice %arg15[%add3A, %dma_start3A_1954] : memref<32x192xf32, #tpu.memory_space<hbm>> -> memref<1x192xf32, #tpu.memory_space<hbm>>
      %dma_start3A_1956 = tpu.memref_squeeze %dma_start3A_1955 : memref<1x192xf32, #tpu.memory_space<hbm>> -> memref<192xf32, #tpu.memory_space<hbm>>
      tpu.enqueue_dma source(%arg23 : memref<192xf32, #tpu.memory_space<vmem>>) target(%dma_start3A_1956 : memref<192xf32, #tpu.memory_space<hbm>>) target_semaphore(%run_scoped3A : memref<!tpu.dma_semaphore, #tpu.memory_space<semaphore_mem>>)
      %dma_wait3A_1957 = arith.constant 0 : i32
      %dma_wait3A_1958 = tpu.memref_slice %arg15[%add3A, %dma_wait3A_1957] : memref<32x192xf32, #tpu.memory_space<hbm>> -> memref<1x192xf32, #tpu.memory_space<hbm>>
      %dma_wait3A_1959 = tpu.memref_squeeze %dma_wait3A_1958 : memref<1x192xf32, #tpu.memory_space<hbm>> -> memref<192xf32, #tpu.memory_space<hbm>>
      %dma_wait3A_1960 = arith.constant 0 : i32
      %dma_wait3A_1961 = tpu.memref_slice %arg15[%add3A, %dma_wait3A_1960] : memref<32x192xf32, #tpu.memory_space<hbm>> -> memref<1x192xf32, #tpu.memory_space<hbm>>
      %dma_wait3A_1962 = tpu.memref_squeeze %dma_wait3A_1961 : memref<1x192xf32, #tpu.memory_space<hbm>> -> memref<192xf32, #tpu.memory_space<hbm>>
      tpu.wait_dma2 semaphore(%run_scoped3A : memref<!tpu.dma_semaphore, #tpu.memory_space<semaphore_mem>>) src(%arg23 : memref<192xf32, #tpu.memory_space<vmem>>) dst(%dma_wait3A_1962 : memref<192xf32, #tpu.memory_space<hbm>>)
      tpu.yield
    }) : () -> ()
    %get3A_1299 = arith.constant 0 : index
    %get3A_1300 = tpu.vector_load %arg17[%get3A_1299] {strides = array<i32>} : memref<64xf32, #tpu.memory_space<vmem>>, vector<16xf32>,
    %get3A_1301 = vector.shape_cast %get3A_1300 : vector<16xf32> to vector<16xf32>
    %get3A_1302 = arith.constant 0 : index
    %get3A_1303 = tpu.vector_load %arg18[%get3A_1302] {strides = array<i32>} : memref<64xf32, #tpu.memory_space<vmem>>, vector<16xf32>,
    %get3A_1304 = vector.shape_cast %get3A_1303 : vector<16xf32> to vector<16xf32>
    %get3A_1305 = arith.constant 0 : index
    %get3A_1306 = tpu.vector_load %arg19[%get3A_1305] {strides = array<i32>} : memref<64xf32, #tpu.memory_space<vmem>>, vector<16xf32>,
    %get3A_1307 = vector.shape_cast %get3A_1306 : vector<16xf32> to vector<16xf32>
    %div3A_1308 = arith.constant 6.000000e+01 : f32
    %div3A_1309 = vector.broadcast %div3A_1308 : f32 to vector<16xf32>
    %div3A_1310 = arith.divf %get3A_1304, %div3A_1309 : vector<16xf32>
    %mul3A_1311 = arith.constant 2.560000e+02 : f32
    %mul3A_1312 = vector.broadcast %mul3A_1311 : f32 to vector<16xf32>
    %mul3A_1313 = arith.mulf %div3A_1310, %mul3A_1312 : vector<16xf32>
    %convert_element_type3A_1314 = arith.fptosi %mul3A_1313 : vector<16xf32> to vector<16xi32>
    %max3A_1315 = arith.constant 0 : i32
    %max3A_1316 = vector.broadcast %max3A_1315 : i32 to vector<16xi32>
    %max3A_1317 = arith.maxsi %convert_element_type3A_1314, %max3A_1316 : vector<16xi32>
    %min3A_1318 = arith.constant 255 : i32
    %min3A_1319 = vector.broadcast %min3A_1318 : i32 to vector<16xi32>
    %min3A_1320 = arith.minsi %max3A_1317, %min3A_1319 : vector<16xi32>
    %convert_element_type3A_1321 = arith.fptosi %get3A_1301 : vector<16xf32> to vector<16xi32>
    %mul3A_1322 = arith.constant 256 : i32
    %mul3A_1323 = vector.broadcast %mul3A_1322 : i32 to vector<16xi32>
    %mul3A_1324 = arith.muli %convert_element_type3A_1321, %mul3A_1323 : vector<16xi32>
    %add3A_1325 = arith.addi %mul3A_1324, %min3A_1320 : vector<16xi32>
    %convert_element_type3A_1326 = arith.fptosi %get3A_1307 : vector<16xf32> to vector<16xi32>
    %mul3A_1327 = arith.constant 16384 : i32
    %mul3A_1328 = vector.broadcast %mul3A_1327 : i32 to vector<16xi32>
    %mul3A_1329 = arith.muli %convert_element_type3A_1326, %mul3A_1328 : vector<16xi32>
    %add3A_1330 = arith.constant 0 : i32
    %add3A_1331 = vector.broadcast %add3A_1330 : i32 to vector<16xi32>
    %add3A_1332 = arith.addi %add3A_1325, %add3A_1331 : vector<16xi32>
    %swap3A_1333 = arith.constant 0 : index
    %swap3A_1334 = tpu.vector_load %arg20[%swap3A_1333] {strides = array<i32>} : memref<768xi32, #tpu.memory_space<vmem>>, vector<16xi32>,
    %swap3A_1335 = vector.shape_cast %swap3A_1334 : vector<16xi32> to vector<16xi32>
    %swap3A_1336 = vector.shape_cast %add3A_1332 : vector<16xi32> to vector<16xi32>
    tpu.vector_store %arg20[%swap3A_1333], %swap3A_1336 {strides = array<i32>} : memref<768xi32, #tpu.memory_space<vmem>>, vector<16xi32>,
    %add3A_1337 = arith.constant 2113536 : i32
    %add3A_1338 = vector.broadcast %add3A_1337 : i32 to vector<16xi32>
    %add3A_1339 = arith.addi %add3A_1325, %add3A_1338 : vector<16xi32>
    %swap3A_1340 = arith.constant 192 : index
    %swap3A_1341 = tpu.vector_load %arg20[%swap3A_1340] {strides = array<i32>} : memref<768xi32, #tpu.memory_space<vmem>>, vector<16xi32>,
    %swap3A_1342 = vector.shape_cast %swap3A_1341 : vector<16xi32> to vector<16xi32>
    %swap3A_1343 = vector.shape_cast %add3A_1339 : vector<16xi32> to vector<16xi32>
    tpu.vector_store %arg20[%swap3A_1340], %swap3A_1343 {strides = array<i32>} : memref<768xi32, #tpu.memory_space<vmem>>, vector<16xi32>,
    %add3A_1344 = arith.constant 2129920 : i32
    %add3A_1345 = vector.broadcast %add3A_1344 : i32 to vector<16xi32>
    %add3A_1346 = arith.addi %add3A_1325, %add3A_1345 : vector<16xi32>
    %swap3A_1347 = arith.constant 384 : index
    %swap3A_1348 = tpu.vector_load %arg20[%swap3A_1347] {strides = array<i32>} : memref<768xi32, #tpu.memory_space<vmem>>, vector<16xi32>,
    %swap3A_1349 = vector.shape_cast %swap3A_1348 : vector<16xi32> to vector<16xi32>
    %swap3A_1350 = vector.shape_cast %add3A_1346 : vector<16xi32> to vector<16xi32>
    tpu.vector_store %arg20[%swap3A_1347], %swap3A_1350 {strides = array<i32>} : memref<768xi32, #tpu.memory_space<vmem>>, vector<16xi32>,
    %add3A_1351 = arith.constant 16384 : i32
    %add3A_1352 = vector.broadcast %add3A_1351 : i32 to vector<16xi32>
    %add3A_1353 = arith.addi %add3A_1325, %add3A_1352 : vector<16xi32>
    %add3A_1354 = arith.addi %add3A_1353, %mul3A_1329 : vector<16xi32>
    %swap3A_1355 = arith.constant 576 : index
    %swap3A_1356 = tpu.vector_load %arg20[%swap3A_1355] {strides = array<i32>} : memref<768xi32, #tpu.memory_space<vmem>>, vector<16xi32>,
    %swap3A_1357 = vector.shape_cast %swap3A_1356 : vector<16xi32> to vector<16xi32>
    %swap3A_1358 = vector.shape_cast %add3A_1354 : vector<16xi32> to vector<16xi32>
    tpu.vector_store %arg20[%swap3A_1355], %swap3A_1358 {strides = array<i32>} : memref<768xi32, #tpu.memory_space<vmem>>, vector<16xi32>,
    %add3A_1359 = arith.constant 0 : i32
    %add3A_1360 = vector.broadcast %add3A_1359 : i32 to vector<16xi32>
    %add3A_1361 = arith.addi %add3A_1325, %add3A_1360 : vector<16xi32>
    %swap3A_1362 = arith.constant 0 : index
    %swap3A_1363 = tpu.vector_load %arg21[%swap3A_1362] {strides = array<i32>} : memref<192xi32, #tpu.memory_space<vmem>>, vector<16xi32>,
    %swap3A_1364 = vector.shape_cast %swap3A_1363 : vector<16xi32> to vector<16xi32>
    %swap3A_1365 = vector.shape_cast %add3A_1361 : vector<16xi32> to vector<16xi32>
    tpu.vector_store %arg21[%swap3A_1362], %swap3A_1365 {strides = array<i32>} : memref<192xi32, #tpu.memory_space<vmem>>, vector<16xi32>,
    %add3A_1366 = arith.constant 2146304 : i32
    %add3A_1367 = vector.broadcast %add3A_1366 : i32 to vector<16xi32>
    %add3A_1368 = arith.addi %add3A_1325, %add3A_1367 : vector<16xi32>
    %swap3A_1369 = arith.constant 64 : index
    %swap3A_1370 = tpu.vector_load %arg20[%swap3A_1369] {strides = array<i32>} : memref<768xi32, #tpu.memory_space<vmem>>, vector<16xi32>,
    %swap3A_1371 = vector.shape_cast %swap3A_1370 : vector<16xi32> to vector<16xi32>
    %swap3A_1372 = vector.shape_cast %add3A_1368 : vector<16xi32> to vector<16xi32>
    tpu.vector_store %arg20[%swap3A_1369], %swap3A_1372 {strides = array<i32>} : memref<768xi32, #tpu.memory_space<vmem>>, vector<16xi32>,
    %add3A_1373 = arith.constant 4259840 : i32
    %add3A_1374 = vector.broadcast %add3A_1373 : i32 to vector<16xi32>
    %add3A_1375 = arith.addi %add3A_1325, %add3A_1374 : vector<16xi32>
    %swap3A_1376 = arith.constant 256 : index
    %swap3A_1377 = tpu.vector_load %arg20[%swap3A_1376] {strides = array<i32>} : memref<768xi32, #tpu.memory_space<vmem>>, vector<16xi32>,
    %swap3A_1378 = vector.shape_cast %swap3A_1377 : vector<16xi32> to vector<16xi32>
    %swap3A_1379 = vector.shape_cast %add3A_1375 : vector<16xi32> to vector<16xi32>
    tpu.vector_store %arg20[%swap3A_1376], %swap3A_1379 {strides = array<i32>} : memref<768xi32, #tpu.memory_space<vmem>>, vector<16xi32>,
    %add3A_1380 = arith.constant 4276224 : i32
    %add3A_1381 = vector.broadcast %add3A_1380 : i32 to vector<16xi32>
    %add3A_1382 = arith.addi %add3A_1325, %add3A_1381 : vector<16xi32>
    %swap3A_1383 = arith.constant 448 : index
    %swap3A_1384 = tpu.vector_load %arg20[%swap3A_1383] {strides = array<i32>} : memref<768xi32, #tpu.memory_space<vmem>>, vector<16xi32>,
    %swap3A_1385 = vector.shape_cast %swap3A_1384 : vector<16xi32> to vector<16xi32>
    %swap3A_1386 = vector.shape_cast %add3A_1382 : vector<16xi32> to vector<16xi32>
    tpu.vector_store %arg20[%swap3A_1383], %swap3A_1386 {strides = array<i32>} : memref<768xi32, #tpu.memory_space<vmem>>, vector<16xi32>,
    %add3A_1387 = arith.constant 2162688 : i32
    %add3A_1388 = vector.broadcast %add3A_1387 : i32 to vector<16xi32>
    %add3A_1389 = arith.addi %add3A_1325, %add3A_1388 : vector<16xi32>
    %add3A_1390 = arith.addi %add3A_1389, %mul3A_1329 : vector<16xi32>
    %swap3A_1391 = arith.constant 640 : index
    %swap3A_1392 = tpu.vector_load %arg20[%swap3A_1391] {strides = array<i32>} : memref<768xi32, #tpu.memory_space<vmem>>, vector<16xi32>,
    %swap3A_1393 = vector.shape_cast %swap3A_1392 : vector<16xi32> to vector<16xi32>
    %swap3A_1394 = vector.shape_cast %add3A_1390 : vector<16xi32> to vector<16xi32>
    tpu.vector_store %arg20[%swap3A_1391], %swap3A_1394 {strides = array<i32>} : memref<768xi32, #tpu.memory_space<vmem>>, vector<16xi32>,
    %add3A_1395 = arith.constant 16384 : i32
    %add3A_1396 = vector.broadcast %add3A_1395 : i32 to vector<16xi32>
    %add3A_1397 = arith.addi %add3A_1325, %add3A_1396 : vector<16xi32>
    %swap3A_1398 = arith.constant 64 : index
    %swap3A_1399 = tpu.vector_load %arg21[%swap3A_1398] {strides = array<i32>} : memref<192xi32, #tpu.memory_space<vmem>>, vector<16xi32>,
    %swap3A_1400 = vector.shape_cast %swap3A_1399 : vector<16xi32> to vector<16xi32>
    %swap3A_1401 = vector.shape_cast %add3A_1397 : vector<16xi32> to vector<16xi32>
    tpu.vector_store %arg21[%swap3A_1398], %swap3A_1401 {strides = array<i32>} : memref<192xi32, #tpu.memory_space<vmem>>, vector<16xi32>,
    %add3A_1402 = arith.constant 4292608 : i32
    %add3A_1403 = vector.broadcast %add3A_1402 : i32 to vector<16xi32>
    %add3A_1404 = arith.addi %add3A_1325, %add3A_1403 : vector<16xi32>
    %swap3A_1405 = arith.constant 128 : index
    %swap3A_1406 = tpu.vector_load %arg20[%swap3A_1405] {strides = array<i32>} : memref<768xi32, #tpu.memory_space<vmem>>, vector<16xi32>,
    %swap3A_1407 = vector.shape_cast %swap3A_1406 : vector<16xi32> to vector<16xi32>
    %swap3A_1408 = vector.shape_cast %add3A_1404 : vector<16xi32> to vector<16xi32>
    tpu.vector_store %arg20[%swap3A_1405], %swap3A_1408 {strides = array<i32>} : memref<768xi32, #tpu.memory_space<vmem>>, vector<16xi32>,
    %add3A_1409 = arith.constant 6406144 : i32
    %add3A_1410 = vector.broadcast %add3A_1409 : i32 to vector<16xi32>
    %add3A_1411 = arith.addi %add3A_1325, %add3A_1410 : vector<16xi32>
    %swap3A_1412 = arith.constant 320 : index
    %swap3A_1413 = tpu.vector_load %arg20[%swap3A_1412] {strides = array<i32>} : memref<768xi32, #tpu.memory_space<vmem>>, vector<16xi32>,
    %swap3A_1414 = vector.shape_cast %swap3A_1413 : vector<16xi32> to vector<16xi32>
    %swap3A_1415 = vector.shape_cast %add3A_1411 : vector<16xi32> to vector<16xi32>
    tpu.vector_store %arg20[%swap3A_1412], %swap3A_1415 {strides = array<i32>} : memref<768xi32, #tpu.memory_space<vmem>>, vector<16xi32>,
    %add3A_1416 = arith.constant 6422528 : i32
    %add3A_1417 = vector.broadcast %add3A_1416 : i32 to vector<16xi32>
    %add3A_1418 = arith.addi %add3A_1325, %add3A_1417 : vector<16xi32>
    %swap3A_1419 = arith.constant 512 : index
    %swap3A_1420 = tpu.vector_load %arg20[%swap3A_1419] {strides = array<i32>} : memref<768xi32, #tpu.memory_space<vmem>>, vector<16xi32>,
    %swap3A_1421 = vector.shape_cast %swap3A_1420 : vector<16xi32> to vector<16xi32>
    %swap3A_1422 = vector.shape_cast %add3A_1418 : vector<16xi32> to vector<16xi32>
    tpu.vector_store %arg20[%swap3A_1419], %swap3A_1422 {strides = array<i32>} : memref<768xi32, #tpu.memory_space<vmem>>, vector<16xi32>,
    %add3A_1423 = arith.constant 4308992 : i32
    %add3A_1424 = vector.broadcast %add3A_1423 : i32 to vector<16xi32>
    %add3A_1425 = arith.addi %add3A_1325, %add3A_1424 : vector<16xi32>
    %add3A_1426 = arith.addi %add3A_1425, %mul3A_1329 : vector<16xi32>
    %swap3A_1427 = arith.constant 704 : index
    %swap3A_1428 = tpu.vector_load %arg20[%swap3A_1427] {strides = array<i32>} : memref<768xi32, #tpu.memory_space<vmem>>, vector<16xi32>,
    %swap3A_1429 = vector.shape_cast %swap3A_1428 : vector<16xi32> to vector<16xi32>
    %swap3A_1430 = vector.shape_cast %add3A_1426 : vector<16xi32> to vector<16xi32>
    tpu.vector_store %arg20[%swap3A_1427], %swap3A_1430 {strides = array<i32>} : memref<768xi32, #tpu.memory_space<vmem>>, vector<16xi32>,
    %add3A_1431 = arith.constant 32768 : i32
    %add3A_1432 = vector.broadcast %add3A_1431 : i32 to vector<16xi32>
    %add3A_1433 = arith.addi %add3A_1325, %add3A_1432 : vector<16xi32>
    %swap3A_1434 = arith.constant 128 : index
    %swap3A_1435 = tpu.vector_load %arg21[%swap3A_1434] {strides = array<i32>} : memref<192xi32, #tpu.memory_space<vmem>>, vector<16xi32>,
    %swap3A_1436 = vector.shape_cast %swap3A_1435 : vector<16xi32> to vector<16xi32>
    %swap3A_1437 = vector.shape_cast %add3A_1433 : vector<16xi32> to vector<16xi32>
    tpu.vector_store %arg21[%swap3A_1434], %swap3A_1437 {strides = array<i32>} : memref<192xi32, #tpu.memory_space<vmem>>, vector<16xi32>,
    %get3A_1438 = arith.constant 16 : index
    %get3A_1439 = tpu.vector_load %arg17[%get3A_1438] {strides = array<i32>} : memref<64xf32, #tpu.memory_space<vmem>>, vector<16xf32>,
    %get3A_1440 = vector.shape_cast %get3A_1439 : vector<16xf32> to vector<16xf32>
    %get3A_1441 = arith.constant 16 : index
    %get3A_1442 = tpu.vector_load %arg18[%get3A_1441] {strides = array<i32>} : memref<64xf32, #tpu.memory_space<vmem>>, vector<16xf32>,
    %get3A_1443 = vector.shape_cast %get3A_1442 : vector<16xf32> to vector<16xf32>
    %get3A_1444 = arith.constant 16 : index
    %get3A_1445 = tpu.vector_load %arg19[%get3A_1444] {strides = array<i32>} : memref<64xf32, #tpu.memory_space<vmem>>, vector<16xf32>,
    %get3A_1446 = vector.shape_cast %get3A_1445 : vector<16xf32> to vector<16xf32>
    %div3A_1447 = arith.constant 6.000000e+01 : f32
    %div3A_1448 = vector.broadcast %div3A_1447 : f32 to vector<16xf32>
    %div3A_1449 = arith.divf %get3A_1443, %div3A_1448 : vector<16xf32>
    %mul3A_1450 = arith.constant 2.560000e+02 : f32
    %mul3A_1451 = vector.broadcast %mul3A_1450 : f32 to vector<16xf32>
    %mul3A_1452 = arith.mulf %div3A_1449, %mul3A_1451 : vector<16xf32>
    %convert_element_type3A_1453 = arith.fptosi %mul3A_1452 : vector<16xf32> to vector<16xi32>
    %max3A_1454 = arith.constant 0 : i32
    %max3A_1455 = vector.broadcast %max3A_1454 : i32 to vector<16xi32>
    %max3A_1456 = arith.maxsi %convert_element_type3A_1453, %max3A_1455 : vector<16xi32>
    %min3A_1457 = arith.constant 255 : i32
    %min3A_1458 = vector.broadcast %min3A_1457 : i32 to vector<16xi32>
    %min3A_1459 = arith.minsi %max3A_1456, %min3A_1458 : vector<16xi32>
    %convert_element_type3A_1460 = arith.fptosi %get3A_1440 : vector<16xf32> to vector<16xi32>
    %mul3A_1461 = arith.constant 256 : i32
    %mul3A_1462 = vector.broadcast %mul3A_1461 : i32 to vector<16xi32>
    %mul3A_1463 = arith.muli %convert_element_type3A_1460, %mul3A_1462 : vector<16xi32>
    %add3A_1464 = arith.addi %mul3A_1463, %min3A_1459 : vector<16xi32>
    %convert_element_type3A_1465 = arith.fptosi %get3A_1446 : vector<16xf32> to vector<16xi32>
    %mul3A_1466 = arith.constant 16384 : i32
    %mul3A_1467 = vector.broadcast %mul3A_1466 : i32 to vector<16xi32>
    %mul3A_1468 = arith.muli %convert_element_type3A_1465, %mul3A_1467 : vector<16xi32>
    %add3A_1469 = arith.constant 0 : i32
    %add3A_1470 = vector.broadcast %add3A_1469 : i32 to vector<16xi32>
    %add3A_1471 = arith.addi %add3A_1464, %add3A_1470 : vector<16xi32>
    %swap3A_1472 = arith.constant 16 : index
    %swap3A_1473 = tpu.vector_load %arg20[%swap3A_1472] {strides = array<i32>} : memref<768xi32, #tpu.memory_space<vmem>>, vector<16xi32>,
    %swap3A_1474 = vector.shape_cast %swap3A_1473 : vector<16xi32> to vector<16xi32>
    %swap3A_1475 = vector.shape_cast %add3A_1471 : vector<16xi32> to vector<16xi32>
    tpu.vector_store %arg20[%swap3A_1472], %swap3A_1475 {strides = array<i32>} : memref<768xi32, #tpu.memory_space<vmem>>, vector<16xi32>,
    %add3A_1476 = arith.constant 2113536 : i32
    %add3A_1477 = vector.broadcast %add3A_1476 : i32 to vector<16xi32>
    %add3A_1478 = arith.addi %add3A_1464, %add3A_1477 : vector<16xi32>
    %swap3A_1479 = arith.constant 208 : index
    %swap3A_1480 = tpu.vector_load %arg20[%swap3A_1479] {strides = array<i32>} : memref<768xi32, #tpu.memory_space<vmem>>, vector<16xi32>,
    %swap3A_1481 = vector.shape_cast %swap3A_1480 : vector<16xi32> to vector<16xi32>
    %swap3A_1482 = vector.shape_cast %add3A_1478 : vector<16xi32> to vector<16xi32>
    tpu.vector_store %arg20[%swap3A_1479], %swap3A_1482 {strides = array<i32>} : memref<768xi32, #tpu.memory_space<vmem>>, vector<16xi32>,
    %add3A_1483 = arith.constant 2129920 : i32
    %add3A_1484 = vector.broadcast %add3A_1483 : i32 to vector<16xi32>
    %add3A_1485 = arith.addi %add3A_1464, %add3A_1484 : vector<16xi32>
    %swap3A_1486 = arith.constant 400 : index
    %swap3A_1487 = tpu.vector_load %arg20[%swap3A_1486] {strides = array<i32>} : memref<768xi32, #tpu.memory_space<vmem>>, vector<16xi32>,
    %swap3A_1488 = vector.shape_cast %swap3A_1487 : vector<16xi32> to vector<16xi32>
    %swap3A_1489 = vector.shape_cast %add3A_1485 : vector<16xi32> to vector<16xi32>
    tpu.vector_store %arg20[%swap3A_1486], %swap3A_1489 {strides = array<i32>} : memref<768xi32, #tpu.memory_space<vmem>>, vector<16xi32>,
    %add3A_1490 = arith.constant 16384 : i32
    %add3A_1491 = vector.broadcast %add3A_1490 : i32 to vector<16xi32>
    %add3A_1492 = arith.addi %add3A_1464, %add3A_1491 : vector<16xi32>
    %add3A_1493 = arith.addi %add3A_1492, %mul3A_1468 : vector<16xi32>
    %swap3A_1494 = arith.constant 592 : index
    %swap3A_1495 = tpu.vector_load %arg20[%swap3A_1494] {strides = array<i32>} : memref<768xi32, #tpu.memory_space<vmem>>, vector<16xi32>,
    %swap3A_1496 = vector.shape_cast %swap3A_1495 : vector<16xi32> to vector<16xi32>
    %swap3A_1497 = vector.shape_cast %add3A_1493 : vector<16xi32> to vector<16xi32>
    tpu.vector_store %arg20[%swap3A_1494], %swap3A_1497 {strides = array<i32>} : memref<768xi32, #tpu.memory_space<vmem>>, vector<16xi32>,
    %add3A_1498 = arith.constant 0 : i32
    %add3A_1499 = vector.broadcast %add3A_1498 : i32 to vector<16xi32>
    %add3A_1500 = arith.addi %add3A_1464, %add3A_1499 : vector<16xi32>
    %swap3A_1501 = arith.constant 16 : index
    %swap3A_1502 = tpu.vector_load %arg21[%swap3A_1501] {strides = array<i32>} : memref<192xi32, #tpu.memory_space<vmem>>, vector<16xi32>,
    %swap3A_1503 = vector.shape_cast %swap3A_1502 : vector<16xi32> to vector<16xi32>
    %swap3A_1504 = vector.shape_cast %add3A_1500 : vector<16xi32> to vector<16xi32>
    tpu.vector_store %arg21[%swap3A_1501], %swap3A_1504 {strides = array<i32>} : memref<192xi32, #tpu.memory_space<vmem>>, vector<16xi32>,
    %add3A_1505 = arith.constant 2146304 : i32
    %add3A_1506 = vector.broadcast %add3A_1505 : i32 to vector<16xi32>
    %add3A_1507 = arith.addi %add3A_1464, %add3A_1506 : vector<16xi32>
    %swap3A_1508 = arith.constant 80 : index
    %swap3A_1509 = tpu.vector_load %arg20[%swap3A_1508] {strides = array<i32>} : memref<768xi32, #tpu.memory_space<vmem>>, vector<16xi32>,
    %swap3A_1510 = vector.shape_cast %swap3A_1509 : vector<16xi32> to vector<16xi32>
    %swap3A_1511 = vector.shape_cast %add3A_1507 : vector<16xi32> to vector<16xi32>
    tpu.vector_store %arg20[%swap3A_1508], %swap3A_1511 {strides = array<i32>} : memref<768xi32, #tpu.memory_space<vmem>>, vector<16xi32>,
    %add3A_1512 = arith.constant 4259840 : i32
    %add3A_1513 = vector.broadcast %add3A_1512 : i32 to vector<16xi32>
    %add3A_1514 = arith.addi %add3A_1464, %add3A_1513 : vector<16xi32>
    %swap3A_1515 = arith.constant 272 : index
    %swap3A_1516 = tpu.vector_load %arg20[%swap3A_1515] {strides = array<i32>} : memref<768xi32, #tpu.memory_space<vmem>>, vector<16xi32>,
    %swap3A_1517 = vector.shape_cast %swap3A_1516 : vector<16xi32> to vector<16xi32>
    %swap3A_1518 = vector.shape_cast %add3A_1514 : vector<16xi32> to vector<16xi32>
    tpu.vector_store %arg20[%swap3A_1515], %swap3A_1518 {strides = array<i32>} : memref<768xi32, #tpu.memory_space<vmem>>, vector<16xi32>,
    %add3A_1519 = arith.constant 4276224 : i32
    %add3A_1520 = vector.broadcast %add3A_1519 : i32 to vector<16xi32>
    %add3A_1521 = arith.addi %add3A_1464, %add3A_1520 : vector<16xi32>
    %swap3A_1522 = arith.constant 464 : index
    %swap3A_1523 = tpu.vector_load %arg20[%swap3A_1522] {strides = array<i32>} : memref<768xi32, #tpu.memory_space<vmem>>, vector<16xi32>,
    %swap3A_1524 = vector.shape_cast %swap3A_1523 : vector<16xi32> to vector<16xi32>
    %swap3A_1525 = vector.shape_cast %add3A_1521 : vector<16xi32> to vector<16xi32>
    tpu.vector_store %arg20[%swap3A_1522], %swap3A_1525 {strides = array<i32>} : memref<768xi32, #tpu.memory_space<vmem>>, vector<16xi32>,
    %add3A_1526 = arith.constant 2162688 : i32
    %add3A_1527 = vector.broadcast %add3A_1526 : i32 to vector<16xi32>
    %add3A_1528 = arith.addi %add3A_1464, %add3A_1527 : vector<16xi32>
    %add3A_1529 = arith.addi %add3A_1528, %mul3A_1468 : vector<16xi32>
    %swap3A_1530 = arith.constant 656 : index
    %swap3A_1531 = tpu.vector_load %arg20[%swap3A_1530] {strides = array<i32>} : memref<768xi32, #tpu.memory_space<vmem>>, vector<16xi32>,
    %swap3A_1532 = vector.shape_cast %swap3A_1531 : vector<16xi32> to vector<16xi32>
    %swap3A_1533 = vector.shape_cast %add3A_1529 : vector<16xi32> to vector<16xi32>
    tpu.vector_store %arg20[%swap3A_1530], %swap3A_1533 {strides = array<i32>} : memref<768xi32, #tpu.memory_space<vmem>>, vector<16xi32>,
    %add3A_1534 = arith.constant 16384 : i32
    %add3A_1535 = vector.broadcast %add3A_1534 : i32 to vector<16xi32>
    %add3A_1536 = arith.addi %add3A_1464, %add3A_1535 : vector<16xi32>
    %swap3A_1537 = arith.constant 80 : index
    %swap3A_1538 = tpu.vector_load %arg21[%swap3A_1537] {strides = array<i32>} : memref<192xi32, #tpu.memory_space<vmem>>, vector<16xi32>,
    %swap3A_1539 = vector.shape_cast %swap3A_1538 : vector<16xi32> to vector<16xi32>
    %swap3A_1540 = vector.shape_cast %add3A_1536 : vector<16xi32> to vector<16xi32>
    tpu.vector_store %arg21[%swap3A_1537], %swap3A_1540 {strides = array<i32>} : memref<192xi32, #tpu.memory_space<vmem>>, vector<16xi32>,
    %add3A_1541 = arith.constant 4292608 : i32
    %add3A_1542 = vector.broadcast %add3A_1541 : i32 to vector<16xi32>
    %add3A_1543 = arith.addi %add3A_1464, %add3A_1542 : vector<16xi32>
    %swap3A_1544 = arith.constant 144 : index
    %swap3A_1545 = tpu.vector_load %arg20[%swap3A_1544] {strides = array<i32>} : memref<768xi32, #tpu.memory_space<vmem>>, vector<16xi32>,
    %swap3A_1546 = vector.shape_cast %swap3A_1545 : vector<16xi32> to vector<16xi32>
    %swap3A_1547 = vector.shape_cast %add3A_1543 : vector<16xi32> to vector<16xi32>
    tpu.vector_store %arg20[%swap3A_1544], %swap3A_1547 {strides = array<i32>} : memref<768xi32, #tpu.memory_space<vmem>>, vector<16xi32>,
    %add3A_1548 = arith.constant 6406144 : i32
    %add3A_1549 = vector.broadcast %add3A_1548 : i32 to vector<16xi32>
    %add3A_1550 = arith.addi %add3A_1464, %add3A_1549 : vector<16xi32>
    %swap3A_1551 = arith.constant 336 : index
    %swap3A_1552 = tpu.vector_load %arg20[%swap3A_1551] {strides = array<i32>} : memref<768xi32, #tpu.memory_space<vmem>>, vector<16xi32>,
    %swap3A_1553 = vector.shape_cast %swap3A_1552 : vector<16xi32> to vector<16xi32>
    %swap3A_1554 = vector.shape_cast %add3A_1550 : vector<16xi32> to vector<16xi32>
    tpu.vector_store %arg20[%swap3A_1551], %swap3A_1554 {strides = array<i32>} : memref<768xi32, #tpu.memory_space<vmem>>, vector<16xi32>,
    %add3A_1555 = arith.constant 6422528 : i32
    %add3A_1556 = vector.broadcast %add3A_1555 : i32 to vector<16xi32>
    %add3A_1557 = arith.addi %add3A_1464, %add3A_1556 : vector<16xi32>
    %swap3A_1558 = arith.constant 528 : index
    %swap3A_1559 = tpu.vector_load %arg20[%swap3A_1558] {strides = array<i32>} : memref<768xi32, #tpu.memory_space<vmem>>, vector<16xi32>,
    %swap3A_1560 = vector.shape_cast %swap3A_1559 : vector<16xi32> to vector<16xi32>
    %swap3A_1561 = vector.shape_cast %add3A_1557 : vector<16xi32> to vector<16xi32>
    tpu.vector_store %arg20[%swap3A_1558], %swap3A_1561 {strides = array<i32>} : memref<768xi32, #tpu.memory_space<vmem>>, vector<16xi32>,
    %add3A_1562 = arith.constant 4308992 : i32
    %add3A_1563 = vector.broadcast %add3A_1562 : i32 to vector<16xi32>
    %add3A_1564 = arith.addi %add3A_1464, %add3A_1563 : vector<16xi32>
    %add3A_1565 = arith.addi %add3A_1564, %mul3A_1468 : vector<16xi32>
    %swap3A_1566 = arith.constant 720 : index
    %swap3A_1567 = tpu.vector_load %arg20[%swap3A_1566] {strides = array<i32>} : memref<768xi32, #tpu.memory_space<vmem>>, vector<16xi32>,
    %swap3A_1568 = vector.shape_cast %swap3A_1567 : vector<16xi32> to vector<16xi32>
    %swap3A_1569 = vector.shape_cast %add3A_1565 : vector<16xi32> to vector<16xi32>
    tpu.vector_store %arg20[%swap3A_1566], %swap3A_1569 {strides = array<i32>} : memref<768xi32, #tpu.memory_space<vmem>>, vector<16xi32>,
    %add3A_1570 = arith.constant 32768 : i32
    %add3A_1571 = vector.broadcast %add3A_1570 : i32 to vector<16xi32>
    %add3A_1572 = arith.addi %add3A_1464, %add3A_1571 : vector<16xi32>
    %swap3A_1573 = arith.constant 144 : index
    %swap3A_1574 = tpu.vector_load %arg21[%swap3A_1573] {strides = array<i32>} : memref<192xi32, #tpu.memory_space<vmem>>, vector<16xi32>,
    %swap3A_1575 = vector.shape_cast %swap3A_1574 : vector<16xi32> to vector<16xi32>
    %swap3A_1576 = vector.shape_cast %add3A_1572 : vector<16xi32> to vector<16xi32>
    tpu.vector_store %arg21[%swap3A_1573], %swap3A_1576 {strides = array<i32>} : memref<192xi32, #tpu.memory_space<vmem>>, vector<16xi32>,
    %get3A_1577 = arith.constant 32 : index
    %get3A_1578 = tpu.vector_load %arg17[%get3A_1577] {strides = array<i32>} : memref<64xf32, #tpu.memory_space<vmem>>, vector<16xf32>,
    %get3A_1579 = vector.shape_cast %get3A_1578 : vector<16xf32> to vector<16xf32>
    %get3A_1580 = arith.constant 32 : index
    %get3A_1581 = tpu.vector_load %arg18[%get3A_1580] {strides = array<i32>} : memref<64xf32, #tpu.memory_space<vmem>>, vector<16xf32>,
    %get3A_1582 = vector.shape_cast %get3A_1581 : vector<16xf32> to vector<16xf32>
    %get3A_1583 = arith.constant 32 : index
    %get3A_1584 = tpu.vector_load %arg19[%get3A_1583] {strides = array<i32>} : memref<64xf32, #tpu.memory_space<vmem>>, vector<16xf32>,
    %get3A_1585 = vector.shape_cast %get3A_1584 : vector<16xf32> to vector<16xf32>
    %div3A_1586 = arith.constant 6.000000e+01 : f32
    %div3A_1587 = vector.broadcast %div3A_1586 : f32 to vector<16xf32>
    %div3A_1588 = arith.divf %get3A_1582, %div3A_1587 : vector<16xf32>
    %mul3A_1589 = arith.constant 2.560000e+02 : f32
    %mul3A_1590 = vector.broadcast %mul3A_1589 : f32 to vector<16xf32>
    %mul3A_1591 = arith.mulf %div3A_1588, %mul3A_1590 : vector<16xf32>
    %convert_element_type3A_1592 = arith.fptosi %mul3A_1591 : vector<16xf32> to vector<16xi32>
    %max3A_1593 = arith.constant 0 : i32
    %max3A_1594 = vector.broadcast %max3A_1593 : i32 to vector<16xi32>
    %max3A_1595 = arith.maxsi %convert_element_type3A_1592, %max3A_1594 : vector<16xi32>
    %min3A_1596 = arith.constant 255 : i32
    %min3A_1597 = vector.broadcast %min3A_1596 : i32 to vector<16xi32>
    %min3A_1598 = arith.minsi %max3A_1595, %min3A_1597 : vector<16xi32>
    %convert_element_type3A_1599 = arith.fptosi %get3A_1579 : vector<16xf32> to vector<16xi32>
    %mul3A_1600 = arith.constant 256 : i32
    %mul3A_1601 = vector.broadcast %mul3A_1600 : i32 to vector<16xi32>
    %mul3A_1602 = arith.muli %convert_element_type3A_1599, %mul3A_1601 : vector<16xi32>
    %add3A_1603 = arith.addi %mul3A_1602, %min3A_1598 : vector<16xi32>
    %convert_element_type3A_1604 = arith.fptosi %get3A_1585 : vector<16xf32> to vector<16xi32>
    %mul3A_1605 = arith.constant 16384 : i32
    %mul3A_1606 = vector.broadcast %mul3A_1605 : i32 to vector<16xi32>
    %mul3A_1607 = arith.muli %convert_element_type3A_1604, %mul3A_1606 : vector<16xi32>
    %add3A_1608 = arith.constant 0 : i32
    %add3A_1609 = vector.broadcast %add3A_1608 : i32 to vector<16xi32>
    %add3A_1610 = arith.addi %add3A_1603, %add3A_1609 : vector<16xi32>
    %swap3A_1611 = arith.constant 32 : index
    %swap3A_1612 = tpu.vector_load %arg20[%swap3A_1611] {strides = array<i32>} : memref<768xi32, #tpu.memory_space<vmem>>, vector<16xi32>,
    %swap3A_1613 = vector.shape_cast %swap3A_1612 : vector<16xi32> to vector<16xi32>
    %swap3A_1614 = vector.shape_cast %add3A_1610 : vector<16xi32> to vector<16xi32>
    tpu.vector_store %arg20[%swap3A_1611], %swap3A_1614 {strides = array<i32>} : memref<768xi32, #tpu.memory_space<vmem>>, vector<16xi32>,
    %add3A_1615 = arith.constant 2113536 : i32
    %add3A_1616 = vector.broadcast %add3A_1615 : i32 to vector<16xi32>
    %add3A_1617 = arith.addi %add3A_1603, %add3A_1616 : vector<16xi32>
    %swap3A_1618 = arith.constant 224 : index
    %swap3A_1619 = tpu.vector_load %arg20[%swap3A_1618] {strides = array<i32>} : memref<768xi32, #tpu.memory_space<vmem>>, vector<16xi32>,
    %swap3A_1620 = vector.shape_cast %swap3A_1619 : vector<16xi32> to vector<16xi32>
    %swap3A_1621 = vector.shape_cast %add3A_1617 : vector<16xi32> to vector<16xi32>
    tpu.vector_store %arg20[%swap3A_1618], %swap3A_1621 {strides = array<i32>} : memref<768xi32, #tpu.memory_space<vmem>>, vector<16xi32>,
    %add3A_1622 = arith.constant 2129920 : i32
    %add3A_1623 = vector.broadcast %add3A_1622 : i32 to vector<16xi32>
    %add3A_1624 = arith.addi %add3A_1603, %add3A_1623 : vector<16xi32>
    %swap3A_1625 = arith.constant 416 : index
    %swap3A_1626 = tpu.vector_load %arg20[%swap3A_1625] {strides = array<i32>} : memref<768xi32, #tpu.memory_space<vmem>>, vector<16xi32>,
    %swap3A_1627 = vector.shape_cast %swap3A_1626 : vector<16xi32> to vector<16xi32>
    %swap3A_1628 = vector.shape_cast %add3A_1624 : vector<16xi32> to vector<16xi32>
    tpu.vector_store %arg20[%swap3A_1625], %swap3A_1628 {strides = array<i32>} : memref<768xi32, #tpu.memory_space<vmem>>, vector<16xi32>,
    %add3A_1629 = arith.constant 16384 : i32
    %add3A_1630 = vector.broadcast %add3A_1629 : i32 to vector<16xi32>
    %add3A_1631 = arith.addi %add3A_1603, %add3A_1630 : vector<16xi32>
    %add3A_1632 = arith.addi %add3A_1631, %mul3A_1607 : vector<16xi32>
    %swap3A_1633 = arith.constant 608 : index
    %swap3A_1634 = tpu.vector_load %arg20[%swap3A_1633] {strides = array<i32>} : memref<768xi32, #tpu.memory_space<vmem>>, vector<16xi32>,
    %swap3A_1635 = vector.shape_cast %swap3A_1634 : vector<16xi32> to vector<16xi32>
    %swap3A_1636 = vector.shape_cast %add3A_1632 : vector<16xi32> to vector<16xi32>
    tpu.vector_store %arg20[%swap3A_1633], %swap3A_1636 {strides = array<i32>} : memref<768xi32, #tpu.memory_space<vmem>>, vector<16xi32>,
    %add3A_1637 = arith.constant 0 : i32
    %add3A_1638 = vector.broadcast %add3A_1637 : i32 to vector<16xi32>
    %add3A_1639 = arith.addi %add3A_1603, %add3A_1638 : vector<16xi32>
    %swap3A_1640 = arith.constant 32 : index
    %swap3A_1641 = tpu.vector_load %arg21[%swap3A_1640] {strides = array<i32>} : memref<192xi32, #tpu.memory_space<vmem>>, vector<16xi32>,
    %swap3A_1642 = vector.shape_cast %swap3A_1641 : vector<16xi32> to vector<16xi32>
    %swap3A_1643 = vector.shape_cast %add3A_1639 : vector<16xi32> to vector<16xi32>
    tpu.vector_store %arg21[%swap3A_1640], %swap3A_1643 {strides = array<i32>} : memref<192xi32, #tpu.memory_space<vmem>>, vector<16xi32>,
    %add3A_1644 = arith.constant 2146304 : i32
    %add3A_1645 = vector.broadcast %add3A_1644 : i32 to vector<16xi32>
    %add3A_1646 = arith.addi %add3A_1603, %add3A_1645 : vector<16xi32>
    %swap3A_1647 = arith.constant 96 : index
    %swap3A_1648 = tpu.vector_load %arg20[%swap3A_1647] {strides = array<i32>} : memref<768xi32, #tpu.memory_space<vmem>>, vector<16xi32>,
    %swap3A_1649 = vector.shape_cast %swap3A_1648 : vector<16xi32> to vector<16xi32>
    %swap3A_1650 = vector.shape_cast %add3A_1646 : vector<16xi32> to vector<16xi32>
    tpu.vector_store %arg20[%swap3A_1647], %swap3A_1650 {strides = array<i32>} : memref<768xi32, #tpu.memory_space<vmem>>, vector<16xi32>,
    %add3A_1651 = arith.constant 4259840 : i32
    %add3A_1652 = vector.broadcast %add3A_1651 : i32 to vector<16xi32>
    %add3A_1653 = arith.addi %add3A_1603, %add3A_1652 : vector<16xi32>
    %swap3A_1654 = arith.constant 288 : index
    %swap3A_1655 = tpu.vector_load %arg20[%swap3A_1654] {strides = array<i32>} : memref<768xi32, #tpu.memory_space<vmem>>, vector<16xi32>,
    %swap3A_1656 = vector.shape_cast %swap3A_1655 : vector<16xi32> to vector<16xi32>
    %swap3A_1657 = vector.shape_cast %add3A_1653 : vector<16xi32> to vector<16xi32>
    tpu.vector_store %arg20[%swap3A_1654], %swap3A_1657 {strides = array<i32>} : memref<768xi32, #tpu.memory_space<vmem>>, vector<16xi32>,
    %add3A_1658 = arith.constant 4276224 : i32
    %add3A_1659 = vector.broadcast %add3A_1658 : i32 to vector<16xi32>
    %add3A_1660 = arith.addi %add3A_1603, %add3A_1659 : vector<16xi32>
    %swap3A_1661 = arith.constant 480 : index
    %swap3A_1662 = tpu.vector_load %arg20[%swap3A_1661] {strides = array<i32>} : memref<768xi32, #tpu.memory_space<vmem>>, vector<16xi32>,
    %swap3A_1663 = vector.shape_cast %swap3A_1662 : vector<16xi32> to vector<16xi32>
    %swap3A_1664 = vector.shape_cast %add3A_1660 : vector<16xi32> to vector<16xi32>
    tpu.vector_store %arg20[%swap3A_1661], %swap3A_1664 {strides = array<i32>} : memref<768xi32, #tpu.memory_space<vmem>>, vector<16xi32>,
    %add3A_1665 = arith.constant 2162688 : i32
    %add3A_1666 = vector.broadcast %add3A_1665 : i32 to vector<16xi32>
    %add3A_1667 = arith.addi %add3A_1603, %add3A_1666 : vector<16xi32>
    %add3A_1668 = arith.addi %add3A_1667, %mul3A_1607 : vector<16xi32>
    %swap3A_1669 = arith.constant 672 : index
    %swap3A_1670 = tpu.vector_load %arg20[%swap3A_1669] {strides = array<i32>} : memref<768xi32, #tpu.memory_space<vmem>>, vector<16xi32>,
    %swap3A_1671 = vector.shape_cast %swap3A_1670 : vector<16xi32> to vector<16xi32>
    %swap3A_1672 = vector.shape_cast %add3A_1668 : vector<16xi32> to vector<16xi32>
    tpu.vector_store %arg20[%swap3A_1669], %swap3A_1672 {strides = array<i32>} : memref<768xi32, #tpu.memory_space<vmem>>, vector<16xi32>,
    %add3A_1673 = arith.constant 16384 : i32
    %add3A_1674 = vector.broadcast %add3A_1673 : i32 to vector<16xi32>
    %add3A_1675 = arith.addi %add3A_1603, %add3A_1674 : vector<16xi32>
    %swap3A_1676 = arith.constant 96 : index
    %swap3A_1677 = tpu.vector_load %arg21[%swap3A_1676] {strides = array<i32>} : memref<192xi32, #tpu.memory_space<vmem>>, vector<16xi32>,
    %swap3A_1678 = vector.shape_cast %swap3A_1677 : vector<16xi32> to vector<16xi32>
    %swap3A_1679 = vector.shape_cast %add3A_1675 : vector<16xi32> to vector<16xi32>
    tpu.vector_store %arg21[%swap3A_1676], %swap3A_1679 {strides = array<i32>} : memref<192xi32, #tpu.memory_space<vmem>>, vector<16xi32>,
    %add3A_1680 = arith.constant 4292608 : i32
    %add3A_1681 = vector.broadcast %add3A_1680 : i32 to vector<16xi32>
    %add3A_1682 = arith.addi %add3A_1603, %add3A_1681 : vector<16xi32>
    %swap3A_1683 = arith.constant 160 : index
    %swap3A_1684 = tpu.vector_load %arg20[%swap3A_1683] {strides = array<i32>} : memref<768xi32, #tpu.memory_space<vmem>>, vector<16xi32>,
    %swap3A_1685 = vector.shape_cast %swap3A_1684 : vector<16xi32> to vector<16xi32>
    %swap3A_1686 = vector.shape_cast %add3A_1682 : vector<16xi32> to vector<16xi32>
    tpu.vector_store %arg20[%swap3A_1683], %swap3A_1686 {strides = array<i32>} : memref<768xi32, #tpu.memory_space<vmem>>, vector<16xi32>,
    %add3A_1687 = arith.constant 6406144 : i32
    %add3A_1688 = vector.broadcast %add3A_1687 : i32 to vector<16xi32>
    %add3A_1689 = arith.addi %add3A_1603, %add3A_1688 : vector<16xi32>
    %swap3A_1690 = arith.constant 352 : index
    %swap3A_1691 = tpu.vector_load %arg20[%swap3A_1690] {strides = array<i32>} : memref<768xi32, #tpu.memory_space<vmem>>, vector<16xi32>,
    %swap3A_1692 = vector.shape_cast %swap3A_1691 : vector<16xi32> to vector<16xi32>
    %swap3A_1693 = vector.shape_cast %add3A_1689 : vector<16xi32> to vector<16xi32>
    tpu.vector_store %arg20[%swap3A_1690], %swap3A_1693 {strides = array<i32>} : memref<768xi32, #tpu.memory_space<vmem>>, vector<16xi32>,
    %add3A_1694 = arith.constant 6422528 : i32
    %add3A_1695 = vector.broadcast %add3A_1694 : i32 to vector<16xi32>
    %add3A_1696 = arith.addi %add3A_1603, %add3A_1695 : vector<16xi32>
    %swap3A_1697 = arith.constant 544 : index
    %swap3A_1698 = tpu.vector_load %arg20[%swap3A_1697] {strides = array<i32>} : memref<768xi32, #tpu.memory_space<vmem>>, vector<16xi32>,
    %swap3A_1699 = vector.shape_cast %swap3A_1698 : vector<16xi32> to vector<16xi32>
    %swap3A_1700 = vector.shape_cast %add3A_1696 : vector<16xi32> to vector<16xi32>
    tpu.vector_store %arg20[%swap3A_1697], %swap3A_1700 {strides = array<i32>} : memref<768xi32, #tpu.memory_space<vmem>>, vector<16xi32>,
    %add3A_1701 = arith.constant 4308992 : i32
    %add3A_1702 = vector.broadcast %add3A_1701 : i32 to vector<16xi32>
    %add3A_1703 = arith.addi %add3A_1603, %add3A_1702 : vector<16xi32>
    %add3A_1704 = arith.addi %add3A_1703, %mul3A_1607 : vector<16xi32>
    %swap3A_1705 = arith.constant 736 : index
    %swap3A_1706 = tpu.vector_load %arg20[%swap3A_1705] {strides = array<i32>} : memref<768xi32, #tpu.memory_space<vmem>>, vector<16xi32>,
    %swap3A_1707 = vector.shape_cast %swap3A_1706 : vector<16xi32> to vector<16xi32>
    %swap3A_1708 = vector.shape_cast %add3A_1704 : vector<16xi32> to vector<16xi32>
    tpu.vector_store %arg20[%swap3A_1705], %swap3A_1708 {strides = array<i32>} : memref<768xi32, #tpu.memory_space<vmem>>, vector<16xi32>,
    %add3A_1709 = arith.constant 32768 : i32
    %add3A_1710 = vector.broadcast %add3A_1709 : i32 to vector<16xi32>
    %add3A_1711 = arith.addi %add3A_1603, %add3A_1710 : vector<16xi32>
    %swap3A_1712 = arith.constant 160 : index
    %swap3A_1713 = tpu.vector_load %arg21[%swap3A_1712] {strides = array<i32>} : memref<192xi32, #tpu.memory_space<vmem>>, vector<16xi32>,
    %swap3A_1714 = vector.shape_cast %swap3A_1713 : vector<16xi32> to vector<16xi32>
    %swap3A_1715 = vector.shape_cast %add3A_1711 : vector<16xi32> to vector<16xi32>
    tpu.vector_store %arg21[%swap3A_1712], %swap3A_1715 {strides = array<i32>} : memref<192xi32, #tpu.memory_space<vmem>>, vector<16xi32>,
    %get3A_1716 = arith.constant 48 : index
    %get3A_1717 = tpu.vector_load %arg17[%get3A_1716] {strides = array<i32>} : memref<64xf32, #tpu.memory_space<vmem>>, vector<16xf32>,
    %get3A_1718 = vector.shape_cast %get3A_1717 : vector<16xf32> to vector<16xf32>
    %get3A_1719 = arith.constant 48 : index
    %get3A_1720 = tpu.vector_load %arg18[%get3A_1719] {strides = array<i32>} : memref<64xf32, #tpu.memory_space<vmem>>, vector<16xf32>,
    %get3A_1721 = vector.shape_cast %get3A_1720 : vector<16xf32> to vector<16xf32>
    %get3A_1722 = arith.constant 48 : index
    %get3A_1723 = tpu.vector_load %arg19[%get3A_1722] {strides = array<i32>} : memref<64xf32, #tpu.memory_space<vmem>>, vector<16xf32>,
    %get3A_1724 = vector.shape_cast %get3A_1723 : vector<16xf32> to vector<16xf32>
    %div3A_1725 = arith.constant 6.000000e+01 : f32
    %div3A_1726 = vector.broadcast %div3A_1725 : f32 to vector<16xf32>
    %div3A_1727 = arith.divf %get3A_1721, %div3A_1726 : vector<16xf32>
    %mul3A_1728 = arith.constant 2.560000e+02 : f32
    %mul3A_1729 = vector.broadcast %mul3A_1728 : f32 to vector<16xf32>
    %mul3A_1730 = arith.mulf %div3A_1727, %mul3A_1729 : vector<16xf32>
    %convert_element_type3A_1731 = arith.fptosi %mul3A_1730 : vector<16xf32> to vector<16xi32>
    %max3A_1732 = arith.constant 0 : i32
    %max3A_1733 = vector.broadcast %max3A_1732 : i32 to vector<16xi32>
    %max3A_1734 = arith.maxsi %convert_element_type3A_1731, %max3A_1733 : vector<16xi32>
    %min3A_1735 = arith.constant 255 : i32
    %min3A_1736 = vector.broadcast %min3A_1735 : i32 to vector<16xi32>
    %min3A_1737 = arith.minsi %max3A_1734, %min3A_1736 : vector<16xi32>
    %convert_element_type3A_1738 = arith.fptosi %get3A_1718 : vector<16xf32> to vector<16xi32>
    %mul3A_1739 = arith.constant 256 : i32
    %mul3A_1740 = vector.broadcast %mul3A_1739 : i32 to vector<16xi32>
    %mul3A_1741 = arith.muli %convert_element_type3A_1738, %mul3A_1740 : vector<16xi32>
    %add3A_1742 = arith.addi %mul3A_1741, %min3A_1737 : vector<16xi32>
    %convert_element_type3A_1743 = arith.fptosi %get3A_1724 : vector<16xf32> to vector<16xi32>
    %mul3A_1744 = arith.constant 16384 : i32
    %mul3A_1745 = vector.broadcast %mul3A_1744 : i32 to vector<16xi32>
    %mul3A_1746 = arith.muli %convert_element_type3A_1743, %mul3A_1745 : vector<16xi32>
    %add3A_1747 = arith.constant 0 : i32
    %add3A_1748 = vector.broadcast %add3A_1747 : i32 to vector<16xi32>
    %add3A_1749 = arith.addi %add3A_1742, %add3A_1748 : vector<16xi32>
    %swap3A_1750 = arith.constant 48 : index
    %swap3A_1751 = tpu.vector_load %arg20[%swap3A_1750] {strides = array<i32>} : memref<768xi32, #tpu.memory_space<vmem>>, vector<16xi32>,
    %swap3A_1752 = vector.shape_cast %swap3A_1751 : vector<16xi32> to vector<16xi32>
    %swap3A_1753 = vector.shape_cast %add3A_1749 : vector<16xi32> to vector<16xi32>
    tpu.vector_store %arg20[%swap3A_1750], %swap3A_1753 {strides = array<i32>} : memref<768xi32, #tpu.memory_space<vmem>>, vector<16xi32>,
    %add3A_1754 = arith.constant 2113536 : i32
    %add3A_1755 = vector.broadcast %add3A_1754 : i32 to vector<16xi32>
    %add3A_1756 = arith.addi %add3A_1742, %add3A_1755 : vector<16xi32>
    %swap3A_1757 = arith.constant 240 : index
    %swap3A_1758 = tpu.vector_load %arg20[%swap3A_1757] {strides = array<i32>} : memref<768xi32, #tpu.memory_space<vmem>>, vector<16xi32>,
    %swap3A_1759 = vector.shape_cast %swap3A_1758 : vector<16xi32> to vector<16xi32>
    %swap3A_1760 = vector.shape_cast %add3A_1756 : vector<16xi32> to vector<16xi32>
    tpu.vector_store %arg20[%swap3A_1757], %swap3A_1760 {strides = array<i32>} : memref<768xi32, #tpu.memory_space<vmem>>, vector<16xi32>,
    %add3A_1761 = arith.constant 2129920 : i32
    %add3A_1762 = vector.broadcast %add3A_1761 : i32 to vector<16xi32>
    %add3A_1763 = arith.addi %add3A_1742, %add3A_1762 : vector<16xi32>
    %swap3A_1764 = arith.constant 432 : index
    %swap3A_1765 = tpu.vector_load %arg20[%swap3A_1764] {strides = array<i32>} : memref<768xi32, #tpu.memory_space<vmem>>, vector<16xi32>,
    %swap3A_1766 = vector.shape_cast %swap3A_1765 : vector<16xi32> to vector<16xi32>
    %swap3A_1767 = vector.shape_cast %add3A_1763 : vector<16xi32> to vector<16xi32>
    tpu.vector_store %arg20[%swap3A_1764], %swap3A_1767 {strides = array<i32>} : memref<768xi32, #tpu.memory_space<vmem>>, vector<16xi32>,
    %add3A_1768 = arith.constant 16384 : i32
    %add3A_1769 = vector.broadcast %add3A_1768 : i32 to vector<16xi32>
    %add3A_1770 = arith.addi %add3A_1742, %add3A_1769 : vector<16xi32>
    %add3A_1771 = arith.addi %add3A_1770, %mul3A_1746 : vector<16xi32>
    %swap3A_1772 = arith.constant 624 : index
    %swap3A_1773 = tpu.vector_load %arg20[%swap3A_1772] {strides = array<i32>} : memref<768xi32, #tpu.memory_space<vmem>>, vector<16xi32>,
    %swap3A_1774 = vector.shape_cast %swap3A_1773 : vector<16xi32> to vector<16xi32>
    %swap3A_1775 = vector.shape_cast %add3A_1771 : vector<16xi32> to vector<16xi32>
    tpu.vector_store %arg20[%swap3A_1772], %swap3A_1775 {strides = array<i32>} : memref<768xi32, #tpu.memory_space<vmem>>, vector<16xi32>,
    %add3A_1776 = arith.constant 0 : i32
    %add3A_1777 = vector.broadcast %add3A_1776 : i32 to vector<16xi32>
    %add3A_1778 = arith.addi %add3A_1742, %add3A_1777 : vector<16xi32>
    %swap3A_1779 = arith.constant 48 : index
    %swap3A_1780 = tpu.vector_load %arg21[%swap3A_1779] {strides = array<i32>} : memref<192xi32, #tpu.memory_space<vmem>>, vector<16xi32>,
    %swap3A_1781 = vector.shape_cast %swap3A_1780 : vector<16xi32> to vector<16xi32>
    %swap3A_1782 = vector.shape_cast %add3A_1778 : vector<16xi32> to vector<16xi32>
    tpu.vector_store %arg21[%swap3A_1779], %swap3A_1782 {strides = array<i32>} : memref<192xi32, #tpu.memory_space<vmem>>, vector<16xi32>,
    %add3A_1783 = arith.constant 2146304 : i32
    %add3A_1784 = vector.broadcast %add3A_1783 : i32 to vector<16xi32>
    %add3A_1785 = arith.addi %add3A_1742, %add3A_1784 : vector<16xi32>
    %swap3A_1786 = arith.constant 112 : index
    %swap3A_1787 = tpu.vector_load %arg20[%swap3A_1786] {strides = array<i32>} : memref<768xi32, #tpu.memory_space<vmem>>, vector<16xi32>,
    %swap3A_1788 = vector.shape_cast %swap3A_1787 : vector<16xi32> to vector<16xi32>
    %swap3A_1789 = vector.shape_cast %add3A_1785 : vector<16xi32> to vector<16xi32>
    tpu.vector_store %arg20[%swap3A_1786], %swap3A_1789 {strides = array<i32>} : memref<768xi32, #tpu.memory_space<vmem>>, vector<16xi32>,
    %add3A_1790 = arith.constant 4259840 : i32
    %add3A_1791 = vector.broadcast %add3A_1790 : i32 to vector<16xi32>
    %add3A_1792 = arith.addi %add3A_1742, %add3A_1791 : vector<16xi32>
    %swap3A_1793 = arith.constant 304 : index
    %swap3A_1794 = tpu.vector_load %arg20[%swap3A_1793] {strides = array<i32>} : memref<768xi32, #tpu.memory_space<vmem>>, vector<16xi32>,
    %swap3A_1795 = vector.shape_cast %swap3A_1794 : vector<16xi32> to vector<16xi32>
    %swap3A_1796 = vector.shape_cast %add3A_1792 : vector<16xi32> to vector<16xi32>
    tpu.vector_store %arg20[%swap3A_1793], %swap3A_1796 {strides = array<i32>} : memref<768xi32, #tpu.memory_space<vmem>>, vector<16xi32>,
    %add3A_1797 = arith.constant 4276224 : i32
    %add3A_1798 = vector.broadcast %add3A_1797 : i32 to vector<16xi32>
    %add3A_1799 = arith.addi %add3A_1742, %add3A_1798 : vector<16xi32>
    %swap3A_1800 = arith.constant 496 : index
    %swap3A_1801 = tpu.vector_load %arg20[%swap3A_1800] {strides = array<i32>} : memref<768xi32, #tpu.memory_space<vmem>>, vector<16xi32>,
    %swap3A_1802 = vector.shape_cast %swap3A_1801 : vector<16xi32> to vector<16xi32>
    %swap3A_1803 = vector.shape_cast %add3A_1799 : vector<16xi32> to vector<16xi32>
    tpu.vector_store %arg20[%swap3A_1800], %swap3A_1803 {strides = array<i32>} : memref<768xi32, #tpu.memory_space<vmem>>, vector<16xi32>,
    %add3A_1804 = arith.constant 2162688 : i32
    %add3A_1805 = vector.broadcast %add3A_1804 : i32 to vector<16xi32>
    %add3A_1806 = arith.addi %add3A_1742, %add3A_1805 : vector<16xi32>
    %add3A_1807 = arith.addi %add3A_1806, %mul3A_1746 : vector<16xi32>
    %swap3A_1808 = arith.constant 688 : index
    %swap3A_1809 = tpu.vector_load %arg20[%swap3A_1808] {strides = array<i32>} : memref<768xi32, #tpu.memory_space<vmem>>, vector<16xi32>,
    %swap3A_1810 = vector.shape_cast %swap3A_1809 : vector<16xi32> to vector<16xi32>
    %swap3A_1811 = vector.shape_cast %add3A_1807 : vector<16xi32> to vector<16xi32>
    tpu.vector_store %arg20[%swap3A_1808], %swap3A_1811 {strides = array<i32>} : memref<768xi32, #tpu.memory_space<vmem>>, vector<16xi32>,
    %add3A_1812 = arith.constant 16384 : i32
    %add3A_1813 = vector.broadcast %add3A_1812 : i32 to vector<16xi32>
    %add3A_1814 = arith.addi %add3A_1742, %add3A_1813 : vector<16xi32>
    %swap3A_1815 = arith.constant 112 : index
    %swap3A_1816 = tpu.vector_load %arg21[%swap3A_1815] {strides = array<i32>} : memref<192xi32, #tpu.memory_space<vmem>>, vector<16xi32>,
    %swap3A_1817 = vector.shape_cast %swap3A_1816 : vector<16xi32> to vector<16xi32>
    %swap3A_1818 = vector.shape_cast %add3A_1814 : vector<16xi32> to vector<16xi32>
    tpu.vector_store %arg21[%swap3A_1815], %swap3A_1818 {strides = array<i32>} : memref<192xi32, #tpu.memory_space<vmem>>, vector<16xi32>,
    %add3A_1819 = arith.constant 4292608 : i32
    %add3A_1820 = vector.broadcast %add3A_1819 : i32 to vector<16xi32>
    %add3A_1821 = arith.addi %add3A_1742, %add3A_1820 : vector<16xi32>
    %swap3A_1822 = arith.constant 176 : index
    %swap3A_1823 = tpu.vector_load %arg20[%swap3A_1822] {strides = array<i32>} : memref<768xi32, #tpu.memory_space<vmem>>, vector<16xi32>,
    %swap3A_1824 = vector.shape_cast %swap3A_1823 : vector<16xi32> to vector<16xi32>
    %swap3A_1825 = vector.shape_cast %add3A_1821 : vector<16xi32> to vector<16xi32>
    tpu.vector_store %arg20[%swap3A_1822], %swap3A_1825 {strides = array<i32>} : memref<768xi32, #tpu.memory_space<vmem>>, vector<16xi32>,
    %add3A_1826 = arith.constant 6406144 : i32
    %add3A_1827 = vector.broadcast %add3A_1826 : i32 to vector<16xi32>
    %add3A_1828 = arith.addi %add3A_1742, %add3A_1827 : vector<16xi32>
    %swap3A_1829 = arith.constant 368 : index
    %swap3A_1830 = tpu.vector_load %arg20[%swap3A_1829] {strides = array<i32>} : memref<768xi32, #tpu.memory_space<vmem>>, vector<16xi32>,
    %swap3A_1831 = vector.shape_cast %swap3A_1830 : vector<16xi32> to vector<16xi32>
    %swap3A_1832 = vector.shape_cast %add3A_1828 : vector<16xi32> to vector<16xi32>
    tpu.vector_store %arg20[%swap3A_1829], %swap3A_1832 {strides = array<i32>} : memref<768xi32, #tpu.memory_space<vmem>>, vector<16xi32>,
    %add3A_1833 = arith.constant 6422528 : i32
    %add3A_1834 = vector.broadcast %add3A_1833 : i32 to vector<16xi32>
    %add3A_1835 = arith.addi %add3A_1742, %add3A_1834 : vector<16xi32>
    %swap3A_1836 = arith.constant 560 : index
    %swap3A_1837 = tpu.vector_load %arg20[%swap3A_1836] {strides = array<i32>} : memref<768xi32, #tpu.memory_space<vmem>>, vector<16xi32>,
    %swap3A_1838 = vector.shape_cast %swap3A_1837 : vector<16xi32> to vector<16xi32>
    %swap3A_1839 = vector.shape_cast %add3A_1835 : vector<16xi32> to vector<16xi32>
    tpu.vector_store %arg20[%swap3A_1836], %swap3A_1839 {strides = array<i32>} : memref<768xi32, #tpu.memory_space<vmem>>, vector<16xi32>,
    %add3A_1840 = arith.constant 4308992 : i32
    %add3A_1841 = vector.broadcast %add3A_1840 : i32 to vector<16xi32>
    %add3A_1842 = arith.addi %add3A_1742, %add3A_1841 : vector<16xi32>
    %add3A_1843 = arith.addi %add3A_1842, %mul3A_1746 : vector<16xi32>
    %swap3A_1844 = arith.constant 752 : index
    %swap3A_1845 = tpu.vector_load %arg20[%swap3A_1844] {strides = array<i32>} : memref<768xi32, #tpu.memory_space<vmem>>, vector<16xi32>,
    %swap3A_1846 = vector.shape_cast %swap3A_1845 : vector<16xi32> to vector<16xi32>
    %swap3A_1847 = vector.shape_cast %add3A_1843 : vector<16xi32> to vector<16xi32>
    tpu.vector_store %arg20[%swap3A_1844], %swap3A_1847 {strides = array<i32>} : memref<768xi32, #tpu.memory_space<vmem>>, vector<16xi32>,
    %add3A_1848 = arith.constant 32768 : i32
    %add3A_1849 = vector.broadcast %add3A_1848 : i32 to vector<16xi32>
    %add3A_1850 = arith.addi %add3A_1742, %add3A_1849 : vector<16xi32>
    %swap3A_1851 = arith.constant 176 : index
    %swap3A_1852 = tpu.vector_load %arg21[%swap3A_1851] {strides = array<i32>} : memref<192xi32, #tpu.memory_space<vmem>>, vector<16xi32>,
    %swap3A_1853 = vector.shape_cast %swap3A_1852 : vector<16xi32> to vector<16xi32>
    %swap3A_1854 = vector.shape_cast %add3A_1850 : vector<16xi32> to vector<16xi32>
    tpu.vector_store %arg21[%swap3A_1851], %swap3A_1854 {strides = array<i32>} : memref<192xi32, #tpu.memory_space<vmem>>, vector<16xi32>,
    %dma_start3A_1855 = arith.constant 0 : i32
    %dma_start3A_1856 = tpu.memref_slice %arg22[%dma_start3A_1855] : memref<768xf32, #tpu.memory_space<vmem>> -> memref<128xf32, #tpu.memory_space<vmem>>
    %dma_start3A_1857 = arith.constant 0 : i32
    %dma_start3A_1858 = tpu.memref_slice %arg20[%dma_start3A_1857] : memref<768xi32, #tpu.memory_space<vmem>> -> memref<128xi32, #tpu.memory_space<vmem>>
    %dma_start3A_1859 = arith.constant 0 : i32
    %dma_start3A_1860 = tpu.memref_slice %arg4[%dma_start3A_1859] : memref<6438912xf32, #tpu.memory_space<hbm>> -> memref<6438912xf32, #tpu.memory_space<hbm>>
    tpu.enqueue_indirect_dma source(%dma_start3A_1860 : memref<6438912xf32, #tpu.memory_space<hbm>>) target(%dma_start3A_1856 : memref<128xf32, #tpu.memory_space<vmem>>) offsets(%dma_start3A_1858 : memref<128xi32, #tpu.memory_space<vmem>>) semaphore(%arg24 : memref<!tpu.dma_semaphore, #tpu.memory_space<semaphore_mem>>)
    %dma_wait3A_1861 = arith.constant 0 : i32
    %dma_wait3A_1862 = tpu.memref_slice %arg22[%dma_wait3A_1861] : memref<768xf32, #tpu.memory_space<vmem>> -> memref<128xf32, #tpu.memory_space<vmem>>
    %dma_wait3A_1863 = arith.constant 0 : i32
    %dma_wait3A_1864 = tpu.memref_slice %arg20[%dma_wait3A_1863] : memref<768xi32, #tpu.memory_space<vmem>> -> memref<128xi32, #tpu.memory_space<vmem>>
    %dma_wait3A_1865 = arith.constant 0 : i32
    %dma_wait3A_1866 = tpu.memref_slice %arg4[%dma_wait3A_1865] : memref<6438912xf32, #tpu.memory_space<hbm>> -> memref<6438912xf32, #tpu.memory_space<hbm>>
    tpu.wait_indirect_dma semaphore(%arg24 : memref<!tpu.dma_semaphore, #tpu.memory_space<semaphore_mem>>) src(%dma_wait3A_1866 : memref<6438912xf32, #tpu.memory_space<hbm>>) dst(%dma_wait3A_1862 : memref<128xf32, #tpu.memory_space<vmem>>)
    %dma_start3A_1867 = arith.constant 128 : i32
    %dma_start3A_1868 = tpu.memref_slice %arg22[%dma_start3A_1867] : memref<768xf32, #tpu.memory_space<vmem>> -> memref<128xf32, #tpu.memory_space<vmem>>
    %dma_start3A_1869 = arith.constant 128 : i32
    %dma_start3A_1870 = tpu.memref_slice %arg20[%dma_start3A_1869] : memref<768xi32, #tpu.memory_space<vmem>> -> memref<128xi32, #tpu.memory_space<vmem>>
    %dma_start3A_1871 = arith.constant 0 : i32
    %dma_start3A_1872 = tpu.memref_slice %arg4[%dma_start3A_1871] : memref<6438912xf32, #tpu.memory_space<hbm>> -> memref<6438912xf32, #tpu.memory_space<hbm>>
    tpu.enqueue_indirect_dma source(%dma_start3A_1872 : memref<6438912xf32, #tpu.memory_space<hbm>>) target(%dma_start3A_1868 : memref<128xf32, #tpu.memory_space<vmem>>) offsets(%dma_start3A_1870 : memref<128xi32, #tpu.memory_space<vmem>>) semaphore(%arg24 : memref<!tpu.dma_semaphore, #tpu.memory_space<semaphore_mem>>)
    %dma_wait3A_1873 = arith.constant 128 : i32
    %dma_wait3A_1874 = tpu.memref_slice %arg22[%dma_wait3A_1873] : memref<768xf32, #tpu.memory_space<vmem>> -> memref<128xf32, #tpu.memory_space<vmem>>
    %dma_wait3A_1875 = arith.constant 128 : i32
    %dma_wait3A_1876 = tpu.memref_slice %arg20[%dma_wait3A_1875] : memref<768xi32, #tpu.memory_space<vmem>> -> memref<128xi32, #tpu.memory_space<vmem>>
    %dma_wait3A_1877 = arith.constant 0 : i32
    %dma_wait3A_1878 = tpu.memref_slice %arg4[%dma_wait3A_1877] : memref<6438912xf32, #tpu.memory_space<hbm>> -> memref<6438912xf32, #tpu.memory_space<hbm>>
    tpu.wait_indirect_dma semaphore(%arg24 : memref<!tpu.dma_semaphore, #tpu.memory_space<semaphore_mem>>) src(%dma_wait3A_1878 : memref<6438912xf32, #tpu.memory_space<hbm>>) dst(%dma_wait3A_1874 : memref<128xf32, #tpu.memory_space<vmem>>)
    %dma_start3A_1879 = arith.constant 256 : i32
    %dma_start3A_1880 = tpu.memref_slice %arg22[%dma_start3A_1879] : memref<768xf32, #tpu.memory_space<vmem>> -> memref<128xf32, #tpu.memory_space<vmem>>
    %dma_start3A_1881 = arith.constant 256 : i32
    %dma_start3A_1882 = tpu.memref_slice %arg20[%dma_start3A_1881] : memref<768xi32, #tpu.memory_space<vmem>> -> memref<128xi32, #tpu.memory_space<vmem>>
    %dma_start3A_1883 = arith.constant 0 : i32
    %dma_start3A_1884 = tpu.memref_slice %arg4[%dma_start3A_1883] : memref<6438912xf32, #tpu.memory_space<hbm>> -> memref<6438912xf32, #tpu.memory_space<hbm>>
    tpu.enqueue_indirect_dma source(%dma_start3A_1884 : memref<6438912xf32, #tpu.memory_space<hbm>>) target(%dma_start3A_1880 : memref<128xf32, #tpu.memory_space<vmem>>) offsets(%dma_start3A_1882 : memref<128xi32, #tpu.memory_space<vmem>>) semaphore(%arg24 : memref<!tpu.dma_semaphore, #tpu.memory_space<semaphore_mem>>)
    %dma_wait3A_1885 = arith.constant 256 : i32
    %dma_wait3A_1886 = tpu.memref_slice %arg22[%dma_wait3A_1885] : memref<768xf32, #tpu.memory_space<vmem>> -> memref<128xf32, #tpu.memory_space<vmem>>
    %dma_wait3A_1887 = arith.constant 256 : i32
    %dma_wait3A_1888 = tpu.memref_slice %arg20[%dma_wait3A_1887] : memref<768xi32, #tpu.memory_space<vmem>> -> memref<128xi32, #tpu.memory_space<vmem>>
    %dma_wait3A_1889 = arith.constant 0 : i32
    %dma_wait3A_1890 = tpu.memref_slice %arg4[%dma_wait3A_1889] : memref<6438912xf32, #tpu.memory_space<hbm>> -> memref<6438912xf32, #tpu.memory_space<hbm>>
    tpu.wait_indirect_dma semaphore(%arg24 : memref<!tpu.dma_semaphore, #tpu.memory_space<semaphore_mem>>) src(%dma_wait3A_1890 : memref<6438912xf32, #tpu.memory_space<hbm>>) dst(%dma_wait3A_1886 : memref<128xf32, #tpu.memory_space<vmem>>)
    %dma_start3A_1891 = arith.constant 384 : i32
    %dma_start3A_1892 = tpu.memref_slice %arg22[%dma_start3A_1891] : memref<768xf32, #tpu.memory_space<vmem>> -> memref<128xf32, #tpu.memory_space<vmem>>
    %dma_start3A_1893 = arith.constant 384 : i32
    %dma_start3A_1894 = tpu.memref_slice %arg20[%dma_start3A_1893] : memref<768xi32, #tpu.memory_space<vmem>> -> memref<128xi32, #tpu.memory_space<vmem>>
    %dma_start3A_1895 = arith.constant 0 : i32
    %dma_start3A_1896 = tpu.memref_slice %arg4[%dma_start3A_1895] : memref<6438912xf32, #tpu.memory_space<hbm>> -> memref<6438912xf32, #tpu.memory_space<hbm>>
    tpu.enqueue_indirect_dma source(%dma_start3A_1896 : memref<6438912xf32, #tpu.memory_space<hbm>>) target(%dma_start3A_1892 : memref<128xf32, #tpu.memory_space<vmem>>) offsets(%dma_start3A_1894 : memref<128xi32, #tpu.memory_space<vmem>>) semaphore(%arg24 : memref<!tpu.dma_semaphore, #tpu.memory_space<semaphore_mem>>)
    %dma_wait3A_1897 = arith.constant 384 : i32
    %dma_wait3A_1898 = tpu.memref_slice %arg22[%dma_wait3A_1897] : memref<768xf32, #tpu.memory_space<vmem>> -> memref<128xf32, #tpu.memory_space<vmem>>
    %dma_wait3A_1899 = arith.constant 384 : i32
    %dma_wait3A_1900 = tpu.memref_slice %arg20[%dma_wait3A_1899] : memref<768xi32, #tpu.memory_space<vmem>> -> memref<128xi32, #tpu.memory_space<vmem>>
    %dma_wait3A_1901 = arith.constant 0 : i32
    %dma_wait3A_1902 = tpu.memref_slice %arg4[%dma_wait3A_1901] : memref<6438912xf32, #tpu.memory_space<hbm>> -> memref<6438912xf32, #tpu.memory_space<hbm>>
    tpu.wait_indirect_dma semaphore(%arg24 : memref<!tpu.dma_semaphore, #tpu.memory_space<semaphore_mem>>) src(%dma_wait3A_1902 : memref<6438912xf32, #tpu.memory_space<hbm>>) dst(%dma_wait3A_1898 : memref<128xf32, #tpu.memory_space<vmem>>)
    %dma_start3A_1903 = arith.constant 512 : i32
    %dma_start3A_1904 = tpu.memref_slice %arg22[%dma_start3A_1903] : memref<768xf32, #tpu.memory_space<vmem>> -> memref<128xf32, #tpu.memory_space<vmem>>
    %dma_start3A_1905 = arith.constant 512 : i32
    %dma_start3A_1906 = tpu.memref_slice %arg20[%dma_start3A_1905] : memref<768xi32, #tpu.memory_space<vmem>> -> memref<128xi32, #tpu.memory_space<vmem>>
    %dma_start3A_1907 = arith.constant 0 : i32
    %dma_start3A_1908 = tpu.memref_slice %arg4[%dma_start3A_1907] : memref<6438912xf32, #tpu.memory_space<hbm>> -> memref<6438912xf32, #tpu.memory_space<hbm>>
    tpu.enqueue_indirect_dma source(%dma_start3A_1908 : memref<6438912xf32, #tpu.memory_space<hbm>>) target(%dma_start3A_1904 : memref<128xf32, #tpu.memory_space<vmem>>) offsets(%dma_start3A_1906 : memref<128xi32, #tpu.memory_space<vmem>>) semaphore(%arg24 : memref<!tpu.dma_semaphore, #tpu.memory_space<semaphore_mem>>)
    %dma_wait3A_1909 = arith.constant 512 : i32
    %dma_wait3A_1910 = tpu.memref_slice %arg22[%dma_wait3A_1909] : memref<768xf32, #tpu.memory_space<vmem>> -> memref<128xf32, #tpu.memory_space<vmem>>
    %dma_wait3A_1911 = arith.constant 512 : i32
    %dma_wait3A_1912 = tpu.memref_slice %arg20[%dma_wait3A_1911] : memref<768xi32, #tpu.memory_space<vmem>> -> memref<128xi32, #tpu.memory_space<vmem>>
    %dma_wait3A_1913 = arith.constant 0 : i32
    %dma_wait3A_1914 = tpu.memref_slice %arg4[%dma_wait3A_1913] : memref<6438912xf32, #tpu.memory_space<hbm>> -> memref<6438912xf32, #tpu.memory_space<hbm>>
    tpu.wait_indirect_dma semaphore(%arg24 : memref<!tpu.dma_semaphore, #tpu.memory_space<semaphore_mem>>) src(%dma_wait3A_1914 : memref<6438912xf32, #tpu.memory_space<hbm>>) dst(%dma_wait3A_1910 : memref<128xf32, #tpu.memory_space<vmem>>)
    %dma_start3A_1915 = arith.constant 640 : i32
    %dma_start3A_1916 = tpu.memref_slice %arg22[%dma_start3A_1915] : memref<768xf32, #tpu.memory_space<vmem>> -> memref<128xf32, #tpu.memory_space<vmem>>
    %dma_start3A_1917 = arith.constant 640 : i32
    %dma_start3A_1918 = tpu.memref_slice %arg20[%dma_start3A_1917] : memref<768xi32, #tpu.memory_space<vmem>> -> memref<128xi32, #tpu.memory_space<vmem>>
    %dma_start3A_1919 = arith.constant 0 : i32
    %dma_start3A_1920 = tpu.memref_slice %arg4[%dma_start3A_1919] : memref<6438912xf32, #tpu.memory_space<hbm>> -> memref<6438912xf32, #tpu.memory_space<hbm>>
    tpu.enqueue_indirect_dma source(%dma_start3A_1920 : memref<6438912xf32, #tpu.memory_space<hbm>>) target(%dma_start3A_1916 : memref<128xf32, #tpu.memory_space<vmem>>) offsets(%dma_start3A_1918 : memref<128xi32, #tpu.memory_space<vmem>>) semaphore(%arg24 : memref<!tpu.dma_semaphore, #tpu.memory_space<semaphore_mem>>)
    %dma_wait3A_1921 = arith.constant 640 : i32
    %dma_wait3A_1922 = tpu.memref_slice %arg22[%dma_wait3A_1921] : memref<768xf32, #tpu.memory_space<vmem>> -> memref<128xf32, #tpu.memory_space<vmem>>
    %dma_wait3A_1923 = arith.constant 640 : i32
    %dma_wait3A_1924 = tpu.memref_slice %arg20[%dma_wait3A_1923] : memref<768xi32, #tpu.memory_space<vmem>> -> memref<128xi32, #tpu.memory_space<vmem>>
    %dma_wait3A_1925 = arith.constant 0 : i32
    %dma_wait3A_1926 = tpu.memref_slice %arg4[%dma_wait3A_1925] : memref<6438912xf32, #tpu.memory_space<hbm>> -> memref<6438912xf32, #tpu.memory_space<hbm>>
    tpu.wait_indirect_dma semaphore(%arg24 : memref<!tpu.dma_semaphore, #tpu.memory_space<semaphore_mem>>) src(%dma_wait3A_1926 : memref<6438912xf32, #tpu.memory_space<hbm>>) dst(%dma_wait3A_1922 : memref<128xf32, #tpu.memory_space<vmem>>)
    %dma_start3A_1927 = arith.constant 0 : i32
    %dma_start3A_1928 = tpu.memref_slice %arg23[%dma_start3A_1927] : memref<192xf32, #tpu.memory_space<vmem>> -> memref<128xf32, #tpu.memory_space<vmem>>
    %dma_start3A_1929 = arith.constant 0 : i32
    %dma_start3A_1930 = tpu.memref_slice %arg21[%dma_start3A_1929] : memref<192xi32, #tpu.memory_space<vmem>> -> memref<128xi32, #tpu.memory_space<vmem>>
    %dma_start3A_1931 = arith.constant 0 : i32
    %dma_start3A_1932 = tpu.memref_slice %arg7[%dma_start3A_1931] : memref<49152xf32, #tpu.memory_space<hbm>> -> memref<49152xf32, #tpu.memory_space<hbm>>
    tpu.enqueue_indirect_dma source(%dma_start3A_1932 : memref<49152xf32, #tpu.memory_space<hbm>>) target(%dma_start3A_1928 : memref<128xf32, #tpu.memory_space<vmem>>) offsets(%dma_start3A_1930 : memref<128xi32, #tpu.memory_space<vmem>>) semaphore(%arg24 : memref<!tpu.dma_semaphore, #tpu.memory_space<semaphore_mem>>)
    %dma_wait3A_1933 = arith.constant 0 : i32
    %dma_wait3A_1934 = tpu.memref_slice %arg23[%dma_wait3A_1933] : memref<192xf32, #tpu.memory_space<vmem>> -> memref<128xf32, #tpu.memory_space<vmem>>
    %dma_wait3A_1935 = arith.constant 0 : i32
    %dma_wait3A_1936 = tpu.memref_slice %arg21[%dma_wait3A_1935] : memref<192xi32, #tpu.memory_space<vmem>> -> memref<128xi32, #tpu.memory_space<vmem>>
    %dma_wait3A_1937 = arith.constant 0 : i32
    %dma_wait3A_1938 = tpu.memref_slice %arg7[%dma_wait3A_1937] : memref<49152xf32, #tpu.memory_space<hbm>> -> memref<49152xf32, #tpu.memory_space<hbm>>
    tpu.wait_indirect_dma semaphore(%arg24 : memref<!tpu.dma_semaphore, #tpu.memory_space<semaphore_mem>>) src(%dma_wait3A_1938 : memref<49152xf32, #tpu.memory_space<hbm>>) dst(%dma_wait3A_1934 : memref<128xf32, #tpu.memory_space<vmem>>)
    %dma_start3A_1939 = arith.constant 128 : i32
    %dma_start3A_1940 = tpu.memref_slice %arg23[%dma_start3A_1939] : memref<192xf32, #tpu.memory_space<vmem>> -> memref<64xf32, #tpu.memory_space<vmem>>
    %dma_start3A_1941 = arith.constant 128 : i32
    %dma_start3A_1942 = tpu.memref_slice %arg21[%dma_start3A_1941] : memref<192xi32, #tpu.memory_space<vmem>> -> memref<64xi32, #tpu.memory_space<vmem>>
    %dma_start3A_1943 = arith.constant 0 : i32
    %dma_start3A_1944 = tpu.memref_slice %arg7[%dma_start3A_1943] : memref<49152xf32, #tpu.memory_space<hbm>> -> memref<49152xf32, #tpu.memory_space<hbm>>
    tpu.enqueue_indirect_dma source(%dma_start3A_1944 : memref<49152xf32, #tpu.memory_space<hbm>>) target(%dma_start3A_1940 : memref<64xf32, #tpu.memory_space<vmem>>) offsets(%dma_start3A_1942 : memref<64xi32, #tpu.memory_space<vmem>>) semaphore(%arg24 : memref<!tpu.dma_semaphore, #tpu.memory_space<semaphore_mem>>)
    %dma_wait3A_1945 = arith.constant 128 : i32
    %dma_wait3A_1946 = tpu.memref_slice %arg23[%dma_wait3A_1945] : memref<192xf32, #tpu.memory_space<vmem>> -> memref<64xf32, #tpu.memory_space<vmem>>
    %dma_wait3A_1947 = arith.constant 128 : i32
    %dma_wait3A_1948 = tpu.memref_slice %arg21[%dma_wait3A_1947] : memref<192xi32, #tpu.memory_space<vmem>> -> memref<64xi32, #tpu.memory_space<vmem>>
    %dma_wait3A_1949 = arith.constant 0 : i32
    %dma_wait3A_1950 = tpu.memref_slice %arg7[%dma_wait3A_1949] : memref<49152xf32, #tpu.memory_space<hbm>> -> memref<49152xf32, #tpu.memory_space<hbm>>
    tpu.wait_indirect_dma semaphore(%arg24 : memref<!tpu.dma_semaphore, #tpu.memory_space<semaphore_mem>>) src(%dma_wait3A_1950 : memref<49152xf32, #tpu.memory_space<hbm>>) dst(%dma_wait3A_1946 : memref<64xf32, #tpu.memory_space<vmem>>)
    "tpu.region"() ({
      %run_scoped3A = tpu.sem_alloc : memref<!tpu.dma_semaphore, #tpu.memory_space<semaphore_mem>>
      %dma_start3A_1951 = arith.constant 0 : i32
      %dma_start3A_1952 = tpu.memref_slice %arg13[%add3A, %dma_start3A_1951] : memref<32x768xf32, #tpu.memory_space<hbm>> -> memref<1x768xf32, #tpu.memory_space<hbm>>
      %dma_start3A_1953 = tpu.memref_squeeze %dma_start3A_1952 : memref<1x768xf32, #tpu.memory_space<hbm>> -> memref<768xf32, #tpu.memory_space<hbm>>
      %dma_start3A_1954 = arith.constant 0 : i32
      %dma_start3A_1955 = tpu.memref_slice %arg13[%add3A, %dma_start3A_1954] : memref<32x768xf32, #tpu.memory_space<hbm>> -> memref<1x768xf32, #tpu.memory_space<hbm>>
      %dma_start3A_1956 = tpu.memref_squeeze %dma_start3A_1955 : memref<1x768xf32, #tpu.memory_space<hbm>> -> memref<768xf32, #tpu.memory_space<hbm>>
      tpu.enqueue_dma source(%arg22 : memref<768xf32, #tpu.memory_space<vmem>>) target(%dma_start3A_1956 : memref<768xf32, #tpu.memory_space<hbm>>) target_semaphore(%run_scoped3A : memref<!tpu.dma_semaphore, #tpu.memory_space<semaphore_mem>>)
      %dma_wait3A_1957 = arith.constant 0 : i32
      %dma_wait3A_1958 = tpu.memref_slice %arg13[%add3A, %dma_wait3A_1957] : memref<32x768xf32, #tpu.memory_space<hbm>> -> memref<1x768xf32, #tpu.memory_space<hbm>>
      %dma_wait3A_1959 = tpu.memref_squeeze %dma_wait3A_1958 : memref<1x768xf32, #tpu.memory_space<hbm>> -> memref<768xf32, #tpu.memory_space<hbm>>
      %dma_wait3A_1960 = arith.constant 0 : i32
      %dma_wait3A_1961 = tpu.memref_slice %arg13[%add3A, %dma_wait3A_1960] : memref<32x768xf32, #tpu.memory_space<hbm>> -> memref<1x768xf32, #tpu.memory_space<hbm>>
      %dma_wait3A_1962 = tpu.memref_squeeze %dma_wait3A_1961 : memref<1x768xf32, #tpu.memory_space<hbm>> -> memref<768xf32, #tpu.memory_space<hbm>>
      tpu.wait_dma2 semaphore(%run_scoped3A : memref<!tpu.dma_semaphore, #tpu.memory_space<semaphore_mem>>) src(%arg22 : memref<768xf32, #tpu.memory_space<vmem>>) dst(%dma_wait3A_1962 : memref<768xf32, #tpu.memory_space<hbm>>)
      tpu.yield
    }) : () -> ()
    "tpu.region"() ({
      %run_scoped3A = tpu.sem_alloc : memref<!tpu.dma_semaphore, #tpu.memory_space<semaphore_mem>>
      %dma_start3A_1951 = arith.constant 0 : i32
      %dma_start3A_1952 = tpu.memref_slice %arg16[%add3A, %dma_start3A_1951] : memref<32x192xf32, #tpu.memory_space<hbm>> -> memref<1x192xf32, #tpu.memory_space<hbm>>
      %dma_start3A_1953 = tpu.memref_squeeze %dma_start3A_1952 : memref<1x192xf32, #tpu.memory_space<hbm>> -> memref<192xf32, #tpu.memory_space<hbm>>
      %dma_start3A_1954 = arith.constant 0 : i32
      %dma_start3A_1955 = tpu.memref_slice %arg16[%add3A, %dma_start3A_1954] : memref<32x192xf32, #tpu.memory_space<hbm>> -> memref<1x192xf32, #tpu.memory_space<hbm>>
      %dma_start3A_1956 = tpu.memref_squeeze %dma_start3A_1955 : memref<1x192xf32, #tpu.memory_space<hbm>> -> memref<192xf32, #tpu.memory_space<hbm>>
      tpu.enqueue_dma source(%arg23 : memref<192xf32, #tpu.memory_space<vmem>>) target(%dma_start3A_1956 : memref<192xf32, #tpu.memory_space<hbm>>) target_semaphore(%run_scoped3A : memref<!tpu.dma_semaphore, #tpu.memory_space<semaphore_mem>>)
      %dma_wait3A_1957 = arith.constant 0 : i32
      %dma_wait3A_1958 = tpu.memref_slice %arg16[%add3A, %dma_wait3A_1957] : memref<32x192xf32, #tpu.memory_space<hbm>> -> memref<1x192xf32, #tpu.memory_space<hbm>>
      %dma_wait3A_1959 = tpu.memref_squeeze %dma_wait3A_1958 : memref<1x192xf32, #tpu.memory_space<hbm>> -> memref<192xf32, #tpu.memory_space<hbm>>
      %dma_wait3A_1960 = arith.constant 0 : i32
      %dma_wait3A_1961 = tpu.memref_slice %arg16[%add3A, %dma_wait3A_1960] : memref<32x192xf32, #tpu.memory_space<hbm>> -> memref<1x192xf32, #tpu.memory_space<hbm>>
      %dma_wait3A_1962 = tpu.memref_squeeze %dma_wait3A_1961 : memref<1x192xf32, #tpu.memory_space<hbm>> -> memref<192xf32, #tpu.memory_space<hbm>>
      tpu.wait_dma2 semaphore(%run_scoped3A : memref<!tpu.dma_semaphore, #tpu.memory_space<semaphore_mem>>) src(%arg23 : memref<192xf32, #tpu.memory_space<vmem>>) dst(%dma_wait3A_1962 : memref<192xf32, #tpu.memory_space<hbm>>)
      tpu.yield
    }) : () -> ()
    return
  }
}

module attributes {stable_mosaic.version = 14 : i64} {
  func.func @_dense_body(%arg0: i32, %arg1: i32, %arg2: memref<64x1024xf32, #tpu.memory_space<vmem>>, %arg3: memref<64x512xf32, #tpu.memory_space<vmem>>, %arg4: memref<64x256xf32, #tpu.memory_space<vmem>>, %arg5: memref<64x1024xf32, #tpu.memory_space<vmem>>, %arg6: memref<64x512xf32, #tpu.memory_space<vmem>>, %arg7: memref<64x256xf32, #tpu.memory_space<vmem>>, %arg8: memref<3x3xf32, #tpu.memory_space<vmem>>) attributes {dimension_semantics = [#tpu.dimension_semantics<arbitrary>, #tpu.dimension_semantics<arbitrary>], iteration_bounds = array<i64: 3, 129>, scalar_prefetch = 0 : i64, scratch_operands = 0 : i64, tpu.core_type = #tpu.core_type<tc>, window_params = [{transform_indices = @transform_0, window_bounds = array<i64: 64, 1024>}, {transform_indices = @transform_1, window_bounds = array<i64: 64, 512>}, {transform_indices = @transform_2, window_bounds = array<i64: 64, 256>}, {transform_indices = @transform_3, window_bounds = array<i64: 64, 1024>}, {transform_indices = @transform_4, window_bounds = array<i64: 64, 512>}, {transform_indices = @transform_5, window_bounds = array<i64: 64, 256>}, {pipeline_mode = #tpu.pipeline_mode<synchronous>, transform_indices = @transform_6, window_bounds = array<i64: 3, 3>}]} {
    %eq3A = arith.constant 0 : i32
    %eq3A_0 = arith.cmpi eq, %arg0, %eq3A : i32
    %eq3A_1 = arith.constant 0 : i32
    %eq3A_2 = arith.cmpi eq, %arg1, %eq3A_1 : i32
    %and3A = arith.andi %eq3A_0, %eq3A_2 : i1
    %convert_element_type3A = arith.extui %and3A : i1 to i32
    %cond3A = arith.constant 0 : i32
    %cond3A_3 = arith.cmpi ne, %convert_element_type3A, %cond3A : i32
    scf.if %cond3A_3 {
      %broadcast_in_dim3A = arith.constant 0.000000e+00 : f32
      %broadcast_in_dim3A_38 = vector.broadcast %broadcast_in_dim3A : f32 to vector<3x3xf32>
      %swap3A = arith.constant 0 : index
      %swap3A_39 = arith.constant 0 : index
      %swap3A_40 = vector.load %arg8[%swap3A, %swap3A_39] : memref<3x3xf32, #tpu.memory_space<vmem>>, vector<3x3xf32>
      tpu.vector_store %arg8[%swap3A, %swap3A_39], %broadcast_in_dim3A_38 {strides = array<i32>} : memref<3x3xf32, #tpu.memory_space<vmem>>, vector<3x3xf32>,
    } else {
    }
    %iota3A = tpu.iota {dimensions = array<i32: 1>} : vector<3x3xi32>
    %eq3A_4 = arith.constant 1 : i32
    %eq3A_5 = arith.cmpi eq, %arg1, %eq3A_4 : i32
    %convert_element_type3A_6 = arith.extui %eq3A_5 : i1 to i32
    %cond3A_7 = arith.constant 0 : i32
    %cond3A_8 = arith.cmpi ne, %convert_element_type3A_6, %cond3A_7 : i32
    scf.if %cond3A_8 {
      %get3A = arith.constant 0 : index
      %get3A_38 = arith.constant 0 : index
      %get3A_39 = vector.load %arg2[%get3A, %get3A_38] : memref<64x1024xf32, #tpu.memory_space<vmem>>, vector<64x1024xf32>
      %exp3A = math.exp %get3A_39 : vector<64x1024xf32>
      %swap3A = arith.constant 0 : index
      %swap3A_40 = arith.constant 0 : index
      %swap3A_41 = vector.load %arg5[%swap3A, %swap3A_40] : memref<64x1024xf32, #tpu.memory_space<vmem>>, vector<64x1024xf32>
      tpu.vector_store %arg5[%swap3A, %swap3A_40], %exp3A {strides = array<i32>} : memref<64x1024xf32, #tpu.memory_space<vmem>>, vector<64x1024xf32>,
    } else {
    }
    %gt3A = arith.constant 1 : i32
    %gt3A_9 = arith.cmpi sgt, %arg1, %gt3A : i32
    %convert_element_type3A_10 = arith.extui %gt3A_9 : i1 to i32
    %cond3A_11 = arith.constant 0 : i32
    %cond3A_12 = arith.cmpi ne, %convert_element_type3A_10, %cond3A_11 : i32
    scf.if %cond3A_12 {
      %get3A = arith.constant 0 : index
      %get3A_38 = arith.constant 0 : index
      %get3A_39 = vector.load %arg5[%get3A, %get3A_38] : memref<64x1024xf32, #tpu.memory_space<vmem>>, vector<64x1024xf32>
      %get3A_40 = arith.constant 0 : index
      %get3A_41 = arith.constant 0 : index
      %get3A_42 = vector.load %arg2[%get3A_40, %get3A_41] : memref<64x1024xf32, #tpu.memory_space<vmem>>, vector<64x1024xf32>
      %exp3A = math.exp %get3A_42 : vector<64x1024xf32>
      %add3A = arith.addf %get3A_39, %exp3A : vector<64x1024xf32>
      %swap3A = arith.constant 0 : index
      %swap3A_43 = arith.constant 0 : index
      %swap3A_44 = vector.load %arg5[%swap3A, %swap3A_43] : memref<64x1024xf32, #tpu.memory_space<vmem>>, vector<64x1024xf32>
      tpu.vector_store %arg5[%swap3A, %swap3A_43], %add3A {strides = array<i32>} : memref<64x1024xf32, #tpu.memory_space<vmem>>, vector<64x1024xf32>,
    } else {
    }
    %eq3A_13 = arith.constant 1 : i32
    %eq3A_14 = arith.cmpi eq, %arg1, %eq3A_13 : i32
    %convert_element_type3A_15 = arith.extui %eq3A_14 : i1 to i32
    %cond3A_16 = arith.constant 0 : i32
    %cond3A_17 = arith.cmpi ne, %convert_element_type3A_15, %cond3A_16 : i32
    scf.if %cond3A_17 {
      %get3A = arith.constant 0 : index
      %get3A_38 = arith.constant 0 : index
      %get3A_39 = vector.load %arg3[%get3A, %get3A_38] : memref<64x512xf32, #tpu.memory_space<vmem>>, vector<64x512xf32>
      %exp3A = math.exp %get3A_39 : vector<64x512xf32>
      %swap3A = arith.constant 0 : index
      %swap3A_40 = arith.constant 0 : index
      %swap3A_41 = vector.load %arg6[%swap3A, %swap3A_40] : memref<64x512xf32, #tpu.memory_space<vmem>>, vector<64x512xf32>
      tpu.vector_store %arg6[%swap3A, %swap3A_40], %exp3A {strides = array<i32>} : memref<64x512xf32, #tpu.memory_space<vmem>>, vector<64x512xf32>,
    } else {
    }
    %gt3A_18 = arith.constant 1 : i32
    %gt3A_19 = arith.cmpi sgt, %arg1, %gt3A_18 : i32
    %convert_element_type3A_20 = arith.extui %gt3A_19 : i1 to i32
    %cond3A_21 = arith.constant 0 : i32
    %cond3A_22 = arith.cmpi ne, %convert_element_type3A_20, %cond3A_21 : i32
    scf.if %cond3A_22 {
      %get3A = arith.constant 0 : index
      %get3A_38 = arith.constant 0 : index
      %get3A_39 = vector.load %arg6[%get3A, %get3A_38] : memref<64x512xf32, #tpu.memory_space<vmem>>, vector<64x512xf32>
      %get3A_40 = arith.constant 0 : index
      %get3A_41 = arith.constant 0 : index
      %get3A_42 = vector.load %arg3[%get3A_40, %get3A_41] : memref<64x512xf32, #tpu.memory_space<vmem>>, vector<64x512xf32>
      %exp3A = math.exp %get3A_42 : vector<64x512xf32>
      %add3A = arith.addf %get3A_39, %exp3A : vector<64x512xf32>
      %swap3A = arith.constant 0 : index
      %swap3A_43 = arith.constant 0 : index
      %swap3A_44 = vector.load %arg6[%swap3A, %swap3A_43] : memref<64x512xf32, #tpu.memory_space<vmem>>, vector<64x512xf32>
      tpu.vector_store %arg6[%swap3A, %swap3A_43], %add3A {strides = array<i32>} : memref<64x512xf32, #tpu.memory_space<vmem>>, vector<64x512xf32>,
    } else {
    }
    %eq3A_23 = arith.constant 1 : i32
    %eq3A_24 = arith.cmpi eq, %arg1, %eq3A_23 : i32
    %convert_element_type3A_25 = arith.extui %eq3A_24 : i1 to i32
    %cond3A_26 = arith.constant 0 : i32
    %cond3A_27 = arith.cmpi ne, %convert_element_type3A_25, %cond3A_26 : i32
    scf.if %cond3A_27 {
      %get3A = arith.constant 0 : index
      %get3A_38 = arith.constant 0 : index
      %get3A_39 = vector.load %arg4[%get3A, %get3A_38] : memref<64x256xf32, #tpu.memory_space<vmem>>, vector<64x256xf32>
      %exp3A = math.exp %get3A_39 : vector<64x256xf32>
      %swap3A = arith.constant 0 : index
      %swap3A_40 = arith.constant 0 : index
      %swap3A_41 = vector.load %arg7[%swap3A, %swap3A_40] : memref<64x256xf32, #tpu.memory_space<vmem>>, vector<64x256xf32>
      tpu.vector_store %arg7[%swap3A, %swap3A_40], %exp3A {strides = array<i32>} : memref<64x256xf32, #tpu.memory_space<vmem>>, vector<64x256xf32>,
    } else {
    }
    %gt3A_28 = arith.constant 1 : i32
    %gt3A_29 = arith.cmpi sgt, %arg1, %gt3A_28 : i32
    %convert_element_type3A_30 = arith.extui %gt3A_29 : i1 to i32
    %cond3A_31 = arith.constant 0 : i32
    %cond3A_32 = arith.cmpi ne, %convert_element_type3A_30, %cond3A_31 : i32
    scf.if %cond3A_32 {
      %get3A = arith.constant 0 : index
      %get3A_38 = arith.constant 0 : index
      %get3A_39 = vector.load %arg7[%get3A, %get3A_38] : memref<64x256xf32, #tpu.memory_space<vmem>>, vector<64x256xf32>
      %get3A_40 = arith.constant 0 : index
      %get3A_41 = arith.constant 0 : index
      %get3A_42 = vector.load %arg4[%get3A_40, %get3A_41] : memref<64x256xf32, #tpu.memory_space<vmem>>, vector<64x256xf32>
      %exp3A = math.exp %get3A_42 : vector<64x256xf32>
      %add3A = arith.addf %get3A_39, %exp3A : vector<64x256xf32>
      %swap3A = arith.constant 0 : index
      %swap3A_43 = arith.constant 0 : index
      %swap3A_44 = vector.load %arg7[%swap3A, %swap3A_43] : memref<64x256xf32, #tpu.memory_space<vmem>>, vector<64x256xf32>
      tpu.vector_store %arg7[%swap3A, %swap3A_43], %add3A {strides = array<i32>} : memref<64x256xf32, #tpu.memory_space<vmem>>, vector<64x256xf32>,
    } else {
    }
    %eq3A_33 = arith.constant 0 : i32
    %eq3A_34 = arith.cmpi eq, %arg1, %eq3A_33 : i32
    %convert_element_type3A_35 = arith.extui %eq3A_34 : i1 to i32
    %cond3A_36 = arith.constant 0 : i32
    %cond3A_37 = arith.cmpi ne, %convert_element_type3A_35, %cond3A_36 : i32
    scf.if %cond3A_37 {
      %get3A = arith.constant 0 : index
      %get3A_38 = arith.constant 0 : index
      %get3A_39 = vector.load %arg2[%get3A, %get3A_38] : memref<64x1024xf32, #tpu.memory_space<vmem>>, vector<64x1024xf32>
      %max3A = arith.constant 0.000000e+00 : f32
      %max3A_40 = vector.broadcast %max3A : f32 to vector<64x1024xf32>
      %max3A_41 = arith.maximumf %get3A_39, %max3A_40 : vector<64x1024xf32>
      %abs3A = math.absf %get3A_39 : vector<64x1024xf32>
      %neg3A = arith.constant 0.000000e+00 : f32
      %neg3A_42 = vector.broadcast %neg3A : f32 to vector<64x1024xf32>
      %neg3A_43 = arith.subf %neg3A_42, %abs3A : vector<64x1024xf32>
      %exp3A = math.exp %neg3A_43 : vector<64x1024xf32>
      %log1p3A = math.log1p %exp3A : vector<64x1024xf32>
      %add3A = arith.addf %max3A_41, %log1p3A : vector<64x1024xf32>
      %reduce_sum3A = vector.shape_cast %add3A : vector<64x1024xf32> to vector<1x64x1024xf32>
      %reduce_sum3A_44 = arith.constant dense<0.000000e+00> : vector<1xf32>
      %reduce_sum3A_45 = vector.multi_reduction <add>, %reduce_sum3A, %reduce_sum3A_44 [1, 2] : vector<1x64x1024xf32> to vector<1xf32>
      %reduce_sum3A_46 = vector.shape_cast %reduce_sum3A_45 : vector<1xf32> to vector<1x1x1xf32>
      %reduce_sum3A_47 = vector.extract %reduce_sum3A_46[0, 0, 0] : f32 from vector<1x1x1xf32>
      %broadcast_in_dim3A = vector.broadcast %reduce_sum3A_47 : f32 to vector<1x1xf32>
      %get3A_48 = arith.constant 0 : index
      %get3A_49 = arith.constant 0 : index
      %get3A_50 = vector.load %arg3[%get3A_48, %get3A_49] : memref<64x512xf32, #tpu.memory_space<vmem>>, vector<64x512xf32>
      %max3A_51 = arith.constant 0.000000e+00 : f32
      %max3A_52 = vector.broadcast %max3A_51 : f32 to vector<64x512xf32>
      %max3A_53 = arith.maximumf %get3A_50, %max3A_52 : vector<64x512xf32>
      %abs3A_54 = math.absf %get3A_50 : vector<64x512xf32>
      %neg3A_55 = arith.constant 0.000000e+00 : f32
      %neg3A_56 = vector.broadcast %neg3A_55 : f32 to vector<64x512xf32>
      %neg3A_57 = arith.subf %neg3A_56, %abs3A_54 : vector<64x512xf32>
      %exp3A_58 = math.exp %neg3A_57 : vector<64x512xf32>
      %log1p3A_59 = math.log1p %exp3A_58 : vector<64x512xf32>
      %add3A_60 = arith.addf %max3A_53, %log1p3A_59 : vector<64x512xf32>
      %reduce_sum3A_61 = vector.shape_cast %add3A_60 : vector<64x512xf32> to vector<1x64x512xf32>
      %reduce_sum3A_62 = arith.constant dense<0.000000e+00> : vector<1xf32>
      %reduce_sum3A_63 = vector.multi_reduction <add>, %reduce_sum3A_61, %reduce_sum3A_62 [1, 2] : vector<1x64x512xf32> to vector<1xf32>
      %reduce_sum3A_64 = vector.shape_cast %reduce_sum3A_63 : vector<1xf32> to vector<1x1x1xf32>
      %reduce_sum3A_65 = vector.extract %reduce_sum3A_64[0, 0, 0] : f32 from vector<1x1x1xf32>
      %broadcast_in_dim3A_66 = vector.broadcast %reduce_sum3A_65 : f32 to vector<1x1xf32>
      %get3A_67 = arith.constant 0 : index
      %get3A_68 = arith.constant 0 : index
      %get3A_69 = vector.load %arg4[%get3A_67, %get3A_68] : memref<64x256xf32, #tpu.memory_space<vmem>>, vector<64x256xf32>
      %max3A_70 = arith.constant 0.000000e+00 : f32
      %max3A_71 = vector.broadcast %max3A_70 : f32 to vector<64x256xf32>
      %max3A_72 = arith.maximumf %get3A_69, %max3A_71 : vector<64x256xf32>
      %abs3A_73 = math.absf %get3A_69 : vector<64x256xf32>
      %neg3A_74 = arith.constant 0.000000e+00 : f32
      %neg3A_75 = vector.broadcast %neg3A_74 : f32 to vector<64x256xf32>
      %neg3A_76 = arith.subf %neg3A_75, %abs3A_73 : vector<64x256xf32>
      %exp3A_77 = math.exp %neg3A_76 : vector<64x256xf32>
      %log1p3A_78 = math.log1p %exp3A_77 : vector<64x256xf32>
      %add3A_79 = arith.addf %max3A_72, %log1p3A_78 : vector<64x256xf32>
      %reduce_sum3A_80 = vector.shape_cast %add3A_79 : vector<64x256xf32> to vector<1x64x256xf32>
      %reduce_sum3A_81 = arith.constant dense<0.000000e+00> : vector<1xf32>
      %reduce_sum3A_82 = vector.multi_reduction <add>, %reduce_sum3A_80, %reduce_sum3A_81 [1, 2] : vector<1x64x256xf32> to vector<1xf32>
      %reduce_sum3A_83 = vector.shape_cast %reduce_sum3A_82 : vector<1xf32> to vector<1x1x1xf32>
      %reduce_sum3A_84 = vector.extract %reduce_sum3A_83[0, 0, 0] : f32 from vector<1x1x1xf32>
      %broadcast_in_dim3A_85 = vector.broadcast %reduce_sum3A_84 : f32 to vector<1x1xf32>
      %get3A_86 = arith.constant 0 : index
      %get3A_87 = arith.constant 0 : index
      %get3A_88 = vector.load %arg8[%get3A_86, %get3A_87] : memref<3x3xf32, #tpu.memory_space<vmem>>, vector<3x3xf32>
      %concatenate3A = tpu.concatenate %broadcast_in_dim3A, %broadcast_in_dim3A_66, %broadcast_in_dim3A_85 in 0 : vector<1x1xf32>, vector<1x1xf32>, vector<1x1xf32> -> vector<3x1xf32>
      %eq3A_89 = vector.broadcast %arg0 : i32 to vector<3x3xi32>
      %eq3A_90 = arith.cmpi eq, %iota3A, %eq3A_89 : vector<3x3xi32>
      %convert_element_type3A_91 = arith.extui %eq3A_90 : vector<3x3xi1> to vector<3x3xi32>
      %convert_element_type3A_92 = arith.sitofp %convert_element_type3A_91 : vector<3x3xi32> to vector<3x3xf32>
      %mul3A = vector.broadcast %concatenate3A : vector<3x1xf32> to vector<3x3xf32>
      %mul3A_93 = arith.mulf %mul3A, %convert_element_type3A_92 : vector<3x3xf32>
      %add3A_94 = arith.addf %get3A_88, %mul3A_93 : vector<3x3xf32>
      %swap3A = arith.constant 0 : index
      %swap3A_95 = arith.constant 0 : index
      %swap3A_96 = vector.load %arg8[%swap3A, %swap3A_95] : memref<3x3xf32, #tpu.memory_space<vmem>>, vector<3x3xf32>
      tpu.vector_store %arg8[%swap3A, %swap3A_95], %add3A_94 {strides = array<i32>} : memref<3x3xf32, #tpu.memory_space<vmem>>, vector<3x3xf32>,
    } else {
    }
    return
  }
  func.func @transform_0(%arg0: i32, %arg1: i32) -> (i32, i32) {
    %mul3A = arith.constant 131 : i32
    %mul3A_0 = arith.muli %arg0, %mul3A : i32
    %add3A = arith.addi %mul3A_0, %arg1 : i32
    %c0_i32 = arith.constant 0 : i32
    %c0_i32_1 = arith.constant 0 : i32
    return %add3A, %c0_i32 : i32, i32
  }
  func.func @transform_1(%arg0: i32, %arg1: i32) -> (i32, i32) {
    %mul3A = arith.constant 131 : i32
    %mul3A_0 = arith.muli %arg0, %mul3A : i32
    %add3A = arith.addi %mul3A_0, %arg1 : i32
    %c0_i32 = arith.constant 0 : i32
    %c0_i32_1 = arith.constant 0 : i32
    return %add3A, %c0_i32 : i32, i32
  }
  func.func @transform_2(%arg0: i32, %arg1: i32) -> (i32, i32) {
    %mul3A = arith.constant 131 : i32
    %mul3A_0 = arith.muli %arg0, %mul3A : i32
    %add3A = arith.addi %mul3A_0, %arg1 : i32
    %c0_i32 = arith.constant 0 : i32
    %c0_i32_1 = arith.constant 0 : i32
    return %add3A, %c0_i32 : i32, i32
  }
  func.func @transform_3(%arg0: i32, %arg1: i32) -> (i32, i32) {
    %c0_i32 = arith.constant 0 : i32
    %c0_i32_0 = arith.constant 0 : i32
    return %arg0, %c0_i32 : i32, i32
  }
  func.func @transform_4(%arg0: i32, %arg1: i32) -> (i32, i32) {
    %c0_i32 = arith.constant 0 : i32
    %c0_i32_0 = arith.constant 0 : i32
    return %arg0, %c0_i32 : i32, i32
  }
  func.func @transform_5(%arg0: i32, %arg1: i32) -> (i32, i32) {
    %c0_i32 = arith.constant 0 : i32
    %c0_i32_0 = arith.constant 0 : i32
    return %arg0, %c0_i32 : i32, i32
  }
  func.func @transform_6(%arg0: i32, %arg1: i32) -> (i32, i32) {
    %c0_i32 = arith.constant 0 : i32
    %c0_i32_0 = arith.constant 0 : i32
    %c0_i32_1 = arith.constant 0 : i32
    return %c0_i32, %c0_i32_0 : i32, i32
  }
}

module attributes {stable_mosaic.version = 14 : i64} {
  func.func @_sparse_body(%arg0: memref<32x64xf32, #tpu.memory_space<vmem>>, %arg1: memref<32x64xf32, #tpu.memory_space<vmem>>, %arg2: memref<32x768xf32, #tpu.memory_space<vmem>>, %arg3: memref<32x768xf32, #tpu.memory_space<vmem>>, %arg4: memref<32x768xf32, #tpu.memory_space<vmem>>, %arg5: memref<32x192xf32, #tpu.memory_space<vmem>>, %arg6: memref<32x192xf32, #tpu.memory_space<vmem>>, %arg7: memref<32x192xf32, #tpu.memory_space<vmem>>, %arg8: memref<3x4xf32, #tpu.memory_space<vmem>>) attributes {dimension_semantics = [], scalar_prefetch = 0 : i64, scratch_operands = 0 : i64, tpu.core_type = #tpu.core_type<tc>} {
    %get3A = arith.constant 0 : index
    %get3A_0 = arith.constant 0 : index
    %get3A_1 = vector.load %arg0[%get3A, %get3A_0] : memref<32x64xf32, #tpu.memory_space<vmem>>, vector<32x64xf32>
    %get3A_2 = arith.constant 0 : index
    %get3A_3 = arith.constant 0 : index
    %get3A_4 = vector.load %arg1[%get3A_2, %get3A_3] : memref<32x64xf32, #tpu.memory_space<vmem>>, vector<32x64xf32>
    %div3A = arith.constant 2.000000e+00 : f32
    %div3A_5 = vector.broadcast %div3A : f32 to vector<32x64xf32>
    %div3A_6 = arith.divf %get3A_4, %div3A_5 : vector<32x64xf32>
    %sub3A = arith.subf %get3A_1, %div3A_6 : vector<32x64xf32>
    %div3A_7 = arith.constant 2.000000e+00 : f32
    %div3A_8 = vector.broadcast %div3A_7 : f32 to vector<32x64xf32>
    %div3A_9 = arith.divf %get3A_4, %div3A_8 : vector<32x64xf32>
    %add3A = arith.addf %get3A_1, %div3A_9 : vector<32x64xf32>
    %div3A_10 = arith.constant 1.000000e+01 : f32
    %div3A_11 = vector.broadcast %div3A_10 : f32 to vector<32x64xf32>
    %div3A_12 = arith.divf %get3A_4, %div3A_11 : vector<32x64xf32>
    %abs3A = math.absf %div3A_12 : vector<32x64xf32>
    %gt3A = arith.constant 1.000000e+00 : f32
    %gt3A_13 = vector.broadcast %gt3A : f32 to vector<32x64xf32>
    %gt3A_14 = arith.cmpf ogt, %abs3A, %gt3A_13 : vector<32x64xf32>
    %max3A = arith.constant 1.000000e-30 : f32
    %max3A_15 = vector.broadcast %max3A : f32 to vector<32x64xf32>
    %max3A_16 = arith.maximumf %abs3A, %max3A_15 : vector<32x64xf32>
    %div3A_17 = arith.constant 1.000000e+00 : f32
    %div3A_18 = vector.broadcast %div3A_17 : f32 to vector<32x64xf32>
    %div3A_19 = arith.divf %div3A_18, %max3A_16 : vector<32x64xf32>
    %select_n3A = arith.select %gt3A_14, %div3A_19, %abs3A : vector<32x64xi1>, vector<32x64xf32>
    %mul3A = arith.mulf %select_n3A, %select_n3A : vector<32x64xf32>
    %broadcast_in_dim3A = arith.constant 0.00246813102 : f32
    %broadcast_in_dim3A_20 = vector.broadcast %broadcast_in_dim3A : f32 to vector<32x64xf32>
    %mul3A_21 = arith.mulf %broadcast_in_dim3A_20, %mul3A : vector<32x64xf32>
    %add3A_22 = arith.constant -0.0144582391 : f32
    %add3A_23 = vector.broadcast %add3A_22 : f32 to vector<32x64xf32>
    %add3A_24 = arith.addf %mul3A_21, %add3A_23 : vector<32x64xf32>
    %mul3A_25 = arith.mulf %add3A_24, %mul3A : vector<32x64xf32>
    %add3A_26 = arith.constant 0.0398988202 : f32
    %add3A_27 = vector.broadcast %add3A_26 : f32 to vector<32x64xf32>
    %add3A_28 = arith.addf %mul3A_25, %add3A_27 : vector<32x64xf32>
    %mul3A_29 = arith.mulf %add3A_28, %mul3A : vector<32x64xf32>
    %add3A_30 = arith.constant -0.0724788755 : f32
    %add3A_31 = vector.broadcast %add3A_30 : f32 to vector<32x64xf32>
    %add3A_32 = arith.addf %mul3A_29, %add3A_31 : vector<32x64xf32>
    %mul3A_33 = arith.mulf %add3A_32, %mul3A : vector<32x64xf32>
    %add3A_34 = arith.constant 0.105072893 : f32
    %add3A_35 = vector.broadcast %add3A_34 : f32 to vector<32x64xf32>
    %add3A_36 = arith.addf %mul3A_33, %add3A_35 : vector<32x64xf32>
    %mul3A_37 = arith.mulf %add3A_36, %mul3A : vector<32x64xf32>
    %add3A_38 = arith.constant -0.141643256 : f32
    %add3A_39 = vector.broadcast %add3A_38 : f32 to vector<32x64xf32>
    %add3A_40 = arith.addf %mul3A_37, %add3A_39 : vector<32x64xf32>
    %mul3A_41 = arith.mulf %add3A_40, %mul3A : vector<32x64xf32>
    %add3A_42 = arith.constant 0.199865356 : f32
    %add3A_43 = vector.broadcast %add3A_42 : f32 to vector<32x64xf32>
    %add3A_44 = arith.addf %mul3A_41, %add3A_43 : vector<32x64xf32>
    %mul3A_45 = arith.mulf %add3A_44, %mul3A : vector<32x64xf32>
    %add3A_46 = arith.constant -0.333326578 : f32
    %add3A_47 = vector.broadcast %add3A_46 : f32 to vector<32x64xf32>
    %add3A_48 = arith.addf %mul3A_45, %add3A_47 : vector<32x64xf32>
    %mul3A_49 = arith.mulf %add3A_48, %mul3A : vector<32x64xf32>
    %add3A_50 = arith.constant 0.99999988 : f32
    %add3A_51 = vector.broadcast %add3A_50 : f32 to vector<32x64xf32>
    %add3A_52 = arith.addf %mul3A_49, %add3A_51 : vector<32x64xf32>
    %mul3A_53 = arith.mulf %add3A_52, %select_n3A : vector<32x64xf32>
    %sub3A_54 = arith.constant 1.57079637 : f32
    %sub3A_55 = vector.broadcast %sub3A_54 : f32 to vector<32x64xf32>
    %sub3A_56 = arith.subf %sub3A_55, %mul3A_53 : vector<32x64xf32>
    %select_n3A_57 = arith.select %gt3A_14, %sub3A_56, %mul3A_53 : vector<32x64xi1>, vector<32x64xf32>
    %sign3A = tpu.bitcast %div3A_12 : vector<32x64xf32> -> vector<32x64xi32>
    %sign3A_58 = arith.constant -2147483648 : i32
    %sign3A_59 = vector.broadcast %sign3A_58 : i32 to vector<32x64xi32>
    %sign3A_60 = arith.andi %sign3A, %sign3A_59 : vector<32x64xi32>
    %sign3A_61 = arith.constant 1065353216 : i32
    %sign3A_62 = vector.broadcast %sign3A_61 : i32 to vector<32x64xi32>
    %sign3A_63 = arith.ori %sign3A_62, %sign3A_60 : vector<32x64xi32>
    %sign3A_64 = tpu.bitcast %sign3A_63 : vector<32x64xi32> -> vector<32x64xf32>
    %sign3A_65 = math.absf %div3A_12 : vector<32x64xf32>
    %sign3A_66 = arith.constant 0.000000e+00 : f32
    %sign3A_67 = vector.broadcast %sign3A_66 : f32 to vector<32x64xf32>
    %sign3A_68 = arith.cmpf ogt, %sign3A_65, %sign3A_67 : vector<32x64xf32>
    %sign3A_69 = arith.select %sign3A_68, %sign3A_64, %div3A_12 : vector<32x64xi1>, vector<32x64xf32>
    %mul3A_70 = arith.mulf %sign3A_69, %select_n3A_57 : vector<32x64xf32>
    %get3A_71 = arith.constant 0 : index
    %get3A_72 = arith.constant 0 : index
    %get3A_73 = vector.load %arg2[%get3A_71, %get3A_72] : memref<32x768xf32, #tpu.memory_space<vmem>>, vector<32x768xf32>
    %get3A_74 = arith.constant 0 : index
    %get3A_75 = arith.constant 0 : index
    %get3A_76 = vector.load %arg5[%get3A_74, %get3A_75] : memref<32x192xf32, #tpu.memory_space<vmem>>, vector<32x192xf32>
    %slice3A = vector.extract_strided_slice %get3A_73 {offsets = [0, 0], sizes = [32, 64], strides = [1, 1]} : vector<32x768xf32> to vector<32x64xf32>
    %slice3A_77 = vector.extract_strided_slice %get3A_73 {offsets = [0, 192], sizes = [32, 64], strides = [1, 1]} : vector<32x768xf32> to vector<32x64xf32>
    %slice3A_78 = vector.extract_strided_slice %get3A_73 {offsets = [0, 384], sizes = [32, 64], strides = [1, 1]} : vector<32x768xf32> to vector<32x64xf32>
    %slice3A_79 = vector.extract_strided_slice %get3A_73 {offsets = [0, 576], sizes = [32, 64], strides = [1, 1]} : vector<32x768xf32> to vector<32x64xf32>
    %slice3A_80 = vector.extract_strided_slice %get3A_76 {offsets = [0, 0], sizes = [32, 64], strides = [1, 1]} : vector<32x192xf32> to vector<32x64xf32>
    %div3A_81 = arith.constant 5.000000e-01 : f32
    %div3A_82 = vector.broadcast %div3A_81 : f32 to vector<32x64xf32>
    %div3A_83 = arith.divf %get3A_4, %div3A_82 : vector<32x64xf32>
    %div3A_84 = arith.constant 1.000000e+00 : f32
    %div3A_85 = vector.broadcast %div3A_84 : f32 to vector<32x64xf32>
    %div3A_86 = arith.divf %div3A_85, %div3A_83 : vector<32x64xf32>
    %max3A_87 = arith.maximumf %div3A_83, %div3A_86 : vector<32x64xf32>
    %lt3A = arith.constant 4.000000e+00 : f32
    %lt3A_88 = vector.broadcast %lt3A : f32 to vector<32x64xf32>
    %lt3A_89 = arith.cmpf olt, %max3A_87, %lt3A_88 : vector<32x64xf32>
    %convert_element_type3A = arith.extui %lt3A_89 : vector<32x64xi1> to vector<32x64xi32>
    %convert_element_type3A_90 = arith.sitofp %convert_element_type3A : vector<32x64xi32> to vector<32x64xf32>
    %div3A_91 = arith.constant 2.000000e+00 : f32
    %div3A_92 = vector.broadcast %div3A_91 : f32 to vector<32x64xf32>
    %div3A_93 = arith.divf %slice3A_78, %div3A_92 : vector<32x64xf32>
    %sub3A_94 = arith.subf %slice3A_77, %div3A_93 : vector<32x64xf32>
    %div3A_95 = arith.constant 2.000000e+00 : f32
    %div3A_96 = vector.broadcast %div3A_95 : f32 to vector<32x64xf32>
    %div3A_97 = arith.divf %slice3A_78, %div3A_96 : vector<32x64xf32>
    %add3A_98 = arith.addf %slice3A_77, %div3A_97 : vector<32x64xf32>
    %min3A = arith.minimumf %add3A_98, %add3A : vector<32x64xf32>
    %max3A_99 = arith.maximumf %sub3A_94, %sub3A : vector<32x64xf32>
    %sub3A_100 = arith.subf %min3A, %max3A_99 : vector<32x64xf32>
    %max3A_101 = arith.constant 0.000000e+00 : f32
    %max3A_102 = vector.broadcast %max3A_101 : f32 to vector<32x64xf32>
    %max3A_103 = arith.maximumf %sub3A_100, %max3A_102 : vector<32x64xf32>
    %mul3A_104 = arith.constant 1.000000e+01 : f32
    %mul3A_105 = vector.broadcast %mul3A_104 : f32 to vector<32x64xf32>
    %mul3A_106 = arith.mulf %max3A_103, %mul3A_105 : vector<32x64xf32>
    %mul3A_107 = arith.constant 1.000000e+01 : f32
    %mul3A_108 = vector.broadcast %mul3A_107 : f32 to vector<32x64xf32>
    %mul3A_109 = arith.mulf %slice3A_78, %mul3A_108 : vector<32x64xf32>
    %mul3A_110 = arith.constant 1.000000e+01 : f32
    %mul3A_111 = vector.broadcast %mul3A_110 : f32 to vector<32x64xf32>
    %mul3A_112 = arith.mulf %get3A_4, %mul3A_111 : vector<32x64xf32>
    %add3A_113 = arith.addf %mul3A_109, %mul3A_112 : vector<32x64xf32>
    %sub3A_114 = arith.subf %add3A_113, %mul3A_106 : vector<32x64xf32>
    %add3A_115 = arith.constant 1.000000e-15 : f32
    %add3A_116 = vector.broadcast %add3A_115 : f32 to vector<32x64xf32>
    %add3A_117 = arith.addf %sub3A_114, %add3A_116 : vector<32x64xf32>
    %div3A_118 = arith.divf %mul3A_106, %add3A_117 : vector<32x64xf32>
    %max3A_119 = arith.maximumf %add3A_98, %add3A : vector<32x64xf32>
    %min3A_120 = arith.minimumf %sub3A_94, %sub3A : vector<32x64xf32>
    %sub3A_121 = arith.subf %max3A_119, %min3A_120 : vector<32x64xf32>
    %mul3A_122 = arith.mulf %sub3A_121, %sub3A_121 : vector<32x64xf32>
    %add3A_123 = arith.constant 1.000000e+02 : f32
    %add3A_124 = vector.broadcast %add3A_123 : f32 to vector<32x64xf32>
    %add3A_125 = arith.addf %mul3A_122, %add3A_124 : vector<32x64xf32>
    %div3A_126 = arith.constant 1.000000e+01 : f32
    %div3A_127 = vector.broadcast %div3A_126 : f32 to vector<32x64xf32>
    %div3A_128 = arith.divf %slice3A_78, %div3A_127 : vector<32x64xf32>
    %abs3A_129 = math.absf %div3A_128 : vector<32x64xf32>
    %gt3A_130 = arith.constant 1.000000e+00 : f32
    %gt3A_131 = vector.broadcast %gt3A_130 : f32 to vector<32x64xf32>
    %gt3A_132 = arith.cmpf ogt, %abs3A_129, %gt3A_131 : vector<32x64xf32>
    %max3A_133 = arith.constant 1.000000e-30 : f32
    %max3A_134 = vector.broadcast %max3A_133 : f32 to vector<32x64xf32>
    %max3A_135 = arith.maximumf %abs3A_129, %max3A_134 : vector<32x64xf32>
    %div3A_136 = arith.constant 1.000000e+00 : f32
    %div3A_137 = vector.broadcast %div3A_136 : f32 to vector<32x64xf32>
    %div3A_138 = arith.divf %div3A_137, %max3A_135 : vector<32x64xf32>
    %select_n3A_139 = arith.select %gt3A_132, %div3A_138, %abs3A_129 : vector<32x64xi1>, vector<32x64xf32>
    %mul3A_140 = arith.mulf %select_n3A_139, %select_n3A_139 : vector<32x64xf32>
    %broadcast_in_dim3A_141 = arith.constant 0.00246813102 : f32
    %broadcast_in_dim3A_142 = vector.broadcast %broadcast_in_dim3A_141 : f32 to vector<32x64xf32>
    %mul3A_143 = arith.mulf %broadcast_in_dim3A_142, %mul3A_140 : vector<32x64xf32>
    %add3A_144 = arith.constant -0.0144582391 : f32
    %add3A_145 = vector.broadcast %add3A_144 : f32 to vector<32x64xf32>
    %add3A_146 = arith.addf %mul3A_143, %add3A_145 : vector<32x64xf32>
    %mul3A_147 = arith.mulf %add3A_146, %mul3A_140 : vector<32x64xf32>
    %add3A_148 = arith.constant 0.0398988202 : f32
    %add3A_149 = vector.broadcast %add3A_148 : f32 to vector<32x64xf32>
    %add3A_150 = arith.addf %mul3A_147, %add3A_149 : vector<32x64xf32>
    %mul3A_151 = arith.mulf %add3A_150, %mul3A_140 : vector<32x64xf32>
    %add3A_152 = arith.constant -0.0724788755 : f32
    %add3A_153 = vector.broadcast %add3A_152 : f32 to vector<32x64xf32>
    %add3A_154 = arith.addf %mul3A_151, %add3A_153 : vector<32x64xf32>
    %mul3A_155 = arith.mulf %add3A_154, %mul3A_140 : vector<32x64xf32>
    %add3A_156 = arith.constant 0.105072893 : f32
    %add3A_157 = vector.broadcast %add3A_156 : f32 to vector<32x64xf32>
    %add3A_158 = arith.addf %mul3A_155, %add3A_157 : vector<32x64xf32>
    %mul3A_159 = arith.mulf %add3A_158, %mul3A_140 : vector<32x64xf32>
    %add3A_160 = arith.constant -0.141643256 : f32
    %add3A_161 = vector.broadcast %add3A_160 : f32 to vector<32x64xf32>
    %add3A_162 = arith.addf %mul3A_159, %add3A_161 : vector<32x64xf32>
    %mul3A_163 = arith.mulf %add3A_162, %mul3A_140 : vector<32x64xf32>
    %add3A_164 = arith.constant 0.199865356 : f32
    %add3A_165 = vector.broadcast %add3A_164 : f32 to vector<32x64xf32>
    %add3A_166 = arith.addf %mul3A_163, %add3A_165 : vector<32x64xf32>
    %mul3A_167 = arith.mulf %add3A_166, %mul3A_140 : vector<32x64xf32>
    %add3A_168 = arith.constant -0.333326578 : f32
    %add3A_169 = vector.broadcast %add3A_168 : f32 to vector<32x64xf32>
    %add3A_170 = arith.addf %mul3A_167, %add3A_169 : vector<32x64xf32>
    %mul3A_171 = arith.mulf %add3A_170, %mul3A_140 : vector<32x64xf32>
    %add3A_172 = arith.constant 0.99999988 : f32
    %add3A_173 = vector.broadcast %add3A_172 : f32 to vector<32x64xf32>
    %add3A_174 = arith.addf %mul3A_171, %add3A_173 : vector<32x64xf32>
    %mul3A_175 = arith.mulf %add3A_174, %select_n3A_139 : vector<32x64xf32>
    %sub3A_176 = arith.constant 1.57079637 : f32
    %sub3A_177 = vector.broadcast %sub3A_176 : f32 to vector<32x64xf32>
    %sub3A_178 = arith.subf %sub3A_177, %mul3A_175 : vector<32x64xf32>
    %select_n3A_179 = arith.select %gt3A_132, %sub3A_178, %mul3A_175 : vector<32x64xi1>, vector<32x64xf32>
    %sign3A_180 = tpu.bitcast %div3A_128 : vector<32x64xf32> -> vector<32x64xi32>
    %sign3A_181 = arith.constant -2147483648 : i32
    %sign3A_182 = vector.broadcast %sign3A_181 : i32 to vector<32x64xi32>
    %sign3A_183 = arith.andi %sign3A_180, %sign3A_182 : vector<32x64xi32>
    %sign3A_184 = arith.constant 1065353216 : i32
    %sign3A_185 = vector.broadcast %sign3A_184 : i32 to vector<32x64xi32>
    %sign3A_186 = arith.ori %sign3A_185, %sign3A_183 : vector<32x64xi32>
    %sign3A_187 = tpu.bitcast %sign3A_186 : vector<32x64xi32> -> vector<32x64xf32>
    %sign3A_188 = math.absf %div3A_128 : vector<32x64xf32>
    %sign3A_189 = arith.constant 0.000000e+00 : f32
    %sign3A_190 = vector.broadcast %sign3A_189 : f32 to vector<32x64xf32>
    %sign3A_191 = arith.cmpf ogt, %sign3A_188, %sign3A_190 : vector<32x64xf32>
    %sign3A_192 = arith.select %sign3A_191, %sign3A_187, %div3A_128 : vector<32x64xi1>, vector<32x64xf32>
    %mul3A_193 = arith.mulf %sign3A_192, %select_n3A_179 : vector<32x64xf32>
    %sub3A_194 = arith.subf %mul3A_70, %mul3A_193 : vector<32x64xf32>
    %mul3A_195 = arith.constant 0.405284733 : f32
    %mul3A_196 = vector.broadcast %mul3A_195 : f32 to vector<32x64xf32>
    %mul3A_197 = arith.mulf %mul3A_196, %sub3A_194 : vector<32x64xf32>
    %mul3A_198 = arith.mulf %mul3A_197, %sub3A_194 : vector<32x64xf32>
    %sub3A_199 = arith.constant 1.000000e+00 : f32
    %sub3A_200 = vector.broadcast %sub3A_199 : f32 to vector<32x64xf32>
    %sub3A_201 = arith.subf %sub3A_200, %div3A_118 : vector<32x64xf32>
    %div3A_202 = arith.divf %mul3A_198, %sub3A_201 : vector<32x64xf32>
    %add3A_203 = arith.addf %div3A_202, %mul3A_198 : vector<32x64xf32>
    %sub3A_204 = arith.subf %slice3A_77, %get3A_1 : vector<32x64xf32>
    %sub3A_205 = arith.subf %slice3A_77, %get3A_1 : vector<32x64xf32>
    %mul3A_206 = arith.mulf %sub3A_204, %sub3A_205 : vector<32x64xf32>
    %div3A_207 = arith.divf %mul3A_206, %add3A_125 : vector<32x64xf32>
    %mul3A_208 = arith.mulf %add3A_203, %mul3A_198 : vector<32x64xf32>
    %add3A_209 = arith.addf %div3A_207, %mul3A_208 : vector<32x64xf32>
    %sub3A_210 = arith.subf %div3A_118, %add3A_209 : vector<32x64xf32>
    %max3A_211 = arith.constant 0.000000e+00 : f32
    %max3A_212 = vector.broadcast %max3A_211 : f32 to vector<32x64xf32>
    %max3A_213 = arith.maximumf %sub3A_210, %max3A_212 : vector<32x64xf32>
    %log3A = math.log %slice3A_80 : vector<32x64xf32>
    %sub3A_214 = arith.constant 1.000000e+00 : f32
    %sub3A_215 = vector.broadcast %sub3A_214 : f32 to vector<32x64xf32>
    %sub3A_216 = arith.subf %sub3A_215, %max3A_213 : vector<32x64xf32>
    %mul3A_217 = arith.mulf %convert_element_type3A_90, %sub3A_216 : vector<32x64xf32>
    %reduce_sum3A = vector.shape_cast %mul3A_217 : vector<32x64xf32> to vector<1x32x64xf32>
    %reduce_sum3A_218 = arith.constant dense<0.000000e+00> : vector<1xf32>
    %reduce_sum3A_219 = vector.multi_reduction <add>, %reduce_sum3A, %reduce_sum3A_218 [1, 2] : vector<1x32x64xf32> to vector<1xf32>
    %reduce_sum3A_220 = vector.shape_cast %reduce_sum3A_219 : vector<1xf32> to vector<1x1x1xf32>
    %reduce_sum3A_221 = vector.extract %reduce_sum3A_220[0, 0, 0] : f32 from vector<1x1x1xf32>
    %broadcast_in_dim3A_222 = vector.broadcast %reduce_sum3A_221 : f32 to vector<1x1xf32>
    %mul3A_223 = arith.mulf %convert_element_type3A_90, %slice3A : vector<32x64xf32>
    %mul3A_224 = arith.mulf %mul3A_223, %max3A_213 : vector<32x64xf32>
    %reduce_sum3A_225 = vector.shape_cast %mul3A_224 : vector<32x64xf32> to vector<1x32x64xf32>
    %reduce_sum3A_226 = arith.constant dense<0.000000e+00> : vector<1xf32>
    %reduce_sum3A_227 = vector.multi_reduction <add>, %reduce_sum3A_225, %reduce_sum3A_226 [1, 2] : vector<1x32x64xf32> to vector<1xf32>
    %reduce_sum3A_228 = vector.shape_cast %reduce_sum3A_227 : vector<1xf32> to vector<1x1x1xf32>
    %reduce_sum3A_229 = vector.extract %reduce_sum3A_228[0, 0, 0] : f32 from vector<1x1x1xf32>
    %broadcast_in_dim3A_230 = vector.broadcast %reduce_sum3A_229 : f32 to vector<1x1xf32>
    %sub3A_231 = arith.subf %log3A, %slice3A_79 : vector<32x64xf32>
    %mul3A_232 = arith.mulf %convert_element_type3A_90, %sub3A_231 : vector<32x64xf32>
    %reduce_sum3A_233 = vector.shape_cast %mul3A_232 : vector<32x64xf32> to vector<1x32x64xf32>
    %reduce_sum3A_234 = arith.constant dense<0.000000e+00> : vector<1xf32>
    %reduce_sum3A_235 = vector.multi_reduction <add>, %reduce_sum3A_233, %reduce_sum3A_234 [1, 2] : vector<1x32x64xf32> to vector<1xf32>
    %reduce_sum3A_236 = vector.shape_cast %reduce_sum3A_235 : vector<1xf32> to vector<1x1x1xf32>
    %reduce_sum3A_237 = vector.extract %reduce_sum3A_236[0, 0, 0] : f32 from vector<1x1x1xf32>
    %broadcast_in_dim3A_238 = vector.broadcast %reduce_sum3A_237 : f32 to vector<1x1xf32>
    %reduce_sum3A_239 = vector.shape_cast %convert_element_type3A_90 : vector<32x64xf32> to vector<1x32x64xf32>
    %reduce_sum3A_240 = arith.constant dense<0.000000e+00> : vector<1xf32>
    %reduce_sum3A_241 = vector.multi_reduction <add>, %reduce_sum3A_239, %reduce_sum3A_240 [1, 2] : vector<1x32x64xf32> to vector<1xf32>
    %reduce_sum3A_242 = vector.shape_cast %reduce_sum3A_241 : vector<1xf32> to vector<1x1x1xf32>
    %reduce_sum3A_243 = vector.extract %reduce_sum3A_242[0, 0, 0] : f32 from vector<1x1x1xf32>
    %broadcast_in_dim3A_244 = vector.broadcast %reduce_sum3A_243 : f32 to vector<1x1xf32>
    %slice3A_245 = vector.extract_strided_slice %get3A_73 {offsets = [0, 64], sizes = [32, 64], strides = [1, 1]} : vector<32x768xf32> to vector<32x64xf32>
    %slice3A_246 = vector.extract_strided_slice %get3A_73 {offsets = [0, 256], sizes = [32, 64], strides = [1, 1]} : vector<32x768xf32> to vector<32x64xf32>
    %slice3A_247 = vector.extract_strided_slice %get3A_73 {offsets = [0, 448], sizes = [32, 64], strides = [1, 1]} : vector<32x768xf32> to vector<32x64xf32>
    %slice3A_248 = vector.extract_strided_slice %get3A_73 {offsets = [0, 640], sizes = [32, 64], strides = [1, 1]} : vector<32x768xf32> to vector<32x64xf32>
    %slice3A_249 = vector.extract_strided_slice %get3A_76 {offsets = [0, 64], sizes = [32, 64], strides = [1, 1]} : vector<32x192xf32> to vector<32x64xf32>
    %div3A_250 = arith.constant 1.000000e+00 : f32
    %div3A_251 = vector.broadcast %div3A_250 : f32 to vector<32x64xf32>
    %div3A_252 = arith.divf %get3A_4, %div3A_251 : vector<32x64xf32>
    %div3A_253 = arith.constant 1.000000e+00 : f32
    %div3A_254 = vector.broadcast %div3A_253 : f32 to vector<32x64xf32>
    %div3A_255 = arith.divf %div3A_254, %div3A_252 : vector<32x64xf32>
    %max3A_256 = arith.maximumf %div3A_252, %div3A_255 : vector<32x64xf32>
    %lt3A_257 = arith.constant 4.000000e+00 : f32
    %lt3A_258 = vector.broadcast %lt3A_257 : f32 to vector<32x64xf32>
    %lt3A_259 = arith.cmpf olt, %max3A_256, %lt3A_258 : vector<32x64xf32>
    %convert_element_type3A_260 = arith.extui %lt3A_259 : vector<32x64xi1> to vector<32x64xi32>
    %convert_element_type3A_261 = arith.sitofp %convert_element_type3A_260 : vector<32x64xi32> to vector<32x64xf32>
    %div3A_262 = arith.constant 2.000000e+00 : f32
    %div3A_263 = vector.broadcast %div3A_262 : f32 to vector<32x64xf32>
    %div3A_264 = arith.divf %slice3A_247, %div3A_263 : vector<32x64xf32>
    %sub3A_265 = arith.subf %slice3A_246, %div3A_264 : vector<32x64xf32>
    %div3A_266 = arith.constant 2.000000e+00 : f32
    %div3A_267 = vector.broadcast %div3A_266 : f32 to vector<32x64xf32>
    %div3A_268 = arith.divf %slice3A_247, %div3A_267 : vector<32x64xf32>
    %add3A_269 = arith.addf %slice3A_246, %div3A_268 : vector<32x64xf32>
    %min3A_270 = arith.minimumf %add3A_269, %add3A : vector<32x64xf32>
    %max3A_271 = arith.maximumf %sub3A_265, %sub3A : vector<32x64xf32>
    %sub3A_272 = arith.subf %min3A_270, %max3A_271 : vector<32x64xf32>
    %max3A_273 = arith.constant 0.000000e+00 : f32
    %max3A_274 = vector.broadcast %max3A_273 : f32 to vector<32x64xf32>
    %max3A_275 = arith.maximumf %sub3A_272, %max3A_274 : vector<32x64xf32>
    %mul3A_276 = arith.constant 1.000000e+01 : f32
    %mul3A_277 = vector.broadcast %mul3A_276 : f32 to vector<32x64xf32>
    %mul3A_278 = arith.mulf %max3A_275, %mul3A_277 : vector<32x64xf32>
    %mul3A_279 = arith.constant 1.000000e+01 : f32
    %mul3A_280 = vector.broadcast %mul3A_279 : f32 to vector<32x64xf32>
    %mul3A_281 = arith.mulf %slice3A_247, %mul3A_280 : vector<32x64xf32>
    %mul3A_282 = arith.constant 1.000000e+01 : f32
    %mul3A_283 = vector.broadcast %mul3A_282 : f32 to vector<32x64xf32>
    %mul3A_284 = arith.mulf %get3A_4, %mul3A_283 : vector<32x64xf32>
    %add3A_285 = arith.addf %mul3A_281, %mul3A_284 : vector<32x64xf32>
    %sub3A_286 = arith.subf %add3A_285, %mul3A_278 : vector<32x64xf32>
    %add3A_287 = arith.constant 1.000000e-15 : f32
    %add3A_288 = vector.broadcast %add3A_287 : f32 to vector<32x64xf32>
    %add3A_289 = arith.addf %sub3A_286, %add3A_288 : vector<32x64xf32>
    %div3A_290 = arith.divf %mul3A_278, %add3A_289 : vector<32x64xf32>
    %max3A_291 = arith.maximumf %add3A_269, %add3A : vector<32x64xf32>
    %min3A_292 = arith.minimumf %sub3A_265, %sub3A : vector<32x64xf32>
    %sub3A_293 = arith.subf %max3A_291, %min3A_292 : vector<32x64xf32>
    %mul3A_294 = arith.mulf %sub3A_293, %sub3A_293 : vector<32x64xf32>
    %add3A_295 = arith.constant 1.000000e+02 : f32
    %add3A_296 = vector.broadcast %add3A_295 : f32 to vector<32x64xf32>
    %add3A_297 = arith.addf %mul3A_294, %add3A_296 : vector<32x64xf32>
    %div3A_298 = arith.constant 1.000000e+01 : f32
    %div3A_299 = vector.broadcast %div3A_298 : f32 to vector<32x64xf32>
    %div3A_300 = arith.divf %slice3A_247, %div3A_299 : vector<32x64xf32>
    %abs3A_301 = math.absf %div3A_300 : vector<32x64xf32>
    %gt3A_302 = arith.constant 1.000000e+00 : f32
    %gt3A_303 = vector.broadcast %gt3A_302 : f32 to vector<32x64xf32>
    %gt3A_304 = arith.cmpf ogt, %abs3A_301, %gt3A_303 : vector<32x64xf32>
    %max3A_305 = arith.constant 1.000000e-30 : f32
    %max3A_306 = vector.broadcast %max3A_305 : f32 to vector<32x64xf32>
    %max3A_307 = arith.maximumf %abs3A_301, %max3A_306 : vector<32x64xf32>
    %div3A_308 = arith.constant 1.000000e+00 : f32
    %div3A_309 = vector.broadcast %div3A_308 : f32 to vector<32x64xf32>
    %div3A_310 = arith.divf %div3A_309, %max3A_307 : vector<32x64xf32>
    %select_n3A_311 = arith.select %gt3A_304, %div3A_310, %abs3A_301 : vector<32x64xi1>, vector<32x64xf32>
    %mul3A_312 = arith.mulf %select_n3A_311, %select_n3A_311 : vector<32x64xf32>
    %broadcast_in_dim3A_313 = arith.constant 0.00246813102 : f32
    %broadcast_in_dim3A_314 = vector.broadcast %broadcast_in_dim3A_313 : f32 to vector<32x64xf32>
    %mul3A_315 = arith.mulf %broadcast_in_dim3A_314, %mul3A_312 : vector<32x64xf32>
    %add3A_316 = arith.constant -0.0144582391 : f32
    %add3A_317 = vector.broadcast %add3A_316 : f32 to vector<32x64xf32>
    %add3A_318 = arith.addf %mul3A_315, %add3A_317 : vector<32x64xf32>
    %mul3A_319 = arith.mulf %add3A_318, %mul3A_312 : vector<32x64xf32>
    %add3A_320 = arith.constant 0.0398988202 : f32
    %add3A_321 = vector.broadcast %add3A_320 : f32 to vector<32x64xf32>
    %add3A_322 = arith.addf %mul3A_319, %add3A_321 : vector<32x64xf32>
    %mul3A_323 = arith.mulf %add3A_322, %mul3A_312 : vector<32x64xf32>
    %add3A_324 = arith.constant -0.0724788755 : f32
    %add3A_325 = vector.broadcast %add3A_324 : f32 to vector<32x64xf32>
    %add3A_326 = arith.addf %mul3A_323, %add3A_325 : vector<32x64xf32>
    %mul3A_327 = arith.mulf %add3A_326, %mul3A_312 : vector<32x64xf32>
    %add3A_328 = arith.constant 0.105072893 : f32
    %add3A_329 = vector.broadcast %add3A_328 : f32 to vector<32x64xf32>
    %add3A_330 = arith.addf %mul3A_327, %add3A_329 : vector<32x64xf32>
    %mul3A_331 = arith.mulf %add3A_330, %mul3A_312 : vector<32x64xf32>
    %add3A_332 = arith.constant -0.141643256 : f32
    %add3A_333 = vector.broadcast %add3A_332 : f32 to vector<32x64xf32>
    %add3A_334 = arith.addf %mul3A_331, %add3A_333 : vector<32x64xf32>
    %mul3A_335 = arith.mulf %add3A_334, %mul3A_312 : vector<32x64xf32>
    %add3A_336 = arith.constant 0.199865356 : f32
    %add3A_337 = vector.broadcast %add3A_336 : f32 to vector<32x64xf32>
    %add3A_338 = arith.addf %mul3A_335, %add3A_337 : vector<32x64xf32>
    %mul3A_339 = arith.mulf %add3A_338, %mul3A_312 : vector<32x64xf32>
    %add3A_340 = arith.constant -0.333326578 : f32
    %add3A_341 = vector.broadcast %add3A_340 : f32 to vector<32x64xf32>
    %add3A_342 = arith.addf %mul3A_339, %add3A_341 : vector<32x64xf32>
    %mul3A_343 = arith.mulf %add3A_342, %mul3A_312 : vector<32x64xf32>
    %add3A_344 = arith.constant 0.99999988 : f32
    %add3A_345 = vector.broadcast %add3A_344 : f32 to vector<32x64xf32>
    %add3A_346 = arith.addf %mul3A_343, %add3A_345 : vector<32x64xf32>
    %mul3A_347 = arith.mulf %add3A_346, %select_n3A_311 : vector<32x64xf32>
    %sub3A_348 = arith.constant 1.57079637 : f32
    %sub3A_349 = vector.broadcast %sub3A_348 : f32 to vector<32x64xf32>
    %sub3A_350 = arith.subf %sub3A_349, %mul3A_347 : vector<32x64xf32>
    %select_n3A_351 = arith.select %gt3A_304, %sub3A_350, %mul3A_347 : vector<32x64xi1>, vector<32x64xf32>
    %sign3A_352 = tpu.bitcast %div3A_300 : vector<32x64xf32> -> vector<32x64xi32>
    %sign3A_353 = arith.constant -2147483648 : i32
    %sign3A_354 = vector.broadcast %sign3A_353 : i32 to vector<32x64xi32>
    %sign3A_355 = arith.andi %sign3A_352, %sign3A_354 : vector<32x64xi32>
    %sign3A_356 = arith.constant 1065353216 : i32
    %sign3A_357 = vector.broadcast %sign3A_356 : i32 to vector<32x64xi32>
    %sign3A_358 = arith.ori %sign3A_357, %sign3A_355 : vector<32x64xi32>
    %sign3A_359 = tpu.bitcast %sign3A_358 : vector<32x64xi32> -> vector<32x64xf32>
    %sign3A_360 = math.absf %div3A_300 : vector<32x64xf32>
    %sign3A_361 = arith.constant 0.000000e+00 : f32
    %sign3A_362 = vector.broadcast %sign3A_361 : f32 to vector<32x64xf32>
    %sign3A_363 = arith.cmpf ogt, %sign3A_360, %sign3A_362 : vector<32x64xf32>
    %sign3A_364 = arith.select %sign3A_363, %sign3A_359, %div3A_300 : vector<32x64xi1>, vector<32x64xf32>
    %mul3A_365 = arith.mulf %sign3A_364, %select_n3A_351 : vector<32x64xf32>
    %sub3A_366 = arith.subf %mul3A_70, %mul3A_365 : vector<32x64xf32>
    %mul3A_367 = arith.constant 0.405284733 : f32
    %mul3A_368 = vector.broadcast %mul3A_367 : f32 to vector<32x64xf32>
    %mul3A_369 = arith.mulf %mul3A_368, %sub3A_366 : vector<32x64xf32>
    %mul3A_370 = arith.mulf %mul3A_369, %sub3A_366 : vector<32x64xf32>
    %sub3A_371 = arith.constant 1.000000e+00 : f32
    %sub3A_372 = vector.broadcast %sub3A_371 : f32 to vector<32x64xf32>
    %sub3A_373 = arith.subf %sub3A_372, %div3A_290 : vector<32x64xf32>
    %div3A_374 = arith.divf %mul3A_370, %sub3A_373 : vector<32x64xf32>
    %add3A_375 = arith.addf %div3A_374, %mul3A_370 : vector<32x64xf32>
    %sub3A_376 = arith.subf %slice3A_246, %get3A_1 : vector<32x64xf32>
    %sub3A_377 = arith.subf %slice3A_246, %get3A_1 : vector<32x64xf32>
    %mul3A_378 = arith.mulf %sub3A_376, %sub3A_377 : vector<32x64xf32>
    %div3A_379 = arith.divf %mul3A_378, %add3A_297 : vector<32x64xf32>
    %mul3A_380 = arith.mulf %add3A_375, %mul3A_370 : vector<32x64xf32>
    %add3A_381 = arith.addf %div3A_379, %mul3A_380 : vector<32x64xf32>
    %sub3A_382 = arith.subf %div3A_290, %add3A_381 : vector<32x64xf32>
    %max3A_383 = arith.constant 0.000000e+00 : f32
    %max3A_384 = vector.broadcast %max3A_383 : f32 to vector<32x64xf32>
    %max3A_385 = arith.maximumf %sub3A_382, %max3A_384 : vector<32x64xf32>
    %log3A_386 = math.log %slice3A_249 : vector<32x64xf32>
    %sub3A_387 = arith.constant 1.000000e+00 : f32
    %sub3A_388 = vector.broadcast %sub3A_387 : f32 to vector<32x64xf32>
    %sub3A_389 = arith.subf %sub3A_388, %max3A_385 : vector<32x64xf32>
    %mul3A_390 = arith.mulf %convert_element_type3A_261, %sub3A_389 : vector<32x64xf32>
    %reduce_sum3A_391 = vector.shape_cast %mul3A_390 : vector<32x64xf32> to vector<1x32x64xf32>
    %reduce_sum3A_392 = arith.constant dense<0.000000e+00> : vector<1xf32>
    %reduce_sum3A_393 = vector.multi_reduction <add>, %reduce_sum3A_391, %reduce_sum3A_392 [1, 2] : vector<1x32x64xf32> to vector<1xf32>
    %reduce_sum3A_394 = vector.shape_cast %reduce_sum3A_393 : vector<1xf32> to vector<1x1x1xf32>
    %reduce_sum3A_395 = vector.extract %reduce_sum3A_394[0, 0, 0] : f32 from vector<1x1x1xf32>
    %broadcast_in_dim3A_396 = vector.broadcast %reduce_sum3A_395 : f32 to vector<1x1xf32>
    %mul3A_397 = arith.mulf %convert_element_type3A_261, %slice3A_245 : vector<32x64xf32>
    %mul3A_398 = arith.mulf %mul3A_397, %max3A_385 : vector<32x64xf32>
    %reduce_sum3A_399 = vector.shape_cast %mul3A_398 : vector<32x64xf32> to vector<1x32x64xf32>
    %reduce_sum3A_400 = arith.constant dense<0.000000e+00> : vector<1xf32>
    %reduce_sum3A_401 = vector.multi_reduction <add>, %reduce_sum3A_399, %reduce_sum3A_400 [1, 2] : vector<1x32x64xf32> to vector<1xf32>
    %reduce_sum3A_402 = vector.shape_cast %reduce_sum3A_401 : vector<1xf32> to vector<1x1x1xf32>
    %reduce_sum3A_403 = vector.extract %reduce_sum3A_402[0, 0, 0] : f32 from vector<1x1x1xf32>
    %broadcast_in_dim3A_404 = vector.broadcast %reduce_sum3A_403 : f32 to vector<1x1xf32>
    %sub3A_405 = arith.subf %log3A_386, %slice3A_248 : vector<32x64xf32>
    %mul3A_406 = arith.mulf %convert_element_type3A_261, %sub3A_405 : vector<32x64xf32>
    %reduce_sum3A_407 = vector.shape_cast %mul3A_406 : vector<32x64xf32> to vector<1x32x64xf32>
    %reduce_sum3A_408 = arith.constant dense<0.000000e+00> : vector<1xf32>
    %reduce_sum3A_409 = vector.multi_reduction <add>, %reduce_sum3A_407, %reduce_sum3A_408 [1, 2] : vector<1x32x64xf32> to vector<1xf32>
    %reduce_sum3A_410 = vector.shape_cast %reduce_sum3A_409 : vector<1xf32> to vector<1x1x1xf32>
    %reduce_sum3A_411 = vector.extract %reduce_sum3A_410[0, 0, 0] : f32 from vector<1x1x1xf32>
    %broadcast_in_dim3A_412 = vector.broadcast %reduce_sum3A_411 : f32 to vector<1x1xf32>
    %reduce_sum3A_413 = vector.shape_cast %convert_element_type3A_261 : vector<32x64xf32> to vector<1x32x64xf32>
    %reduce_sum3A_414 = arith.constant dense<0.000000e+00> : vector<1xf32>
    %reduce_sum3A_415 = vector.multi_reduction <add>, %reduce_sum3A_413, %reduce_sum3A_414 [1, 2] : vector<1x32x64xf32> to vector<1xf32>
    %reduce_sum3A_416 = vector.shape_cast %reduce_sum3A_415 : vector<1xf32> to vector<1x1x1xf32>
    %reduce_sum3A_417 = vector.extract %reduce_sum3A_416[0, 0, 0] : f32 from vector<1x1x1xf32>
    %broadcast_in_dim3A_418 = vector.broadcast %reduce_sum3A_417 : f32 to vector<1x1xf32>
    %add3A_419 = arith.addf %broadcast_in_dim3A_222, %broadcast_in_dim3A_396 : vector<1x1xf32>
    %add3A_420 = arith.addf %broadcast_in_dim3A_230, %broadcast_in_dim3A_404 : vector<1x1xf32>
    %add3A_421 = arith.addf %broadcast_in_dim3A_238, %broadcast_in_dim3A_412 : vector<1x1xf32>
    %add3A_422 = arith.addf %broadcast_in_dim3A_244, %broadcast_in_dim3A_418 : vector<1x1xf32>
    %slice3A_423 = vector.extract_strided_slice %get3A_73 {offsets = [0, 128], sizes = [32, 64], strides = [1, 1]} : vector<32x768xf32> to vector<32x64xf32>
    %slice3A_424 = vector.extract_strided_slice %get3A_73 {offsets = [0, 320], sizes = [32, 64], strides = [1, 1]} : vector<32x768xf32> to vector<32x64xf32>
    %slice3A_425 = vector.extract_strided_slice %get3A_73 {offsets = [0, 512], sizes = [32, 64], strides = [1, 1]} : vector<32x768xf32> to vector<32x64xf32>
    %slice3A_426 = vector.extract_strided_slice %get3A_73 {offsets = [0, 704], sizes = [32, 64], strides = [1, 1]} : vector<32x768xf32> to vector<32x64xf32>
    %slice3A_427 = vector.extract_strided_slice %get3A_76 {offsets = [0, 128], sizes = [32, 64], strides = [1, 1]} : vector<32x192xf32> to vector<32x64xf32>
    %div3A_428 = arith.constant 2.000000e+00 : f32
    %div3A_429 = vector.broadcast %div3A_428 : f32 to vector<32x64xf32>
    %div3A_430 = arith.divf %get3A_4, %div3A_429 : vector<32x64xf32>
    %div3A_431 = arith.constant 1.000000e+00 : f32
    %div3A_432 = vector.broadcast %div3A_431 : f32 to vector<32x64xf32>
    %div3A_433 = arith.divf %div3A_432, %div3A_430 : vector<32x64xf32>
    %max3A_434 = arith.maximumf %div3A_430, %div3A_433 : vector<32x64xf32>
    %lt3A_435 = arith.constant 4.000000e+00 : f32
    %lt3A_436 = vector.broadcast %lt3A_435 : f32 to vector<32x64xf32>
    %lt3A_437 = arith.cmpf olt, %max3A_434, %lt3A_436 : vector<32x64xf32>
    %convert_element_type3A_438 = arith.extui %lt3A_437 : vector<32x64xi1> to vector<32x64xi32>
    %convert_element_type3A_439 = arith.sitofp %convert_element_type3A_438 : vector<32x64xi32> to vector<32x64xf32>
    %div3A_440 = arith.constant 2.000000e+00 : f32
    %div3A_441 = vector.broadcast %div3A_440 : f32 to vector<32x64xf32>
    %div3A_442 = arith.divf %slice3A_425, %div3A_441 : vector<32x64xf32>
    %sub3A_443 = arith.subf %slice3A_424, %div3A_442 : vector<32x64xf32>
    %div3A_444 = arith.constant 2.000000e+00 : f32
    %div3A_445 = vector.broadcast %div3A_444 : f32 to vector<32x64xf32>
    %div3A_446 = arith.divf %slice3A_425, %div3A_445 : vector<32x64xf32>
    %add3A_447 = arith.addf %slice3A_424, %div3A_446 : vector<32x64xf32>
    %min3A_448 = arith.minimumf %add3A_447, %add3A : vector<32x64xf32>
    %max3A_449 = arith.maximumf %sub3A_443, %sub3A : vector<32x64xf32>
    %sub3A_450 = arith.subf %min3A_448, %max3A_449 : vector<32x64xf32>
    %max3A_451 = arith.constant 0.000000e+00 : f32
    %max3A_452 = vector.broadcast %max3A_451 : f32 to vector<32x64xf32>
    %max3A_453 = arith.maximumf %sub3A_450, %max3A_452 : vector<32x64xf32>
    %mul3A_454 = arith.constant 1.000000e+01 : f32
    %mul3A_455 = vector.broadcast %mul3A_454 : f32 to vector<32x64xf32>
    %mul3A_456 = arith.mulf %max3A_453, %mul3A_455 : vector<32x64xf32>
    %mul3A_457 = arith.constant 1.000000e+01 : f32
    %mul3A_458 = vector.broadcast %mul3A_457 : f32 to vector<32x64xf32>
    %mul3A_459 = arith.mulf %slice3A_425, %mul3A_458 : vector<32x64xf32>
    %mul3A_460 = arith.constant 1.000000e+01 : f32
    %mul3A_461 = vector.broadcast %mul3A_460 : f32 to vector<32x64xf32>
    %mul3A_462 = arith.mulf %get3A_4, %mul3A_461 : vector<32x64xf32>
    %add3A_463 = arith.addf %mul3A_459, %mul3A_462 : vector<32x64xf32>
    %sub3A_464 = arith.subf %add3A_463, %mul3A_456 : vector<32x64xf32>
    %add3A_465 = arith.constant 1.000000e-15 : f32
    %add3A_466 = vector.broadcast %add3A_465 : f32 to vector<32x64xf32>
    %add3A_467 = arith.addf %sub3A_464, %add3A_466 : vector<32x64xf32>
    %div3A_468 = arith.divf %mul3A_456, %add3A_467 : vector<32x64xf32>
    %max3A_469 = arith.maximumf %add3A_447, %add3A : vector<32x64xf32>
    %min3A_470 = arith.minimumf %sub3A_443, %sub3A : vector<32x64xf32>
    %sub3A_471 = arith.subf %max3A_469, %min3A_470 : vector<32x64xf32>
    %mul3A_472 = arith.mulf %sub3A_471, %sub3A_471 : vector<32x64xf32>
    %add3A_473 = arith.constant 1.000000e+02 : f32
    %add3A_474 = vector.broadcast %add3A_473 : f32 to vector<32x64xf32>
    %add3A_475 = arith.addf %mul3A_472, %add3A_474 : vector<32x64xf32>
    %div3A_476 = arith.constant 1.000000e+01 : f32
    %div3A_477 = vector.broadcast %div3A_476 : f32 to vector<32x64xf32>
    %div3A_478 = arith.divf %slice3A_425, %div3A_477 : vector<32x64xf32>
    %abs3A_479 = math.absf %div3A_478 : vector<32x64xf32>
    %gt3A_480 = arith.constant 1.000000e+00 : f32
    %gt3A_481 = vector.broadcast %gt3A_480 : f32 to vector<32x64xf32>
    %gt3A_482 = arith.cmpf ogt, %abs3A_479, %gt3A_481 : vector<32x64xf32>
    %max3A_483 = arith.constant 1.000000e-30 : f32
    %max3A_484 = vector.broadcast %max3A_483 : f32 to vector<32x64xf32>
    %max3A_485 = arith.maximumf %abs3A_479, %max3A_484 : vector<32x64xf32>
    %div3A_486 = arith.constant 1.000000e+00 : f32
    %div3A_487 = vector.broadcast %div3A_486 : f32 to vector<32x64xf32>
    %div3A_488 = arith.divf %div3A_487, %max3A_485 : vector<32x64xf32>
    %select_n3A_489 = arith.select %gt3A_482, %div3A_488, %abs3A_479 : vector<32x64xi1>, vector<32x64xf32>
    %mul3A_490 = arith.mulf %select_n3A_489, %select_n3A_489 : vector<32x64xf32>
    %broadcast_in_dim3A_491 = arith.constant 0.00246813102 : f32
    %broadcast_in_dim3A_492 = vector.broadcast %broadcast_in_dim3A_491 : f32 to vector<32x64xf32>
    %mul3A_493 = arith.mulf %broadcast_in_dim3A_492, %mul3A_490 : vector<32x64xf32>
    %add3A_494 = arith.constant -0.0144582391 : f32
    %add3A_495 = vector.broadcast %add3A_494 : f32 to vector<32x64xf32>
    %add3A_496 = arith.addf %mul3A_493, %add3A_495 : vector<32x64xf32>
    %mul3A_497 = arith.mulf %add3A_496, %mul3A_490 : vector<32x64xf32>
    %add3A_498 = arith.constant 0.0398988202 : f32
    %add3A_499 = vector.broadcast %add3A_498 : f32 to vector<32x64xf32>
    %add3A_500 = arith.addf %mul3A_497, %add3A_499 : vector<32x64xf32>
    %mul3A_501 = arith.mulf %add3A_500, %mul3A_490 : vector<32x64xf32>
    %add3A_502 = arith.constant -0.0724788755 : f32
    %add3A_503 = vector.broadcast %add3A_502 : f32 to vector<32x64xf32>
    %add3A_504 = arith.addf %mul3A_501, %add3A_503 : vector<32x64xf32>
    %mul3A_505 = arith.mulf %add3A_504, %mul3A_490 : vector<32x64xf32>
    %add3A_506 = arith.constant 0.105072893 : f32
    %add3A_507 = vector.broadcast %add3A_506 : f32 to vector<32x64xf32>
    %add3A_508 = arith.addf %mul3A_505, %add3A_507 : vector<32x64xf32>
    %mul3A_509 = arith.mulf %add3A_508, %mul3A_490 : vector<32x64xf32>
    %add3A_510 = arith.constant -0.141643256 : f32
    %add3A_511 = vector.broadcast %add3A_510 : f32 to vector<32x64xf32>
    %add3A_512 = arith.addf %mul3A_509, %add3A_511 : vector<32x64xf32>
    %mul3A_513 = arith.mulf %add3A_512, %mul3A_490 : vector<32x64xf32>
    %add3A_514 = arith.constant 0.199865356 : f32
    %add3A_515 = vector.broadcast %add3A_514 : f32 to vector<32x64xf32>
    %add3A_516 = arith.addf %mul3A_513, %add3A_515 : vector<32x64xf32>
    %mul3A_517 = arith.mulf %add3A_516, %mul3A_490 : vector<32x64xf32>
    %add3A_518 = arith.constant -0.333326578 : f32
    %add3A_519 = vector.broadcast %add3A_518 : f32 to vector<32x64xf32>
    %add3A_520 = arith.addf %mul3A_517, %add3A_519 : vector<32x64xf32>
    %mul3A_521 = arith.mulf %add3A_520, %mul3A_490 : vector<32x64xf32>
    %add3A_522 = arith.constant 0.99999988 : f32
    %add3A_523 = vector.broadcast %add3A_522 : f32 to vector<32x64xf32>
    %add3A_524 = arith.addf %mul3A_521, %add3A_523 : vector<32x64xf32>
    %mul3A_525 = arith.mulf %add3A_524, %select_n3A_489 : vector<32x64xf32>
    %sub3A_526 = arith.constant 1.57079637 : f32
    %sub3A_527 = vector.broadcast %sub3A_526 : f32 to vector<32x64xf32>
    %sub3A_528 = arith.subf %sub3A_527, %mul3A_525 : vector<32x64xf32>
    %select_n3A_529 = arith.select %gt3A_482, %sub3A_528, %mul3A_525 : vector<32x64xi1>, vector<32x64xf32>
    %sign3A_530 = tpu.bitcast %div3A_478 : vector<32x64xf32> -> vector<32x64xi32>
    %sign3A_531 = arith.constant -2147483648 : i32
    %sign3A_532 = vector.broadcast %sign3A_531 : i32 to vector<32x64xi32>
    %sign3A_533 = arith.andi %sign3A_530, %sign3A_532 : vector<32x64xi32>
    %sign3A_534 = arith.constant 1065353216 : i32
    %sign3A_535 = vector.broadcast %sign3A_534 : i32 to vector<32x64xi32>
    %sign3A_536 = arith.ori %sign3A_535, %sign3A_533 : vector<32x64xi32>
    %sign3A_537 = tpu.bitcast %sign3A_536 : vector<32x64xi32> -> vector<32x64xf32>
    %sign3A_538 = math.absf %div3A_478 : vector<32x64xf32>
    %sign3A_539 = arith.constant 0.000000e+00 : f32
    %sign3A_540 = vector.broadcast %sign3A_539 : f32 to vector<32x64xf32>
    %sign3A_541 = arith.cmpf ogt, %sign3A_538, %sign3A_540 : vector<32x64xf32>
    %sign3A_542 = arith.select %sign3A_541, %sign3A_537, %div3A_478 : vector<32x64xi1>, vector<32x64xf32>
    %mul3A_543 = arith.mulf %sign3A_542, %select_n3A_529 : vector<32x64xf32>
    %sub3A_544 = arith.subf %mul3A_70, %mul3A_543 : vector<32x64xf32>
    %mul3A_545 = arith.constant 0.405284733 : f32
    %mul3A_546 = vector.broadcast %mul3A_545 : f32 to vector<32x64xf32>
    %mul3A_547 = arith.mulf %mul3A_546, %sub3A_544 : vector<32x64xf32>
    %mul3A_548 = arith.mulf %mul3A_547, %sub3A_544 : vector<32x64xf32>
    %sub3A_549 = arith.constant 1.000000e+00 : f32
    %sub3A_550 = vector.broadcast %sub3A_549 : f32 to vector<32x64xf32>
    %sub3A_551 = arith.subf %sub3A_550, %div3A_468 : vector<32x64xf32>
    %div3A_552 = arith.divf %mul3A_548, %sub3A_551 : vector<32x64xf32>
    %add3A_553 = arith.addf %div3A_552, %mul3A_548 : vector<32x64xf32>
    %sub3A_554 = arith.subf %slice3A_424, %get3A_1 : vector<32x64xf32>
    %sub3A_555 = arith.subf %slice3A_424, %get3A_1 : vector<32x64xf32>
    %mul3A_556 = arith.mulf %sub3A_554, %sub3A_555 : vector<32x64xf32>
    %div3A_557 = arith.divf %mul3A_556, %add3A_475 : vector<32x64xf32>
    %mul3A_558 = arith.mulf %add3A_553, %mul3A_548 : vector<32x64xf32>
    %add3A_559 = arith.addf %div3A_557, %mul3A_558 : vector<32x64xf32>
    %sub3A_560 = arith.subf %div3A_468, %add3A_559 : vector<32x64xf32>
    %max3A_561 = arith.constant 0.000000e+00 : f32
    %max3A_562 = vector.broadcast %max3A_561 : f32 to vector<32x64xf32>
    %max3A_563 = arith.maximumf %sub3A_560, %max3A_562 : vector<32x64xf32>
    %log3A_564 = math.log %slice3A_427 : vector<32x64xf32>
    %sub3A_565 = arith.constant 1.000000e+00 : f32
    %sub3A_566 = vector.broadcast %sub3A_565 : f32 to vector<32x64xf32>
    %sub3A_567 = arith.subf %sub3A_566, %max3A_563 : vector<32x64xf32>
    %mul3A_568 = arith.mulf %convert_element_type3A_439, %sub3A_567 : vector<32x64xf32>
    %reduce_sum3A_569 = vector.shape_cast %mul3A_568 : vector<32x64xf32> to vector<1x32x64xf32>
    %reduce_sum3A_570 = arith.constant dense<0.000000e+00> : vector<1xf32>
    %reduce_sum3A_571 = vector.multi_reduction <add>, %reduce_sum3A_569, %reduce_sum3A_570 [1, 2] : vector<1x32x64xf32> to vector<1xf32>
    %reduce_sum3A_572 = vector.shape_cast %reduce_sum3A_571 : vector<1xf32> to vector<1x1x1xf32>
    %reduce_sum3A_573 = vector.extract %reduce_sum3A_572[0, 0, 0] : f32 from vector<1x1x1xf32>
    %broadcast_in_dim3A_574 = vector.broadcast %reduce_sum3A_573 : f32 to vector<1x1xf32>
    %mul3A_575 = arith.mulf %convert_element_type3A_439, %slice3A_423 : vector<32x64xf32>
    %mul3A_576 = arith.mulf %mul3A_575, %max3A_563 : vector<32x64xf32>
    %reduce_sum3A_577 = vector.shape_cast %mul3A_576 : vector<32x64xf32> to vector<1x32x64xf32>
    %reduce_sum3A_578 = arith.constant dense<0.000000e+00> : vector<1xf32>
    %reduce_sum3A_579 = vector.multi_reduction <add>, %reduce_sum3A_577, %reduce_sum3A_578 [1, 2] : vector<1x32x64xf32> to vector<1xf32>
    %reduce_sum3A_580 = vector.shape_cast %reduce_sum3A_579 : vector<1xf32> to vector<1x1x1xf32>
    %reduce_sum3A_581 = vector.extract %reduce_sum3A_580[0, 0, 0] : f32 from vector<1x1x1xf32>
    %broadcast_in_dim3A_582 = vector.broadcast %reduce_sum3A_581 : f32 to vector<1x1xf32>
    %sub3A_583 = arith.subf %log3A_564, %slice3A_426 : vector<32x64xf32>
    %mul3A_584 = arith.mulf %convert_element_type3A_439, %sub3A_583 : vector<32x64xf32>
    %reduce_sum3A_585 = vector.shape_cast %mul3A_584 : vector<32x64xf32> to vector<1x32x64xf32>
    %reduce_sum3A_586 = arith.constant dense<0.000000e+00> : vector<1xf32>
    %reduce_sum3A_587 = vector.multi_reduction <add>, %reduce_sum3A_585, %reduce_sum3A_586 [1, 2] : vector<1x32x64xf32> to vector<1xf32>
    %reduce_sum3A_588 = vector.shape_cast %reduce_sum3A_587 : vector<1xf32> to vector<1x1x1xf32>
    %reduce_sum3A_589 = vector.extract %reduce_sum3A_588[0, 0, 0] : f32 from vector<1x1x1xf32>
    %broadcast_in_dim3A_590 = vector.broadcast %reduce_sum3A_589 : f32 to vector<1x1xf32>
    %reduce_sum3A_591 = vector.shape_cast %convert_element_type3A_439 : vector<32x64xf32> to vector<1x32x64xf32>
    %reduce_sum3A_592 = arith.constant dense<0.000000e+00> : vector<1xf32>
    %reduce_sum3A_593 = vector.multi_reduction <add>, %reduce_sum3A_591, %reduce_sum3A_592 [1, 2] : vector<1x32x64xf32> to vector<1xf32>
    %reduce_sum3A_594 = vector.shape_cast %reduce_sum3A_593 : vector<1xf32> to vector<1x1x1xf32>
    %reduce_sum3A_595 = vector.extract %reduce_sum3A_594[0, 0, 0] : f32 from vector<1x1x1xf32>
    %broadcast_in_dim3A_596 = vector.broadcast %reduce_sum3A_595 : f32 to vector<1x1xf32>
    %add3A_597 = arith.addf %add3A_419, %broadcast_in_dim3A_574 : vector<1x1xf32>
    %add3A_598 = arith.addf %add3A_420, %broadcast_in_dim3A_582 : vector<1x1xf32>
    %add3A_599 = arith.addf %add3A_421, %broadcast_in_dim3A_590 : vector<1x1xf32>
    %add3A_600 = arith.addf %add3A_422, %broadcast_in_dim3A_596 : vector<1x1xf32>
    %concatenate3A = tpu.concatenate %add3A_597, %add3A_598, %add3A_599, %add3A_600 in 1 : vector<1x1xf32>, vector<1x1xf32>, vector<1x1xf32>, vector<1x1xf32> -> vector<1x4xf32>
    %get3A_601 = arith.constant 0 : index
    %get3A_602 = arith.constant 0 : index
    %get3A_603 = vector.load %arg3[%get3A_601, %get3A_602] : memref<32x768xf32, #tpu.memory_space<vmem>>, vector<32x768xf32>
    %get3A_604 = arith.constant 0 : index
    %get3A_605 = arith.constant 0 : index
    %get3A_606 = vector.load %arg6[%get3A_604, %get3A_605] : memref<32x192xf32, #tpu.memory_space<vmem>>, vector<32x192xf32>
    %slice3A_607 = vector.extract_strided_slice %get3A_603 {offsets = [0, 0], sizes = [32, 64], strides = [1, 1]} : vector<32x768xf32> to vector<32x64xf32>
    %slice3A_608 = vector.extract_strided_slice %get3A_603 {offsets = [0, 192], sizes = [32, 64], strides = [1, 1]} : vector<32x768xf32> to vector<32x64xf32>
    %slice3A_609 = vector.extract_strided_slice %get3A_603 {offsets = [0, 384], sizes = [32, 64], strides = [1, 1]} : vector<32x768xf32> to vector<32x64xf32>
    %slice3A_610 = vector.extract_strided_slice %get3A_603 {offsets = [0, 576], sizes = [32, 64], strides = [1, 1]} : vector<32x768xf32> to vector<32x64xf32>
    %slice3A_611 = vector.extract_strided_slice %get3A_606 {offsets = [0, 0], sizes = [32, 64], strides = [1, 1]} : vector<32x192xf32> to vector<32x64xf32>
    %div3A_612 = arith.constant 2.000000e+00 : f32
    %div3A_613 = vector.broadcast %div3A_612 : f32 to vector<32x64xf32>
    %div3A_614 = arith.divf %get3A_4, %div3A_613 : vector<32x64xf32>
    %div3A_615 = arith.constant 1.000000e+00 : f32
    %div3A_616 = vector.broadcast %div3A_615 : f32 to vector<32x64xf32>
    %div3A_617 = arith.divf %div3A_616, %div3A_614 : vector<32x64xf32>
    %max3A_618 = arith.maximumf %div3A_614, %div3A_617 : vector<32x64xf32>
    %lt3A_619 = arith.constant 4.000000e+00 : f32
    %lt3A_620 = vector.broadcast %lt3A_619 : f32 to vector<32x64xf32>
    %lt3A_621 = arith.cmpf olt, %max3A_618, %lt3A_620 : vector<32x64xf32>
    %convert_element_type3A_622 = arith.extui %lt3A_621 : vector<32x64xi1> to vector<32x64xi32>
    %convert_element_type3A_623 = arith.sitofp %convert_element_type3A_622 : vector<32x64xi32> to vector<32x64xf32>
    %div3A_624 = arith.constant 2.000000e+00 : f32
    %div3A_625 = vector.broadcast %div3A_624 : f32 to vector<32x64xf32>
    %div3A_626 = arith.divf %slice3A_609, %div3A_625 : vector<32x64xf32>
    %sub3A_627 = arith.subf %slice3A_608, %div3A_626 : vector<32x64xf32>
    %div3A_628 = arith.constant 2.000000e+00 : f32
    %div3A_629 = vector.broadcast %div3A_628 : f32 to vector<32x64xf32>
    %div3A_630 = arith.divf %slice3A_609, %div3A_629 : vector<32x64xf32>
    %add3A_631 = arith.addf %slice3A_608, %div3A_630 : vector<32x64xf32>
    %min3A_632 = arith.minimumf %add3A_631, %add3A : vector<32x64xf32>
    %max3A_633 = arith.maximumf %sub3A_627, %sub3A : vector<32x64xf32>
    %sub3A_634 = arith.subf %min3A_632, %max3A_633 : vector<32x64xf32>
    %max3A_635 = arith.constant 0.000000e+00 : f32
    %max3A_636 = vector.broadcast %max3A_635 : f32 to vector<32x64xf32>
    %max3A_637 = arith.maximumf %sub3A_634, %max3A_636 : vector<32x64xf32>
    %mul3A_638 = arith.constant 1.000000e+01 : f32
    %mul3A_639 = vector.broadcast %mul3A_638 : f32 to vector<32x64xf32>
    %mul3A_640 = arith.mulf %max3A_637, %mul3A_639 : vector<32x64xf32>
    %mul3A_641 = arith.constant 1.000000e+01 : f32
    %mul3A_642 = vector.broadcast %mul3A_641 : f32 to vector<32x64xf32>
    %mul3A_643 = arith.mulf %slice3A_609, %mul3A_642 : vector<32x64xf32>
    %mul3A_644 = arith.constant 1.000000e+01 : f32
    %mul3A_645 = vector.broadcast %mul3A_644 : f32 to vector<32x64xf32>
    %mul3A_646 = arith.mulf %get3A_4, %mul3A_645 : vector<32x64xf32>
    %add3A_647 = arith.addf %mul3A_643, %mul3A_646 : vector<32x64xf32>
    %sub3A_648 = arith.subf %add3A_647, %mul3A_640 : vector<32x64xf32>
    %add3A_649 = arith.constant 1.000000e-15 : f32
    %add3A_650 = vector.broadcast %add3A_649 : f32 to vector<32x64xf32>
    %add3A_651 = arith.addf %sub3A_648, %add3A_650 : vector<32x64xf32>
    %div3A_652 = arith.divf %mul3A_640, %add3A_651 : vector<32x64xf32>
    %max3A_653 = arith.maximumf %add3A_631, %add3A : vector<32x64xf32>
    %min3A_654 = arith.minimumf %sub3A_627, %sub3A : vector<32x64xf32>
    %sub3A_655 = arith.subf %max3A_653, %min3A_654 : vector<32x64xf32>
    %mul3A_656 = arith.mulf %sub3A_655, %sub3A_655 : vector<32x64xf32>
    %add3A_657 = arith.constant 1.000000e+02 : f32
    %add3A_658 = vector.broadcast %add3A_657 : f32 to vector<32x64xf32>
    %add3A_659 = arith.addf %mul3A_656, %add3A_658 : vector<32x64xf32>
    %div3A_660 = arith.constant 1.000000e+01 : f32
    %div3A_661 = vector.broadcast %div3A_660 : f32 to vector<32x64xf32>
    %div3A_662 = arith.divf %slice3A_609, %div3A_661 : vector<32x64xf32>
    %abs3A_663 = math.absf %div3A_662 : vector<32x64xf32>
    %gt3A_664 = arith.constant 1.000000e+00 : f32
    %gt3A_665 = vector.broadcast %gt3A_664 : f32 to vector<32x64xf32>
    %gt3A_666 = arith.cmpf ogt, %abs3A_663, %gt3A_665 : vector<32x64xf32>
    %max3A_667 = arith.constant 1.000000e-30 : f32
    %max3A_668 = vector.broadcast %max3A_667 : f32 to vector<32x64xf32>
    %max3A_669 = arith.maximumf %abs3A_663, %max3A_668 : vector<32x64xf32>
    %div3A_670 = arith.constant 1.000000e+00 : f32
    %div3A_671 = vector.broadcast %div3A_670 : f32 to vector<32x64xf32>
    %div3A_672 = arith.divf %div3A_671, %max3A_669 : vector<32x64xf32>
    %select_n3A_673 = arith.select %gt3A_666, %div3A_672, %abs3A_663 : vector<32x64xi1>, vector<32x64xf32>
    %mul3A_674 = arith.mulf %select_n3A_673, %select_n3A_673 : vector<32x64xf32>
    %broadcast_in_dim3A_675 = arith.constant 0.00246813102 : f32
    %broadcast_in_dim3A_676 = vector.broadcast %broadcast_in_dim3A_675 : f32 to vector<32x64xf32>
    %mul3A_677 = arith.mulf %broadcast_in_dim3A_676, %mul3A_674 : vector<32x64xf32>
    %add3A_678 = arith.constant -0.0144582391 : f32
    %add3A_679 = vector.broadcast %add3A_678 : f32 to vector<32x64xf32>
    %add3A_680 = arith.addf %mul3A_677, %add3A_679 : vector<32x64xf32>
    %mul3A_681 = arith.mulf %add3A_680, %mul3A_674 : vector<32x64xf32>
    %add3A_682 = arith.constant 0.0398988202 : f32
    %add3A_683 = vector.broadcast %add3A_682 : f32 to vector<32x64xf32>
    %add3A_684 = arith.addf %mul3A_681, %add3A_683 : vector<32x64xf32>
    %mul3A_685 = arith.mulf %add3A_684, %mul3A_674 : vector<32x64xf32>
    %add3A_686 = arith.constant -0.0724788755 : f32
    %add3A_687 = vector.broadcast %add3A_686 : f32 to vector<32x64xf32>
    %add3A_688 = arith.addf %mul3A_685, %add3A_687 : vector<32x64xf32>
    %mul3A_689 = arith.mulf %add3A_688, %mul3A_674 : vector<32x64xf32>
    %add3A_690 = arith.constant 0.105072893 : f32
    %add3A_691 = vector.broadcast %add3A_690 : f32 to vector<32x64xf32>
    %add3A_692 = arith.addf %mul3A_689, %add3A_691 : vector<32x64xf32>
    %mul3A_693 = arith.mulf %add3A_692, %mul3A_674 : vector<32x64xf32>
    %add3A_694 = arith.constant -0.141643256 : f32
    %add3A_695 = vector.broadcast %add3A_694 : f32 to vector<32x64xf32>
    %add3A_696 = arith.addf %mul3A_693, %add3A_695 : vector<32x64xf32>
    %mul3A_697 = arith.mulf %add3A_696, %mul3A_674 : vector<32x64xf32>
    %add3A_698 = arith.constant 0.199865356 : f32
    %add3A_699 = vector.broadcast %add3A_698 : f32 to vector<32x64xf32>
    %add3A_700 = arith.addf %mul3A_697, %add3A_699 : vector<32x64xf32>
    %mul3A_701 = arith.mulf %add3A_700, %mul3A_674 : vector<32x64xf32>
    %add3A_702 = arith.constant -0.333326578 : f32
    %add3A_703 = vector.broadcast %add3A_702 : f32 to vector<32x64xf32>
    %add3A_704 = arith.addf %mul3A_701, %add3A_703 : vector<32x64xf32>
    %mul3A_705 = arith.mulf %add3A_704, %mul3A_674 : vector<32x64xf32>
    %add3A_706 = arith.constant 0.99999988 : f32
    %add3A_707 = vector.broadcast %add3A_706 : f32 to vector<32x64xf32>
    %add3A_708 = arith.addf %mul3A_705, %add3A_707 : vector<32x64xf32>
    %mul3A_709 = arith.mulf %add3A_708, %select_n3A_673 : vector<32x64xf32>
    %sub3A_710 = arith.constant 1.57079637 : f32
    %sub3A_711 = vector.broadcast %sub3A_710 : f32 to vector<32x64xf32>
    %sub3A_712 = arith.subf %sub3A_711, %mul3A_709 : vector<32x64xf32>
    %select_n3A_713 = arith.select %gt3A_666, %sub3A_712, %mul3A_709 : vector<32x64xi1>, vector<32x64xf32>
    %sign3A_714 = tpu.bitcast %div3A_662 : vector<32x64xf32> -> vector<32x64xi32>
    %sign3A_715 = arith.constant -2147483648 : i32
    %sign3A_716 = vector.broadcast %sign3A_715 : i32 to vector<32x64xi32>
    %sign3A_717 = arith.andi %sign3A_714, %sign3A_716 : vector<32x64xi32>
    %sign3A_718 = arith.constant 1065353216 : i32
    %sign3A_719 = vector.broadcast %sign3A_718 : i32 to vector<32x64xi32>
    %sign3A_720 = arith.ori %sign3A_719, %sign3A_717 : vector<32x64xi32>
    %sign3A_721 = tpu.bitcast %sign3A_720 : vector<32x64xi32> -> vector<32x64xf32>
    %sign3A_722 = math.absf %div3A_662 : vector<32x64xf32>
    %sign3A_723 = arith.constant 0.000000e+00 : f32
    %sign3A_724 = vector.broadcast %sign3A_723 : f32 to vector<32x64xf32>
    %sign3A_725 = arith.cmpf ogt, %sign3A_722, %sign3A_724 : vector<32x64xf32>
    %sign3A_726 = arith.select %sign3A_725, %sign3A_721, %div3A_662 : vector<32x64xi1>, vector<32x64xf32>
    %mul3A_727 = arith.mulf %sign3A_726, %select_n3A_713 : vector<32x64xf32>
    %sub3A_728 = arith.subf %mul3A_70, %mul3A_727 : vector<32x64xf32>
    %mul3A_729 = arith.constant 0.405284733 : f32
    %mul3A_730 = vector.broadcast %mul3A_729 : f32 to vector<32x64xf32>
    %mul3A_731 = arith.mulf %mul3A_730, %sub3A_728 : vector<32x64xf32>
    %mul3A_732 = arith.mulf %mul3A_731, %sub3A_728 : vector<32x64xf32>
    %sub3A_733 = arith.constant 1.000000e+00 : f32
    %sub3A_734 = vector.broadcast %sub3A_733 : f32 to vector<32x64xf32>
    %sub3A_735 = arith.subf %sub3A_734, %div3A_652 : vector<32x64xf32>
    %div3A_736 = arith.divf %mul3A_732, %sub3A_735 : vector<32x64xf32>
    %add3A_737 = arith.addf %div3A_736, %mul3A_732 : vector<32x64xf32>
    %sub3A_738 = arith.subf %slice3A_608, %get3A_1 : vector<32x64xf32>
    %sub3A_739 = arith.subf %slice3A_608, %get3A_1 : vector<32x64xf32>
    %mul3A_740 = arith.mulf %sub3A_738, %sub3A_739 : vector<32x64xf32>
    %div3A_741 = arith.divf %mul3A_740, %add3A_659 : vector<32x64xf32>
    %mul3A_742 = arith.mulf %add3A_737, %mul3A_732 : vector<32x64xf32>
    %add3A_743 = arith.addf %div3A_741, %mul3A_742 : vector<32x64xf32>
    %sub3A_744 = arith.subf %div3A_652, %add3A_743 : vector<32x64xf32>
    %max3A_745 = arith.constant 0.000000e+00 : f32
    %max3A_746 = vector.broadcast %max3A_745 : f32 to vector<32x64xf32>
    %max3A_747 = arith.maximumf %sub3A_744, %max3A_746 : vector<32x64xf32>
    %log3A_748 = math.log %slice3A_611 : vector<32x64xf32>
    %sub3A_749 = arith.constant 1.000000e+00 : f32
    %sub3A_750 = vector.broadcast %sub3A_749 : f32 to vector<32x64xf32>
    %sub3A_751 = arith.subf %sub3A_750, %max3A_747 : vector<32x64xf32>
    %mul3A_752 = arith.mulf %convert_element_type3A_623, %sub3A_751 : vector<32x64xf32>
    %reduce_sum3A_753 = vector.shape_cast %mul3A_752 : vector<32x64xf32> to vector<1x32x64xf32>
    %reduce_sum3A_754 = arith.constant dense<0.000000e+00> : vector<1xf32>
    %reduce_sum3A_755 = vector.multi_reduction <add>, %reduce_sum3A_753, %reduce_sum3A_754 [1, 2] : vector<1x32x64xf32> to vector<1xf32>
    %reduce_sum3A_756 = vector.shape_cast %reduce_sum3A_755 : vector<1xf32> to vector<1x1x1xf32>
    %reduce_sum3A_757 = vector.extract %reduce_sum3A_756[0, 0, 0] : f32 from vector<1x1x1xf32>
    %broadcast_in_dim3A_758 = vector.broadcast %reduce_sum3A_757 : f32 to vector<1x1xf32>
    %mul3A_759 = arith.mulf %convert_element_type3A_623, %slice3A_607 : vector<32x64xf32>
    %mul3A_760 = arith.mulf %mul3A_759, %max3A_747 : vector<32x64xf32>
    %reduce_sum3A_761 = vector.shape_cast %mul3A_760 : vector<32x64xf32> to vector<1x32x64xf32>
    %reduce_sum3A_762 = arith.constant dense<0.000000e+00> : vector<1xf32>
    %reduce_sum3A_763 = vector.multi_reduction <add>, %reduce_sum3A_761, %reduce_sum3A_762 [1, 2] : vector<1x32x64xf32> to vector<1xf32>
    %reduce_sum3A_764 = vector.shape_cast %reduce_sum3A_763 : vector<1xf32> to vector<1x1x1xf32>
    %reduce_sum3A_765 = vector.extract %reduce_sum3A_764[0, 0, 0] : f32 from vector<1x1x1xf32>
    %broadcast_in_dim3A_766 = vector.broadcast %reduce_sum3A_765 : f32 to vector<1x1xf32>
    %sub3A_767 = arith.subf %log3A_748, %slice3A_610 : vector<32x64xf32>
    %mul3A_768 = arith.mulf %convert_element_type3A_623, %sub3A_767 : vector<32x64xf32>
    %reduce_sum3A_769 = vector.shape_cast %mul3A_768 : vector<32x64xf32> to vector<1x32x64xf32>
    %reduce_sum3A_770 = arith.constant dense<0.000000e+00> : vector<1xf32>
    %reduce_sum3A_771 = vector.multi_reduction <add>, %reduce_sum3A_769, %reduce_sum3A_770 [1, 2] : vector<1x32x64xf32> to vector<1xf32>
    %reduce_sum3A_772 = vector.shape_cast %reduce_sum3A_771 : vector<1xf32> to vector<1x1x1xf32>
    %reduce_sum3A_773 = vector.extract %reduce_sum3A_772[0, 0, 0] : f32 from vector<1x1x1xf32>
    %broadcast_in_dim3A_774 = vector.broadcast %reduce_sum3A_773 : f32 to vector<1x1xf32>
    %reduce_sum3A_775 = vector.shape_cast %convert_element_type3A_623 : vector<32x64xf32> to vector<1x32x64xf32>
    %reduce_sum3A_776 = arith.constant dense<0.000000e+00> : vector<1xf32>
    %reduce_sum3A_777 = vector.multi_reduction <add>, %reduce_sum3A_775, %reduce_sum3A_776 [1, 2] : vector<1x32x64xf32> to vector<1xf32>
    %reduce_sum3A_778 = vector.shape_cast %reduce_sum3A_777 : vector<1xf32> to vector<1x1x1xf32>
    %reduce_sum3A_779 = vector.extract %reduce_sum3A_778[0, 0, 0] : f32 from vector<1x1x1xf32>
    %broadcast_in_dim3A_780 = vector.broadcast %reduce_sum3A_779 : f32 to vector<1x1xf32>
    %slice3A_781 = vector.extract_strided_slice %get3A_603 {offsets = [0, 64], sizes = [32, 64], strides = [1, 1]} : vector<32x768xf32> to vector<32x64xf32>
    %slice3A_782 = vector.extract_strided_slice %get3A_603 {offsets = [0, 256], sizes = [32, 64], strides = [1, 1]} : vector<32x768xf32> to vector<32x64xf32>
    %slice3A_783 = vector.extract_strided_slice %get3A_603 {offsets = [0, 448], sizes = [32, 64], strides = [1, 1]} : vector<32x768xf32> to vector<32x64xf32>
    %slice3A_784 = vector.extract_strided_slice %get3A_603 {offsets = [0, 640], sizes = [32, 64], strides = [1, 1]} : vector<32x768xf32> to vector<32x64xf32>
    %slice3A_785 = vector.extract_strided_slice %get3A_606 {offsets = [0, 64], sizes = [32, 64], strides = [1, 1]} : vector<32x192xf32> to vector<32x64xf32>
    %div3A_786 = arith.constant 4.000000e+00 : f32
    %div3A_787 = vector.broadcast %div3A_786 : f32 to vector<32x64xf32>
    %div3A_788 = arith.divf %get3A_4, %div3A_787 : vector<32x64xf32>
    %div3A_789 = arith.constant 1.000000e+00 : f32
    %div3A_790 = vector.broadcast %div3A_789 : f32 to vector<32x64xf32>
    %div3A_791 = arith.divf %div3A_790, %div3A_788 : vector<32x64xf32>
    %max3A_792 = arith.maximumf %div3A_788, %div3A_791 : vector<32x64xf32>
    %lt3A_793 = arith.constant 4.000000e+00 : f32
    %lt3A_794 = vector.broadcast %lt3A_793 : f32 to vector<32x64xf32>
    %lt3A_795 = arith.cmpf olt, %max3A_792, %lt3A_794 : vector<32x64xf32>
    %convert_element_type3A_796 = arith.extui %lt3A_795 : vector<32x64xi1> to vector<32x64xi32>
    %convert_element_type3A_797 = arith.sitofp %convert_element_type3A_796 : vector<32x64xi32> to vector<32x64xf32>
    %div3A_798 = arith.constant 2.000000e+00 : f32
    %div3A_799 = vector.broadcast %div3A_798 : f32 to vector<32x64xf32>
    %div3A_800 = arith.divf %slice3A_783, %div3A_799 : vector<32x64xf32>
    %sub3A_801 = arith.subf %slice3A_782, %div3A_800 : vector<32x64xf32>
    %div3A_802 = arith.constant 2.000000e+00 : f32
    %div3A_803 = vector.broadcast %div3A_802 : f32 to vector<32x64xf32>
    %div3A_804 = arith.divf %slice3A_783, %div3A_803 : vector<32x64xf32>
    %add3A_805 = arith.addf %slice3A_782, %div3A_804 : vector<32x64xf32>
    %min3A_806 = arith.minimumf %add3A_805, %add3A : vector<32x64xf32>
    %max3A_807 = arith.maximumf %sub3A_801, %sub3A : vector<32x64xf32>
    %sub3A_808 = arith.subf %min3A_806, %max3A_807 : vector<32x64xf32>
    %max3A_809 = arith.constant 0.000000e+00 : f32
    %max3A_810 = vector.broadcast %max3A_809 : f32 to vector<32x64xf32>
    %max3A_811 = arith.maximumf %sub3A_808, %max3A_810 : vector<32x64xf32>
    %mul3A_812 = arith.constant 1.000000e+01 : f32
    %mul3A_813 = vector.broadcast %mul3A_812 : f32 to vector<32x64xf32>
    %mul3A_814 = arith.mulf %max3A_811, %mul3A_813 : vector<32x64xf32>
    %mul3A_815 = arith.constant 1.000000e+01 : f32
    %mul3A_816 = vector.broadcast %mul3A_815 : f32 to vector<32x64xf32>
    %mul3A_817 = arith.mulf %slice3A_783, %mul3A_816 : vector<32x64xf32>
    %mul3A_818 = arith.constant 1.000000e+01 : f32
    %mul3A_819 = vector.broadcast %mul3A_818 : f32 to vector<32x64xf32>
    %mul3A_820 = arith.mulf %get3A_4, %mul3A_819 : vector<32x64xf32>
    %add3A_821 = arith.addf %mul3A_817, %mul3A_820 : vector<32x64xf32>
    %sub3A_822 = arith.subf %add3A_821, %mul3A_814 : vector<32x64xf32>
    %add3A_823 = arith.constant 1.000000e-15 : f32
    %add3A_824 = vector.broadcast %add3A_823 : f32 to vector<32x64xf32>
    %add3A_825 = arith.addf %sub3A_822, %add3A_824 : vector<32x64xf32>
    %div3A_826 = arith.divf %mul3A_814, %add3A_825 : vector<32x64xf32>
    %max3A_827 = arith.maximumf %add3A_805, %add3A : vector<32x64xf32>
    %min3A_828 = arith.minimumf %sub3A_801, %sub3A : vector<32x64xf32>
    %sub3A_829 = arith.subf %max3A_827, %min3A_828 : vector<32x64xf32>
    %mul3A_830 = arith.mulf %sub3A_829, %sub3A_829 : vector<32x64xf32>
    %add3A_831 = arith.constant 1.000000e+02 : f32
    %add3A_832 = vector.broadcast %add3A_831 : f32 to vector<32x64xf32>
    %add3A_833 = arith.addf %mul3A_830, %add3A_832 : vector<32x64xf32>
    %div3A_834 = arith.constant 1.000000e+01 : f32
    %div3A_835 = vector.broadcast %div3A_834 : f32 to vector<32x64xf32>
    %div3A_836 = arith.divf %slice3A_783, %div3A_835 : vector<32x64xf32>
    %abs3A_837 = math.absf %div3A_836 : vector<32x64xf32>
    %gt3A_838 = arith.constant 1.000000e+00 : f32
    %gt3A_839 = vector.broadcast %gt3A_838 : f32 to vector<32x64xf32>
    %gt3A_840 = arith.cmpf ogt, %abs3A_837, %gt3A_839 : vector<32x64xf32>
    %max3A_841 = arith.constant 1.000000e-30 : f32
    %max3A_842 = vector.broadcast %max3A_841 : f32 to vector<32x64xf32>
    %max3A_843 = arith.maximumf %abs3A_837, %max3A_842 : vector<32x64xf32>
    %div3A_844 = arith.constant 1.000000e+00 : f32
    %div3A_845 = vector.broadcast %div3A_844 : f32 to vector<32x64xf32>
    %div3A_846 = arith.divf %div3A_845, %max3A_843 : vector<32x64xf32>
    %select_n3A_847 = arith.select %gt3A_840, %div3A_846, %abs3A_837 : vector<32x64xi1>, vector<32x64xf32>
    %mul3A_848 = arith.mulf %select_n3A_847, %select_n3A_847 : vector<32x64xf32>
    %broadcast_in_dim3A_849 = arith.constant 0.00246813102 : f32
    %broadcast_in_dim3A_850 = vector.broadcast %broadcast_in_dim3A_849 : f32 to vector<32x64xf32>
    %mul3A_851 = arith.mulf %broadcast_in_dim3A_850, %mul3A_848 : vector<32x64xf32>
    %add3A_852 = arith.constant -0.0144582391 : f32
    %add3A_853 = vector.broadcast %add3A_852 : f32 to vector<32x64xf32>
    %add3A_854 = arith.addf %mul3A_851, %add3A_853 : vector<32x64xf32>
    %mul3A_855 = arith.mulf %add3A_854, %mul3A_848 : vector<32x64xf32>
    %add3A_856 = arith.constant 0.0398988202 : f32
    %add3A_857 = vector.broadcast %add3A_856 : f32 to vector<32x64xf32>
    %add3A_858 = arith.addf %mul3A_855, %add3A_857 : vector<32x64xf32>
    %mul3A_859 = arith.mulf %add3A_858, %mul3A_848 : vector<32x64xf32>
    %add3A_860 = arith.constant -0.0724788755 : f32
    %add3A_861 = vector.broadcast %add3A_860 : f32 to vector<32x64xf32>
    %add3A_862 = arith.addf %mul3A_859, %add3A_861 : vector<32x64xf32>
    %mul3A_863 = arith.mulf %add3A_862, %mul3A_848 : vector<32x64xf32>
    %add3A_864 = arith.constant 0.105072893 : f32
    %add3A_865 = vector.broadcast %add3A_864 : f32 to vector<32x64xf32>
    %add3A_866 = arith.addf %mul3A_863, %add3A_865 : vector<32x64xf32>
    %mul3A_867 = arith.mulf %add3A_866, %mul3A_848 : vector<32x64xf32>
    %add3A_868 = arith.constant -0.141643256 : f32
    %add3A_869 = vector.broadcast %add3A_868 : f32 to vector<32x64xf32>
    %add3A_870 = arith.addf %mul3A_867, %add3A_869 : vector<32x64xf32>
    %mul3A_871 = arith.mulf %add3A_870, %mul3A_848 : vector<32x64xf32>
    %add3A_872 = arith.constant 0.199865356 : f32
    %add3A_873 = vector.broadcast %add3A_872 : f32 to vector<32x64xf32>
    %add3A_874 = arith.addf %mul3A_871, %add3A_873 : vector<32x64xf32>
    %mul3A_875 = arith.mulf %add3A_874, %mul3A_848 : vector<32x64xf32>
    %add3A_876 = arith.constant -0.333326578 : f32
    %add3A_877 = vector.broadcast %add3A_876 : f32 to vector<32x64xf32>
    %add3A_878 = arith.addf %mul3A_875, %add3A_877 : vector<32x64xf32>
    %mul3A_879 = arith.mulf %add3A_878, %mul3A_848 : vector<32x64xf32>
    %add3A_880 = arith.constant 0.99999988 : f32
    %add3A_881 = vector.broadcast %add3A_880 : f32 to vector<32x64xf32>
    %add3A_882 = arith.addf %mul3A_879, %add3A_881 : vector<32x64xf32>
    %mul3A_883 = arith.mulf %add3A_882, %select_n3A_847 : vector<32x64xf32>
    %sub3A_884 = arith.constant 1.57079637 : f32
    %sub3A_885 = vector.broadcast %sub3A_884 : f32 to vector<32x64xf32>
    %sub3A_886 = arith.subf %sub3A_885, %mul3A_883 : vector<32x64xf32>
    %select_n3A_887 = arith.select %gt3A_840, %sub3A_886, %mul3A_883 : vector<32x64xi1>, vector<32x64xf32>
    %sign3A_888 = tpu.bitcast %div3A_836 : vector<32x64xf32> -> vector<32x64xi32>
    %sign3A_889 = arith.constant -2147483648 : i32
    %sign3A_890 = vector.broadcast %sign3A_889 : i32 to vector<32x64xi32>
    %sign3A_891 = arith.andi %sign3A_888, %sign3A_890 : vector<32x64xi32>
    %sign3A_892 = arith.constant 1065353216 : i32
    %sign3A_893 = vector.broadcast %sign3A_892 : i32 to vector<32x64xi32>
    %sign3A_894 = arith.ori %sign3A_893, %sign3A_891 : vector<32x64xi32>
    %sign3A_895 = tpu.bitcast %sign3A_894 : vector<32x64xi32> -> vector<32x64xf32>
    %sign3A_896 = math.absf %div3A_836 : vector<32x64xf32>
    %sign3A_897 = arith.constant 0.000000e+00 : f32
    %sign3A_898 = vector.broadcast %sign3A_897 : f32 to vector<32x64xf32>
    %sign3A_899 = arith.cmpf ogt, %sign3A_896, %sign3A_898 : vector<32x64xf32>
    %sign3A_900 = arith.select %sign3A_899, %sign3A_895, %div3A_836 : vector<32x64xi1>, vector<32x64xf32>
    %mul3A_901 = arith.mulf %sign3A_900, %select_n3A_887 : vector<32x64xf32>
    %sub3A_902 = arith.subf %mul3A_70, %mul3A_901 : vector<32x64xf32>
    %mul3A_903 = arith.constant 0.405284733 : f32
    %mul3A_904 = vector.broadcast %mul3A_903 : f32 to vector<32x64xf32>
    %mul3A_905 = arith.mulf %mul3A_904, %sub3A_902 : vector<32x64xf32>
    %mul3A_906 = arith.mulf %mul3A_905, %sub3A_902 : vector<32x64xf32>
    %sub3A_907 = arith.constant 1.000000e+00 : f32
    %sub3A_908 = vector.broadcast %sub3A_907 : f32 to vector<32x64xf32>
    %sub3A_909 = arith.subf %sub3A_908, %div3A_826 : vector<32x64xf32>
    %div3A_910 = arith.divf %mul3A_906, %sub3A_909 : vector<32x64xf32>
    %add3A_911 = arith.addf %div3A_910, %mul3A_906 : vector<32x64xf32>
    %sub3A_912 = arith.subf %slice3A_782, %get3A_1 : vector<32x64xf32>
    %sub3A_913 = arith.subf %slice3A_782, %get3A_1 : vector<32x64xf32>
    %mul3A_914 = arith.mulf %sub3A_912, %sub3A_913 : vector<32x64xf32>
    %div3A_915 = arith.divf %mul3A_914, %add3A_833 : vector<32x64xf32>
    %mul3A_916 = arith.mulf %add3A_911, %mul3A_906 : vector<32x64xf32>
    %add3A_917 = arith.addf %div3A_915, %mul3A_916 : vector<32x64xf32>
    %sub3A_918 = arith.subf %div3A_826, %add3A_917 : vector<32x64xf32>
    %max3A_919 = arith.constant 0.000000e+00 : f32
    %max3A_920 = vector.broadcast %max3A_919 : f32 to vector<32x64xf32>
    %max3A_921 = arith.maximumf %sub3A_918, %max3A_920 : vector<32x64xf32>
    %log3A_922 = math.log %slice3A_785 : vector<32x64xf32>
    %sub3A_923 = arith.constant 1.000000e+00 : f32
    %sub3A_924 = vector.broadcast %sub3A_923 : f32 to vector<32x64xf32>
    %sub3A_925 = arith.subf %sub3A_924, %max3A_921 : vector<32x64xf32>
    %mul3A_926 = arith.mulf %convert_element_type3A_797, %sub3A_925 : vector<32x64xf32>
    %reduce_sum3A_927 = vector.shape_cast %mul3A_926 : vector<32x64xf32> to vector<1x32x64xf32>
    %reduce_sum3A_928 = arith.constant dense<0.000000e+00> : vector<1xf32>
    %reduce_sum3A_929 = vector.multi_reduction <add>, %reduce_sum3A_927, %reduce_sum3A_928 [1, 2] : vector<1x32x64xf32> to vector<1xf32>
    %reduce_sum3A_930 = vector.shape_cast %reduce_sum3A_929 : vector<1xf32> to vector<1x1x1xf32>
    %reduce_sum3A_931 = vector.extract %reduce_sum3A_930[0, 0, 0] : f32 from vector<1x1x1xf32>
    %broadcast_in_dim3A_932 = vector.broadcast %reduce_sum3A_931 : f32 to vector<1x1xf32>
    %mul3A_933 = arith.mulf %convert_element_type3A_797, %slice3A_781 : vector<32x64xf32>
    %mul3A_934 = arith.mulf %mul3A_933, %max3A_921 : vector<32x64xf32>
    %reduce_sum3A_935 = vector.shape_cast %mul3A_934 : vector<32x64xf32> to vector<1x32x64xf32>
    %reduce_sum3A_936 = arith.constant dense<0.000000e+00> : vector<1xf32>
    %reduce_sum3A_937 = vector.multi_reduction <add>, %reduce_sum3A_935, %reduce_sum3A_936 [1, 2] : vector<1x32x64xf32> to vector<1xf32>
    %reduce_sum3A_938 = vector.shape_cast %reduce_sum3A_937 : vector<1xf32> to vector<1x1x1xf32>
    %reduce_sum3A_939 = vector.extract %reduce_sum3A_938[0, 0, 0] : f32 from vector<1x1x1xf32>
    %broadcast_in_dim3A_940 = vector.broadcast %reduce_sum3A_939 : f32 to vector<1x1xf32>
    %sub3A_941 = arith.subf %log3A_922, %slice3A_784 : vector<32x64xf32>
    %mul3A_942 = arith.mulf %convert_element_type3A_797, %sub3A_941 : vector<32x64xf32>
    %reduce_sum3A_943 = vector.shape_cast %mul3A_942 : vector<32x64xf32> to vector<1x32x64xf32>
    %reduce_sum3A_944 = arith.constant dense<0.000000e+00> : vector<1xf32>
    %reduce_sum3A_945 = vector.multi_reduction <add>, %reduce_sum3A_943, %reduce_sum3A_944 [1, 2] : vector<1x32x64xf32> to vector<1xf32>
    %reduce_sum3A_946 = vector.shape_cast %reduce_sum3A_945 : vector<1xf32> to vector<1x1x1xf32>
    %reduce_sum3A_947 = vector.extract %reduce_sum3A_946[0, 0, 0] : f32 from vector<1x1x1xf32>
    %broadcast_in_dim3A_948 = vector.broadcast %reduce_sum3A_947 : f32 to vector<1x1xf32>
    %reduce_sum3A_949 = vector.shape_cast %convert_element_type3A_797 : vector<32x64xf32> to vector<1x32x64xf32>
    %reduce_sum3A_950 = arith.constant dense<0.000000e+00> : vector<1xf32>
    %reduce_sum3A_951 = vector.multi_reduction <add>, %reduce_sum3A_949, %reduce_sum3A_950 [1, 2] : vector<1x32x64xf32> to vector<1xf32>
    %reduce_sum3A_952 = vector.shape_cast %reduce_sum3A_951 : vector<1xf32> to vector<1x1x1xf32>
    %reduce_sum3A_953 = vector.extract %reduce_sum3A_952[0, 0, 0] : f32 from vector<1x1x1xf32>
    %broadcast_in_dim3A_954 = vector.broadcast %reduce_sum3A_953 : f32 to vector<1x1xf32>
    %add3A_955 = arith.addf %broadcast_in_dim3A_758, %broadcast_in_dim3A_932 : vector<1x1xf32>
    %add3A_956 = arith.addf %broadcast_in_dim3A_766, %broadcast_in_dim3A_940 : vector<1x1xf32>
    %add3A_957 = arith.addf %broadcast_in_dim3A_774, %broadcast_in_dim3A_948 : vector<1x1xf32>
    %add3A_958 = arith.addf %broadcast_in_dim3A_780, %broadcast_in_dim3A_954 : vector<1x1xf32>
    %slice3A_959 = vector.extract_strided_slice %get3A_603 {offsets = [0, 128], sizes = [32, 64], strides = [1, 1]} : vector<32x768xf32> to vector<32x64xf32>
    %slice3A_960 = vector.extract_strided_slice %get3A_603 {offsets = [0, 320], sizes = [32, 64], strides = [1, 1]} : vector<32x768xf32> to vector<32x64xf32>
    %slice3A_961 = vector.extract_strided_slice %get3A_603 {offsets = [0, 512], sizes = [32, 64], strides = [1, 1]} : vector<32x768xf32> to vector<32x64xf32>
    %slice3A_962 = vector.extract_strided_slice %get3A_603 {offsets = [0, 704], sizes = [32, 64], strides = [1, 1]} : vector<32x768xf32> to vector<32x64xf32>
    %slice3A_963 = vector.extract_strided_slice %get3A_606 {offsets = [0, 128], sizes = [32, 64], strides = [1, 1]} : vector<32x192xf32> to vector<32x64xf32>
    %div3A_964 = arith.constant 6.000000e+00 : f32
    %div3A_965 = vector.broadcast %div3A_964 : f32 to vector<32x64xf32>
    %div3A_966 = arith.divf %get3A_4, %div3A_965 : vector<32x64xf32>
    %div3A_967 = arith.constant 1.000000e+00 : f32
    %div3A_968 = vector.broadcast %div3A_967 : f32 to vector<32x64xf32>
    %div3A_969 = arith.divf %div3A_968, %div3A_966 : vector<32x64xf32>
    %max3A_970 = arith.maximumf %div3A_966, %div3A_969 : vector<32x64xf32>
    %lt3A_971 = arith.constant 4.000000e+00 : f32
    %lt3A_972 = vector.broadcast %lt3A_971 : f32 to vector<32x64xf32>
    %lt3A_973 = arith.cmpf olt, %max3A_970, %lt3A_972 : vector<32x64xf32>
    %convert_element_type3A_974 = arith.extui %lt3A_973 : vector<32x64xi1> to vector<32x64xi32>
    %convert_element_type3A_975 = arith.sitofp %convert_element_type3A_974 : vector<32x64xi32> to vector<32x64xf32>
    %div3A_976 = arith.constant 2.000000e+00 : f32
    %div3A_977 = vector.broadcast %div3A_976 : f32 to vector<32x64xf32>
    %div3A_978 = arith.divf %slice3A_961, %div3A_977 : vector<32x64xf32>
    %sub3A_979 = arith.subf %slice3A_960, %div3A_978 : vector<32x64xf32>
    %div3A_980 = arith.constant 2.000000e+00 : f32
    %div3A_981 = vector.broadcast %div3A_980 : f32 to vector<32x64xf32>
    %div3A_982 = arith.divf %slice3A_961, %div3A_981 : vector<32x64xf32>
    %add3A_983 = arith.addf %slice3A_960, %div3A_982 : vector<32x64xf32>
    %min3A_984 = arith.minimumf %add3A_983, %add3A : vector<32x64xf32>
    %max3A_985 = arith.maximumf %sub3A_979, %sub3A : vector<32x64xf32>
    %sub3A_986 = arith.subf %min3A_984, %max3A_985 : vector<32x64xf32>
    %max3A_987 = arith.constant 0.000000e+00 : f32
    %max3A_988 = vector.broadcast %max3A_987 : f32 to vector<32x64xf32>
    %max3A_989 = arith.maximumf %sub3A_986, %max3A_988 : vector<32x64xf32>
    %mul3A_990 = arith.constant 1.000000e+01 : f32
    %mul3A_991 = vector.broadcast %mul3A_990 : f32 to vector<32x64xf32>
    %mul3A_992 = arith.mulf %max3A_989, %mul3A_991 : vector<32x64xf32>
    %mul3A_993 = arith.constant 1.000000e+01 : f32
    %mul3A_994 = vector.broadcast %mul3A_993 : f32 to vector<32x64xf32>
    %mul3A_995 = arith.mulf %slice3A_961, %mul3A_994 : vector<32x64xf32>
    %mul3A_996 = arith.constant 1.000000e+01 : f32
    %mul3A_997 = vector.broadcast %mul3A_996 : f32 to vector<32x64xf32>
    %mul3A_998 = arith.mulf %get3A_4, %mul3A_997 : vector<32x64xf32>
    %add3A_999 = arith.addf %mul3A_995, %mul3A_998 : vector<32x64xf32>
    %sub3A_1000 = arith.subf %add3A_999, %mul3A_992 : vector<32x64xf32>
    %add3A_1001 = arith.constant 1.000000e-15 : f32
    %add3A_1002 = vector.broadcast %add3A_1001 : f32 to vector<32x64xf32>
    %add3A_1003 = arith.addf %sub3A_1000, %add3A_1002 : vector<32x64xf32>
    %div3A_1004 = arith.divf %mul3A_992, %add3A_1003 : vector<32x64xf32>
    %max3A_1005 = arith.maximumf %add3A_983, %add3A : vector<32x64xf32>
    %min3A_1006 = arith.minimumf %sub3A_979, %sub3A : vector<32x64xf32>
    %sub3A_1007 = arith.subf %max3A_1005, %min3A_1006 : vector<32x64xf32>
    %mul3A_1008 = arith.mulf %sub3A_1007, %sub3A_1007 : vector<32x64xf32>
    %add3A_1009 = arith.constant 1.000000e+02 : f32
    %add3A_1010 = vector.broadcast %add3A_1009 : f32 to vector<32x64xf32>
    %add3A_1011 = arith.addf %mul3A_1008, %add3A_1010 : vector<32x64xf32>
    %div3A_1012 = arith.constant 1.000000e+01 : f32
    %div3A_1013 = vector.broadcast %div3A_1012 : f32 to vector<32x64xf32>
    %div3A_1014 = arith.divf %slice3A_961, %div3A_1013 : vector<32x64xf32>
    %abs3A_1015 = math.absf %div3A_1014 : vector<32x64xf32>
    %gt3A_1016 = arith.constant 1.000000e+00 : f32
    %gt3A_1017 = vector.broadcast %gt3A_1016 : f32 to vector<32x64xf32>
    %gt3A_1018 = arith.cmpf ogt, %abs3A_1015, %gt3A_1017 : vector<32x64xf32>
    %max3A_1019 = arith.constant 1.000000e-30 : f32
    %max3A_1020 = vector.broadcast %max3A_1019 : f32 to vector<32x64xf32>
    %max3A_1021 = arith.maximumf %abs3A_1015, %max3A_1020 : vector<32x64xf32>
    %div3A_1022 = arith.constant 1.000000e+00 : f32
    %div3A_1023 = vector.broadcast %div3A_1022 : f32 to vector<32x64xf32>
    %div3A_1024 = arith.divf %div3A_1023, %max3A_1021 : vector<32x64xf32>
    %select_n3A_1025 = arith.select %gt3A_1018, %div3A_1024, %abs3A_1015 : vector<32x64xi1>, vector<32x64xf32>
    %mul3A_1026 = arith.mulf %select_n3A_1025, %select_n3A_1025 : vector<32x64xf32>
    %broadcast_in_dim3A_1027 = arith.constant 0.00246813102 : f32
    %broadcast_in_dim3A_1028 = vector.broadcast %broadcast_in_dim3A_1027 : f32 to vector<32x64xf32>
    %mul3A_1029 = arith.mulf %broadcast_in_dim3A_1028, %mul3A_1026 : vector<32x64xf32>
    %add3A_1030 = arith.constant -0.0144582391 : f32
    %add3A_1031 = vector.broadcast %add3A_1030 : f32 to vector<32x64xf32>
    %add3A_1032 = arith.addf %mul3A_1029, %add3A_1031 : vector<32x64xf32>
    %mul3A_1033 = arith.mulf %add3A_1032, %mul3A_1026 : vector<32x64xf32>
    %add3A_1034 = arith.constant 0.0398988202 : f32
    %add3A_1035 = vector.broadcast %add3A_1034 : f32 to vector<32x64xf32>
    %add3A_1036 = arith.addf %mul3A_1033, %add3A_1035 : vector<32x64xf32>
    %mul3A_1037 = arith.mulf %add3A_1036, %mul3A_1026 : vector<32x64xf32>
    %add3A_1038 = arith.constant -0.0724788755 : f32
    %add3A_1039 = vector.broadcast %add3A_1038 : f32 to vector<32x64xf32>
    %add3A_1040 = arith.addf %mul3A_1037, %add3A_1039 : vector<32x64xf32>
    %mul3A_1041 = arith.mulf %add3A_1040, %mul3A_1026 : vector<32x64xf32>
    %add3A_1042 = arith.constant 0.105072893 : f32
    %add3A_1043 = vector.broadcast %add3A_1042 : f32 to vector<32x64xf32>
    %add3A_1044 = arith.addf %mul3A_1041, %add3A_1043 : vector<32x64xf32>
    %mul3A_1045 = arith.mulf %add3A_1044, %mul3A_1026 : vector<32x64xf32>
    %add3A_1046 = arith.constant -0.141643256 : f32
    %add3A_1047 = vector.broadcast %add3A_1046 : f32 to vector<32x64xf32>
    %add3A_1048 = arith.addf %mul3A_1045, %add3A_1047 : vector<32x64xf32>
    %mul3A_1049 = arith.mulf %add3A_1048, %mul3A_1026 : vector<32x64xf32>
    %add3A_1050 = arith.constant 0.199865356 : f32
    %add3A_1051 = vector.broadcast %add3A_1050 : f32 to vector<32x64xf32>
    %add3A_1052 = arith.addf %mul3A_1049, %add3A_1051 : vector<32x64xf32>
    %mul3A_1053 = arith.mulf %add3A_1052, %mul3A_1026 : vector<32x64xf32>
    %add3A_1054 = arith.constant -0.333326578 : f32
    %add3A_1055 = vector.broadcast %add3A_1054 : f32 to vector<32x64xf32>
    %add3A_1056 = arith.addf %mul3A_1053, %add3A_1055 : vector<32x64xf32>
    %mul3A_1057 = arith.mulf %add3A_1056, %mul3A_1026 : vector<32x64xf32>
    %add3A_1058 = arith.constant 0.99999988 : f32
    %add3A_1059 = vector.broadcast %add3A_1058 : f32 to vector<32x64xf32>
    %add3A_1060 = arith.addf %mul3A_1057, %add3A_1059 : vector<32x64xf32>
    %mul3A_1061 = arith.mulf %add3A_1060, %select_n3A_1025 : vector<32x64xf32>
    %sub3A_1062 = arith.constant 1.57079637 : f32
    %sub3A_1063 = vector.broadcast %sub3A_1062 : f32 to vector<32x64xf32>
    %sub3A_1064 = arith.subf %sub3A_1063, %mul3A_1061 : vector<32x64xf32>
    %select_n3A_1065 = arith.select %gt3A_1018, %sub3A_1064, %mul3A_1061 : vector<32x64xi1>, vector<32x64xf32>
    %sign3A_1066 = tpu.bitcast %div3A_1014 : vector<32x64xf32> -> vector<32x64xi32>
    %sign3A_1067 = arith.constant -2147483648 : i32
    %sign3A_1068 = vector.broadcast %sign3A_1067 : i32 to vector<32x64xi32>
    %sign3A_1069 = arith.andi %sign3A_1066, %sign3A_1068 : vector<32x64xi32>
    %sign3A_1070 = arith.constant 1065353216 : i32
    %sign3A_1071 = vector.broadcast %sign3A_1070 : i32 to vector<32x64xi32>
    %sign3A_1072 = arith.ori %sign3A_1071, %sign3A_1069 : vector<32x64xi32>
    %sign3A_1073 = tpu.bitcast %sign3A_1072 : vector<32x64xi32> -> vector<32x64xf32>
    %sign3A_1074 = math.absf %div3A_1014 : vector<32x64xf32>
    %sign3A_1075 = arith.constant 0.000000e+00 : f32
    %sign3A_1076 = vector.broadcast %sign3A_1075 : f32 to vector<32x64xf32>
    %sign3A_1077 = arith.cmpf ogt, %sign3A_1074, %sign3A_1076 : vector<32x64xf32>
    %sign3A_1078 = arith.select %sign3A_1077, %sign3A_1073, %div3A_1014 : vector<32x64xi1>, vector<32x64xf32>
    %mul3A_1079 = arith.mulf %sign3A_1078, %select_n3A_1065 : vector<32x64xf32>
    %sub3A_1080 = arith.subf %mul3A_70, %mul3A_1079 : vector<32x64xf32>
    %mul3A_1081 = arith.constant 0.405284733 : f32
    %mul3A_1082 = vector.broadcast %mul3A_1081 : f32 to vector<32x64xf32>
    %mul3A_1083 = arith.mulf %mul3A_1082, %sub3A_1080 : vector<32x64xf32>
    %mul3A_1084 = arith.mulf %mul3A_1083, %sub3A_1080 : vector<32x64xf32>
    %sub3A_1085 = arith.constant 1.000000e+00 : f32
    %sub3A_1086 = vector.broadcast %sub3A_1085 : f32 to vector<32x64xf32>
    %sub3A_1087 = arith.subf %sub3A_1086, %div3A_1004 : vector<32x64xf32>
    %div3A_1088 = arith.divf %mul3A_1084, %sub3A_1087 : vector<32x64xf32>
    %add3A_1089 = arith.addf %div3A_1088, %mul3A_1084 : vector<32x64xf32>
    %sub3A_1090 = arith.subf %slice3A_960, %get3A_1 : vector<32x64xf32>
    %sub3A_1091 = arith.subf %slice3A_960, %get3A_1 : vector<32x64xf32>
    %mul3A_1092 = arith.mulf %sub3A_1090, %sub3A_1091 : vector<32x64xf32>
    %div3A_1093 = arith.divf %mul3A_1092, %add3A_1011 : vector<32x64xf32>
    %mul3A_1094 = arith.mulf %add3A_1089, %mul3A_1084 : vector<32x64xf32>
    %add3A_1095 = arith.addf %div3A_1093, %mul3A_1094 : vector<32x64xf32>
    %sub3A_1096 = arith.subf %div3A_1004, %add3A_1095 : vector<32x64xf32>
    %max3A_1097 = arith.constant 0.000000e+00 : f32
    %max3A_1098 = vector.broadcast %max3A_1097 : f32 to vector<32x64xf32>
    %max3A_1099 = arith.maximumf %sub3A_1096, %max3A_1098 : vector<32x64xf32>
    %log3A_1100 = math.log %slice3A_963 : vector<32x64xf32>
    %sub3A_1101 = arith.constant 1.000000e+00 : f32
    %sub3A_1102 = vector.broadcast %sub3A_1101 : f32 to vector<32x64xf32>
    %sub3A_1103 = arith.subf %sub3A_1102, %max3A_1099 : vector<32x64xf32>
    %mul3A_1104 = arith.mulf %convert_element_type3A_975, %sub3A_1103 : vector<32x64xf32>
    %reduce_sum3A_1105 = vector.shape_cast %mul3A_1104 : vector<32x64xf32> to vector<1x32x64xf32>
    %reduce_sum3A_1106 = arith.constant dense<0.000000e+00> : vector<1xf32>
    %reduce_sum3A_1107 = vector.multi_reduction <add>, %reduce_sum3A_1105, %reduce_sum3A_1106 [1, 2] : vector<1x32x64xf32> to vector<1xf32>
    %reduce_sum3A_1108 = vector.shape_cast %reduce_sum3A_1107 : vector<1xf32> to vector<1x1x1xf32>
    %reduce_sum3A_1109 = vector.extract %reduce_sum3A_1108[0, 0, 0] : f32 from vector<1x1x1xf32>
    %broadcast_in_dim3A_1110 = vector.broadcast %reduce_sum3A_1109 : f32 to vector<1x1xf32>
    %mul3A_1111 = arith.mulf %convert_element_type3A_975, %slice3A_959 : vector<32x64xf32>
    %mul3A_1112 = arith.mulf %mul3A_1111, %max3A_1099 : vector<32x64xf32>
    %reduce_sum3A_1113 = vector.shape_cast %mul3A_1112 : vector<32x64xf32> to vector<1x32x64xf32>
    %reduce_sum3A_1114 = arith.constant dense<0.000000e+00> : vector<1xf32>
    %reduce_sum3A_1115 = vector.multi_reduction <add>, %reduce_sum3A_1113, %reduce_sum3A_1114 [1, 2] : vector<1x32x64xf32> to vector<1xf32>
    %reduce_sum3A_1116 = vector.shape_cast %reduce_sum3A_1115 : vector<1xf32> to vector<1x1x1xf32>
    %reduce_sum3A_1117 = vector.extract %reduce_sum3A_1116[0, 0, 0] : f32 from vector<1x1x1xf32>
    %broadcast_in_dim3A_1118 = vector.broadcast %reduce_sum3A_1117 : f32 to vector<1x1xf32>
    %sub3A_1119 = arith.subf %log3A_1100, %slice3A_962 : vector<32x64xf32>
    %mul3A_1120 = arith.mulf %convert_element_type3A_975, %sub3A_1119 : vector<32x64xf32>
    %reduce_sum3A_1121 = vector.shape_cast %mul3A_1120 : vector<32x64xf32> to vector<1x32x64xf32>
    %reduce_sum3A_1122 = arith.constant dense<0.000000e+00> : vector<1xf32>
    %reduce_sum3A_1123 = vector.multi_reduction <add>, %reduce_sum3A_1121, %reduce_sum3A_1122 [1, 2] : vector<1x32x64xf32> to vector<1xf32>
    %reduce_sum3A_1124 = vector.shape_cast %reduce_sum3A_1123 : vector<1xf32> to vector<1x1x1xf32>
    %reduce_sum3A_1125 = vector.extract %reduce_sum3A_1124[0, 0, 0] : f32 from vector<1x1x1xf32>
    %broadcast_in_dim3A_1126 = vector.broadcast %reduce_sum3A_1125 : f32 to vector<1x1xf32>
    %reduce_sum3A_1127 = vector.shape_cast %convert_element_type3A_975 : vector<32x64xf32> to vector<1x32x64xf32>
    %reduce_sum3A_1128 = arith.constant dense<0.000000e+00> : vector<1xf32>
    %reduce_sum3A_1129 = vector.multi_reduction <add>, %reduce_sum3A_1127, %reduce_sum3A_1128 [1, 2] : vector<1x32x64xf32> to vector<1xf32>
    %reduce_sum3A_1130 = vector.shape_cast %reduce_sum3A_1129 : vector<1xf32> to vector<1x1x1xf32>
    %reduce_sum3A_1131 = vector.extract %reduce_sum3A_1130[0, 0, 0] : f32 from vector<1x1x1xf32>
    %broadcast_in_dim3A_1132 = vector.broadcast %reduce_sum3A_1131 : f32 to vector<1x1xf32>
    %add3A_1133 = arith.addf %add3A_955, %broadcast_in_dim3A_1110 : vector<1x1xf32>
    %add3A_1134 = arith.addf %add3A_956, %broadcast_in_dim3A_1118 : vector<1x1xf32>
    %add3A_1135 = arith.addf %add3A_957, %broadcast_in_dim3A_1126 : vector<1x1xf32>
    %add3A_1136 = arith.addf %add3A_958, %broadcast_in_dim3A_1132 : vector<1x1xf32>
    %concatenate3A_1137 = tpu.concatenate %add3A_1133, %add3A_1134, %add3A_1135, %add3A_1136 in 1 : vector<1x1xf32>, vector<1x1xf32>, vector<1x1xf32>, vector<1x1xf32> -> vector<1x4xf32>
    %get3A_1138 = arith.constant 0 : index
    %get3A_1139 = arith.constant 0 : index
    %get3A_1140 = vector.load %arg4[%get3A_1138, %get3A_1139] : memref<32x768xf32, #tpu.memory_space<vmem>>, vector<32x768xf32>
    %get3A_1141 = arith.constant 0 : index
    %get3A_1142 = arith.constant 0 : index
    %get3A_1143 = vector.load %arg7[%get3A_1141, %get3A_1142] : memref<32x192xf32, #tpu.memory_space<vmem>>, vector<32x192xf32>
    %slice3A_1144 = vector.extract_strided_slice %get3A_1140 {offsets = [0, 0], sizes = [32, 64], strides = [1, 1]} : vector<32x768xf32> to vector<32x64xf32>
    %slice3A_1145 = vector.extract_strided_slice %get3A_1140 {offsets = [0, 192], sizes = [32, 64], strides = [1, 1]} : vector<32x768xf32> to vector<32x64xf32>
    %slice3A_1146 = vector.extract_strided_slice %get3A_1140 {offsets = [0, 384], sizes = [32, 64], strides = [1, 1]} : vector<32x768xf32> to vector<32x64xf32>
    %slice3A_1147 = vector.extract_strided_slice %get3A_1140 {offsets = [0, 576], sizes = [32, 64], strides = [1, 1]} : vector<32x768xf32> to vector<32x64xf32>
    %slice3A_1148 = vector.extract_strided_slice %get3A_1143 {offsets = [0, 0], sizes = [32, 64], strides = [1, 1]} : vector<32x192xf32> to vector<32x64xf32>
    %div3A_1149 = arith.constant 6.000000e+00 : f32
    %div3A_1150 = vector.broadcast %div3A_1149 : f32 to vector<32x64xf32>
    %div3A_1151 = arith.divf %get3A_4, %div3A_1150 : vector<32x64xf32>
    %div3A_1152 = arith.constant 1.000000e+00 : f32
    %div3A_1153 = vector.broadcast %div3A_1152 : f32 to vector<32x64xf32>
    %div3A_1154 = arith.divf %div3A_1153, %div3A_1151 : vector<32x64xf32>
    %max3A_1155 = arith.maximumf %div3A_1151, %div3A_1154 : vector<32x64xf32>
    %lt3A_1156 = arith.constant 4.000000e+00 : f32
    %lt3A_1157 = vector.broadcast %lt3A_1156 : f32 to vector<32x64xf32>
    %lt3A_1158 = arith.cmpf olt, %max3A_1155, %lt3A_1157 : vector<32x64xf32>
    %convert_element_type3A_1159 = arith.extui %lt3A_1158 : vector<32x64xi1> to vector<32x64xi32>
    %convert_element_type3A_1160 = arith.sitofp %convert_element_type3A_1159 : vector<32x64xi32> to vector<32x64xf32>
    %div3A_1161 = arith.constant 2.000000e+00 : f32
    %div3A_1162 = vector.broadcast %div3A_1161 : f32 to vector<32x64xf32>
    %div3A_1163 = arith.divf %slice3A_1146, %div3A_1162 : vector<32x64xf32>
    %sub3A_1164 = arith.subf %slice3A_1145, %div3A_1163 : vector<32x64xf32>
    %div3A_1165 = arith.constant 2.000000e+00 : f32
    %div3A_1166 = vector.broadcast %div3A_1165 : f32 to vector<32x64xf32>
    %div3A_1167 = arith.divf %slice3A_1146, %div3A_1166 : vector<32x64xf32>
    %add3A_1168 = arith.addf %slice3A_1145, %div3A_1167 : vector<32x64xf32>
    %min3A_1169 = arith.minimumf %add3A_1168, %add3A : vector<32x64xf32>
    %max3A_1170 = arith.maximumf %sub3A_1164, %sub3A : vector<32x64xf32>
    %sub3A_1171 = arith.subf %min3A_1169, %max3A_1170 : vector<32x64xf32>
    %max3A_1172 = arith.constant 0.000000e+00 : f32
    %max3A_1173 = vector.broadcast %max3A_1172 : f32 to vector<32x64xf32>
    %max3A_1174 = arith.maximumf %sub3A_1171, %max3A_1173 : vector<32x64xf32>
    %mul3A_1175 = arith.constant 1.000000e+01 : f32
    %mul3A_1176 = vector.broadcast %mul3A_1175 : f32 to vector<32x64xf32>
    %mul3A_1177 = arith.mulf %max3A_1174, %mul3A_1176 : vector<32x64xf32>
    %mul3A_1178 = arith.constant 1.000000e+01 : f32
    %mul3A_1179 = vector.broadcast %mul3A_1178 : f32 to vector<32x64xf32>
    %mul3A_1180 = arith.mulf %slice3A_1146, %mul3A_1179 : vector<32x64xf32>
    %mul3A_1181 = arith.constant 1.000000e+01 : f32
    %mul3A_1182 = vector.broadcast %mul3A_1181 : f32 to vector<32x64xf32>
    %mul3A_1183 = arith.mulf %get3A_4, %mul3A_1182 : vector<32x64xf32>
    %add3A_1184 = arith.addf %mul3A_1180, %mul3A_1183 : vector<32x64xf32>
    %sub3A_1185 = arith.subf %add3A_1184, %mul3A_1177 : vector<32x64xf32>
    %add3A_1186 = arith.constant 1.000000e-15 : f32
    %add3A_1187 = vector.broadcast %add3A_1186 : f32 to vector<32x64xf32>
    %add3A_1188 = arith.addf %sub3A_1185, %add3A_1187 : vector<32x64xf32>
    %div3A_1189 = arith.divf %mul3A_1177, %add3A_1188 : vector<32x64xf32>
    %max3A_1190 = arith.maximumf %add3A_1168, %add3A : vector<32x64xf32>
    %min3A_1191 = arith.minimumf %sub3A_1164, %sub3A : vector<32x64xf32>
    %sub3A_1192 = arith.subf %max3A_1190, %min3A_1191 : vector<32x64xf32>
    %mul3A_1193 = arith.mulf %sub3A_1192, %sub3A_1192 : vector<32x64xf32>
    %add3A_1194 = arith.constant 1.000000e+02 : f32
    %add3A_1195 = vector.broadcast %add3A_1194 : f32 to vector<32x64xf32>
    %add3A_1196 = arith.addf %mul3A_1193, %add3A_1195 : vector<32x64xf32>
    %div3A_1197 = arith.constant 1.000000e+01 : f32
    %div3A_1198 = vector.broadcast %div3A_1197 : f32 to vector<32x64xf32>
    %div3A_1199 = arith.divf %slice3A_1146, %div3A_1198 : vector<32x64xf32>
    %abs3A_1200 = math.absf %div3A_1199 : vector<32x64xf32>
    %gt3A_1201 = arith.constant 1.000000e+00 : f32
    %gt3A_1202 = vector.broadcast %gt3A_1201 : f32 to vector<32x64xf32>
    %gt3A_1203 = arith.cmpf ogt, %abs3A_1200, %gt3A_1202 : vector<32x64xf32>
    %max3A_1204 = arith.constant 1.000000e-30 : f32
    %max3A_1205 = vector.broadcast %max3A_1204 : f32 to vector<32x64xf32>
    %max3A_1206 = arith.maximumf %abs3A_1200, %max3A_1205 : vector<32x64xf32>
    %div3A_1207 = arith.constant 1.000000e+00 : f32
    %div3A_1208 = vector.broadcast %div3A_1207 : f32 to vector<32x64xf32>
    %div3A_1209 = arith.divf %div3A_1208, %max3A_1206 : vector<32x64xf32>
    %select_n3A_1210 = arith.select %gt3A_1203, %div3A_1209, %abs3A_1200 : vector<32x64xi1>, vector<32x64xf32>
    %mul3A_1211 = arith.mulf %select_n3A_1210, %select_n3A_1210 : vector<32x64xf32>
    %broadcast_in_dim3A_1212 = arith.constant 0.00246813102 : f32
    %broadcast_in_dim3A_1213 = vector.broadcast %broadcast_in_dim3A_1212 : f32 to vector<32x64xf32>
    %mul3A_1214 = arith.mulf %broadcast_in_dim3A_1213, %mul3A_1211 : vector<32x64xf32>
    %add3A_1215 = arith.constant -0.0144582391 : f32
    %add3A_1216 = vector.broadcast %add3A_1215 : f32 to vector<32x64xf32>
    %add3A_1217 = arith.addf %mul3A_1214, %add3A_1216 : vector<32x64xf32>
    %mul3A_1218 = arith.mulf %add3A_1217, %mul3A_1211 : vector<32x64xf32>
    %add3A_1219 = arith.constant 0.0398988202 : f32
    %add3A_1220 = vector.broadcast %add3A_1219 : f32 to vector<32x64xf32>
    %add3A_1221 = arith.addf %mul3A_1218, %add3A_1220 : vector<32x64xf32>
    %mul3A_1222 = arith.mulf %add3A_1221, %mul3A_1211 : vector<32x64xf32>
    %add3A_1223 = arith.constant -0.0724788755 : f32
    %add3A_1224 = vector.broadcast %add3A_1223 : f32 to vector<32x64xf32>
    %add3A_1225 = arith.addf %mul3A_1222, %add3A_1224 : vector<32x64xf32>
    %mul3A_1226 = arith.mulf %add3A_1225, %mul3A_1211 : vector<32x64xf32>
    %add3A_1227 = arith.constant 0.105072893 : f32
    %add3A_1228 = vector.broadcast %add3A_1227 : f32 to vector<32x64xf32>
    %add3A_1229 = arith.addf %mul3A_1226, %add3A_1228 : vector<32x64xf32>
    %mul3A_1230 = arith.mulf %add3A_1229, %mul3A_1211 : vector<32x64xf32>
    %add3A_1231 = arith.constant -0.141643256 : f32
    %add3A_1232 = vector.broadcast %add3A_1231 : f32 to vector<32x64xf32>
    %add3A_1233 = arith.addf %mul3A_1230, %add3A_1232 : vector<32x64xf32>
    %mul3A_1234 = arith.mulf %add3A_1233, %mul3A_1211 : vector<32x64xf32>
    %add3A_1235 = arith.constant 0.199865356 : f32
    %add3A_1236 = vector.broadcast %add3A_1235 : f32 to vector<32x64xf32>
    %add3A_1237 = arith.addf %mul3A_1234, %add3A_1236 : vector<32x64xf32>
    %mul3A_1238 = arith.mulf %add3A_1237, %mul3A_1211 : vector<32x64xf32>
    %add3A_1239 = arith.constant -0.333326578 : f32
    %add3A_1240 = vector.broadcast %add3A_1239 : f32 to vector<32x64xf32>
    %add3A_1241 = arith.addf %mul3A_1238, %add3A_1240 : vector<32x64xf32>
    %mul3A_1242 = arith.mulf %add3A_1241, %mul3A_1211 : vector<32x64xf32>
    %add3A_1243 = arith.constant 0.99999988 : f32
    %add3A_1244 = vector.broadcast %add3A_1243 : f32 to vector<32x64xf32>
    %add3A_1245 = arith.addf %mul3A_1242, %add3A_1244 : vector<32x64xf32>
    %mul3A_1246 = arith.mulf %add3A_1245, %select_n3A_1210 : vector<32x64xf32>
    %sub3A_1247 = arith.constant 1.57079637 : f32
    %sub3A_1248 = vector.broadcast %sub3A_1247 : f32 to vector<32x64xf32>
    %sub3A_1249 = arith.subf %sub3A_1248, %mul3A_1246 : vector<32x64xf32>
    %select_n3A_1250 = arith.select %gt3A_1203, %sub3A_1249, %mul3A_1246 : vector<32x64xi1>, vector<32x64xf32>
    %sign3A_1251 = tpu.bitcast %div3A_1199 : vector<32x64xf32> -> vector<32x64xi32>
    %sign3A_1252 = arith.constant -2147483648 : i32
    %sign3A_1253 = vector.broadcast %sign3A_1252 : i32 to vector<32x64xi32>
    %sign3A_1254 = arith.andi %sign3A_1251, %sign3A_1253 : vector<32x64xi32>
    %sign3A_1255 = arith.constant 1065353216 : i32
    %sign3A_1256 = vector.broadcast %sign3A_1255 : i32 to vector<32x64xi32>
    %sign3A_1257 = arith.ori %sign3A_1256, %sign3A_1254 : vector<32x64xi32>
    %sign3A_1258 = tpu.bitcast %sign3A_1257 : vector<32x64xi32> -> vector<32x64xf32>
    %sign3A_1259 = math.absf %div3A_1199 : vector<32x64xf32>
    %sign3A_1260 = arith.constant 0.000000e+00 : f32
    %sign3A_1261 = vector.broadcast %sign3A_1260 : f32 to vector<32x64xf32>
    %sign3A_1262 = arith.cmpf ogt, %sign3A_1259, %sign3A_1261 : vector<32x64xf32>
    %sign3A_1263 = arith.select %sign3A_1262, %sign3A_1258, %div3A_1199 : vector<32x64xi1>, vector<32x64xf32>
    %mul3A_1264 = arith.mulf %sign3A_1263, %select_n3A_1250 : vector<32x64xf32>
    %sub3A_1265 = arith.subf %mul3A_70, %mul3A_1264 : vector<32x64xf32>
    %mul3A_1266 = arith.constant 0.405284733 : f32
    %mul3A_1267 = vector.broadcast %mul3A_1266 : f32 to vector<32x64xf32>
    %mul3A_1268 = arith.mulf %mul3A_1267, %sub3A_1265 : vector<32x64xf32>
    %mul3A_1269 = arith.mulf %mul3A_1268, %sub3A_1265 : vector<32x64xf32>
    %sub3A_1270 = arith.constant 1.000000e+00 : f32
    %sub3A_1271 = vector.broadcast %sub3A_1270 : f32 to vector<32x64xf32>
    %sub3A_1272 = arith.subf %sub3A_1271, %div3A_1189 : vector<32x64xf32>
    %div3A_1273 = arith.divf %mul3A_1269, %sub3A_1272 : vector<32x64xf32>
    %add3A_1274 = arith.addf %div3A_1273, %mul3A_1269 : vector<32x64xf32>
    %sub3A_1275 = arith.subf %slice3A_1145, %get3A_1 : vector<32x64xf32>
    %sub3A_1276 = arith.subf %slice3A_1145, %get3A_1 : vector<32x64xf32>
    %mul3A_1277 = arith.mulf %sub3A_1275, %sub3A_1276 : vector<32x64xf32>
    %div3A_1278 = arith.divf %mul3A_1277, %add3A_1196 : vector<32x64xf32>
    %mul3A_1279 = arith.mulf %add3A_1274, %mul3A_1269 : vector<32x64xf32>
    %add3A_1280 = arith.addf %div3A_1278, %mul3A_1279 : vector<32x64xf32>
    %sub3A_1281 = arith.subf %div3A_1189, %add3A_1280 : vector<32x64xf32>
    %max3A_1282 = arith.constant 0.000000e+00 : f32
    %max3A_1283 = vector.broadcast %max3A_1282 : f32 to vector<32x64xf32>
    %max3A_1284 = arith.maximumf %sub3A_1281, %max3A_1283 : vector<32x64xf32>
    %log3A_1285 = math.log %slice3A_1148 : vector<32x64xf32>
    %sub3A_1286 = arith.constant 1.000000e+00 : f32
    %sub3A_1287 = vector.broadcast %sub3A_1286 : f32 to vector<32x64xf32>
    %sub3A_1288 = arith.subf %sub3A_1287, %max3A_1284 : vector<32x64xf32>
    %mul3A_1289 = arith.mulf %convert_element_type3A_1160, %sub3A_1288 : vector<32x64xf32>
    %reduce_sum3A_1290 = vector.shape_cast %mul3A_1289 : vector<32x64xf32> to vector<1x32x64xf32>
    %reduce_sum3A_1291 = arith.constant dense<0.000000e+00> : vector<1xf32>
    %reduce_sum3A_1292 = vector.multi_reduction <add>, %reduce_sum3A_1290, %reduce_sum3A_1291 [1, 2] : vector<1x32x64xf32> to vector<1xf32>
    %reduce_sum3A_1293 = vector.shape_cast %reduce_sum3A_1292 : vector<1xf32> to vector<1x1x1xf32>
    %reduce_sum3A_1294 = vector.extract %reduce_sum3A_1293[0, 0, 0] : f32 from vector<1x1x1xf32>
    %broadcast_in_dim3A_1295 = vector.broadcast %reduce_sum3A_1294 : f32 to vector<1x1xf32>
    %mul3A_1296 = arith.mulf %convert_element_type3A_1160, %slice3A_1144 : vector<32x64xf32>
    %mul3A_1297 = arith.mulf %mul3A_1296, %max3A_1284 : vector<32x64xf32>
    %reduce_sum3A_1298 = vector.shape_cast %mul3A_1297 : vector<32x64xf32> to vector<1x32x64xf32>
    %reduce_sum3A_1299 = arith.constant dense<0.000000e+00> : vector<1xf32>
    %reduce_sum3A_1300 = vector.multi_reduction <add>, %reduce_sum3A_1298, %reduce_sum3A_1299 [1, 2] : vector<1x32x64xf32> to vector<1xf32>
    %reduce_sum3A_1301 = vector.shape_cast %reduce_sum3A_1300 : vector<1xf32> to vector<1x1x1xf32>
    %reduce_sum3A_1302 = vector.extract %reduce_sum3A_1301[0, 0, 0] : f32 from vector<1x1x1xf32>
    %broadcast_in_dim3A_1303 = vector.broadcast %reduce_sum3A_1302 : f32 to vector<1x1xf32>
    %sub3A_1304 = arith.subf %log3A_1285, %slice3A_1147 : vector<32x64xf32>
    %mul3A_1305 = arith.mulf %convert_element_type3A_1160, %sub3A_1304 : vector<32x64xf32>
    %reduce_sum3A_1306 = vector.shape_cast %mul3A_1305 : vector<32x64xf32> to vector<1x32x64xf32>
    %reduce_sum3A_1307 = arith.constant dense<0.000000e+00> : vector<1xf32>
    %reduce_sum3A_1308 = vector.multi_reduction <add>, %reduce_sum3A_1306, %reduce_sum3A_1307 [1, 2] : vector<1x32x64xf32> to vector<1xf32>
    %reduce_sum3A_1309 = vector.shape_cast %reduce_sum3A_1308 : vector<1xf32> to vector<1x1x1xf32>
    %reduce_sum3A_1310 = vector.extract %reduce_sum3A_1309[0, 0, 0] : f32 from vector<1x1x1xf32>
    %broadcast_in_dim3A_1311 = vector.broadcast %reduce_sum3A_1310 : f32 to vector<1x1xf32>
    %reduce_sum3A_1312 = vector.shape_cast %convert_element_type3A_1160 : vector<32x64xf32> to vector<1x32x64xf32>
    %reduce_sum3A_1313 = arith.constant dense<0.000000e+00> : vector<1xf32>
    %reduce_sum3A_1314 = vector.multi_reduction <add>, %reduce_sum3A_1312, %reduce_sum3A_1313 [1, 2] : vector<1x32x64xf32> to vector<1xf32>
    %reduce_sum3A_1315 = vector.shape_cast %reduce_sum3A_1314 : vector<1xf32> to vector<1x1x1xf32>
    %reduce_sum3A_1316 = vector.extract %reduce_sum3A_1315[0, 0, 0] : f32 from vector<1x1x1xf32>
    %broadcast_in_dim3A_1317 = vector.broadcast %reduce_sum3A_1316 : f32 to vector<1x1xf32>
    %slice3A_1318 = vector.extract_strided_slice %get3A_1140 {offsets = [0, 64], sizes = [32, 64], strides = [1, 1]} : vector<32x768xf32> to vector<32x64xf32>
    %slice3A_1319 = vector.extract_strided_slice %get3A_1140 {offsets = [0, 256], sizes = [32, 64], strides = [1, 1]} : vector<32x768xf32> to vector<32x64xf32>
    %slice3A_1320 = vector.extract_strided_slice %get3A_1140 {offsets = [0, 448], sizes = [32, 64], strides = [1, 1]} : vector<32x768xf32> to vector<32x64xf32>
    %slice3A_1321 = vector.extract_strided_slice %get3A_1140 {offsets = [0, 640], sizes = [32, 64], strides = [1, 1]} : vector<32x768xf32> to vector<32x64xf32>
    %slice3A_1322 = vector.extract_strided_slice %get3A_1143 {offsets = [0, 64], sizes = [32, 64], strides = [1, 1]} : vector<32x192xf32> to vector<32x64xf32>
    %div3A_1323 = arith.constant 1.000000e+01 : f32
    %div3A_1324 = vector.broadcast %div3A_1323 : f32 to vector<32x64xf32>
    %div3A_1325 = arith.divf %get3A_4, %div3A_1324 : vector<32x64xf32>
    %div3A_1326 = arith.constant 1.000000e+00 : f32
    %div3A_1327 = vector.broadcast %div3A_1326 : f32 to vector<32x64xf32>
    %div3A_1328 = arith.divf %div3A_1327, %div3A_1325 : vector<32x64xf32>
    %max3A_1329 = arith.maximumf %div3A_1325, %div3A_1328 : vector<32x64xf32>
    %lt3A_1330 = arith.constant 4.000000e+00 : f32
    %lt3A_1331 = vector.broadcast %lt3A_1330 : f32 to vector<32x64xf32>
    %lt3A_1332 = arith.cmpf olt, %max3A_1329, %lt3A_1331 : vector<32x64xf32>
    %convert_element_type3A_1333 = arith.extui %lt3A_1332 : vector<32x64xi1> to vector<32x64xi32>
    %convert_element_type3A_1334 = arith.sitofp %convert_element_type3A_1333 : vector<32x64xi32> to vector<32x64xf32>
    %div3A_1335 = arith.constant 2.000000e+00 : f32
    %div3A_1336 = vector.broadcast %div3A_1335 : f32 to vector<32x64xf32>
    %div3A_1337 = arith.divf %slice3A_1320, %div3A_1336 : vector<32x64xf32>
    %sub3A_1338 = arith.subf %slice3A_1319, %div3A_1337 : vector<32x64xf32>
    %div3A_1339 = arith.constant 2.000000e+00 : f32
    %div3A_1340 = vector.broadcast %div3A_1339 : f32 to vector<32x64xf32>
    %div3A_1341 = arith.divf %slice3A_1320, %div3A_1340 : vector<32x64xf32>
    %add3A_1342 = arith.addf %slice3A_1319, %div3A_1341 : vector<32x64xf32>
    %min3A_1343 = arith.minimumf %add3A_1342, %add3A : vector<32x64xf32>
    %max3A_1344 = arith.maximumf %sub3A_1338, %sub3A : vector<32x64xf32>
    %sub3A_1345 = arith.subf %min3A_1343, %max3A_1344 : vector<32x64xf32>
    %max3A_1346 = arith.constant 0.000000e+00 : f32
    %max3A_1347 = vector.broadcast %max3A_1346 : f32 to vector<32x64xf32>
    %max3A_1348 = arith.maximumf %sub3A_1345, %max3A_1347 : vector<32x64xf32>
    %mul3A_1349 = arith.constant 1.000000e+01 : f32
    %mul3A_1350 = vector.broadcast %mul3A_1349 : f32 to vector<32x64xf32>
    %mul3A_1351 = arith.mulf %max3A_1348, %mul3A_1350 : vector<32x64xf32>
    %mul3A_1352 = arith.constant 1.000000e+01 : f32
    %mul3A_1353 = vector.broadcast %mul3A_1352 : f32 to vector<32x64xf32>
    %mul3A_1354 = arith.mulf %slice3A_1320, %mul3A_1353 : vector<32x64xf32>
    %mul3A_1355 = arith.constant 1.000000e+01 : f32
    %mul3A_1356 = vector.broadcast %mul3A_1355 : f32 to vector<32x64xf32>
    %mul3A_1357 = arith.mulf %get3A_4, %mul3A_1356 : vector<32x64xf32>
    %add3A_1358 = arith.addf %mul3A_1354, %mul3A_1357 : vector<32x64xf32>
    %sub3A_1359 = arith.subf %add3A_1358, %mul3A_1351 : vector<32x64xf32>
    %add3A_1360 = arith.constant 1.000000e-15 : f32
    %add3A_1361 = vector.broadcast %add3A_1360 : f32 to vector<32x64xf32>
    %add3A_1362 = arith.addf %sub3A_1359, %add3A_1361 : vector<32x64xf32>
    %div3A_1363 = arith.divf %mul3A_1351, %add3A_1362 : vector<32x64xf32>
    %max3A_1364 = arith.maximumf %add3A_1342, %add3A : vector<32x64xf32>
    %min3A_1365 = arith.minimumf %sub3A_1338, %sub3A : vector<32x64xf32>
    %sub3A_1366 = arith.subf %max3A_1364, %min3A_1365 : vector<32x64xf32>
    %mul3A_1367 = arith.mulf %sub3A_1366, %sub3A_1366 : vector<32x64xf32>
    %add3A_1368 = arith.constant 1.000000e+02 : f32
    %add3A_1369 = vector.broadcast %add3A_1368 : f32 to vector<32x64xf32>
    %add3A_1370 = arith.addf %mul3A_1367, %add3A_1369 : vector<32x64xf32>
    %div3A_1371 = arith.constant 1.000000e+01 : f32
    %div3A_1372 = vector.broadcast %div3A_1371 : f32 to vector<32x64xf32>
    %div3A_1373 = arith.divf %slice3A_1320, %div3A_1372 : vector<32x64xf32>
    %abs3A_1374 = math.absf %div3A_1373 : vector<32x64xf32>
    %gt3A_1375 = arith.constant 1.000000e+00 : f32
    %gt3A_1376 = vector.broadcast %gt3A_1375 : f32 to vector<32x64xf32>
    %gt3A_1377 = arith.cmpf ogt, %abs3A_1374, %gt3A_1376 : vector<32x64xf32>
    %max3A_1378 = arith.constant 1.000000e-30 : f32
    %max3A_1379 = vector.broadcast %max3A_1378 : f32 to vector<32x64xf32>
    %max3A_1380 = arith.maximumf %abs3A_1374, %max3A_1379 : vector<32x64xf32>
    %div3A_1381 = arith.constant 1.000000e+00 : f32
    %div3A_1382 = vector.broadcast %div3A_1381 : f32 to vector<32x64xf32>
    %div3A_1383 = arith.divf %div3A_1382, %max3A_1380 : vector<32x64xf32>
    %select_n3A_1384 = arith.select %gt3A_1377, %div3A_1383, %abs3A_1374 : vector<32x64xi1>, vector<32x64xf32>
    %mul3A_1385 = arith.mulf %select_n3A_1384, %select_n3A_1384 : vector<32x64xf32>
    %broadcast_in_dim3A_1386 = arith.constant 0.00246813102 : f32
    %broadcast_in_dim3A_1387 = vector.broadcast %broadcast_in_dim3A_1386 : f32 to vector<32x64xf32>
    %mul3A_1388 = arith.mulf %broadcast_in_dim3A_1387, %mul3A_1385 : vector<32x64xf32>
    %add3A_1389 = arith.constant -0.0144582391 : f32
    %add3A_1390 = vector.broadcast %add3A_1389 : f32 to vector<32x64xf32>
    %add3A_1391 = arith.addf %mul3A_1388, %add3A_1390 : vector<32x64xf32>
    %mul3A_1392 = arith.mulf %add3A_1391, %mul3A_1385 : vector<32x64xf32>
    %add3A_1393 = arith.constant 0.0398988202 : f32
    %add3A_1394 = vector.broadcast %add3A_1393 : f32 to vector<32x64xf32>
    %add3A_1395 = arith.addf %mul3A_1392, %add3A_1394 : vector<32x64xf32>
    %mul3A_1396 = arith.mulf %add3A_1395, %mul3A_1385 : vector<32x64xf32>
    %add3A_1397 = arith.constant -0.0724788755 : f32
    %add3A_1398 = vector.broadcast %add3A_1397 : f32 to vector<32x64xf32>
    %add3A_1399 = arith.addf %mul3A_1396, %add3A_1398 : vector<32x64xf32>
    %mul3A_1400 = arith.mulf %add3A_1399, %mul3A_1385 : vector<32x64xf32>
    %add3A_1401 = arith.constant 0.105072893 : f32
    %add3A_1402 = vector.broadcast %add3A_1401 : f32 to vector<32x64xf32>
    %add3A_1403 = arith.addf %mul3A_1400, %add3A_1402 : vector<32x64xf32>
    %mul3A_1404 = arith.mulf %add3A_1403, %mul3A_1385 : vector<32x64xf32>
    %add3A_1405 = arith.constant -0.141643256 : f32
    %add3A_1406 = vector.broadcast %add3A_1405 : f32 to vector<32x64xf32>
    %add3A_1407 = arith.addf %mul3A_1404, %add3A_1406 : vector<32x64xf32>
    %mul3A_1408 = arith.mulf %add3A_1407, %mul3A_1385 : vector<32x64xf32>
    %add3A_1409 = arith.constant 0.199865356 : f32
    %add3A_1410 = vector.broadcast %add3A_1409 : f32 to vector<32x64xf32>
    %add3A_1411 = arith.addf %mul3A_1408, %add3A_1410 : vector<32x64xf32>
    %mul3A_1412 = arith.mulf %add3A_1411, %mul3A_1385 : vector<32x64xf32>
    %add3A_1413 = arith.constant -0.333326578 : f32
    %add3A_1414 = vector.broadcast %add3A_1413 : f32 to vector<32x64xf32>
    %add3A_1415 = arith.addf %mul3A_1412, %add3A_1414 : vector<32x64xf32>
    %mul3A_1416 = arith.mulf %add3A_1415, %mul3A_1385 : vector<32x64xf32>
    %add3A_1417 = arith.constant 0.99999988 : f32
    %add3A_1418 = vector.broadcast %add3A_1417 : f32 to vector<32x64xf32>
    %add3A_1419 = arith.addf %mul3A_1416, %add3A_1418 : vector<32x64xf32>
    %mul3A_1420 = arith.mulf %add3A_1419, %select_n3A_1384 : vector<32x64xf32>
    %sub3A_1421 = arith.constant 1.57079637 : f32
    %sub3A_1422 = vector.broadcast %sub3A_1421 : f32 to vector<32x64xf32>
    %sub3A_1423 = arith.subf %sub3A_1422, %mul3A_1420 : vector<32x64xf32>
    %select_n3A_1424 = arith.select %gt3A_1377, %sub3A_1423, %mul3A_1420 : vector<32x64xi1>, vector<32x64xf32>
    %sign3A_1425 = tpu.bitcast %div3A_1373 : vector<32x64xf32> -> vector<32x64xi32>
    %sign3A_1426 = arith.constant -2147483648 : i32
    %sign3A_1427 = vector.broadcast %sign3A_1426 : i32 to vector<32x64xi32>
    %sign3A_1428 = arith.andi %sign3A_1425, %sign3A_1427 : vector<32x64xi32>
    %sign3A_1429 = arith.constant 1065353216 : i32
    %sign3A_1430 = vector.broadcast %sign3A_1429 : i32 to vector<32x64xi32>
    %sign3A_1431 = arith.ori %sign3A_1430, %sign3A_1428 : vector<32x64xi32>
    %sign3A_1432 = tpu.bitcast %sign3A_1431 : vector<32x64xi32> -> vector<32x64xf32>
    %sign3A_1433 = math.absf %div3A_1373 : vector<32x64xf32>
    %sign3A_1434 = arith.constant 0.000000e+00 : f32
    %sign3A_1435 = vector.broadcast %sign3A_1434 : f32 to vector<32x64xf32>
    %sign3A_1436 = arith.cmpf ogt, %sign3A_1433, %sign3A_1435 : vector<32x64xf32>
    %sign3A_1437 = arith.select %sign3A_1436, %sign3A_1432, %div3A_1373 : vector<32x64xi1>, vector<32x64xf32>
    %mul3A_1438 = arith.mulf %sign3A_1437, %select_n3A_1424 : vector<32x64xf32>
    %sub3A_1439 = arith.subf %mul3A_70, %mul3A_1438 : vector<32x64xf32>
    %mul3A_1440 = arith.constant 0.405284733 : f32
    %mul3A_1441 = vector.broadcast %mul3A_1440 : f32 to vector<32x64xf32>
    %mul3A_1442 = arith.mulf %mul3A_1441, %sub3A_1439 : vector<32x64xf32>
    %mul3A_1443 = arith.mulf %mul3A_1442, %sub3A_1439 : vector<32x64xf32>
    %sub3A_1444 = arith.constant 1.000000e+00 : f32
    %sub3A_1445 = vector.broadcast %sub3A_1444 : f32 to vector<32x64xf32>
    %sub3A_1446 = arith.subf %sub3A_1445, %div3A_1363 : vector<32x64xf32>
    %div3A_1447 = arith.divf %mul3A_1443, %sub3A_1446 : vector<32x64xf32>
    %add3A_1448 = arith.addf %div3A_1447, %mul3A_1443 : vector<32x64xf32>
    %sub3A_1449 = arith.subf %slice3A_1319, %get3A_1 : vector<32x64xf32>
    %sub3A_1450 = arith.subf %slice3A_1319, %get3A_1 : vector<32x64xf32>
    %mul3A_1451 = arith.mulf %sub3A_1449, %sub3A_1450 : vector<32x64xf32>
    %div3A_1452 = arith.divf %mul3A_1451, %add3A_1370 : vector<32x64xf32>
    %mul3A_1453 = arith.mulf %add3A_1448, %mul3A_1443 : vector<32x64xf32>
    %add3A_1454 = arith.addf %div3A_1452, %mul3A_1453 : vector<32x64xf32>
    %sub3A_1455 = arith.subf %div3A_1363, %add3A_1454 : vector<32x64xf32>
    %max3A_1456 = arith.constant 0.000000e+00 : f32
    %max3A_1457 = vector.broadcast %max3A_1456 : f32 to vector<32x64xf32>
    %max3A_1458 = arith.maximumf %sub3A_1455, %max3A_1457 : vector<32x64xf32>
    %log3A_1459 = math.log %slice3A_1322 : vector<32x64xf32>
    %sub3A_1460 = arith.constant 1.000000e+00 : f32
    %sub3A_1461 = vector.broadcast %sub3A_1460 : f32 to vector<32x64xf32>
    %sub3A_1462 = arith.subf %sub3A_1461, %max3A_1458 : vector<32x64xf32>
    %mul3A_1463 = arith.mulf %convert_element_type3A_1334, %sub3A_1462 : vector<32x64xf32>
    %reduce_sum3A_1464 = vector.shape_cast %mul3A_1463 : vector<32x64xf32> to vector<1x32x64xf32>
    %reduce_sum3A_1465 = arith.constant dense<0.000000e+00> : vector<1xf32>
    %reduce_sum3A_1466 = vector.multi_reduction <add>, %reduce_sum3A_1464, %reduce_sum3A_1465 [1, 2] : vector<1x32x64xf32> to vector<1xf32>
    %reduce_sum3A_1467 = vector.shape_cast %reduce_sum3A_1466 : vector<1xf32> to vector<1x1x1xf32>
    %reduce_sum3A_1468 = vector.extract %reduce_sum3A_1467[0, 0, 0] : f32 from vector<1x1x1xf32>
    %broadcast_in_dim3A_1469 = vector.broadcast %reduce_sum3A_1468 : f32 to vector<1x1xf32>
    %mul3A_1470 = arith.mulf %convert_element_type3A_1334, %slice3A_1318 : vector<32x64xf32>
    %mul3A_1471 = arith.mulf %mul3A_1470, %max3A_1458 : vector<32x64xf32>
    %reduce_sum3A_1472 = vector.shape_cast %mul3A_1471 : vector<32x64xf32> to vector<1x32x64xf32>
    %reduce_sum3A_1473 = arith.constant dense<0.000000e+00> : vector<1xf32>
    %reduce_sum3A_1474 = vector.multi_reduction <add>, %reduce_sum3A_1472, %reduce_sum3A_1473 [1, 2] : vector<1x32x64xf32> to vector<1xf32>
    %reduce_sum3A_1475 = vector.shape_cast %reduce_sum3A_1474 : vector<1xf32> to vector<1x1x1xf32>
    %reduce_sum3A_1476 = vector.extract %reduce_sum3A_1475[0, 0, 0] : f32 from vector<1x1x1xf32>
    %broadcast_in_dim3A_1477 = vector.broadcast %reduce_sum3A_1476 : f32 to vector<1x1xf32>
    %sub3A_1478 = arith.subf %log3A_1459, %slice3A_1321 : vector<32x64xf32>
    %mul3A_1479 = arith.mulf %convert_element_type3A_1334, %sub3A_1478 : vector<32x64xf32>
    %reduce_sum3A_1480 = vector.shape_cast %mul3A_1479 : vector<32x64xf32> to vector<1x32x64xf32>
    %reduce_sum3A_1481 = arith.constant dense<0.000000e+00> : vector<1xf32>
    %reduce_sum3A_1482 = vector.multi_reduction <add>, %reduce_sum3A_1480, %reduce_sum3A_1481 [1, 2] : vector<1x32x64xf32> to vector<1xf32>
    %reduce_sum3A_1483 = vector.shape_cast %reduce_sum3A_1482 : vector<1xf32> to vector<1x1x1xf32>
    %reduce_sum3A_1484 = vector.extract %reduce_sum3A_1483[0, 0, 0] : f32 from vector<1x1x1xf32>
    %broadcast_in_dim3A_1485 = vector.broadcast %reduce_sum3A_1484 : f32 to vector<1x1xf32>
    %reduce_sum3A_1486 = vector.shape_cast %convert_element_type3A_1334 : vector<32x64xf32> to vector<1x32x64xf32>
    %reduce_sum3A_1487 = arith.constant dense<0.000000e+00> : vector<1xf32>
    %reduce_sum3A_1488 = vector.multi_reduction <add>, %reduce_sum3A_1486, %reduce_sum3A_1487 [1, 2] : vector<1x32x64xf32> to vector<1xf32>
    %reduce_sum3A_1489 = vector.shape_cast %reduce_sum3A_1488 : vector<1xf32> to vector<1x1x1xf32>
    %reduce_sum3A_1490 = vector.extract %reduce_sum3A_1489[0, 0, 0] : f32 from vector<1x1x1xf32>
    %broadcast_in_dim3A_1491 = vector.broadcast %reduce_sum3A_1490 : f32 to vector<1x1xf32>
    %add3A_1492 = arith.addf %broadcast_in_dim3A_1295, %broadcast_in_dim3A_1469 : vector<1x1xf32>
    %add3A_1493 = arith.addf %broadcast_in_dim3A_1303, %broadcast_in_dim3A_1477 : vector<1x1xf32>
    %add3A_1494 = arith.addf %broadcast_in_dim3A_1311, %broadcast_in_dim3A_1485 : vector<1x1xf32>
    %add3A_1495 = arith.addf %broadcast_in_dim3A_1317, %broadcast_in_dim3A_1491 : vector<1x1xf32>
    %slice3A_1496 = vector.extract_strided_slice %get3A_1140 {offsets = [0, 128], sizes = [32, 64], strides = [1, 1]} : vector<32x768xf32> to vector<32x64xf32>
    %slice3A_1497 = vector.extract_strided_slice %get3A_1140 {offsets = [0, 320], sizes = [32, 64], strides = [1, 1]} : vector<32x768xf32> to vector<32x64xf32>
    %slice3A_1498 = vector.extract_strided_slice %get3A_1140 {offsets = [0, 512], sizes = [32, 64], strides = [1, 1]} : vector<32x768xf32> to vector<32x64xf32>
    %slice3A_1499 = vector.extract_strided_slice %get3A_1140 {offsets = [0, 704], sizes = [32, 64], strides = [1, 1]} : vector<32x768xf32> to vector<32x64xf32>
    %slice3A_1500 = vector.extract_strided_slice %get3A_1143 {offsets = [0, 128], sizes = [32, 64], strides = [1, 1]} : vector<32x192xf32> to vector<32x64xf32>
    %div3A_1501 = arith.constant 2.000000e+01 : f32
    %div3A_1502 = vector.broadcast %div3A_1501 : f32 to vector<32x64xf32>
    %div3A_1503 = arith.divf %get3A_4, %div3A_1502 : vector<32x64xf32>
    %div3A_1504 = arith.constant 1.000000e+00 : f32
    %div3A_1505 = vector.broadcast %div3A_1504 : f32 to vector<32x64xf32>
    %div3A_1506 = arith.divf %div3A_1505, %div3A_1503 : vector<32x64xf32>
    %max3A_1507 = arith.maximumf %div3A_1503, %div3A_1506 : vector<32x64xf32>
    %lt3A_1508 = arith.constant 4.000000e+00 : f32
    %lt3A_1509 = vector.broadcast %lt3A_1508 : f32 to vector<32x64xf32>
    %lt3A_1510 = arith.cmpf olt, %max3A_1507, %lt3A_1509 : vector<32x64xf32>
    %convert_element_type3A_1511 = arith.extui %lt3A_1510 : vector<32x64xi1> to vector<32x64xi32>
    %convert_element_type3A_1512 = arith.sitofp %convert_element_type3A_1511 : vector<32x64xi32> to vector<32x64xf32>
    %div3A_1513 = arith.constant 2.000000e+00 : f32
    %div3A_1514 = vector.broadcast %div3A_1513 : f32 to vector<32x64xf32>
    %div3A_1515 = arith.divf %slice3A_1498, %div3A_1514 : vector<32x64xf32>
    %sub3A_1516 = arith.subf %slice3A_1497, %div3A_1515 : vector<32x64xf32>
    %div3A_1517 = arith.constant 2.000000e+00 : f32
    %div3A_1518 = vector.broadcast %div3A_1517 : f32 to vector<32x64xf32>
    %div3A_1519 = arith.divf %slice3A_1498, %div3A_1518 : vector<32x64xf32>
    %add3A_1520 = arith.addf %slice3A_1497, %div3A_1519 : vector<32x64xf32>
    %min3A_1521 = arith.minimumf %add3A_1520, %add3A : vector<32x64xf32>
    %max3A_1522 = arith.maximumf %sub3A_1516, %sub3A : vector<32x64xf32>
    %sub3A_1523 = arith.subf %min3A_1521, %max3A_1522 : vector<32x64xf32>
    %max3A_1524 = arith.constant 0.000000e+00 : f32
    %max3A_1525 = vector.broadcast %max3A_1524 : f32 to vector<32x64xf32>
    %max3A_1526 = arith.maximumf %sub3A_1523, %max3A_1525 : vector<32x64xf32>
    %mul3A_1527 = arith.constant 1.000000e+01 : f32
    %mul3A_1528 = vector.broadcast %mul3A_1527 : f32 to vector<32x64xf32>
    %mul3A_1529 = arith.mulf %max3A_1526, %mul3A_1528 : vector<32x64xf32>
    %mul3A_1530 = arith.constant 1.000000e+01 : f32
    %mul3A_1531 = vector.broadcast %mul3A_1530 : f32 to vector<32x64xf32>
    %mul3A_1532 = arith.mulf %slice3A_1498, %mul3A_1531 : vector<32x64xf32>
    %mul3A_1533 = arith.constant 1.000000e+01 : f32
    %mul3A_1534 = vector.broadcast %mul3A_1533 : f32 to vector<32x64xf32>
    %mul3A_1535 = arith.mulf %get3A_4, %mul3A_1534 : vector<32x64xf32>
    %add3A_1536 = arith.addf %mul3A_1532, %mul3A_1535 : vector<32x64xf32>
    %sub3A_1537 = arith.subf %add3A_1536, %mul3A_1529 : vector<32x64xf32>
    %add3A_1538 = arith.constant 1.000000e-15 : f32
    %add3A_1539 = vector.broadcast %add3A_1538 : f32 to vector<32x64xf32>
    %add3A_1540 = arith.addf %sub3A_1537, %add3A_1539 : vector<32x64xf32>
    %div3A_1541 = arith.divf %mul3A_1529, %add3A_1540 : vector<32x64xf32>
    %max3A_1542 = arith.maximumf %add3A_1520, %add3A : vector<32x64xf32>
    %min3A_1543 = arith.minimumf %sub3A_1516, %sub3A : vector<32x64xf32>
    %sub3A_1544 = arith.subf %max3A_1542, %min3A_1543 : vector<32x64xf32>
    %mul3A_1545 = arith.mulf %sub3A_1544, %sub3A_1544 : vector<32x64xf32>
    %add3A_1546 = arith.constant 1.000000e+02 : f32
    %add3A_1547 = vector.broadcast %add3A_1546 : f32 to vector<32x64xf32>
    %add3A_1548 = arith.addf %mul3A_1545, %add3A_1547 : vector<32x64xf32>
    %div3A_1549 = arith.constant 1.000000e+01 : f32
    %div3A_1550 = vector.broadcast %div3A_1549 : f32 to vector<32x64xf32>
    %div3A_1551 = arith.divf %slice3A_1498, %div3A_1550 : vector<32x64xf32>
    %abs3A_1552 = math.absf %div3A_1551 : vector<32x64xf32>
    %gt3A_1553 = arith.constant 1.000000e+00 : f32
    %gt3A_1554 = vector.broadcast %gt3A_1553 : f32 to vector<32x64xf32>
    %gt3A_1555 = arith.cmpf ogt, %abs3A_1552, %gt3A_1554 : vector<32x64xf32>
    %max3A_1556 = arith.constant 1.000000e-30 : f32
    %max3A_1557 = vector.broadcast %max3A_1556 : f32 to vector<32x64xf32>
    %max3A_1558 = arith.maximumf %abs3A_1552, %max3A_1557 : vector<32x64xf32>
    %div3A_1559 = arith.constant 1.000000e+00 : f32
    %div3A_1560 = vector.broadcast %div3A_1559 : f32 to vector<32x64xf32>
    %div3A_1561 = arith.divf %div3A_1560, %max3A_1558 : vector<32x64xf32>
    %select_n3A_1562 = arith.select %gt3A_1555, %div3A_1561, %abs3A_1552 : vector<32x64xi1>, vector<32x64xf32>
    %mul3A_1563 = arith.mulf %select_n3A_1562, %select_n3A_1562 : vector<32x64xf32>
    %broadcast_in_dim3A_1564 = arith.constant 0.00246813102 : f32
    %broadcast_in_dim3A_1565 = vector.broadcast %broadcast_in_dim3A_1564 : f32 to vector<32x64xf32>
    %mul3A_1566 = arith.mulf %broadcast_in_dim3A_1565, %mul3A_1563 : vector<32x64xf32>
    %add3A_1567 = arith.constant -0.0144582391 : f32
    %add3A_1568 = vector.broadcast %add3A_1567 : f32 to vector<32x64xf32>
    %add3A_1569 = arith.addf %mul3A_1566, %add3A_1568 : vector<32x64xf32>
    %mul3A_1570 = arith.mulf %add3A_1569, %mul3A_1563 : vector<32x64xf32>
    %add3A_1571 = arith.constant 0.0398988202 : f32
    %add3A_1572 = vector.broadcast %add3A_1571 : f32 to vector<32x64xf32>
    %add3A_1573 = arith.addf %mul3A_1570, %add3A_1572 : vector<32x64xf32>
    %mul3A_1574 = arith.mulf %add3A_1573, %mul3A_1563 : vector<32x64xf32>
    %add3A_1575 = arith.constant -0.0724788755 : f32
    %add3A_1576 = vector.broadcast %add3A_1575 : f32 to vector<32x64xf32>
    %add3A_1577 = arith.addf %mul3A_1574, %add3A_1576 : vector<32x64xf32>
    %mul3A_1578 = arith.mulf %add3A_1577, %mul3A_1563 : vector<32x64xf32>
    %add3A_1579 = arith.constant 0.105072893 : f32
    %add3A_1580 = vector.broadcast %add3A_1579 : f32 to vector<32x64xf32>
    %add3A_1581 = arith.addf %mul3A_1578, %add3A_1580 : vector<32x64xf32>
    %mul3A_1582 = arith.mulf %add3A_1581, %mul3A_1563 : vector<32x64xf32>
    %add3A_1583 = arith.constant -0.141643256 : f32
    %add3A_1584 = vector.broadcast %add3A_1583 : f32 to vector<32x64xf32>
    %add3A_1585 = arith.addf %mul3A_1582, %add3A_1584 : vector<32x64xf32>
    %mul3A_1586 = arith.mulf %add3A_1585, %mul3A_1563 : vector<32x64xf32>
    %add3A_1587 = arith.constant 0.199865356 : f32
    %add3A_1588 = vector.broadcast %add3A_1587 : f32 to vector<32x64xf32>
    %add3A_1589 = arith.addf %mul3A_1586, %add3A_1588 : vector<32x64xf32>
    %mul3A_1590 = arith.mulf %add3A_1589, %mul3A_1563 : vector<32x64xf32>
    %add3A_1591 = arith.constant -0.333326578 : f32
    %add3A_1592 = vector.broadcast %add3A_1591 : f32 to vector<32x64xf32>
    %add3A_1593 = arith.addf %mul3A_1590, %add3A_1592 : vector<32x64xf32>
    %mul3A_1594 = arith.mulf %add3A_1593, %mul3A_1563 : vector<32x64xf32>
    %add3A_1595 = arith.constant 0.99999988 : f32
    %add3A_1596 = vector.broadcast %add3A_1595 : f32 to vector<32x64xf32>
    %add3A_1597 = arith.addf %mul3A_1594, %add3A_1596 : vector<32x64xf32>
    %mul3A_1598 = arith.mulf %add3A_1597, %select_n3A_1562 : vector<32x64xf32>
    %sub3A_1599 = arith.constant 1.57079637 : f32
    %sub3A_1600 = vector.broadcast %sub3A_1599 : f32 to vector<32x64xf32>
    %sub3A_1601 = arith.subf %sub3A_1600, %mul3A_1598 : vector<32x64xf32>
    %select_n3A_1602 = arith.select %gt3A_1555, %sub3A_1601, %mul3A_1598 : vector<32x64xi1>, vector<32x64xf32>
    %sign3A_1603 = tpu.bitcast %div3A_1551 : vector<32x64xf32> -> vector<32x64xi32>
    %sign3A_1604 = arith.constant -2147483648 : i32
    %sign3A_1605 = vector.broadcast %sign3A_1604 : i32 to vector<32x64xi32>
    %sign3A_1606 = arith.andi %sign3A_1603, %sign3A_1605 : vector<32x64xi32>
    %sign3A_1607 = arith.constant 1065353216 : i32
    %sign3A_1608 = vector.broadcast %sign3A_1607 : i32 to vector<32x64xi32>
    %sign3A_1609 = arith.ori %sign3A_1608, %sign3A_1606 : vector<32x64xi32>
    %sign3A_1610 = tpu.bitcast %sign3A_1609 : vector<32x64xi32> -> vector<32x64xf32>
    %sign3A_1611 = math.absf %div3A_1551 : vector<32x64xf32>
    %sign3A_1612 = arith.constant 0.000000e+00 : f32
    %sign3A_1613 = vector.broadcast %sign3A_1612 : f32 to vector<32x64xf32>
    %sign3A_1614 = arith.cmpf ogt, %sign3A_1611, %sign3A_1613 : vector<32x64xf32>
    %sign3A_1615 = arith.select %sign3A_1614, %sign3A_1610, %div3A_1551 : vector<32x64xi1>, vector<32x64xf32>
    %mul3A_1616 = arith.mulf %sign3A_1615, %select_n3A_1602 : vector<32x64xf32>
    %sub3A_1617 = arith.subf %mul3A_70, %mul3A_1616 : vector<32x64xf32>
    %mul3A_1618 = arith.constant 0.405284733 : f32
    %mul3A_1619 = vector.broadcast %mul3A_1618 : f32 to vector<32x64xf32>
    %mul3A_1620 = arith.mulf %mul3A_1619, %sub3A_1617 : vector<32x64xf32>
    %mul3A_1621 = arith.mulf %mul3A_1620, %sub3A_1617 : vector<32x64xf32>
    %sub3A_1622 = arith.constant 1.000000e+00 : f32
    %sub3A_1623 = vector.broadcast %sub3A_1622 : f32 to vector<32x64xf32>
    %sub3A_1624 = arith.subf %sub3A_1623, %div3A_1541 : vector<32x64xf32>
    %div3A_1625 = arith.divf %mul3A_1621, %sub3A_1624 : vector<32x64xf32>
    %add3A_1626 = arith.addf %div3A_1625, %mul3A_1621 : vector<32x64xf32>
    %sub3A_1627 = arith.subf %slice3A_1497, %get3A_1 : vector<32x64xf32>
    %sub3A_1628 = arith.subf %slice3A_1497, %get3A_1 : vector<32x64xf32>
    %mul3A_1629 = arith.mulf %sub3A_1627, %sub3A_1628 : vector<32x64xf32>
    %div3A_1630 = arith.divf %mul3A_1629, %add3A_1548 : vector<32x64xf32>
    %mul3A_1631 = arith.mulf %add3A_1626, %mul3A_1621 : vector<32x64xf32>
    %add3A_1632 = arith.addf %div3A_1630, %mul3A_1631 : vector<32x64xf32>
    %sub3A_1633 = arith.subf %div3A_1541, %add3A_1632 : vector<32x64xf32>
    %max3A_1634 = arith.constant 0.000000e+00 : f32
    %max3A_1635 = vector.broadcast %max3A_1634 : f32 to vector<32x64xf32>
    %max3A_1636 = arith.maximumf %sub3A_1633, %max3A_1635 : vector<32x64xf32>
    %log3A_1637 = math.log %slice3A_1500 : vector<32x64xf32>
    %sub3A_1638 = arith.constant 1.000000e+00 : f32
    %sub3A_1639 = vector.broadcast %sub3A_1638 : f32 to vector<32x64xf32>
    %sub3A_1640 = arith.subf %sub3A_1639, %max3A_1636 : vector<32x64xf32>
    %mul3A_1641 = arith.mulf %convert_element_type3A_1512, %sub3A_1640 : vector<32x64xf32>
    %reduce_sum3A_1642 = vector.shape_cast %mul3A_1641 : vector<32x64xf32> to vector<1x32x64xf32>
    %reduce_sum3A_1643 = arith.constant dense<0.000000e+00> : vector<1xf32>
    %reduce_sum3A_1644 = vector.multi_reduction <add>, %reduce_sum3A_1642, %reduce_sum3A_1643 [1, 2] : vector<1x32x64xf32> to vector<1xf32>
    %reduce_sum3A_1645 = vector.shape_cast %reduce_sum3A_1644 : vector<1xf32> to vector<1x1x1xf32>
    %reduce_sum3A_1646 = vector.extract %reduce_sum3A_1645[0, 0, 0] : f32 from vector<1x1x1xf32>
    %broadcast_in_dim3A_1647 = vector.broadcast %reduce_sum3A_1646 : f32 to vector<1x1xf32>
    %mul3A_1648 = arith.mulf %convert_element_type3A_1512, %slice3A_1496 : vector<32x64xf32>
    %mul3A_1649 = arith.mulf %mul3A_1648, %max3A_1636 : vector<32x64xf32>
    %reduce_sum3A_1650 = vector.shape_cast %mul3A_1649 : vector<32x64xf32> to vector<1x32x64xf32>
    %reduce_sum3A_1651 = arith.constant dense<0.000000e+00> : vector<1xf32>
    %reduce_sum3A_1652 = vector.multi_reduction <add>, %reduce_sum3A_1650, %reduce_sum3A_1651 [1, 2] : vector<1x32x64xf32> to vector<1xf32>
    %reduce_sum3A_1653 = vector.shape_cast %reduce_sum3A_1652 : vector<1xf32> to vector<1x1x1xf32>
    %reduce_sum3A_1654 = vector.extract %reduce_sum3A_1653[0, 0, 0] : f32 from vector<1x1x1xf32>
    %broadcast_in_dim3A_1655 = vector.broadcast %reduce_sum3A_1654 : f32 to vector<1x1xf32>
    %sub3A_1656 = arith.subf %log3A_1637, %slice3A_1499 : vector<32x64xf32>
    %mul3A_1657 = arith.mulf %convert_element_type3A_1512, %sub3A_1656 : vector<32x64xf32>
    %reduce_sum3A_1658 = vector.shape_cast %mul3A_1657 : vector<32x64xf32> to vector<1x32x64xf32>
    %reduce_sum3A_1659 = arith.constant dense<0.000000e+00> : vector<1xf32>
    %reduce_sum3A_1660 = vector.multi_reduction <add>, %reduce_sum3A_1658, %reduce_sum3A_1659 [1, 2] : vector<1x32x64xf32> to vector<1xf32>
    %reduce_sum3A_1661 = vector.shape_cast %reduce_sum3A_1660 : vector<1xf32> to vector<1x1x1xf32>
    %reduce_sum3A_1662 = vector.extract %reduce_sum3A_1661[0, 0, 0] : f32 from vector<1x1x1xf32>
    %broadcast_in_dim3A_1663 = vector.broadcast %reduce_sum3A_1662 : f32 to vector<1x1xf32>
    %reduce_sum3A_1664 = vector.shape_cast %convert_element_type3A_1512 : vector<32x64xf32> to vector<1x32x64xf32>
    %reduce_sum3A_1665 = arith.constant dense<0.000000e+00> : vector<1xf32>
    %reduce_sum3A_1666 = vector.multi_reduction <add>, %reduce_sum3A_1664, %reduce_sum3A_1665 [1, 2] : vector<1x32x64xf32> to vector<1xf32>
    %reduce_sum3A_1667 = vector.shape_cast %reduce_sum3A_1666 : vector<1xf32> to vector<1x1x1xf32>
    %reduce_sum3A_1668 = vector.extract %reduce_sum3A_1667[0, 0, 0] : f32 from vector<1x1x1xf32>
    %broadcast_in_dim3A_1669 = vector.broadcast %reduce_sum3A_1668 : f32 to vector<1x1xf32>
    %add3A_1670 = arith.addf %add3A_1492, %broadcast_in_dim3A_1647 : vector<1x1xf32>
    %add3A_1671 = arith.addf %add3A_1493, %broadcast_in_dim3A_1655 : vector<1x1xf32>
    %add3A_1672 = arith.addf %add3A_1494, %broadcast_in_dim3A_1663 : vector<1x1xf32>
    %add3A_1673 = arith.addf %add3A_1495, %broadcast_in_dim3A_1669 : vector<1x1xf32>
    %concatenate3A_1674 = tpu.concatenate %add3A_1670, %add3A_1671, %add3A_1672, %add3A_1673 in 1 : vector<1x1xf32>, vector<1x1xf32>, vector<1x1xf32>, vector<1x1xf32> -> vector<1x4xf32>
    %concatenate3A_1675 = tpu.concatenate %concatenate3A, %concatenate3A_1137, %concatenate3A_1674 in 0 : vector<1x4xf32>, vector<1x4xf32>, vector<1x4xf32> -> vector<3x4xf32>
    %swap3A = arith.constant 0 : index
    %swap3A_1676 = arith.constant 0 : index
    %swap3A_1677 = vector.load %arg8[%swap3A, %swap3A_1676] : memref<3x4xf32, #tpu.memory_space<vmem>>, vector<3x4xf32>
    tpu.vector_store %arg8[%swap3A, %swap3A_1676], %concatenate3A_1675 {strides = array<i32>} : memref<3x4xf32, #tpu.memory_space<vmem>>, vector<3x4xf32>,
    return
  }
}

</mosaic_0001>

<sc_bundles>
// kernel: kernel.5.cloned.1.call-start
scs
__scs_entry_jumppad:
0x0: {  	(pc) =	sbr.rel $0x88, $3  }
0x1: {  	(tag) =	ssettag $0x0;
	lr =	simm.s32 $0x1  }
0x2: {  	[smem:$0x3F9D] =	sst lr;
	_ =	strace $0xD0000000  }
0x3: {  	_ = 	snop  }
0x4: {  	_ = 	snop  }
0x5: {  	_ = 	snop  }
0x6: {  	_ = 	snop  }
0x7: {  	_ = 	snop  }
__scs_overlays_trampoline_lowered:
0x8: {  	[smem:$0x3FAC] =	sst s0  }
0x9: {  	[smem:$0x3FAD] =	sst s1  }
0xa: {  	[smem:$0x3FAE] =	sst s2  }
0xb: {  	[smem:$0x3FAF] =	sst s3  }
0xc: {  	[smem:$0x3FB0] =	sst s4  }
0xd: {  	[smem:$0x3FB1] =	sst s5  }
0xe: {  	[smem:$0x3FB2] =	sst s6  }
0xf: {  	[smem:$0x3FB3] =	sst s7  }
0x10: {  	[smem:$0x3FB4] =	sst s8  }
0x11: {  	[smem:$0x3FB5] =	sst s9;
	s0 =	simm.s32 @!p0 $0x0  }
0x12: {  	s1 =	sld [smem:$0x3F9B];
	s0 =	simm.s32 @p0 $0x1  }
0x13: {  	[smem:$0x3FB6] =	sst s0;
	s0 =	simm.s32 @!p1 $0x0  }
0x14: {  	s2 =	sld [smem:$0x3F9A];
	s0 =	simm.s32 @p1 $0x1  }
0x15: {  	[smem:$0x3FB7] =	sst s0;
	s0 =	simm.s32 @!p2 $0x0  }
0x16: {  	s3 =	sld [smem:$0x3FDB];
	s0 =	simm.s32 @p2 $0x1  }
0x17: {  	s4 =	simm.s32 $0x1BF5;
	[smem:$0x3FB9] =	sst s0  }
0x18: {  	s0 =	sld [smem:$0x3F9C];
	_ =	swait.ge [sflag:s4], $0x0  }
0x19: {  	s7 =	sld [smem:$0x3F9D]  }
0x1a: {  	s8 =	sadd.s32 $0xFFFFE003, lr  }
0x1b: {  	s9 =	sadd.s32 $0xFFFFFEF7, lr;
	s5 =	simm.s32 $0xFFFFFFFF;
	p2 =	slt.u32 s8, $0xFFFFF086  }
0x1c: {  	p1 =	slt.u32 s9, $0xF7A;
	s5 =	simm.s32 @!p2 $0x0  }
0x1d: {  	s5 =	simm.s32 @p1 $0x1;
	p0 =	seq.s32 s7, s2  }
0x1e: {  	s7 =	smul.u32 @!p0 $0xF7A, s2;
	p2 =	seq.s32 @!p0 s5, $0x0  }
0x1f: {  	s9 =	smul.u32 $0xF7A, s1;
	s8 =	simm.s32 @!p0 $0x1BF5;
	p2 =	por !p2, p0  }
0x20: {  	[sflag:s8] =	ssyncset.s32 @!p0 $0xFFFFF086;
	s6 =	sadd.s32 @!p0 s3, s7;
	s7 =	simm.s32 @!p0 $0x108  }
0x21: {  	s3 =	sadd.s32 s3, s9;
	s6 =	sadd.s32 @!p0 $0x88, s6;
	s7 =	simm.s32 @p2 $0x1082  }
0x22: {  	[simem:s7], [sflag:s8] =	dma.local @!p0 [hbm:s6], $0xF7A  }
0x23: {  	s9 =	sor.u32 $0xD0000000, s2;
	s6 =	simm.s32 $0x108;
	_ =	swait.ge @!p0 [sflag:s8], $0x0  }
0x24: {  	s3 =	sadd.s32 $0x88, s3;
	s6 =	simm.s32 @!p1 $0x1082;
	[sflag:s4] =	ssyncset.s32 $0xFFFFF086  }
0x25: {  	[simem:s6], [sflag:s4] =	dma.local [hbm:s3], $0xF7A  }
0x26: {  	[smem:$0x3F9D] =	sst s1;
	(tag) =	ssettag s2;
	_ =	strace s9  }
0x27: {  	s1 =	sld [smem:$0x3FAD]  }
0x28: {  	s2 =	sld [smem:$0x3FAE]  }
0x29: {  	s4 =	sld [smem:$0x3FB0]  }
0x2a: {  	p0 =	seq.s32 s5, $0x0;
	s5 =	sld [smem:$0x3FB1]  }
0x2b: {  	s6 =	sld [smem:$0x3FB2]  }
0x2c: {  	s7 =	sld [smem:$0x3FB3]  }
0x2d: {  	s3 =	simm.s32 $0x108;
	s8 =	sld [smem:$0x3FB4]  }
0x2e: {  	s3 =	simm.s32 @!p0 $0x1082;
	s9 =	sld [smem:$0x3FB5]  }
0x2f: {  	lr =	sadd.s32 s0, s3;
	s0 =	sld [smem:$0x3FAC]  }
0x30: {  	s3 =	sld [smem:$0x3FAF]  }
0x31: {  	[smem:$0x3FB8] =	sst s10  }
0x32: {  	s10 =	sld [smem:$0x3FB6];
	_ =	sdelay $0x3  }
0x33: {  	p0 =	seq.s32 s10, $0x1;
	s10 =	sld [smem:$0x3FB8];
	_ =	sdelay $0x3  }
0x34: {  	[smem:$0x3FB8] =	sst s10  }
0x35: {  	s10 =	sld [smem:$0x3FB7];
	_ =	sdelay $0x3  }
0x36: {  	p1 =	seq.s32 s10, $0x1;
	s10 =	sld [smem:$0x3FB8];
	_ =	sdelay $0x3  }
0x37: {  	[smem:$0x3FB8] =	sst s10  }
0x38: {  	s10 =	sld [smem:$0x3FB9]  }
0x39: {  	_ = 	snop;
	(pc) =	sbr.ind lr, $3  }
0x3a: {  	_ = 	snop  }
0x3b: {  	_ = 	snop  }
0x3c: {  	p2 =	seq.s32 s10, $0x1;
	s10 =	sld [smem:$0x3FB8]  }
0x3d: {  	_ =	shalt  }
0x3e: {  	_ =	shalt  }
0x3f: {  	_ =	shalt  }
0x40: {  	_ =	shalt  }
0x41: {  	_ =	shalt  }
0x42: {  	_ =	shalt  }
0x43: {  	_ =	shalt  }
0x44: {  	_ =	shalt  }
0x45: {  	_ =	shalt  }
0x46: {  	_ =	shalt  }
0x47: {  	_ =	shalt  }
0x48: {  	_ =	shalt  }
0x49: {  	_ =	shalt  }
0x4a: {  	_ =	shalt  }
0x4b: {  	_ =	shalt  }
0x4c: {  	_ =	shalt  }
0x4d: {  	_ =	shalt  }
0x4e: {  	_ =	shalt  }
0x4f: {  	_ =	shalt  }
0x50: {  	_ =	shalt  }
0x51: {  	_ =	shalt  }
0x52: {  	_ =	shalt  }
0x53: {  	_ =	shalt  }
0x54: {  	_ =	shalt  }
0x55: {  	_ =	shalt  }
0x56: {  	_ =	shalt  }
0x57: {  	_ =	shalt  }
0x58: {  	_ =	shalt  }
0x59: {  	_ =	shalt  }
0x5a: {  	_ =	shalt  }
0x5b: {  	_ =	shalt  }
0x5c: {  	_ =	shalt  }
0x5d: {  	_ =	shalt  }
0x5e: {  	_ =	shalt  }
0x5f: {  	_ =	shalt  }
0x60: {  	_ =	shalt  }
0x61: {  	_ =	shalt  }
0x62: {  	_ =	shalt  }
0x63: {  	_ =	shalt  }
0x64: {  	_ =	shalt  }
0x65: {  	_ =	shalt  }
0x66: {  	_ =	shalt  }
0x67: {  	_ =	shalt  }
0x68: {  	_ =	shalt  }
0x69: {  	_ =	shalt  }
0x6a: {  	_ =	shalt  }
0x6b: {  	_ =	shalt  }
0x6c: {  	_ =	shalt  }
0x6d: {  	_ =	shalt  }
0x6e: {  	_ =	shalt  }
0x6f: {  	_ =	shalt  }
0x70: {  	_ =	shalt  }
0x71: {  	_ =	shalt  }
0x72: {  	_ =	shalt  }
0x73: {  	_ =	shalt  }
0x74: {  	_ =	shalt  }
0x75: {  	_ =	shalt  }
0x76: {  	_ =	shalt  }
0x77: {  	_ =	shalt  }
0x78: {  	_ =	shalt  }
0x79: {  	_ =	shalt  }
0x7a: {  	_ =	shalt  }
0x7b: {  	_ =	shalt  }
0x7c: {  	_ =	shalt  }
0x7d: {  	_ =	shalt  }
0x7e: {  	_ =	shalt  }
0x7f: {  	_ =	shalt  }
0x80: {  	_ =	shalt  }
0x81: {  	_ =	shalt  }
0x82: {  	_ =	shalt  }
0x83: {  	_ =	shalt  }
0x84: {  	_ =	shalt  }
0x85: {  	_ =	shalt  }
0x86: {  	_ =	shalt  }
0x87: {  	_ =	shalt  }
.Lfunc_end0:
.L_simem_size_0:
called_computation.2_lowered:
.L_overlay_start_0:
0x88: {  	s2 =	sld [smem:$0x3FD9]  }
0x89: {  	s3 =	sld [smem:$0x3FFE];
	_ =	sdelay $0x1  }
0x8a: {  	s1 =	srdreg.scid  }
0x8b: {  	s0 =	sand.u32 $0x1, s1  }
0x8c: {  	s16 =	sshll.u32 s0, $0xA;
	s2 =	sadd.s32 s3, s2  }
0x8d: {  	s2 =	sadd.s32 s2, s16  }
0x8e: {  	[smem:$0x3FC4] =	sst s2  }
0x8f: {  	_ = 	snop  }
0x90: {  	(tm) =	ssettm $0x1  }
0x91: {  	s17 =	sld [smem:$0x3FFB];
	_ =	sdelay $0x3  }
0x92: {  	_ =	strace s17  }
0x93: {  	s2 =	sld [smem:$0x3FFC];
	_ =	sdelay $0x3  }
0x94: {  	_ =	strace s2  }
0x95: {  	s2 =	sld [smem:$0x3FFD];
	_ =	sdelay $0x3  }
0x96: {  	_ =	strace s2  }
0x97: {  	_ =	strace $0x8FFFFFFF  }
0x98: {  	s18 =	sld [smem:$0x3FDB];
	_ =	sdelay $0x1  }
0x99: {  	s19 =	simm.s32 $_scs_section_size  }
0x9a: {  	s4 =	simm.s32 $_size__tile_overlayer_lowered;
	s5 =	simm.s32 $_tile_overlayer_lowered  }
0x9b: {  	s22 =	simm.s32 $0x1BFF;
	s21 =	sshll.u32 s5, $0x1;
	s2 =	sadd.s32 s19, s18  }
0x9c: {  	s6 =	simm.s32 $0x0;
	s20 =	sshll.u32 s4, $0x1;
	s4 =	sadd.s32 s21, s2  }
0x9d: {  	[timem:s6], [sflag:s22] =	dma.local [hbm:s4], s20  }
0x9e: {  	_ =	swait.ge [sflag:s22], s20  }
0x9f: {  	s3 =	ssub.s32 $0x0, s20;
	[sflag:s22] =	ssyncset.done $0x0  }
0xa0: {  	[sflag:s22] =	ssyncadd.s32 s3;
	_ =	sdelay $0x1  }
0xa1: {  	s23 =	simm.s32 $0x1B8B  }
0xa2: {  	_ =	swait.ge [sflag:s23], $0x1  }
0xa3: {  	[sflag:s23] =	ssyncset.done $0x0  }
0xa4: {  	s25 =	simm.s32 $0x1B8E;
	s24 =	sld [smem:$0x3FFE];
	[sflag:s23] =	ssyncadd.s32 $0xFFFFFFFF  }
0xa5: {  	s26 =	simm.s32 $execute0_lowered;
	[smem:$0x3FD2] =	sst s25  }
0xa6: {  	s4 =	sshll.u32 s26, $0x1;
	_ =	strace $0x8000004C;
	[dreg:$0x1] =	wrdreg $0xFFFFFFFF  }
0xa7: {  	s28 =	simm.s32 $_size_execute0_lowered;
	s2 =	sadd.s32 s2, s4;
	[dreg:$0x0] =	wrdreg $0x0  }
0xa8: {  	s4 =	sshll.u32 s28, $0x1;
	[dreg:$0x2] =	wrdreg s2  }
0xa9: {  	[dreg:$0x3] =	wrdreg s4  }
0xaa: {  	[dreg:$0x4] =	wrdreg $0xC0  }
0xab: {  	_ =	task [dreg:s6], $0x5FFFF  }
0xac: {  	[dreg:$0x1] =	wrdreg $0xFFFFFFFF  }
0xad: {  	[dreg:$0x0] =	wrdreg $0x60  }
0xae: {  	[dreg:$0x2] =	wrdreg s24  }
0xaf: {  	[dreg:$0x3] =	wrdreg $0x9  }
0xb0: {  	_ =	task.clear_ibuf [dreg:s6], $0x4FFFF;
	_ =	strace $0x9000004C  }
0xb1: {  	s29 =	simm.s32 $0x9;
	_ =	strace $0x8000004E  }
0xb2: {  	_ =	swait.ge [sflag:s29], $0x1  }
0xb3: {  	[sflag:s29] =	ssyncadd.s32 $0xFFFFFFFF  }
0xb4: {  	_ =	strace $0x9000004E  }
0xb5: {  	_ =	sfence  }
0xb6: {  	s30 =	sld [smem:$0x0];
	_ =	sdelay $0x2  }
0xb7: {  	s31 =	sshll.u32 s1, $0xD;
	s1 =	sshrl.u32 s1, $0x2  }
0xb8: {  	s3 =	sand.u32 $0x4000, s31;
	s1 =	sadd.s32 s1, s30  }
0xb9: {  	s0 =	sor.u32 s3, s0;
	s1 =	sshll.u32 s1, $0x11  }
0xba: {  	s0 =	sor.u32 s1, s0  }
0xbb: {  	s0 =	sadd.s32 $0x8F2B, s0  }
0xbc: {  	[sflag:s0] =	ssyncadd.remote.s32 $0x1  }
0xbd: {  	_ =	sfence.sel $0xFFFF  }
0xbe: {  	[dreg:$0x0] =	wrdreg $0xFFFFFFFF;
	(pc) =	sbr.abs _section_cstart, $3  }
0xbf: {  	[dreg:$0x1] =	wrdreg $0xFFFFFFFF  }
0xc0: {  	_ =	task.clear_ibuf [dreg:s6], $0x2FFFF;
	_ =	strace $0x9FFFFFFF  }
0xc1: {  	(tm) =	ssettm $0x7FFFFFFF  }
tec
execute0_lowered:
.L_overlay_start_1:
0x0: {  	(tag) =	ssettag $0x1  }
0x1: {  	s0 =	rddreg [dreg:$0x0]  }
0x2: {  	s2 =	simm.s32 $0x0;
	s3 =	srdreg.scid;
	s1 =	stileid.u32  }
0x3: {  	s14 =	simm.s32 $0x180;
	s15 =	simm.s32 $0x580;
	s16 =	simm.s32 $0x1  }
0x4: {  	s28 =	simm.s32 $0x480;
	s29 =	simm.s32 $0x880;
	s30 =	simm.s32 $0x40  }
0x5: {  	s31 =	simm.s32 $0x500;
	[smem:$0x7FF] =	sst s2;
	s9 =	sand.u32 $0x1, s3  }
0x6: {  	s17 =	sshll.u32 s1, $0x1;
	s8 =	sshrl.u32 s1, $0x2;
	s3 =	sadd.s32 $0x189600, s0  }
0x7: {  	s4 =	sadd.s32 $0x600, s0;
	s5 =	sadd.s32 $0x4A6000, s0;
	_ =	strace $0x8000004D  }
0x8: {  	s7 =	sor.u32 s9, s17;
	s10 =	smul.u32 $0x1800, s8;
	s8 =	sshll.u32 s8, $0xB  }
0x9: {  	s9 =	ssub.s32 $0x2, s9;
	s17 =	simm.s32 $0x200;
	s6 =	sshll.u32 s7, $0x7  }
0xa: {  	s12 =	sshll.u32 s7, $0x3;
	s7 =	sadd.s32 $0x4A1800, s0;
	s24 =	sshrl.u32 s9, $0x1  }
0xb: {  	s11 =	sand.u32 $0x380, s6;
	s6 =	sadd.s32 $0x49B800, s0;
	s12 =	sadd.s32 s12, s0  }
0xc: {  	s10 =	sor.u32 s10, s11;
	s13 =	sadd.s32 $0x56AE00, s12;
	s8 =	sor.u32 s8, s11  }
0xd: {  	s18 =	sadd.s32 $0x56B000, s12;
	s19 =	sadd.s32 $0x56AC00, s12;
	s11 =	ssub.s32 s9, s24  }
0xe: {  	v0 =	vimm.f32 $6.000000000e+01;
	s12 =	simm.s32 $0x80;
	s24 =	simm.s32 $0x780;
	[dreg:$0x2] =	wrdreg s13  }
0xf: {  	(erf) = vrcp.f32 v0;
	s10 =	sshrl.u32 s10, $0x3;
	s8 =	sshrl.u32 s8, $0x3;
	[dreg:$0x3] =	wrdreg s18  }
0x10: {  	[dreg:$0x4] =	wrdreg s19;
	s13 =	simm.s32 $0x100;
	s18 =	simm.s32 $0x600  }
0x11: {  	s10 =	sadd.s32 s10, s0;
	s20 =	sadd.s32 s8, s0;
	s8 =	sadd.s32 $0x4A4800, s0  }
0x12: {  	s19 =	simm.s32 $0x280;
	s0 =	simm.s32 $0x900;
	s21 =	sadd.s32 $0x56B200, s10  }
0x13: {  	s22 =	sadd.s32 $0x56D600, s20;
	s23 =	sadd.s32 $0x56BE00, s10;
	[dreg:$0x5] =	wrdreg s21  }
0x14: {  	s25 =	sadd.s32 $0x56DA00, s20;
	s26 =	sadd.s32 $0x56CA00, s10;
	[dreg:$0x6] =	wrdreg s22  }
0x15: {  	s9 =	sadd.s32 $0x56DE00, s20;
	s10 =	smax.u32 s11, $0x1;
	[dreg:$0x7] =	wrdreg s23  }
0x16: {  	s11 =	simm.s32 $0x2;
	s20 =	simm.s32 $0x680;
	[dreg:$0x8] =	wrdreg s25  }
0x17: {  	[dreg:$0x9] =	wrdreg s26;
	s21 =	simm.s32 $0x300;
	s22 =	simm.s32 $0x700  }
0x18: {  	s23 =	simm.s32 $0x380;
	s25 =	simm.s32 $0x400;
	s26 =	simm.s32 $0x800;
	v0 =	vpop (erf)  }
.LBB2_1:
0x19: {  	s1 =	rddreg [dreg:$0x2]  }
0x1a: {  	[tilespmem:s2], [sflag:$0x2] =	stream.linear.gather [hbm4b:s1+s2], $0x40, $0x38;
	[tilespmem:$0x980] =	vst v63  }
0x1b: {  	_ =	swait.ge [sflag:s11], $0x40  }
0x1c: {  	[sflag:s11] =	ssyncset.done $0x0  }
0x1d: {  	s1 =	rddreg [dreg:$0x3];
	[sflag:s11] =	ssyncadd.s32 $0xFFFFFFC0  }
0x1e: {  	[tilespmem:s12], [sflag:$0x2] =	stream.linear.gather [hbm4b:s1+s2], $0x40, $0x38;
	[tilespmem:$0x980] =	vst v63  }
0x1f: {  	_ =	swait.ge [sflag:s11], $0x40  }
0x20: {  	[sflag:s11] =	ssyncset.done $0x0  }
0x21: {  	s1 =	rddreg [dreg:$0x4];
	[sflag:s11] =	ssyncadd.s32 $0xFFFFFFC0  }
0x22: {  	[tilespmem:s13], [sflag:$0x2] =	stream.linear.gather [hbm4b:s1+s2], $0x40, $0x38;
	[tilespmem:$0x980] =	vst v63  }
0x23: {  	_ =	swait.ge [sflag:s11], $0x40  }
0x24: {  	[sflag:s11] =	ssyncset.done $0x0  }
0x25: {  	[sflag:s11] =	ssyncadd.s32 $0xFFFFFFC0  }
0x26: {  	v1 =	vld [tilespmem:$0x80];
	_ =	sdelay $0x4  }
0x27: {  	v1 =	vmul.f32 v1, v0  }
0x28: {  	v2 =	vld [tilespmem:$0x0]  }
0x29: {  	v1 =	vmul.f32 $1.024000000e+03, v1;
	_ =	sdelay $0x1  }
0x2a: {  	v3 =	vld [tilespmem:$0x100];
	v1 =	vtrunc.f32 v1  }
0x2b: {  	v1 =	vcvt.f32.s32 v1  }
0x2c: {  	v2 =	vtrunc.f32 v2  }
0x2d: {  	v2 =	vcvt.f32.s32 v2;
	vm0 =	vgt.s32 v1, $0x0  }
0x2e: {  	v1 =	vnsel vm0, $0x0, v1  }
0x2f: {  	v3 =	vtrunc.f32 v3;
	v2 =	vshll.u32 v2, $0xA;
	v1 =	vmin.u32 v1, $0x3FF  }
0x30: {  	v1 =	vor.u32 v2, v1;
	v2 =	vcvt.f32.s32 v3;
	v3 =	vld [tilespmem:$0x90]  }
0x31: {  	[tilespmem:$0x180] =	vst v1  }
0x32: {  	v4 =	vadd.s32 $0x810000, v1;
	[tilespmem:$0x480] =	vst v1  }
0x33: {  	v54 =	vadd.s32 $0x820000, v1;
	[tilespmem:$0x240] =	vst v4  }
0x34: {  	v6 =	vld [tilespmem:$0x10];
	v56 =	vadd.s32 $0x830000, v1;
	[tilespmem:$0x300] =	vst v54  }
0x35: {  	v57 =	vadd.s32 $0x1040000, v1;
	[tilespmem:$0x1C0] =	vst v56;
	v3 =	vmul.f32 v3, v0  }
0x36: {  	v58 =	vadd.s32 $0x1050000, v1;
	[tilespmem:$0x280] =	vst v57  }
0x37: {  	v5 =	vadd.s32 $0x10000, v1;
	[tilespmem:$0x340] =	vst v58;
	v3 =	vmul.f32 $1.024000000e+03, v3  }
0x38: {  	v60 =	vadd.s32 $0x1060000, v1;
	[tilespmem:$0x4C0] =	vst v5  }
0x39: {  	v6 =	vtrunc.f32 v6;
	v62 =	vadd.s32 $0x1870000, v1;
	[tilespmem:$0x200] =	vst v60;
	v3 =	vtrunc.f32 v3  }
0x3a: {  	v63 =	vadd.s32 $0x1880000, v1;
	v2 =	vshll.u32 v2, $0x10;
	[tilespmem:$0x2C0] =	vst v62;
	v3 =	vcvt.f32.s32 v3  }
0x3b: {  	v9 =	vcvt.f32.s32 v6;
	[tilespmem:$0x380] =	vst v63;
	v55 =	vadd.s32 v2, v5  }
0x3c: {  	v2 =	vadd.s32 v1, v2;
	v1 =	vadd.s32 $0x20000, v1;
	[tilespmem:$0x3C0] =	vst v55;
	vm5 =	vgt.s32 v3, $0x0  }
0x3d: {  	v59 =	vadd.s32 $0x840000, v2;
	v2 =	vadd.s32 $0x1070000, v2;
	[tilespmem:$0x500] =	vst v1;
	v3 =	vnsel vm5, $0x0, v3  }
0x3e: {  	[tilespmem:$0x440] =	vst v2;
	v2 =	vmin.u32 v3, $0x3FF;
	v3 =	vshll.u32 v9, $0xA  }
0x3f: {  	[tilespmem:$0x400] =	vst v59;
	v1 =	vor.u32 v3, v2;
	v3 =	vld [tilespmem:$0xA0]  }
0x40: {  	[tilespmem:$0x190] =	vst v1  }
0x41: {  	v61 =	vld [tilespmem:$0x110];
	v11 =	vadd.s32 $0x810000, v1;
	[tilespmem:$0x490] =	vst v1  }
0x42: {  	v12 =	vadd.s32 $0x820000, v1;
	[tilespmem:$0x250] =	vst v11  }
0x43: {  	v18 =	vld [tilespmem:$0x20];
	v15 =	vadd.s32 $0x830000, v1;
	[tilespmem:$0x310] =	vst v12  }
0x44: {  	v16 =	vadd.s32 $0x1040000, v1;
	[tilespmem:$0x1D0] =	vst v15;
	v3 =	vmul.f32 v3, v0  }
0x45: {  	v17 =	vadd.s32 $0x1050000, v1;
	[tilespmem:$0x290] =	vst v16  }
0x46: {  	v10 =	vtrunc.f32 v61;
	v13 =	vadd.s32 $0x10000, v1;
	[tilespmem:$0x350] =	vst v17;
	v3 =	vmul.f32 $1.024000000e+03, v3  }
0x47: {  	v2 =	vcvt.f32.s32 v10;
	v20 =	vadd.s32 $0x1060000, v1;
	[tilespmem:$0x4D0] =	vst v13  }
0x48: {  	v6 =	vtrunc.f32 v18;
	v22 =	vadd.s32 $0x1870000, v1;
	[tilespmem:$0x210] =	vst v20;
	v3 =	vtrunc.f32 v3  }
0x49: {  	v23 =	vadd.s32 $0x1880000, v1;
	v2 =	vshll.u32 v2, $0x10;
	[tilespmem:$0x2D0] =	vst v22;
	v3 =	vcvt.f32.s32 v3  }
0x4a: {  	v24 =	vcvt.f32.s32 v6;
	[tilespmem:$0x390] =	vst v23;
	v14 =	vadd.s32 v2, v13  }
0x4b: {  	v2 =	vadd.s32 v1, v2;
	v1 =	vadd.s32 $0x20000, v1;
	[tilespmem:$0x3D0] =	vst v14;
	vm6 =	vgt.s32 v3, $0x0  }
0x4c: {  	v19 =	vadd.s32 $0x840000, v2;
	v2 =	vadd.s32 $0x1070000, v2;
	[tilespmem:$0x510] =	vst v1;
	v3 =	vnsel vm6, $0x0, v3  }
0x4d: {  	[tilespmem:$0x450] =	vst v2;
	v2 =	vmin.u32 v3, $0x3FF;
	v3 =	vshll.u32 v24, $0xA  }
0x4e: {  	[tilespmem:$0x410] =	vst v19;
	v1 =	vor.u32 v3, v2;
	v3 =	vld [tilespmem:$0xB0]  }
0x4f: {  	[tilespmem:$0x1A0] =	vst v1  }
0x50: {  	v21 =	vld [tilespmem:$0x120];
	v26 =	vadd.s32 $0x810000, v1;
	[tilespmem:$0x4A0] =	vst v1  }
0x51: {  	v27 =	vadd.s32 $0x820000, v1;
	[tilespmem:$0x260] =	vst v26  }
0x52: {  	v33 =	vld [tilespmem:$0x30];
	v30 =	vadd.s32 $0x830000, v1;
	[tilespmem:$0x320] =	vst v27  }
0x53: {  	v31 =	vadd.s32 $0x1040000, v1;
	[tilespmem:$0x1E0] =	vst v30;
	v3 =	vmul.f32 v3, v0  }
0x54: {  	v32 =	vadd.s32 $0x1050000, v1;
	[tilespmem:$0x2A0] =	vst v31  }
0x55: {  	v25 =	vtrunc.f32 v21;
	v28 =	vadd.s32 $0x10000, v1;
	[tilespmem:$0x360] =	vst v32;
	v3 =	vmul.f32 $1.024000000e+03, v3  }
0x56: {  	v2 =	vcvt.f32.s32 v25;
	v35 =	vadd.s32 $0x1060000, v1;
	[tilespmem:$0x4E0] =	vst v28  }
0x57: {  	v6 =	vtrunc.f32 v33;
	v37 =	vadd.s32 $0x1870000, v1;
	[tilespmem:$0x220] =	vst v35;
	v3 =	vtrunc.f32 v3  }
0x58: {  	v38 =	vadd.s32 $0x1880000, v1;
	v2 =	vshll.u32 v2, $0x10;
	[tilespmem:$0x2E0] =	vst v37;
	v3 =	vcvt.f32.s32 v3  }
0x59: {  	v36 =	vld [tilespmem:$0x130];
	v39 =	vcvt.f32.s32 v6;
	[tilespmem:$0x3A0] =	vst v38;
	v29 =	vadd.s32 v2, v28  }
0x5a: {  	v2 =	vadd.s32 v1, v2;
	v1 =	vadd.s32 $0x20000, v1;
	[tilespmem:$0x3E0] =	vst v29;
	vm7 =	vgt.s32 v3, $0x0  }
0x5b: {  	v34 =	vadd.s32 $0x840000, v2;
	v2 =	vadd.s32 $0x1070000, v2;
	[tilespmem:$0x520] =	vst v1;
	v3 =	vnsel vm7, $0x0, v3  }
0x5c: {  	[tilespmem:$0x460] =	vst v2;
	v2 =	vmin.u32 v3, $0x3FF;
	v3 =	vshll.u32 v39, $0xA  }
0x5d: {  	[tilespmem:$0x420] =	vst v34;
	v1 =	vor.u32 v3, v2  }
0x5e: {  	v40 =	vtrunc.f32 v36;
	[tilespmem:$0x1B0] =	vst v1  }
0x5f: {  	v2 =	vcvt.f32.s32 v40;
	v3 =	vadd.s32 $0x810000, v1;
	[tilespmem:$0x4B0] =	vst v1  }
0x60: {  	v41 =	vadd.s32 $0x10000, v1;
	[tilespmem:$0x270] =	vst v3  }
0x61: {  	v2 =	vshll.u32 v2, $0x10;
	v3 =	vadd.s32 $0x820000, v1;
	[tilespmem:$0x4F0] =	vst v41  }
0x62: {  	[tilespmem:$0x330] =	vst v3;
	v3 =	vadd.s32 v2, v41  }
0x63: {  	[tilespmem:$0x3F0] =	vst v3;
	v3 =	vadd.s32 $0x830000, v1  }
0x64: {  	[tilespmem:$0x1F0] =	vst v3;
	v3 =	vadd.s32 $0x1040000, v1  }
0x65: {  	v2 =	vadd.s32 v1, v2;
	[tilespmem:$0x2B0] =	vst v3;
	v3 =	vadd.s32 $0x1050000, v1  }
0x66: {  	[tilespmem:$0x370] =	vst v3;
	v3 =	vadd.s32 $0x840000, v2  }
0x67: {  	v2 =	vadd.s32 $0x1070000, v2;
	[tilespmem:$0x430] =	vst v3  }
0x68: {  	v3 =	vadd.s32 $0x1060000, v1;
	[tilespmem:$0x470] =	vst v2  }
0x69: {  	[tilespmem:$0x230] =	vst v3;
	v3 =	vadd.s32 $0x1870000, v1  }
0x6a: {  	[tilespmem:$0x2F0] =	vst v3;
	v3 =	vadd.s32 $0x1880000, v1  }
0x6b: {  	v1 =	vadd.s32 $0x20000, v1;
	[tilespmem:$0x3B0] =	vst v3  }
0x6c: {  	[tilespmem:$0x530] =	vst v1  }
0x6d: {  	[tilespmem:s15], [sflag:$0x1] =	stream.indirect.gather [hbm4b:s3+s12], $0x1, s14, s12, $0xb8;
	[tilespmem:$0x980] =	vst v63  }
0x6e: {  	_ =	swait.ge [sflag:s16], $0x80  }
0x6f: {  	[sflag:s16] =	ssyncset.done $0x0  }
0x70: {  	[sflag:s16] =	ssyncadd.s32 $0xFFFFFF80  }
0x71: {  	[tilespmem:s18], [sflag:$0x1] =	stream.indirect.gather [hbm4b:s3+s12], $0x1, s17, s12, $0xb8;
	[tilespmem:$0x980] =	vst v63  }
0x72: {  	_ =	swait.ge [sflag:s16], $0x80  }
0x73: {  	[sflag:s16] =	ssyncset.done $0x0  }
0x74: {  	[sflag:s16] =	ssyncadd.s32 $0xFFFFFF80  }
0x75: {  	[tilespmem:s20], [sflag:$0x1] =	stream.indirect.gather [hbm4b:s3+s12], $0x1, s19, s12, $0xb8;
	[tilespmem:$0x980] =	vst v63  }
0x76: {  	_ =	swait.ge [sflag:s16], $0x80  }
0x77: {  	[sflag:s16] =	ssyncset.done $0x0  }
0x78: {  	[sflag:s16] =	ssyncadd.s32 $0xFFFFFF80  }
0x79: {  	[tilespmem:s22], [sflag:$0x1] =	stream.indirect.gather [hbm4b:s3+s12], $0x1, s21, s12, $0xb8;
	[tilespmem:$0x980] =	vst v63  }
0x7a: {  	_ =	swait.ge [sflag:s16], $0x80  }
0x7b: {  	[sflag:s16] =	ssyncset.done $0x0  }
0x7c: {  	[sflag:s16] =	ssyncadd.s32 $0xFFFFFF80  }
0x7d: {  	[tilespmem:s24], [sflag:$0x1] =	stream.indirect.gather [hbm4b:s3+s12], $0x1, s23, s12, $0xb8;
	[tilespmem:$0x980] =	vst v63  }
0x7e: {  	_ =	swait.ge [sflag:s16], $0x80  }
0x7f: {  	[sflag:s16] =	ssyncset.done $0x0  }
0x80: {  	[sflag:s16] =	ssyncadd.s32 $0xFFFFFF80  }
0x81: {  	[tilespmem:s26], [sflag:$0x1] =	stream.indirect.gather [hbm4b:s3+s12], $0x1, s25, s12, $0xb8;
	[tilespmem:$0x980] =	vst v63  }
0x82: {  	_ =	swait.ge [sflag:s16], $0x80  }
0x83: {  	[sflag:s16] =	ssyncset.done $0x0  }
0x84: {  	[sflag:s16] =	ssyncadd.s32 $0xFFFFFF80  }
0x85: {  	[tilespmem:s29], [sflag:$0x1] =	stream.indirect.gather [hbm4b:s6+s12], $0x1, s28, s12, $0xb8;
	[tilespmem:$0x980] =	vst v63  }
0x86: {  	_ =	swait.ge [sflag:s16], $0x80  }
0x87: {  	[sflag:s16] =	ssyncset.done $0x0  }
0x88: {  	[sflag:s16] =	ssyncadd.s32 $0xFFFFFF80  }
0x89: {  	[tilespmem:s0], [sflag:$0x1] =	stream.indirect.gather [hbm4b:s6+s30], $0x1, s31, s30, $0xb8;
	[tilespmem:$0x980] =	vst v63  }
0x8a: {  	_ =	swait.ge [sflag:s16], $0x40  }
0x8b: {  	[sflag:s16] =	ssyncset.done $0x0  }
0x8c: {  	s1 =	rddreg [dreg:$0x5];
	[sflag:s16] =	ssyncadd.s32 $0xFFFFFFC0  }
0x8d: {  	[hbm4b:s1+s12] =	stream.strided.scatter [tilespmem:s15], [sflag:$0x2], $0x300, s25, s12, $0x38;
	[tilespmem:$0x980] =	vst v63  }
0x8e: {  	_ =	swait.ge [sflag:s11], $0x300  }
0x8f: {  	[sflag:s11] =	ssyncset.done $0x0  }
0x90: {  	s1 =	rddreg [dreg:$0x6];
	[sflag:s11] =	ssyncadd.s32 $0xFFFFFD00  }
0x91: {  	[hbm4b:s1+s12] =	stream.strided.scatter [tilespmem:s29], [sflag:$0x2], $0x100, s25, s12, $0x38;
	[tilespmem:$0x980] =	vst v63  }
0x92: {  	_ =	swait.ge [sflag:s11], $0x100  }
0x93: {  	[sflag:s11] =	ssyncset.done $0x0  }
0x94: {  	[sflag:s11] =	ssyncadd.s32 $0xFFFFFF00  }
0x95: {  	v1 =	vld [tilespmem:$0x80];
	_ =	sdelay $0x4  }
0x96: {  	v1 =	vmul.f32 v1, v0  }
0x97: {  	v2 =	vld [tilespmem:$0x0]  }
0x98: {  	v1 =	vmul.f32 $5.120000000e+02, v1;
	_ =	sdelay $0x1  }
0x99: {  	v3 =	vld [tilespmem:$0x100];
	v1 =	vtrunc.f32 v1  }
0x9a: {  	v1 =	vcvt.f32.s32 v1  }
0x9b: {  	v2 =	vtrunc.f32 v2  }
0x9c: {  	v2 =	vcvt.f32.s32 v2;
	vm8 =	vgt.s32 v1, $0x0  }
0x9d: {  	v1 =	vnsel vm8, $0x0, v1  }
0x9e: {  	v3 =	vtrunc.f32 v3;
	v2 =	vshll.u32 v2, $0x9;
	v1 =	vmin.u32 v1, $0x1FF  }
0x9f: {  	v1 =	vor.u32 v2, v1;
	v2 =	vcvt.f32.s32 v3;
	v3 =	vld [tilespmem:$0x90]  }
0xa0: {  	[tilespmem:$0x180] =	vst v1  }
0xa1: {  	v42 =	vadd.s32 $0x408000, v1;
	[tilespmem:$0x480] =	vst v1  }
0xa2: {  	v43 =	vadd.s32 $0x410000, v1;
	[tilespmem:$0x240] =	vst v42  }
0xa3: {  	v49 =	vld [tilespmem:$0x10];
	v46 =	vadd.s32 $0x418000, v1;
	[tilespmem:$0x300] =	vst v43  }
0xa4: {  	v47 =	vadd.s32 $0x820000, v1;
	[tilespmem:$0x1C0] =	vst v46;
	v3 =	vmul.f32 v3, v0  }
0xa5: {  	v48 =	vadd.s32 $0x828000, v1;
	[tilespmem:$0x280] =	vst v47  }
0xa6: {  	v44 =	vadd.s32 $0x8000, v1;
	[tilespmem:$0x340] =	vst v48;
	v3 =	vmul.f32 $5.120000000e+02, v3  }
0xa7: {  	v51 =	vadd.s32 $0x830000, v1;
	[tilespmem:$0x4C0] =	vst v44  }
0xa8: {  	v6 =	vtrunc.f32 v49;
	v53 =	vadd.s32 $0xC38000, v1;
	[tilespmem:$0x200] =	vst v51;
	v3 =	vtrunc.f32 v3  }
0xa9: {  	v54 =	vadd.s32 $0xC40000, v1;
	v2 =	vshll.u32 v2, $0xF;
	[tilespmem:$0x2C0] =	vst v53;
	v3 =	vcvt.f32.s32 v3  }
0xaa: {  	v55 =	vcvt.f32.s32 v6;
	[tilespmem:$0x380] =	vst v54;
	v45 =	vadd.s32 v2, v44  }
0xab: {  	v2 =	vadd.s32 v1, v2;
	v1 =	vadd.s32 $0x10000, v1;
	[tilespmem:$0x3C0] =	vst v45;
	vm9 =	vgt.s32 v3, $0x0  }
0xac: {  	v50 =	vadd.s32 $0x420000, v2;
	v2 =	vadd.s32 $0x838000, v2;
	[tilespmem:$0x500] =	vst v1;
	v3 =	vnsel vm9, $0x0, v3  }
0xad: {  	[tilespmem:$0x440] =	vst v2;
	v2 =	vmin.u32 v3, $0x1FF;
	v3 =	vshll.u32 v55, $0x9  }
0xae: {  	[tilespmem:$0x400] =	vst v50;
	v1 =	vor.u32 v3, v2;
	v3 =	vld [tilespmem:$0xA0]  }
0xaf: {  	[tilespmem:$0x190] =	vst v1  }
0xb0: {  	v52 =	vld [tilespmem:$0x110];
	v57 =	vadd.s32 $0x408000, v1;
	[tilespmem:$0x490] =	vst v1  }
0xb1: {  	v58 =	vadd.s32 $0x410000, v1;
	[tilespmem:$0x250] =	vst v57  }
0xb2: {  	v9 =	vld [tilespmem:$0x20];
	v61 =	vadd.s32 $0x418000, v1;
	[tilespmem:$0x310] =	vst v58  }
0xb3: {  	v62 =	vadd.s32 $0x820000, v1;
	[tilespmem:$0x1D0] =	vst v61;
	v3 =	vmul.f32 v3, v0  }
0xb4: {  	v63 =	vadd.s32 $0x828000, v1;
	[tilespmem:$0x290] =	vst v62  }
0xb5: {  	v56 =	vtrunc.f32 v52;
	v59 =	vadd.s32 $0x8000, v1;
	[tilespmem:$0x350] =	vst v63;
	v3 =	vmul.f32 $5.120000000e+02, v3  }
0xb6: {  	v2 =	vcvt.f32.s32 v56;
	v11 =	vadd.s32 $0x830000, v1;
	[tilespmem:$0x4D0] =	vst v59  }
0xb7: {  	v6 =	vtrunc.f32 v9;
	v13 =	vadd.s32 $0xC38000, v1;
	[tilespmem:$0x210] =	vst v11;
	v3 =	vtrunc.f32 v3  }
0xb8: {  	v14 =	vadd.s32 $0xC40000, v1;
	v2 =	vshll.u32 v2, $0xF;
	[tilespmem:$0x2D0] =	vst v13;
	v3 =	vcvt.f32.s32 v3  }
0xb9: {  	v15 =	vcvt.f32.s32 v6;
	[tilespmem:$0x390] =	vst v14;
	v60 =	vadd.s32 v2, v59  }
0xba: {  	v2 =	vadd.s32 v1, v2;
	v1 =	vadd.s32 $0x10000, v1;
	[tilespmem:$0x3D0] =	vst v60;
	vm10 =	vgt.s32 v3, $0x0  }
0xbb: {  	v10 =	vadd.s32 $0x420000, v2;
	v2 =	vadd.s32 $0x838000, v2;
	[tilespmem:$0x510] =	vst v1;
	v3 =	vnsel vm10, $0x0, v3  }
0xbc: {  	[tilespmem:$0x450] =	vst v2;
	v2 =	vmin.u32 v3, $0x1FF;
	v3 =	vshll.u32 v15, $0x9  }
0xbd: {  	[tilespmem:$0x410] =	vst v10;
	v1 =	vor.u32 v3, v2;
	v3 =	vld [tilespmem:$0xB0]  }
0xbe: {  	[tilespmem:$0x1A0] =	vst v1  }
0xbf: {  	v12 =	vld [tilespmem:$0x120];
	v17 =	vadd.s32 $0x408000, v1;
	[tilespmem:$0x4A0] =	vst v1  }
0xc0: {  	v18 =	vadd.s32 $0x410000, v1;
	[tilespmem:$0x260] =	vst v17  }
0xc1: {  	v24 =	vld [tilespmem:$0x30];
	v21 =	vadd.s32 $0x418000, v1;
	[tilespmem:$0x320] =	vst v18  }
0xc2: {  	v22 =	vadd.s32 $0x820000, v1;
	[tilespmem:$0x1E0] =	vst v21;
	v3 =	vmul.f32 v3, v0  }
0xc3: {  	v23 =	vadd.s32 $0x828000, v1;
	[tilespmem:$0x2A0] =	vst v22  }
0xc4: {  	v16 =	vtrunc.f32 v12;
	v19 =	vadd.s32 $0x8000, v1;
	[tilespmem:$0x360] =	vst v23;
	v3 =	vmul.f32 $5.120000000e+02, v3  }
0xc5: {  	v2 =	vcvt.f32.s32 v16;
	v26 =	vadd.s32 $0x830000, v1;
	[tilespmem:$0x4E0] =	vst v19  }
0xc6: {  	v6 =	vtrunc.f32 v24;
	v28 =	vadd.s32 $0xC38000, v1;
	[tilespmem:$0x220] =	vst v26;
	v3 =	vtrunc.f32 v3  }
0xc7: {  	v29 =	vadd.s32 $0xC40000, v1;
	v2 =	vshll.u32 v2, $0xF;
	[tilespmem:$0x2E0] =	vst v28;
	v3 =	vcvt.f32.s32 v3  }
0xc8: {  	v27 =	vld [tilespmem:$0x130];
	v30 =	vcvt.f32.s32 v6;
	[tilespmem:$0x3A0] =	vst v29;
	v20 =	vadd.s32 v2, v19  }
0xc9: {  	v2 =	vadd.s32 v1, v2;
	v1 =	vadd.s32 $0x10000, v1;
	[tilespmem:$0x3E0] =	vst v20;
	vm11 =	vgt.s32 v3, $0x0  }
0xca: {  	v25 =	vadd.s32 $0x420000, v2;
	v2 =	vadd.s32 $0x838000, v2;
	[tilespmem:$0x520] =	vst v1;
	v3 =	vnsel vm11, $0x0, v3  }
0xcb: {  	[tilespmem:$0x460] =	vst v2;
	v2 =	vmin.u32 v3, $0x1FF;
	v3 =	vshll.u32 v30, $0x9  }
0xcc: {  	[tilespmem:$0x420] =	vst v25;
	v1 =	vor.u32 v3, v2  }
0xcd: {  	v31 =	vtrunc.f32 v27;
	[tilespmem:$0x1B0] =	vst v1  }
0xce: {  	v2 =	vcvt.f32.s32 v31;
	v3 =	vadd.s32 $0x408000, v1;
	[tilespmem:$0x4B0] =	vst v1  }
0xcf: {  	v32 =	vadd.s32 $0x8000, v1;
	[tilespmem:$0x270] =	vst v3  }
0xd0: {  	v2 =	vshll.u32 v2, $0xF;
	v3 =	vadd.s32 $0x410000, v1;
	[tilespmem:$0x4F0] =	vst v32  }
0xd1: {  	[tilespmem:$0x330] =	vst v3;
	v3 =	vadd.s32 v2, v32  }
0xd2: {  	[tilespmem:$0x3F0] =	vst v3;
	v3 =	vadd.s32 $0x418000, v1  }
0xd3: {  	[tilespmem:$0x1F0] =	vst v3;
	v3 =	vadd.s32 $0x820000, v1  }
0xd4: {  	v2 =	vadd.s32 v1, v2;
	[tilespmem:$0x2B0] =	vst v3;
	v3 =	vadd.s32 $0x828000, v1  }
0xd5: {  	[tilespmem:$0x370] =	vst v3;
	v3 =	vadd.s32 $0x420000, v2  }
0xd6: {  	v2 =	vadd.s32 $0x838000, v2;
	[tilespmem:$0x430] =	vst v3  }
0xd7: {  	v3 =	vadd.s32 $0x830000, v1;
	[tilespmem:$0x470] =	vst v2  }
0xd8: {  	[tilespmem:$0x230] =	vst v3;
	v3 =	vadd.s32 $0xC38000, v1  }
0xd9: {  	[tilespmem:$0x2F0] =	vst v3;
	v3 =	vadd.s32 $0xC40000, v1  }
0xda: {  	v1 =	vadd.s32 $0x10000, v1;
	[tilespmem:$0x3B0] =	vst v3  }
0xdb: {  	[tilespmem:$0x530] =	vst v1  }
0xdc: {  	[tilespmem:s15], [sflag:$0x1] =	stream.indirect.gather [hbm4b:s4+s12], $0x1, s14, s12, $0xb8;
	[tilespmem:$0x980] =	vst v63  }
0xdd: {  	_ =	swait.ge [sflag:s16], $0x80  }
0xde: {  	[sflag:s16] =	ssyncset.done $0x0  }
0xdf: {  	[sflag:s16] =	ssyncadd.s32 $0xFFFFFF80  }
0xe0: {  	[tilespmem:s18], [sflag:$0x1] =	stream.indirect.gather [hbm4b:s4+s12], $0x1, s17, s12, $0xb8;
	[tilespmem:$0x980] =	vst v63  }
0xe1: {  	_ =	swait.ge [sflag:s16], $0x80  }
0xe2: {  	[sflag:s16] =	ssyncset.done $0x0  }
0xe3: {  	[sflag:s16] =	ssyncadd.s32 $0xFFFFFF80  }
0xe4: {  	[tilespmem:s20], [sflag:$0x1] =	stream.indirect.gather [hbm4b:s4+s12], $0x1, s19, s12, $0xb8;
	[tilespmem:$0x980] =	vst v63  }
0xe5: {  	_ =	swait.ge [sflag:s16], $0x80  }
0xe6: {  	[sflag:s16] =	ssyncset.done $0x0  }
0xe7: {  	[sflag:s16] =	ssyncadd.s32 $0xFFFFFF80  }
0xe8: {  	[tilespmem:s22], [sflag:$0x1] =	stream.indirect.gather [hbm4b:s4+s12], $0x1, s21, s12, $0xb8;
	[tilespmem:$0x980] =	vst v63  }
0xe9: {  	_ =	swait.ge [sflag:s16], $0x80  }
0xea: {  	[sflag:s16] =	ssyncset.done $0x0  }
0xeb: {  	[sflag:s16] =	ssyncadd.s32 $0xFFFFFF80  }
0xec: {  	[tilespmem:s24], [sflag:$0x1] =	stream.indirect.gather [hbm4b:s4+s12], $0x1, s23, s12, $0xb8;
	[tilespmem:$0x980] =	vst v63  }
0xed: {  	_ =	swait.ge [sflag:s16], $0x80  }
0xee: {  	[sflag:s16] =	ssyncset.done $0x0  }
0xef: {  	[sflag:s16] =	ssyncadd.s32 $0xFFFFFF80  }
0xf0: {  	[tilespmem:s26], [sflag:$0x1] =	stream.indirect.gather [hbm4b:s4+s12], $0x1, s25, s12, $0xb8;
	[tilespmem:$0x980] =	vst v63  }
0xf1: {  	_ =	swait.ge [sflag:s16], $0x80  }
0xf2: {  	[sflag:s16] =	ssyncset.done $0x0  }
0xf3: {  	[sflag:s16] =	ssyncadd.s32 $0xFFFFFF80  }
0xf4: {  	[tilespmem:s29], [sflag:$0x1] =	stream.indirect.gather [hbm4b:s7+s12], $0x1, s28, s12, $0xb8;
	[tilespmem:$0x980] =	vst v63  }
0xf5: {  	_ =	swait.ge [sflag:s16], $0x80  }
0xf6: {  	[sflag:s16] =	ssyncset.done $0x0  }
0xf7: {  	[sflag:s16] =	ssyncadd.s32 $0xFFFFFF80  }
0xf8: {  	[tilespmem:s0], [sflag:$0x1] =	stream.indirect.gather [hbm4b:s7+s30], $0x1, s31, s30, $0xb8;
	[tilespmem:$0x980] =	vst v63  }
0xf9: {  	_ =	swait.ge [sflag:s16], $0x40  }
0xfa: {  	[sflag:s16] =	ssyncset.done $0x0  }
0xfb: {  	s1 =	rddreg [dreg:$0x7];
	[sflag:s16] =	ssyncadd.s32 $0xFFFFFFC0  }
0xfc: {  	[hbm4b:s1+s12] =	stream.strided.scatter [tilespmem:s15], [sflag:$0x2], $0x300, s25, s12, $0x38;
	[tilespmem:$0x980] =	vst v63  }
0xfd: {  	_ =	swait.ge [sflag:s11], $0x300  }
0xfe: {  	[sflag:s11] =	ssyncset.done $0x0  }
0xff: {  	s1 =	rddreg [dreg:$0x8];
	[sflag:s11] =	ssyncadd.s32 $0xFFFFFD00  }
0x100: {  	[hbm4b:s1+s12] =	stream.strided.scatter [tilespmem:s29], [sflag:$0x2], $0x100, s25, s12, $0x38;
	[tilespmem:$0x980] =	vst v63  }
0x101: {  	_ =	swait.ge [sflag:s11], $0x100  }
0x102: {  	[sflag:s11] =	ssyncset.done $0x0  }
0x103: {  	[sflag:s11] =	ssyncadd.s32 $0xFFFFFF00  }
0x104: {  	v1 =	vld [tilespmem:$0x80];
	_ =	sdelay $0x4  }
0x105: {  	v1 =	vmul.f32 v1, v0  }
0x106: {  	v2 =	vld [tilespmem:$0x0]  }
0x107: {  	v1 =	vmul.f32 $2.560000000e+02, v1;
	_ =	sdelay $0x1  }
0x108: {  	v3 =	vld [tilespmem:$0x100];
	v1 =	vtrunc.f32 v1  }
0x109: {  	v1 =	vcvt.f32.s32 v1  }
0x10a: {  	v2 =	vtrunc.f32 v2  }
0x10b: {  	v2 =	vcvt.f32.s32 v2;
	vm12 =	vgt.s32 v1, $0x0  }
0x10c: {  	v1 =	vnsel vm12, $0x0, v1  }
0x10d: {  	v3 =	vtrunc.f32 v3;
	v2 =	vshll.u32 v2, $0x8;
	v1 =	vmin.u32 v1, $0xFF  }
0x10e: {  	v1 =	vor.u32 v2, v1;
	v2 =	vcvt.f32.s32 v3;
	v3 =	vld [tilespmem:$0x90]  }
0x10f: {  	[tilespmem:$0x180] =	vst v1  }
0x110: {  	v33 =	vadd.s32 $0x204000, v1;
	[tilespmem:$0x480] =	vst v1  }
0x111: {  	v34 =	vadd.s32 $0x208000, v1;
	[tilespmem:$0x240] =	vst v33  }
0x112: {  	v40 =	vld [tilespmem:$0x10];
	v37 =	vadd.s32 $0x20C000, v1;
	[tilespmem:$0x300] =	vst v34  }
0x113: {  	v38 =	vadd.s32 $0x410000, v1;
	[tilespmem:$0x1C0] =	vst v37;
	v3 =	vmul.f32 v3, v0  }
0x114: {  	v39 =	vadd.s32 $0x414000, v1;
	[tilespmem:$0x280] =	vst v38  }
0x115: {  	v35 =	vadd.s32 $0x4000, v1;
	[tilespmem:$0x340] =	vst v39;
	v3 =	vmul.f32 $2.560000000e+02, v3  }
0x116: {  	v42 =	vadd.s32 $0x418000, v1;
	[tilespmem:$0x4C0] =	vst v35  }
0x117: {  	v43 =	vld [tilespmem:$0x110];
	v6 =	vtrunc.f32 v40;
	v44 =	vadd.s32 $0x61C000, v1;
	[tilespmem:$0x200] =	vst v42;
	v3 =	vtrunc.f32 v3  }
0x118: {  	v45 =	vadd.s32 $0x620000, v1;
	v2 =	vshll.u32 v2, $0xE;
	[tilespmem:$0x2C0] =	vst v44;
	v3 =	vcvt.f32.s32 v3  }
0x119: {  	v46 =	vcvt.f32.s32 v6;
	[tilespmem:$0x380] =	vst v45;
	v36 =	vadd.s32 v2, v35  }
0x11a: {  	v2 =	vadd.s32 v1, v2;
	v1 =	vadd.s32 $0x8000, v1;
	[tilespmem:$0x3C0] =	vst v36;
	vm13 =	vgt.s32 v3, $0x0  }
0x11b: {  	v41 =	vadd.s32 $0x210000, v2;
	v2 =	vadd.s32 $0x41C000, v2;
	[tilespmem:$0x500] =	vst v1;
	v3 =	vnsel vm13, $0x0, v3  }
0x11c: {  	v48 =	vld [tilespmem:$0xA0];
	v47 =	vtrunc.f32 v43;
	[tilespmem:$0x440] =	vst v2;
	v2 =	vmin.u32 v3, $0xFF;
	v3 =	vshll.u32 v46, $0x8  }
0x11d: {  	[tilespmem:$0x400] =	vst v41;
	v1 =	vor.u32 v3, v2;
	v2 =	vcvt.f32.s32 v47  }
0x11e: {  	[tilespmem:$0x190] =	vst v1;
	v3 =	vadd.s32 $0x204000, v1  }
0x11f: {  	v49 =	vadd.s32 $0x4000, v1;
	v2 =	vshll.u32 v2, $0xE;
	[tilespmem:$0x250] =	vst v3;
	v3 =	vadd.s32 $0x208000, v1  }
0x120: {  	[tilespmem:$0x310] =	vst v3;
	v3 =	vadd.s32 v2, v49  }
0x121: {  	v50 =	vld [tilespmem:$0x20];
	v5 =	vmul.f32 v48, v0;
	[tilespmem:$0x3D0] =	vst v3;
	v3 =	vadd.s32 $0x20C000, v1  }
0x122: {  	[tilespmem:$0x1D0] =	vst v3;
	v3 =	vadd.s32 $0x410000, v1  }
0x123: {  	v5 =	vmul.f32 $2.560000000e+02, v5;
	v2 =	vadd.s32 v1, v2;
	[tilespmem:$0x290] =	vst v3;
	v3 =	vadd.s32 $0x414000, v1  }
0x124: {  	[tilespmem:$0x350] =	vst v3;
	v3 =	vadd.s32 $0x210000, v2  }
0x125: {  	v5 =	vtrunc.f32 v5;
	[tilespmem:$0x410] =	vst v3;
	v3 =	vld [tilespmem:$0x120]  }
0x126: {  	v6 =	vtrunc.f32 v50;
	v5 =	vcvt.f32.s32 v5;
	[tilespmem:$0x490] =	vst v1  }
0x127: {  	v53 =	vcvt.f32.s32 v6;
	v51 =	vadd.s32 $0x418000, v1;
	[tilespmem:$0x4D0] =	vst v49  }
0x128: {  	vm14 =	vgt.s32 v5, $0x0;
	v52 =	vadd.s32 $0x61C000, v1;
	[tilespmem:$0x210] =	vst v51  }
0x129: {  	v4 =	vshll.u32 v53, $0x8;
	v5 =	vnsel vm14, $0x0, v5;
	v54 =	vadd.s32 $0x620000, v1;
	[tilespmem:$0x2D0] =	vst v52  }
0x12a: {  	v5 =	vmin.u32 v5, $0xFF;
	[tilespmem:$0x390] =	vst v54;
	v2 =	vadd.s32 $0x41C000, v2;
	v3 =	vtrunc.f32 v3  }
0x12b: {  	v1 =	vadd.s32 $0x8000, v1;
	[tilespmem:$0x450] =	vst v2;
	v2 =	vor.u32 v4, v5;
	v3 =	vcvt.f32.s32 v3  }
0x12c: {  	v55 =	vld [tilespmem:$0xB0];
	[tilespmem:$0x510] =	vst v1;
	v1 =	vadd.s32 $0x204000, v2  }
0x12d: {  	v5 =	vadd.s32 $0x4000, v2;
	[tilespmem:$0x260] =	vst v1;
	v1 =	vadd.s32 $0x208000, v2;
	v3 =	vshll.u32 v3, $0xE  }
0x12e: {  	[tilespmem:$0x320] =	vst v1;
	v1 =	vadd.s32 v3, v5  }
0x12f: {  	[tilespmem:$0x3E0] =	vst v1;
	v1 =	vadd.s32 $0x20C000, v2  }
0x130: {  	[tilespmem:$0x1E0] =	vst v1;
	v1 =	vadd.s32 $0x410000, v2  }
0x131: {  	v4 =	vmul.f32 v55, v0;
	v3 =	vadd.s32 v2, v3;
	[tilespmem:$0x2A0] =	vst v1;
	v1 =	vadd.s32 $0x414000, v2  }
0x132: {  	v56 =	vld [tilespmem:$0x30];
	[tilespmem:$0x360] =	vst v1;
	v1 =	vadd.s32 $0x210000, v3  }
0x133: {  	[tilespmem:$0x420] =	vst v1;
	v1 =	vmul.f32 $2.560000000e+02, v4  }
0x134: {  	[tilespmem:$0x1A0] =	vst v2  }
0x135: {  	[tilespmem:$0x4A0] =	vst v2;
	v1 =	vtrunc.f32 v1  }
0x136: {  	v57 =	vadd.s32 $0x418000, v2;
	[tilespmem:$0x4E0] =	vst v5;
	v1 =	vcvt.f32.s32 v1  }
0x137: {  	v59 =	vld [tilespmem:$0x130];
	v61 =	vtrunc.f32 v56;
	v58 =	vadd.s32 $0x61C000, v2;
	[tilespmem:$0x220] =	vst v57  }
0x138: {  	v60 =	vadd.s32 $0x620000, v2;
	[tilespmem:$0x2E0] =	vst v58;
	v4 =	vcvt.f32.s32 v61;
	vm15 =	vgt.s32 v1, $0x0  }
0x139: {  	[tilespmem:$0x3A0] =	vst v60;
	v3 =	vadd.s32 $0x41C000, v3;
	v1 =	vnsel vm15, $0x0, v1  }
0x13a: {  	v2 =	vadd.s32 $0x8000, v2;
	[tilespmem:$0x460] =	vst v3;
	v3 =	vshll.u32 v4, $0x8;
	v1 =	vmin.u32 v1, $0xFF  }
0x13b: {  	[tilespmem:$0x520] =	vst v2;
	v1 =	vor.u32 v3, v1  }
0x13c: {  	v62 =	vtrunc.f32 v59;
	[tilespmem:$0x1B0] =	vst v1  }
0x13d: {  	v2 =	vcvt.f32.s32 v62;
	v3 =	vadd.s32 $0x204000, v1;
	[tilespmem:$0x4B0] =	vst v1  }
0x13e: {  	v63 =	vadd.s32 $0x4000, v1;
	[tilespmem:$0x270] =	vst v3  }
0x13f: {  	v2 =	vshll.u32 v2, $0xE;
	v3 =	vadd.s32 $0x208000, v1;
	[tilespmem:$0x4F0] =	vst v63  }
0x140: {  	[tilespmem:$0x330] =	vst v3;
	v3 =	vadd.s32 v2, v63  }
0x141: {  	[tilespmem:$0x3F0] =	vst v3;
	v3 =	vadd.s32 $0x20C000, v1  }
0x142: {  	[tilespmem:$0x1F0] =	vst v3;
	v3 =	vadd.s32 $0x410000, v1  }
0x143: {  	v2 =	vadd.s32 v1, v2;
	[tilespmem:$0x2B0] =	vst v3;
	v3 =	vadd.s32 $0x414000, v1  }
0x144: {  	[tilespmem:$0x370] =	vst v3;
	v3 =	vadd.s32 $0x210000, v2  }
0x145: {  	v2 =	vadd.s32 $0x41C000, v2;
	[tilespmem:$0x430] =	vst v3  }
0x146: {  	v3 =	vadd.s32 $0x418000, v1;
	[tilespmem:$0x470] =	vst v2  }
0x147: {  	[tilespmem:$0x230] =	vst v3;
	v3 =	vadd.s32 $0x61C000, v1  }
0x148: {  	[tilespmem:$0x2F0] =	vst v3;
	v3 =	vadd.s32 $0x620000, v1  }
0x149: {  	v1 =	vadd.s32 $0x8000, v1;
	[tilespmem:$0x3B0] =	vst v3  }
0x14a: {  	[tilespmem:$0x530] =	vst v1  }
0x14b: {  	[tilespmem:s15], [sflag:$0x1] =	stream.indirect.gather [hbm4b:s5+s12], $0x1, s14, s12, $0xb8;
	[tilespmem:$0x980] =	vst v63  }
0x14c: {  	_ =	swait.ge [sflag:s16], $0x80  }
0x14d: {  	[sflag:s16] =	ssyncset.done $0x0  }
0x14e: {  	[sflag:s16] =	ssyncadd.s32 $0xFFFFFF80  }
0x14f: {  	[tilespmem:s18], [sflag:$0x1] =	stream.indirect.gather [hbm4b:s5+s12], $0x1, s17, s12, $0xb8;
	[tilespmem:$0x980] =	vst v63  }
0x150: {  	_ =	swait.ge [sflag:s16], $0x80  }
0x151: {  	[sflag:s16] =	ssyncset.done $0x0  }
0x152: {  	[sflag:s16] =	ssyncadd.s32 $0xFFFFFF80  }
0x153: {  	[tilespmem:s20], [sflag:$0x1] =	stream.indirect.gather [hbm4b:s5+s12], $0x1, s19, s12, $0xb8;
	[tilespmem:$0x980] =	vst v63  }
0x154: {  	_ =	swait.ge [sflag:s16], $0x80  }
0x155: {  	[sflag:s16] =	ssyncset.done $0x0  }
0x156: {  	[sflag:s16] =	ssyncadd.s32 $0xFFFFFF80  }
0x157: {  	[tilespmem:s22], [sflag:$0x1] =	stream.indirect.gather [hbm4b:s5+s12], $0x1, s21, s12, $0xb8;
	[tilespmem:$0x980] =	vst v63  }
0x158: {  	_ =	swait.ge [sflag:s16], $0x80  }
0x159: {  	[sflag:s16] =	ssyncset.done $0x0  }
0x15a: {  	[sflag:s16] =	ssyncadd.s32 $0xFFFFFF80  }
0x15b: {  	[tilespmem:s24], [sflag:$0x1] =	stream.indirect.gather [hbm4b:s5+s12], $0x1, s23, s12, $0xb8;
	[tilespmem:$0x980] =	vst v63  }
0x15c: {  	_ =	swait.ge [sflag:s16], $0x80  }
0x15d: {  	[sflag:s16] =	ssyncset.done $0x0  }
0x15e: {  	[sflag:s16] =	ssyncadd.s32 $0xFFFFFF80  }
0x15f: {  	[tilespmem:s26], [sflag:$0x1] =	stream.indirect.gather [hbm4b:s5+s12], $0x1, s25, s12, $0xb8;
	[tilespmem:$0x980] =	vst v63  }
0x160: {  	_ =	swait.ge [sflag:s16], $0x80  }
0x161: {  	[sflag:s16] =	ssyncset.done $0x0  }
0x162: {  	[sflag:s16] =	ssyncadd.s32 $0xFFFFFF80  }
0x163: {  	[tilespmem:s29], [sflag:$0x1] =	stream.indirect.gather [hbm4b:s8+s12], $0x1, s28, s12, $0xb8;
	[tilespmem:$0x980] =	vst v63  }
0x164: {  	_ =	swait.ge [sflag:s16], $0x80  }
0x165: {  	[sflag:s16] =	ssyncset.done $0x0  }
0x166: {  	[sflag:s16] =	ssyncadd.s32 $0xFFFFFF80  }
0x167: {  	[tilespmem:s0], [sflag:$0x1] =	stream.indirect.gather [hbm4b:s8+s30], $0x1, s31, s30, $0xb8;
	[tilespmem:$0x980] =	vst v63  }
0x168: {  	_ =	swait.ge [sflag:s16], $0x40  }
0x169: {  	[sflag:s16] =	ssyncset.done $0x0  }
0x16a: {  	s1 =	rddreg [dreg:$0x9];
	[sflag:s16] =	ssyncadd.s32 $0xFFFFFFC0  }
0x16b: {  	[hbm4b:s1+s12] =	stream.strided.scatter [tilespmem:s15], [sflag:$0x2], $0x300, s25, s12, $0x38;
	[tilespmem:$0x980] =	vst v63  }
0x16c: {  	_ =	swait.ge [sflag:s11], $0x300  }
0x16d: {  	p0 =	sne.s32 s10, $0x1;
	[sflag:s11] =	ssyncset.done $0x0  }
.Ltmp0:
0x16e: {  	[sflag:s11] =	ssyncadd.s32 $0xFFFFFD00;
	(pc) =	sbr.rel @p0 .LBB2_1-.Ltmp0, $4  }
0x16f: {  	[hbm4b:s9+s12] =	stream.strided.scatter [tilespmem:s29], [sflag:$0x2], $0x100, s25, s12, $0x38;
	[tilespmem:$0x980] =	vst v63  }
0x170: {  	_ =	swait.ge [sflag:s11], $0x100  }
0x171: {  	[sflag:s11] =	ssyncset.done $0x0  }
0x172: {  	s10 =	sadd.s32 $0xFFFFFFFF, s10;
	[sflag:s11] =	ssyncadd.s32 $0xFFFFFF00  }
0x173: {  	_ =	sfence.sel $0x180000  }
0x174: {  	[bflag:$0x0] =	sbarrier.arrive $0xFFFF  }
0x175: {  	_ =	strace $0x9000004D  }
0x176: {  	s0 =	stileid.u32;
	[bflag:$0x2] =	sbarrier.arrive $0xFFFF  }
0x177: {  	p0 =	sne.s32 s0, $0x0;
	s0 =	rddreg [dreg:$0x1]  }
0x178: {  	s0 =	sadd.s32 @!p0 $0x100000, s0  }
0x179: {  	[sflag:s0] =	ssyncadd.tile.s32 @!p0 $0x1;
	_ =	shalt  }
.Lfunc_end2:
_tile_overlayer_lowered:
.L_overlay_start_2:
0x17a: {  	(tag) =	ssettag $0x2  }
0x17b: {  	s0 =	rddreg [dreg:$0x0];
	s2 =	stileid.u32  }
0x17c: {  	s1 =	rddreg [dreg:$0x1];
	p0 =	sne.s32 s2, $0x0  }
0x17d: {  	s3 =	rddreg [dreg:$0x2];
	[bflag:$0x3] =	sbarrier.arrive $0xFFFF;
	s2 =	simm.s32 @!p0 $0x1C02  }
0x17e: {  	[timem:s3], [sflag:s2] =	dma.local @!p0 [hbm:s0], s1  }
0x17f: {  	s0 =	simm.s32 @!p0 $0x2  }
0x180: {  	_ =	swait.ge @!p0 [sflag:s0], s1  }
0x181: {  	s1 =	ssub.s32 @!p0 $0x0, s1;
	[sflag:s0] =	ssyncset.done @!p0 $0x0  }
0x182: {  	[sflag:s0] =	ssyncadd.s32 @!p0 s1  }
0x183: {  	[bflag:$0x3] =	sbarrier.arrive $0xFFFF  }
0x184: {  	_ =	shalt  }

// kernel: sparse-core-data-format-call.1.cloned.1.call-start
scs
called_computation.1_lowered:
.L_overlay_start_0:
0x0: {  	s2 =	sld [smem:$0x3FD9]  }
0x1: {  	s3 =	sld [smem:$0x3FFE];
	_ =	sdelay $0x1  }
0x2: {  	s1 =	srdreg.scid  }
0x3: {  	s0 =	sand.u32 $0x1, s1  }
0x4: {  	s18 =	sshll.u32 s0, $0xA;
	s2 =	sadd.s32 s3, s2  }
0x5: {  	s2 =	sadd.s32 s2, s18  }
0x6: {  	[smem:$0x3FC4] =	sst s2  }
0x7: {  	_ = 	snop  }
0x8: {  	s19 =	sld [smem:$0x3FC9];
	(tm) =	ssettm $0x1  }
0x9: {  	s20 =	sld [smem:$0x3FFB];
	_ =	sdelay $0x3  }
0xa: {  	_ =	strace s20  }
0xb: {  	s2 =	sld [smem:$0x3FFC];
	_ =	sdelay $0x3  }
0xc: {  	_ =	strace s2  }
0xd: {  	s2 =	sld [smem:$0x3FFD];
	_ =	sdelay $0x3  }
0xe: {  	_ =	strace s2  }
0xf: {  	_ =	strace $0x8FFFFFFF  }
0x10: {  	s21 =	sld [smem:$0x3FDB];
	_ =	sdelay $0x1  }
0x11: {  	s4 =	simm.s32 $_scs_section_size  }
0x12: {  	s5 =	simm.s32 $_size__tile_overlayer_lowered;
	s6 =	simm.s32 $_tile_overlayer_lowered  }
0x13: {  	s7 =	simm.s32 $0x1BFF;
	s22 =	sshll.u32 s6, $0x1;
	s4 =	sadd.s32 s4, s21  }
0x14: {  	s23 =	simm.s32 $0x0;
	s5 =	sshll.u32 s5, $0x1;
	s6 =	sadd.s32 s22, s4  }
0x15: {  	[timem:s23], [sflag:s7] =	dma.local [hbm:s6], s5  }
0x16: {  	_ =	swait.ge [sflag:s7], s5  }
0x17: {  	s5 =	ssub.s32 $0x0, s5;
	[sflag:s7] =	ssyncset.done $0x0  }
0x18: {  	[sflag:s7] =	ssyncadd.s32 s5;
	_ =	sdelay $0x1  }
0x19: {  	s24 =	simm.s32 $0x1B8B  }
0x1a: {  	_ =	swait.ge [sflag:s24], $0x1  }
0x1b: {  	[sflag:s24] =	ssyncset.done $0x0  }
0x1c: {  	[sflag:s24] =	ssyncadd.s32 $0xFFFFFFFF  }
0x1d: {  	s5 =	sld [smem:$0x0]  }
0x1e: {  	s6 =	sand.u32 $0xFFFFFFFE, s1  }
0x1f: {  	p0 =	sne.s32 s1, s6  }
0x20: {  	s6 =	sshll.u32 @p0 s6, $0xE  }
0x21: {  	s6 =	sadd.s32 @p0 $0x11B8D, s6;
	s7 =	sshll.u32 @p0 s5, $0x11  }
0x22: {  	s6 =	sor.u32 @p0 s7, s6  }
0x23: {  	[sflag:s6] =	ssyncadd.remote.s32 @p0 $0x1;
	_ =	sdelay $0x1  }
0x24: {  	s6 =	simm.s32 @p0 $0x1B8D  }
0x25: {  	_ =	swait.eq @p0 [sflag:s6], $0x1  }
0x26: {  	[sflag:s6] =	ssyncadd.s32 @p0 $0xFFFFFFFF  }
0x27: {  	s7 =	sshll.u32 @!p0 s1, $0xE  }
0x28: {  	s7 =	sor.u32 @!p0 $0x4000, s7;
	s6 =	simm.s32 @!p0 $0x1B8D  }
0x29: {  	s5 =	sshll.u32 @!p0 s5, $0x11;
	s7 =	sadd.s32 @!p0 $0x11B8D, s7;
	_ =	swait.eq @!p0 [sflag:s6], $0x1  }
0x2a: {  	s5 =	sor.u32 @!p0 s5, s7;
	[sflag:s6] =	ssyncadd.s32 @!p0 $0xFFFFFFFF  }
0x2b: {  	s26 =	simm.s32 $0x1B8E;
	s25 =	sld [smem:$0x3FFE];
	[sflag:s5] =	ssyncadd.remote.s32 @!p0 $0x1  }
0x2c: {  	s27 =	simm.s32 $execute0_lowered;
	[smem:$0x3FD2] =	sst s26  }
0x2d: {  	s6 =	sshll.u32 s27, $0x1;
	_ =	strace $0x80000049;
	[dreg:$0x1] =	wrdreg $0xFFFFFFFF  }
0x2e: {  	s28 =	simm.s32 $_size_execute0_lowered;
	s4 =	sadd.s32 s4, s6;
	[dreg:$0x0] =	wrdreg $0x0  }
0x2f: {  	s6 =	sshll.u32 s28, $0x1;
	[dreg:$0x2] =	wrdreg s4  }
0x30: {  	[dreg:$0x3] =	wrdreg s6  }
0x31: {  	[dreg:$0x4] =	wrdreg $0xC0  }
0x32: {  	_ =	task [dreg:s23], $0x5FFFF  }
0x33: {  	[dreg:$0x1] =	wrdreg $0xFFFFFFFF  }
0x34: {  	[dreg:$0x0] =	wrdreg $0x60  }
0x35: {  	[dreg:$0x2] =	wrdreg s19  }
0x36: {  	[dreg:$0x3] =	wrdreg s25  }
0x37: {  	[dreg:$0x4] =	wrdreg $0xA  }
0x38: {  	_ =	task.clear_ibuf [dreg:s23], $0x5FFFF;
	_ =	strace $0x90000049  }
0x39: {  	s29 =	simm.s32 $0xA;
	_ =	strace $0x8000004B  }
0x3a: {  	_ =	swait.ge [sflag:s29], $0x1  }
0x3b: {  	[sflag:s29] =	ssyncadd.s32 $0xFFFFFFFF  }
0x3c: {  	_ =	strace $0x9000004B  }
0x3d: {  	_ =	sfence  }
0x3e: {  	s30 =	sld [smem:$0x0];
	_ =	sdelay $0x2  }
0x3f: {  	s31 =	sshll.u32 s1, $0xD;
	s1 =	sshrl.u32 s1, $0x2  }
0x40: {  	s4 =	sand.u32 $0x4000, s31;
	s1 =	sadd.s32 s1, s30  }
0x41: {  	s0 =	sor.u32 s4, s0;
	s1 =	sshll.u32 s1, $0x11  }
0x42: {  	s0 =	sor.u32 s1, s0  }
0x43: {  	s0 =	sadd.s32 $0x8F2B, s0  }
0x44: {  	[sflag:s0] =	ssyncadd.remote.s32 $0x1  }
0x45: {  	_ =	sfence.sel $0xFFFF  }
0x46: {  	[dreg:$0x0] =	wrdreg $0xFFFFFFFF;
	(pc) =	sbr.abs _section_cstart, $3  }
0x47: {  	[dreg:$0x1] =	wrdreg $0xFFFFFFFF  }
0x48: {  	_ =	task.clear_ibuf [dreg:s23], $0x2FFFF;
	_ =	strace $0x9FFFFFFF  }
0x49: {  	(tm) =	ssettm $0x7FFFFFFF  }
tec
execute0_lowered:
.L_overlay_start_1:
0x0: {  	(tag) =	ssettag $0x1  }
0x1: {  	s0 =	srdreg.scid  }
0x2: {  	s1 =	sshll.u32 s0, $0x4  }
0x3: {  	s2 =	rddreg [dreg:$0x0];
	s0 =	stileid.u32;
	s1 =	sand.u32 $0x10, s1  }
0x4: {  	s4 =	rddreg [dreg:$0x1];
	s7 =	simm.s32 $0x1;
	s1 =	sor.u32 s0, s1  }
0x5: {  	s8 =	simm.s32 $0x2;
	s9 =	simm.s32 $0x0;
	s3 =	sshll.u32 s1, $0x1  }
0x6: {  	s12 =	simm.s32 $0x0;
	s11 =	simm.s32 $0x0;
	s6 =	ssub.s32 $0xC48, s3  }
.Ltmp0:
0x7: {  	s4 =	sadd.s32 $0x189600, s4;
	s5 =	sand.u32 $0x3E, s6;
	(pc) =	sbr.rel .LBB1_1-.Ltmp0, $4  }
0x8: {  	s1 =	rddreg [dreg:$0x2];
	_ =	strace $0x8000004A;
	p0 =	sne.s32 s5, $0x0  }
0x9: {  	s6 =	sshrl.u32 s6, $0x6;
	s5 =	simm.s32 $0x1;
	s7 =	simm.s32 @!p0 $0x0  }
0xa: {  	s10 =	smov.u32 s3;
	[sflag:s5] =	ssyncpa.u1 $0x0;
	s6 =	sadd.s32 s7, s6  }
0xb: {  	[sflag:s8] =	ssyncpa.u1 $0x0;
	s8 =	simm.s32 $0x0;
	s7 =	sadd.s32 $0x1, s6  }
.LBB1_9:
0xc: {  	s14 =	sadd.s32 $0x40, s10  }
0xd: {  	p1 =	sgt.s32 s14, $0xC47  }
0xe: {  	s14 =	smov.u32 @p1 s3;
	p1 =	sne.s32 s11, s7  }
.Ltmp1:
0xf: {  	p0 =	slt.u32 s11, $0x2;
	(pc) =	sbr.rel @!p1 .LBB1_10-.Ltmp1, $4  }
0x10: {  	s13 =	simm.s32 @!p0 $0x2  }
0x11: {  	s15 =	sadd.s32 $0x1, s11;
	_ =	swait.ge @!p0 [sflag:s13], $0x4000  }
0x12: {  	s12 =	smov.u32 s10;
	s9 =	sadd.s32 $0x4000, s9;
	[sflag:s13] =	ssyncset.done @!p0 $0x0  }
0x13: {  	s11 =	smov.u32 s15;
	s10 =	smov.u32 s14;
	[sflag:s13] =	ssyncadd.s32 @!p0 $0xFFFFC000  }
.LBB1_1:
0x14: {  	p0 =	sge.u32 s11, s6  }
0x15: {  	s13 =	sxor.u32 @!p0 $0xFFFFFFFF, s11  }
0x16: {  	s31 =	sadd.s32 $0xFFFFFFFF, s11;
	s14 =	sshll.u32 @!p0 s10, $0xA;
	s13 =	sshll.u32 @!p0 s13, $0xE  }
0x17: {  	s15 =	simm.s32 @!p0 $0x0;
	s14 =	sadd.s32 @!p0 s2, s14;
	s13 =	sand.u32 @!p0 $0x4000, s13  }
0x18: {  	[tilespmem:s13], [sflag:$0x1] =	stream.linear.gather @!p0 [hbm4b:s14+s15], $0x4000, $0x38;
	[tilespmem:$0x10000] =	vst v63  }
0x19: {  	p0 =	sge.u32 s31, s6  }
.Ltmp2:
0x1a: {  	_ = 	snop;
	(pc) =	sbr.rel @p0 .LBB1_9-.Ltmp2, $1  }
0x1b: {  	_ =	sdelay $0x3  }
0x1c: {  	s13 =	sshll.u32 s9, $0x2  }
0x1d: {  	_ =	swait.ge [sflag:s5], $0x4000;
	s14 =	sshll.u32 s11, $0xE;
	s16 =	simm.s32 $0x0  }
0x1e: {  	p1 =	por $0x1, $0x1;
	s13 =	sand.u32 $0x10000, s13;
	[sflag:s5] =	ssyncset.done $0x0  }
0x1f: {  	s14 =	sand.u32 $0x4000, s14;
	s15 =	sshrl.u32 s13, $0x2;
	[sflag:s5] =	ssyncadd.s32 $0xFFFFC000  }
0x20: {  	s13 =	sor.u32 $0x8000, s14;
	s14 =	sadd.s32 $0x8040, s15;
	s15 =	sadd.s32 $0x40, s15  }
.LBB1_3:
0x21: {  	s16 =	sshll.u32 s16, $0x2  }
0x22: {  	p0 =	por p1, p1;
	s17 =	sshra.s32 s16, $0x2  }
0x23: {  	s18 =	simm.s32 $0x0;
	s16 =	sadd.s32 s17, s14;
	s17 =	sadd.s32 s17, s15  }
.LBB1_4:
0x24: {  	v0 =	vmov s17;
	_ =	sdelay $0x3  }
0x25: {  	s20 =	simm.s32 $0x0  }
0x26: {  	v6 =	vld.idx.msk [tilespmem:v0+s20+$0x30 ss:$0x1], $0xffff  }
0x27: {  	v7 =	vld.idx.msk [tilespmem:v0+s20+$0xFFFFFFC0 ss:$0x1], $0xffff  }
0x28: {  	v5 =	vld.idx.msk [tilespmem:v0+s20+$0xFFFFFFD0 ss:$0x1], $0xffff  }
0x29: {  	v4 =	vld.idx.msk [tilespmem:v0+s20+$0xFFFFFFE0 ss:$0x1], $0xffff  }
0x2a: {  	v3 =	vld.idx.msk [tilespmem:v0+s20+$0xFFFFFFF0 ss:$0x1], $0xffff  }
0x2b: {  	v1 =	vld.idx.msk [tilespmem:v0+s20+$0x0 ss:$0x1], $0xffff  }
0x2c: {  	v2 =	vld.idx.msk [tilespmem:v0+s20+$0x10 ss:$0x1], $0xffff;
	[tilespmem:s16+$0x30] =	vst v6  }
0x2d: {  	s19 =	simm.s32 $0x80;
	s21 =	simm.s32 $0x400;
	[tilespmem:s16+$0xFFFFFFC0] =	vst v7;
	v6 =	vld.idx.msk [tilespmem:v0+s20+$0x20 ss:$0x1], $0xffff;
	s20 =	smov.u32 s16  }
.LBB1_5:
0x2e: {  	p1 =	sne.s32 s21, $0xE00;
	v7 =	vld.idx.msk [tilespmem:v0+s19+$0x30 ss:$0x1], $0xffff;
	[tilespmem:s20+$0xFFFFFFD0] =	vst v5  }
0x2f: {  	v8 =	vld.idx.msk [tilespmem:v0+s19+$0xFFFFFFC0 ss:$0x1], $0xffff;
	[tilespmem:s20+$0xFFFFFFE0] =	vst v4  }
0x30: {  	v5 =	vld.idx.msk [tilespmem:v0+s19+$0xFFFFFFD0 ss:$0x1], $0xffff;
	[tilespmem:s20+$0xFFFFFFF0] =	vst v3  }
.Ltmp3:
0x31: {  	v4 =	vld.idx.msk [tilespmem:v0+s19+$0xFFFFFFE0 ss:$0x1], $0xffff;
	[tilespmem:s20+$0x0] =	vst v1;
	(pc) =	sbr.rel @p1 .LBB1_5-.Ltmp3, $4  }
0x32: {  	v3 =	vld.idx.msk [tilespmem:v0+s19+$0xFFFFFFF0 ss:$0x1], $0xffff;
	[tilespmem:s20+$0x10] =	vst v2  }
0x33: {  	v1 =	vld.idx.msk [tilespmem:v0+s19+$0x0 ss:$0x1], $0xffff;
	[tilespmem:s20+$0x20] =	vst v6;
	s20 =	sadd.s32 $0x400, s20  }
0x34: {  	v2 =	vld.idx.msk [tilespmem:v0+s19+$0x10 ss:$0x1], $0xffff;
	[tilespmem:s20+$0x30] =	vst v7  }
0x35: {  	[tilespmem:s20+$0xFFFFFFC0] =	vst v8;
	v6 =	vld.idx.msk [tilespmem:v0+s19+$0x20 ss:$0x1], $0xffff;
	s19 =	sshra.s32 s21, $0x2;
	s21 =	sadd.s32 $0x200, s21  }
0x36: {  	_ =	sdelay $0x2  }
0x37: {  	[tilespmem:s20+$0xFFFFFFD0] =	vst v5  }
0x38: {  	v56 =	vld.idx.msk [tilespmem:v0+s19+$0x30 ss:$0x1], $0xffff;
	[tilespmem:s20+$0xFFFFFFE0] =	vst v4  }
0x39: {  	v57 =	vld.idx.msk [tilespmem:v0+s19+$0xFFFFFFC0 ss:$0x1], $0xffff;
	[tilespmem:s20+$0xFFFFFFF0] =	vst v3  }
0x3a: {  	v58 =	vld.idx.msk [tilespmem:v0+s19+$0xFFFFFFD0 ss:$0x1], $0xffff;
	[tilespmem:s20+$0x0] =	vst v1  }
0x3b: {  	v59 =	vld.idx.msk [tilespmem:v0+s19+$0xFFFFFFE0 ss:$0x1], $0xffff;
	[tilespmem:s20+$0x10] =	vst v2  }
0x3c: {  	v60 =	vld.idx.msk [tilespmem:v0+s19+$0xFFFFFFF0 ss:$0x1], $0xffff;
	s31 =	sadd.s32 $0x400, s20;
	[tilespmem:s20+$0x20] =	vst v6  }
0x3d: {  	v61 =	vld.idx.msk [tilespmem:v0+s19+$0x0 ss:$0x1], $0xffff;
	[tilespmem:s31+$0x30] =	vst v56  }
0x3e: {  	v62 =	vld.idx.msk [tilespmem:v0+s19+$0x10 ss:$0x1], $0xffff;
	s18 =	sadd.s32 $0x1, s18;
	[tilespmem:s31+$0xFFFFFFC0] =	vst v57  }
0x3f: {  	v63 =	vld.idx.msk [tilespmem:v0+s19+$0x20 ss:$0x1], $0xffff;
	p1 =	sne.s32 s18, $0x8;
	[tilespmem:s31+$0xFFFFFFD0] =	vst v58  }
.Ltmp4:
0x40: {  	[tilespmem:s31+$0xFFFFFFE0] =	vst v59;
	(pc) =	sbr.rel @p1 .LBB1_4-.Ltmp4, $4  }
0x41: {  	[tilespmem:s31+$0xFFFFFFF0] =	vst v60  }
0x42: {  	[tilespmem:s31+$0x0] =	vst v61  }
0x43: {  	[tilespmem:s31+$0x10] =	vst v62  }
0x44: {  	s16 =	sadd.s32 $0x80, s16;
	s17 =	sadd.s32 $0x400, s17;
	[tilespmem:s31+$0x20] =	vst v63  }
.Ltmp5:
0x45: {  	(pc) =	sbr.rel @p0 .LBB1_3-.Ltmp5, $2  }
0x46: {  	_ =	sdelay $0x2  }
0x47: {  	s16 =	simm.s32 $0x2000;
	p1 =	por $0x0, $0x0  }
.Ltmp6:
0x48: {  	(pc) =	sbr.rel .LBB1_9-.Ltmp6, $4  }
0x49: {  	_ = 	snop  }
0x4a: {  	s12 =	sshll.u32 s12, $0xA  }
0x4b: {  	s12 =	sadd.s32 s4, s12  }
0x4c: {  	[hbm4b:s12+s8] =	stream.linear.scatter [tilespmem:s13], [sflag:$0x2], $0x4000, $0x38;
	[tilespmem:$0x10000] =	vst v63  }
.LBB1_10:
0x4d: {  	_ =	sfence.sel $0x180000  }
0x4e: {  	s2 =	simm.s32 $0x1;
	[bflag:$0x0] =	sbarrier.arrive $0xFFFF  }
0x4f: {  	s31 =	simm.s32 $0x2;
	[sflag:s2] =	ssyncpa.u1 $0x1  }
0x50: {  	[sflag:s31] =	ssyncpa.u1 $0x1  }
0x51: {  	p0 =	sne.s32 s0, $0x0;
	_ =	strace $0x9000004A  }
0x52: {  	s0 =	sadd.s32 @!p0 $0x100000, s1;
	[bflag:$0x2] =	sbarrier.arrive $0xFFFF  }
0x53: {  	[sflag:s0] =	ssyncadd.tile.s32 @!p0 $0x1;
	_ =	shalt  }
.Lfunc_end1:
_tile_overlayer_lowered:
.L_overlay_start_2:
0x54: {  	(tag) =	ssettag $0x2  }
0x55: {  	s0 =	rddreg [dreg:$0x0];
	s2 =	stileid.u32  }
0x56: {  	s1 =	rddreg [dreg:$0x1];
	p0 =	sne.s32 s2, $0x0  }
0x57: {  	s3 =	rddreg [dreg:$0x2];
	[bflag:$0x3] =	sbarrier.arrive $0xFFFF;
	s2 =	simm.s32 @!p0 $0x1C01  }
0x58: {  	[timem:s3], [sflag:s2] =	dma.local @!p0 [hbm:s0], s1  }
0x59: {  	s0 =	simm.s32 @!p0 $0x1  }
0x5a: {  	_ =	swait.ge @!p0 [sflag:s0], s1  }
0x5b: {  	s1 =	ssub.s32 @!p0 $0x0, s1;
	[sflag:s0] =	ssyncset.done @!p0 $0x0  }
0x5c: {  	[sflag:s0] =	ssyncadd.s32 @!p0 s1  }
0x5d: {  	[bflag:$0x3] =	sbarrier.arrive $0xFFFF  }
0x5e: {  	_ =	shalt  }

// kernel: sparse-core-data-format-call.cloned.1.call-start
scs
called_computation_lowered:
.L_overlay_start_0:
0x0: {  	s2 =	sld [smem:$0x3FD9]  }
0x1: {  	s3 =	sld [smem:$0x3FFE];
	_ =	sdelay $0x1  }
0x2: {  	s1 =	srdreg.scid  }
0x3: {  	s0 =	sand.u32 $0x1, s1  }
0x4: {  	s18 =	sshll.u32 s0, $0xA;
	s2 =	sadd.s32 s3, s2  }
0x5: {  	s2 =	sadd.s32 s2, s18  }
0x6: {  	[smem:$0x3FC4] =	sst s2  }
0x7: {  	_ = 	snop  }
0x8: {  	s2 =	sld [smem:$0x3FC8];
	(tm) =	ssettm $0x1  }
0x9: {  	s19 =	sld [smem:$0x3FFB];
	_ =	sdelay $0x3  }
0xa: {  	_ =	strace s19  }
0xb: {  	s3 =	sld [smem:$0x3FFC];
	_ =	sdelay $0x3  }
0xc: {  	_ =	strace s3  }
0xd: {  	s3 =	sld [smem:$0x3FFD];
	_ =	sdelay $0x3  }
0xe: {  	_ =	strace s3  }
0xf: {  	_ =	strace $0x8FFFFFFF  }
0x10: {  	s20 =	sld [smem:$0x3FDB];
	_ =	sdelay $0x1  }
0x11: {  	s4 =	simm.s32 $_scs_section_size  }
0x12: {  	s5 =	simm.s32 $_size__tile_overlayer_lowered;
	s6 =	simm.s32 $_tile_overlayer_lowered  }
0x13: {  	s23 =	simm.s32 $0x1BFF;
	s22 =	sshll.u32 s6, $0x1;
	s3 =	sadd.s32 s4, s20  }
0x14: {  	s7 =	simm.s32 $0x0;
	s21 =	sshll.u32 s5, $0x1;
	s5 =	sadd.s32 s22, s3  }
0x15: {  	[timem:s7], [sflag:s23] =	dma.local [hbm:s5], s21  }
0x16: {  	_ =	swait.ge [sflag:s23], s21  }
0x17: {  	s4 =	ssub.s32 $0x0, s21;
	[sflag:s23] =	ssyncset.done $0x0  }
0x18: {  	[sflag:s23] =	ssyncadd.s32 s4;
	_ =	sdelay $0x1  }
0x19: {  	s24 =	simm.s32 $0x1B8B  }
0x1a: {  	_ =	swait.ge [sflag:s24], $0x1  }
0x1b: {  	[sflag:s24] =	ssyncset.done $0x0  }
0x1c: {  	s26 =	simm.s32 $0x1B8E;
	s25 =	sld [smem:$0x3FFE];
	[sflag:s24] =	ssyncadd.s32 $0xFFFFFFFF  }
0x1d: {  	s27 =	simm.s32 $execute0_lowered;
	[smem:$0x3FD2] =	sst s26  }
0x1e: {  	s5 =	sshll.u32 s27, $0x1;
	_ =	strace $0x80000046;
	[dreg:$0x1] =	wrdreg $0xFFFFFFFF  }
0x1f: {  	s28 =	simm.s32 $_size_execute0_lowered;
	s3 =	sadd.s32 s3, s5;
	[dreg:$0x0] =	wrdreg $0x0  }
0x20: {  	s5 =	sshll.u32 s28, $0x1;
	[dreg:$0x2] =	wrdreg s3  }
0x21: {  	[dreg:$0x3] =	wrdreg s5  }
0x22: {  	[dreg:$0x4] =	wrdreg $0xC0  }
0x23: {  	_ =	task [dreg:s7], $0x5FFFF  }
0x24: {  	[dreg:$0x1] =	wrdreg $0xFFFFFFFF  }
0x25: {  	[dreg:$0x0] =	wrdreg $0x60  }
0x26: {  	[dreg:$0x2] =	wrdreg s2  }
0x27: {  	[dreg:$0x3] =	wrdreg s25  }
0x28: {  	[dreg:$0x4] =	wrdreg $0x9  }
0x29: {  	_ =	task.clear_ibuf [dreg:s7], $0x5FFFF;
	_ =	strace $0x90000046  }
0x2a: {  	s29 =	simm.s32 $0x9;
	_ =	strace $0x80000048  }
0x2b: {  	_ =	swait.ge [sflag:s29], $0x1  }
0x2c: {  	[sflag:s29] =	ssyncadd.s32 $0xFFFFFFFF  }
0x2d: {  	_ =	strace $0x90000048  }
0x2e: {  	_ =	sfence  }
0x2f: {  	s30 =	sld [smem:$0x0];
	_ =	sdelay $0x2  }
0x30: {  	s31 =	sshll.u32 s1, $0xD;
	s1 =	sshrl.u32 s1, $0x2  }
0x31: {  	s3 =	sand.u32 $0x4000, s31;
	s1 =	sadd.s32 s1, s30  }
0x32: {  	s0 =	sor.u32 s3, s0;
	s1 =	sshll.u32 s1, $0x11  }
0x33: {  	s0 =	sor.u32 s1, s0  }
0x34: {  	s0 =	sadd.s32 $0x8F2B, s0  }
0x35: {  	[sflag:s0] =	ssyncadd.remote.s32 $0x1  }
0x36: {  	_ =	sfence.sel $0xFFFF  }
0x37: {  	[dreg:$0x0] =	wrdreg $0xFFFFFFFF;
	(pc) =	sbr.abs _section_cstart, $3  }
0x38: {  	[dreg:$0x1] =	wrdreg $0xFFFFFFFF  }
0x39: {  	_ =	task.clear_ibuf [dreg:s7], $0x2FFFF;
	_ =	strace $0x9FFFFFFF  }
0x3a: {  	(tm) =	ssettm $0x7FFFFFFF  }
0x3b: {  	_ =	shalt  }
tec
execute0_lowered:
.L_overlay_start_1:
0x0: {  	(tag) =	ssettag $0x1  }
0x1: {  	s0 =	srdreg.scid  }
0x2: {  	s1 =	sshll.u32 s0, $0x4  }
0x3: {  	s2 =	rddreg [dreg:$0x0];
	s0 =	stileid.u32;
	s1 =	sand.u32 $0x10, s1  }
0x4: {  	s4 =	rddreg [dreg:$0x1];
	s7 =	simm.s32 $0x1;
	s1 =	sor.u32 s0, s1  }
0x5: {  	s8 =	simm.s32 $0x2;
	s9 =	simm.s32 $0x0;
	s3 =	sshll.u32 s1, $0x2  }
0x6: {  	s12 =	simm.s32 $0x0;
	s11 =	simm.s32 $0x0;
	s6 =	ssub.s32 $0xC48, s3  }
.Ltmp0:
0x7: {  	s4 =	sadd.s32 $0x600, s4;
	s5 =	sand.u32 $0x7C, s6;
	(pc) =	sbr.rel .LBB1_1-.Ltmp0, $4  }
0x8: {  	s1 =	rddreg [dreg:$0x2];
	_ =	strace $0x80000047;
	p0 =	sne.s32 s5, $0x0  }
0x9: {  	s6 =	sshrl.u32 s6, $0x7;
	s5 =	simm.s32 $0x1;
	s7 =	simm.s32 @!p0 $0x0  }
0xa: {  	s10 =	smov.u32 s3;
	[sflag:s5] =	ssyncpa.u1 $0x0;
	s6 =	sadd.s32 s7, s6  }
0xb: {  	[sflag:s8] =	ssyncpa.u1 $0x0;
	s8 =	simm.s32 $0x0;
	s7 =	sadd.s32 $0x1, s6  }
.LBB1_9:
0xc: {  	s14 =	sadd.s32 $0x80, s10  }
0xd: {  	p1 =	sgt.s32 s14, $0xC47  }
0xe: {  	s14 =	smov.u32 @p1 s3;
	p1 =	sne.s32 s11, s7  }
.Ltmp1:
0xf: {  	p0 =	slt.u32 s11, $0x2;
	(pc) =	sbr.rel @!p1 .LBB1_10-.Ltmp1, $4  }
0x10: {  	s13 =	simm.s32 @!p0 $0x2  }
0x11: {  	s15 =	sadd.s32 $0x1, s11;
	_ =	swait.ge @!p0 [sflag:s13], $0x4000  }
0x12: {  	s12 =	smov.u32 s10;
	s9 =	sadd.s32 $0x4000, s9;
	[sflag:s13] =	ssyncset.done @!p0 $0x0  }
0x13: {  	s11 =	smov.u32 s15;
	s10 =	smov.u32 s14;
	[sflag:s13] =	ssyncadd.s32 @!p0 $0xFFFFC000  }
.LBB1_1:
0x14: {  	p0 =	sge.u32 s11, s6  }
0x15: {  	s13 =	sxor.u32 @!p0 $0xFFFFFFFF, s11  }
0x16: {  	s31 =	sadd.s32 $0xFFFFFFFF, s11;
	s14 =	sshll.u32 @!p0 s10, $0x9;
	s13 =	sshll.u32 @!p0 s13, $0xE  }
0x17: {  	s15 =	simm.s32 @!p0 $0x0;
	s14 =	sadd.s32 @!p0 s2, s14;
	s13 =	sand.u32 @!p0 $0x4000, s13  }
0x18: {  	[tilespmem:s13], [sflag:$0x1] =	stream.linear.gather @!p0 [hbm4b:s14+s15], $0x4000, $0x38;
	[tilespmem:$0x10000] =	vst v63  }
0x19: {  	p0 =	sge.u32 s31, s6  }
.Ltmp2:
0x1a: {  	_ = 	snop;
	(pc) =	sbr.rel @p0 .LBB1_9-.Ltmp2, $1  }
0x1b: {  	_ =	sdelay $0x3  }
0x1c: {  	s14 =	sand.u32 $0x4000, s9  }
0x1d: {  	_ =	swait.ge [sflag:s5], $0x4000;
	s15 =	sshll.u32 s11, $0xE;
	s16 =	simm.s32 $0x0  }
0x1e: {  	s13 =	sor.u32 $0x40, s14;
	[sflag:s5] =	ssyncset.done $0x0;
	s15 =	sand.u32 $0x4000, s15  }
0x1f: {  	s14 =	sor.u32 $0x8040, s14;
	[sflag:s5] =	ssyncadd.s32 $0xFFFFC000;
	s15 =	sor.u32 $0x8000, s15  }
.LBB1_3:
0x20: {  	s17 =	smov.u32 s14;
	s18 =	smov.u32 s13;
	s19 =	simm.s32 $0x0  }
.LBB1_4:
0x21: {  	v0 =	vmov s17;
	v2 =	vld [tilespmem:s18+$0x30]  }
0x22: {  	v4 =	vld [tilespmem:s18+$0xFFFFFFD0]  }
0x23: {  	v6 =	vld [tilespmem:s18+$0xFFFFFFE0]  }
0x24: {  	v7 =	vld [tilespmem:s18+$0xFFFFFFF0]  }
0x25: {  	s20 =	simm.s32 $0x0;
	v1 =	vld [tilespmem:s18+$0x0]  }
0x26: {  	v3 =	vld [tilespmem:s18+$0x10];
	[tilespmem:v0+s20+$0x30 ss:$0x1] =	vst.idx.msk $0xffff, v2  }
0x27: {  	v5 =	vld [tilespmem:s18+$0x20];
	[tilespmem:v0+s20+$0xFFFFFFD0 ss:$0x1] =	vst.idx.msk $0xffff, v4  }
0x28: {  	s21 =	sadd.s32 $0x80, s18;
	v2 =	vld [tilespmem:s18+$0xFFFFFFC0];
	[tilespmem:v0+s20+$0xFFFFFFE0 ss:$0x1] =	vst.idx.msk $0xffff, v6  }
0x29: {  	s22 =	simm.s32 $0x800;
	s23 =	simm.s32 $0x1000;
	v4 =	vld [tilespmem:s21+$0x30];
	[tilespmem:v0+s20+$0xFFFFFFF0 ss:$0x1] =	vst.idx.msk $0xffff, v7  }
.LBB1_5:
0x2a: {  	p0 =	sne.s32 s23, $0x3800;
	v6 =	vld [tilespmem:s21+$0xFFFFFFD0];
	[tilespmem:v0+s20+$0x0 ss:$0x1] =	vst.idx.msk $0xffff, v1  }
0x2b: {  	v7 =	vld [tilespmem:s21+$0xFFFFFFE0];
	[tilespmem:v0+s20+$0x10 ss:$0x1] =	vst.idx.msk $0xffff, v3  }
0x2c: {  	v8 =	vld [tilespmem:s21+$0xFFFFFFF0];
	[tilespmem:v0+s20+$0x20 ss:$0x1] =	vst.idx.msk $0xffff, v5  }
.Ltmp3:
0x2d: {  	v1 =	vld [tilespmem:s21+$0x0];
	[tilespmem:v0+s20+$0xFFFFFFC0 ss:$0x1] =	vst.idx.msk $0xffff, v2;
	s20 =	sshra.s32 s22, $0x2;
	s22 =	smov.u32 s23;
	(pc) =	sbr.rel @p0 .LBB1_5-.Ltmp3, $4  }
0x2e: {  	v3 =	vld [tilespmem:s21+$0x10];
	[tilespmem:v0+s20+$0x30 ss:$0x1] =	vst.idx.msk $0xffff, v4  }
0x2f: {  	[tilespmem:v0+s20+$0xFFFFFFD0 ss:$0x1] =	vst.idx.msk $0xffff, v6;
	v5 =	vld [tilespmem:s21+$0x20]  }
0x30: {  	v2 =	vld [tilespmem:s21+$0xFFFFFFC0];
	[tilespmem:v0+s20+$0xFFFFFFE0 ss:$0x1] =	vst.idx.msk $0xffff, v7;
	s21 =	sadd.s32 $0x80, s21  }
0x31: {  	s23 =	sadd.s32 $0x800, s23;
	v4 =	vld [tilespmem:s21+$0x30];
	[tilespmem:v0+s20+$0xFFFFFFF0 ss:$0x1] =	vst.idx.msk $0xffff, v8  }
0x32: {  	_ =	sdelay $0x3  }
0x33: {  	v6 =	vld [tilespmem:s21+$0xFFFFFFD0];
	[tilespmem:v0+s20+$0x0 ss:$0x1] =	vst.idx.msk $0xffff, v1  }
0x34: {  	v58 =	vld [tilespmem:s21+$0xFFFFFFE0];
	[tilespmem:v0+s20+$0x10 ss:$0x1] =	vst.idx.msk $0xffff, v3  }
0x35: {  	v59 =	vld [tilespmem:s21+$0xFFFFFFF0];
	[tilespmem:v0+s20+$0x20 ss:$0x1] =	vst.idx.msk $0xffff, v5  }
0x36: {  	s22 =	sshra.s32 s22, $0x2;
	v60 =	vld [tilespmem:s21+$0x0];
	[tilespmem:v0+s20+$0xFFFFFFC0 ss:$0x1] =	vst.idx.msk $0xffff, v2  }
0x37: {  	v61 =	vld [tilespmem:s21+$0x10];
	[tilespmem:v0+s22+$0x30 ss:$0x1] =	vst.idx.msk $0xffff, v4  }
0x38: {  	v62 =	vld [tilespmem:s21+$0x20];
	s19 =	sadd.s32 $0x1, s19;
	[tilespmem:v0+s22+$0xFFFFFFD0 ss:$0x1] =	vst.idx.msk $0xffff, v6  }
0x39: {  	v63 =	vld [tilespmem:s21+$0xFFFFFFC0];
	p0 =	sne.s32 s19, $0x4;
	[tilespmem:v0+s22+$0xFFFFFFE0 ss:$0x1] =	vst.idx.msk $0xffff, v58  }
.Ltmp4:
0x3a: {  	[tilespmem:v0+s22+$0xFFFFFFF0 ss:$0x1] =	vst.idx.msk $0xffff, v59;
	(pc) =	sbr.rel @p0 .LBB1_4-.Ltmp4, $4  }
0x3b: {  	[tilespmem:v0+s22+$0x0 ss:$0x1] =	vst.idx.msk $0xffff, v60  }
0x3c: {  	[tilespmem:v0+s22+$0x10 ss:$0x1] =	vst.idx.msk $0xffff, v61  }
0x3d: {  	[tilespmem:v0+s22+$0x20 ss:$0x1] =	vst.idx.msk $0xffff, v62  }
0x3e: {  	s18 =	sadd.s32 $0x400, s18;
	s17 =	sadd.s32 $0x80, s17;
	[tilespmem:v0+s22+$0xFFFFFFC0 ss:$0x1] =	vst.idx.msk $0xffff, v63  }
0x3f: {  	s16 =	sadd.s32 $0x1, s16  }
0x40: {  	p0 =	sne.s32 s16, $0x4  }
.Ltmp5:
0x41: {  	_ = 	snop;
	(pc) =	sbr.rel @p0 .LBB1_3-.Ltmp5, $2  }
0x42: {  	_ =	sdelay $0x2  }
0x43: {  	s13 =	sadd.s32 $0x1000, s13;
	s14 =	sadd.s32 $0x1000, s14  }
.Ltmp6:
0x44: {  	(pc) =	sbr.rel .LBB1_9-.Ltmp6, $4  }
0x45: {  	_ = 	snop  }
0x46: {  	s12 =	sshll.u32 s12, $0x9  }
0x47: {  	s12 =	sadd.s32 s4, s12  }
0x48: {  	[hbm4b:s12+s8] =	stream.linear.scatter [tilespmem:s15], [sflag:$0x2], $0x4000, $0x38;
	[tilespmem:$0x10000] =	vst v63  }
.LBB1_10:
0x49: {  	_ =	sfence.sel $0x180000  }
0x4a: {  	s2 =	simm.s32 $0x1;
	[bflag:$0x0] =	sbarrier.arrive $0xFFFF  }
0x4b: {  	s31 =	simm.s32 $0x2;
	[sflag:s2] =	ssyncpa.u1 $0x1  }
0x4c: {  	[sflag:s31] =	ssyncpa.u1 $0x1  }
0x4d: {  	p0 =	sne.s32 s0, $0x0;
	_ =	strace $0x90000047  }
0x4e: {  	s0 =	sadd.s32 @!p0 $0x100000, s1;
	[bflag:$0x2] =	sbarrier.arrive $0xFFFF  }
0x4f: {  	[sflag:s0] =	ssyncadd.tile.s32 @!p0 $0x1;
	_ =	shalt  }
.Lfunc_end1:
_tile_overlayer_lowered:
.L_overlay_start_2:
0x50: {  	(tag) =	ssettag $0x2  }
0x51: {  	s0 =	rddreg [dreg:$0x0];
	s2 =	stileid.u32  }
0x52: {  	s1 =	rddreg [dreg:$0x1];
	p0 =	sne.s32 s2, $0x0  }
0x53: {  	s3 =	rddreg [dreg:$0x2];
	[bflag:$0x3] =	sbarrier.arrive $0xFFFF;
	s2 =	simm.s32 @!p0 $0x1C01  }
0x54: {  	[timem:s3], [sflag:s2] =	dma.local @!p0 [hbm:s0], s1  }
0x55: {  	s0 =	simm.s32 @!p0 $0x1  }
0x56: {  	_ =	swait.ge @!p0 [sflag:s0], s1  }
0x57: {  	s1 =	ssub.s32 @!p0 $0x0, s1;
	[sflag:s0] =	ssyncset.done @!p0 $0x0  }
0x58: {  	[sflag:s0] =	ssyncadd.s32 @!p0 s1  }
0x59: {  	[bflag:$0x3] =	sbarrier.arrive $0xFFFF  }
0x5a: {  	_ =	shalt  }

</sc_bundles>
